<compile_context>
chip_gen: v7x
topology: tpu7x:2x2x1
jax: 0.10.2.dev20260603
libtpu: 0.0.44.dev20260713+nightly
codegen_flags: <defaults>
</compile_context>

<pallas_src>
import functools

import jax
import jax.numpy as jnp
from jax import lax
from jax.experimental import pallas as pl
from jax.experimental.pallas import tpu as pltpu
from jax.experimental.pallas import tpu_sc as plsc

N = 10000
D = 128
E = 320000

NC = 2
NS = 16
CH = 128
NCH = 158
EP = NS * NCH * CH
NP = 10112
ZR = NP // NS

@functools.cache
def _get_mesh():
    return plsc.VectorSubcoreMesh(core_axis_name="c", subcore_axis_name="s",
                                  num_cores=NC)


def _run_job(table, ei, idx_s, idx_d, buf0, buf1, acc, g0, g1, s0, s1,
             cnt_kit=None):
    w = lax.axis_index("s")
    pltpu.sync_copy(ei.at[0, w], idx_s)
    pltpu.sync_copy(ei.at[1, w], idx_d)

    def g_start(j, buf, sem):
        pltpu.async_copy(table.at[idx_s.at[j]], buf, sem)

    def g_wait(j, buf, sem):
        pltpu.make_async_copy(table.at[idx_s.at[j]], buf, sem).wait()

    def s_start(j, buf, sem):
        pltpu.async_copy(buf, acc.at[idx_d.at[j]], sem, add=True)

    def s_wait(j, buf, sem):
        pltpu.make_async_copy(buf, acc.at[idx_d.at[j]], sem).wait()

    def c_start(j, sem):
        ones_v, cnt_acc = cnt_kit[0], cnt_kit[1]
        pltpu.async_copy(ones_v, cnt_acc.at[idx_d.at[j]], sem, add=True)

    def c_wait(j, sem):
        ones_v, cnt_acc = cnt_kit[0], cnt_kit[1]
        pltpu.make_async_copy(ones_v, cnt_acc.at[idx_d.at[j]], sem).wait()

    do_cnt = cnt_kit is not None
    if do_cnt:
        c0, c1 = cnt_kit[2], cnt_kit[3]

    g_start(0, buf0, g0)
    g_start(1, buf1, g1)

    @pl.loop(0, NCH - 2, step=2)
    def _(j):
        g_wait(j, buf0, g0)
        s_start(j, buf0, s0)
        if do_cnt:
            c_start(j, c0)
        g_wait(j + 1, buf1, g1)
        s_start(j + 1, buf1, s1)
        if do_cnt:
            c_start(j + 1, c1)
        s_wait(j, buf0, s0)
        if do_cnt:
            c_wait(j, c0)
        g_start(j + 2, buf0, g0)
        s_wait(j + 1, buf1, s1)
        if do_cnt:
            c_wait(j + 1, c1)
        g_start(j + 3, buf1, g1)

    j = NCH - 2
    g_wait(j, buf0, g0)
    s_start(j, buf0, s0)
    g_wait(j + 1, buf1, g1)
    s_start(j + 1, buf1, s1)
    s_wait(j, buf0, s0)
    s_wait(j + 1, buf1, s1)
    if do_cnt:
        c_start(j, c0)
        c_start(j + 1, c1)
        c_wait(j, c0)
        c_wait(j + 1, c1)


def _agg(hu0, hu1, hi0, hi1, eiu, eii, z64, z16=None, o16=None,
         with_cnt=False):
    f32 = jnp.float32
    outs = [jax.ShapeDtypeStruct((NP, 64), f32)] * 4
    scratch = [
        pltpu.VMEM((NCH, CH), jnp.int32),
        pltpu.VMEM((NCH, CH), jnp.int32),
        pltpu.VMEM((CH, 64), f32),
        pltpu.VMEM((CH, 64), f32),
        pltpu.VMEM_SHARED((NP, 64), f32),
    ] + [pltpu.SemaphoreType.DMA] * 4
    if with_cnt:
        outs = outs + [jax.ShapeDtypeStruct((NP, 16), f32)] * 2
        scratch = scratch + [
            pltpu.VMEM((CH, 16), f32),
            pltpu.VMEM_SHARED((NP, 16), f32),
            pltpu.SemaphoreType.DMA,
            pltpu.SemaphoreType.DMA,
        ]

    @functools.partial(pl.kernel, out_type=outs, mesh=_get_mesh(),
                       scratch_types=scratch,
                       compiler_params=pltpu.CompilerParams(
                           use_tc_tiling_on_sc=False))
    def agg(*refs):
        if with_cnt:
            (hu0, hu1, hi0, hi1, eiu, eii, z64, z16, o16,
             sui0, sui1, siu0, siu1, cnt_ui, cnt_iu,
             idx_s, idx_d, buf0, buf1, acc,
             g0, g1, s0, s1, ones_v, cnt_acc, c0, c1) = refs
        else:
            (hu0, hu1, hi0, hi1, eiu, eii, z64,
             sui0, sui1, siu0, siu1,
             idx_s, idx_d, buf0, buf1, acc,
             g0, g1, s0, s1) = refs
        c = lax.axis_index("c")
        w = lax.axis_index("s")
        zsl = pl.ds(w * ZR, ZR)
        pltpu.sync_copy(z64, acc.at[zsl])
        if with_cnt:
            pltpu.sync_copy(z16, cnt_acc.at[zsl])
            pltpu.sync_copy(o16, ones_v)
            kit = (ones_v, cnt_acc, c0, c1)
        plsc.subcore_barrier()

        @pl.when(c == 0)
        def _():
            _run_job(hu0, eiu, idx_s, idx_d, buf0, buf1, acc,
                     g0, g1, s0, s1,
                     cnt_kit=kit if with_cnt else None)

        @pl.when(c == 1)
        def _():
            _run_job(hu1, eiu, idx_s, idx_d, buf0, buf1, acc,
                     g0, g1, s0, s1)

        plsc.subcore_barrier()

        @pl.when(c == 0)
        def _():
            pltpu.sync_copy(acc.at[zsl], sui0.at[zsl])
            if with_cnt:
                pltpu.sync_copy(cnt_acc.at[zsl], cnt_ui.at[zsl])

        @pl.when(c == 1)
        def _():
            pltpu.sync_copy(acc.at[zsl], sui1.at[zsl])

        pltpu.sync_copy(z64, acc.at[zsl])
        if with_cnt:

            @pl.when(c == 1)
            def _():
                pltpu.sync_copy(z16, cnt_acc.at[zsl])

        plsc.subcore_barrier()

        @pl.when(c == 0)
        def _():
            _run_job(hi0, eii, idx_s, idx_d, buf0, buf1, acc,
                     g0, g1, s0, s1)

        @pl.when(c == 1)
        def _():
            _run_job(hi1, eii, idx_s, idx_d, buf0, buf1, acc,
                     g0, g1, s0, s1,
                     cnt_kit=kit if with_cnt else None)

        plsc.subcore_barrier()

        @pl.when(c == 0)
        def _():
            pltpu.sync_copy(acc.at[zsl], siu0.at[zsl])

        @pl.when(c == 1)
        def _():
            pltpu.sync_copy(acc.at[zsl], siu1.at[zsl])
            if with_cnt:
                pltpu.sync_copy(cnt_acc.at[zsl], cnt_iu.at[zsl])

    if with_cnt:
        return agg(hu0, hu1, hi0, hi1, eiu, eii, z64, z16, o16)
    return agg(hu0, hu1, hi0, hi1, eiu, eii, z64)


_BS = 1000


def _proj2(xu, Wu, bu, xi, Wi, bi):
    f32 = jnp.float32

    def body(xu_ref, wu_ref, bu_ref, xi_ref, wi_ref, bi_ref,
             u0_ref, u1_ref, i0_ref, i1_ref):
        hu = jnp.dot(xu_ref[...], wu_ref[...],
                     preferred_element_type=f32) + bu_ref[...]
        u0_ref[...] = hu[:, :64]
        u1_ref[...] = hu[:, 64:]
        hi = jnp.dot(xi_ref[...], wi_ref[...],
                     preferred_element_type=f32) + bi_ref[...]
        i0_ref[...] = hi[:, :64]
        i1_ref[...] = hi[:, 64:]

    row = pl.BlockSpec((_BS, D), lambda i: (i, 0))
    half = pl.BlockSpec((_BS, 64), lambda i: (i, 0))
    full = pl.BlockSpec((D, D), lambda i: (0, 0))
    bias = pl.BlockSpec((1, D), lambda i: (0, 0))
    return pl.pallas_call(
        body,
        grid=(N // _BS,),
        in_specs=[row, full, bias, row, full, bias],
        out_specs=[half, half, half, half],
        out_shape=[jax.ShapeDtypeStruct((N, 64), f32)] * 4,
    )(xu, Wu, bu, xi, Wi, bi)


def _sage2_tc(a_in, b_in, relu, split):
    f32 = jnp.float32

    def one(refs, o_refs):
        s0_ref, s1_ref, c_ref, h0_ref, h1_ref, wl_ref, wr_ref, b_ref = refs
        cn = jnp.maximum(c_ref[:, 0:1], 1.0)
        m0 = s0_ref[...] / cn
        m1 = s1_ref[...] / cn
        o = (jnp.dot(m0, wl_ref[:64, :], preferred_element_type=f32)
             + jnp.dot(m1, wl_ref[64:, :], preferred_element_type=f32)
             + jnp.dot(h0_ref[...], wr_ref[:64, :], preferred_element_type=f32)
             + jnp.dot(h1_ref[...], wr_ref[64:, :], preferred_element_type=f32)
             + b_ref[...])
        if relu:
            o = jnp.maximum(o, 0.0)
        if split:
            o_refs[0][...] = o[:, :64]
            o_refs[1][...] = o[:, 64:]
        else:
            o_refs[0][...] = o

    n_out = 2 if split else 1

    def body(*refs):
        ins, outs = refs[:16], refs[16:]
        one(ins[:8], outs[:n_out])
        one(ins[8:], outs[n_out:])

    half = pl.BlockSpec((_BS, 64), lambda i: (i, 0))
    cnt_spec = pl.BlockSpec((_BS, 16), lambda i: (i, 0))
    full = pl.BlockSpec((D, D), lambda i: (0, 0))
    bias = pl.BlockSpec((1, D), lambda i: (0, 0))
    one_in = [half, half, cnt_spec, half, half, full, full, bias]
    if split:
        out_specs = [half] * 4
        out_shape = [jax.ShapeDtypeStruct((N, 64), f32)] * 4
    else:
        out_specs = [pl.BlockSpec((_BS, D), lambda i: (i, 0))] * 2
        out_shape = [jax.ShapeDtypeStruct((N, D), f32)] * 2

    return pl.pallas_call(
        body,
        grid=(N // _BS,),
        in_specs=one_in + one_in,
        out_specs=out_specs,
        out_shape=out_shape,
    )(*a_in, *b_in)


def _prep_edges(ei):
    ei = ei.astype(jnp.int32)
    pad = EP - E
    src = jnp.concatenate([ei[0], jnp.zeros((pad,), jnp.int32)])
    dummy = N + (jnp.arange(pad, dtype=jnp.int32) % (NP - N))
    dst = jnp.concatenate([ei[1], dummy])
    return jnp.stack([src, dst]).reshape(2, NS, NCH, CH)


def kernel(x_user, x_item,
           W_lin_user, b_lin_user, W_lin_item, b_lin_item,
           W1_l_ui, W1_r_ui, b1_ui, W1_l_iu, W1_r_iu, b1_iu,
           W2_l_ui, W2_r_ui, b2_ui, W2_l_iu, W2_r_iu, b2_iu,
           ei_ui, ei_iu):
    f32 = jnp.float32
    eiu = _prep_edges(ei_ui)
    eii = _prep_edges(ei_iu)
    z64 = jnp.zeros((ZR, 64), f32)
    z16 = jnp.zeros((ZR, 16), f32)
    o16 = jnp.ones((CH, 16), f32)

    hu0, hu1, hi0, hi1 = _proj2(x_user, W_lin_user, b_lin_user.reshape(1, D),
                                x_item, W_lin_item, b_lin_item.reshape(1, D))

    sui0, sui1, siu0, siu1, cnt_ui, cnt_iu = _agg(
        hu0, hu1, hi0, hi1, eiu, eii, z64, z16, o16, with_cnt=True)

    h2i0, h2i1, h2u0, h2u1 = _sage2_tc(
        (sui0, sui1, cnt_ui, hi0, hi1,
         W1_l_ui, W1_r_ui, b1_ui.reshape(1, D)),
        (siu0, siu1, cnt_iu, hu0, hu1,
         W1_l_iu, W1_r_iu, b1_iu.reshape(1, D)),
        relu=True, split=True)

    t_ui0, t_ui1, t_iu0, t_iu1 = _agg(h2u0, h2u1, h2i0, h2i1,
                                      eiu, eii, z64)

    out_i, out_u = _sage2_tc(
        (t_ui0, t_ui1, cnt_ui, h2i0, h2i1,
         W2_l_ui, W2_r_ui, b2_ui.reshape(1, D)),
        (t_iu0, t_iu1, cnt_iu, h2u0, h2u1,
         W2_l_iu, W2_r_iu, b2_iu.reshape(1, D)),
        relu=False, split=False)
    return out_u, out_i

# --- scband reference (transcript-rebuilt; emitter-appended) ---
"""Pipeline reference for scband-hetero-gnn-32530082300046 (READ-ONLY COPY).

The authoritative reference and input builder live on the scoring server;
editing this copy changes nothing except your own understanding.
"""

import jax, jax.numpy as jnp
import numpy as np

N = 10000
D = 128
H = 128
O = 128
E = 320000


def setup_inputs(seed: int = 0) -> dict:
    key = jax.random.key(seed)
    ks = jax.random.split(key, 24)
    def w(k, shape):
        return jax.random.normal(k, shape, dtype=jnp.float32) * 0.05
    inp = {}
    inp["x_user"] = jax.random.normal(ks[0], (N, D), dtype=jnp.float32)
    inp["x_item"] = jax.random.normal(ks[1], (N, D), dtype=jnp.float32)
    # per-node-type input projections (Linear(-1, hidden_channels))
    inp["W_lin_user"] = w(ks[2], (D, H)); inp["b_lin_user"] = jnp.zeros((H,), jnp.float32)
    inp["W_lin_item"] = w(ks[3], (D, H)); inp["b_lin_item"] = jnp.zeros((H,), jnp.float32)
    # conv1 SAGEConv per edge type: lin_l (on aggregated msgs, with bias), lin_r (on dst, no bias)
    inp["W1_l_ui"] = w(ks[4], (H, H)); inp["W1_r_ui"] = w(ks[5], (H, H)); inp["b1_ui"] = jnp.zeros((H,), jnp.float32)
    inp["W1_l_iu"] = w(ks[6], (H, H)); inp["W1_r_iu"] = w(ks[7], (H, H)); inp["b1_iu"] = jnp.zeros((H,), jnp.float32)
    # conv2
    inp["W2_l_ui"] = w(ks[8], (H, O)); inp["W2_r_ui"] = w(ks[9], (H, O)); inp["b2_ui"] = jnp.zeros((O,), jnp.float32)
    inp["W2_l_iu"] = w(ks[10], (H, O)); inp["W2_r_iu"] = w(ks[11], (H, O)); inp["b2_iu"] = jnp.zeros((O,), jnp.float32)
    # edge indices: row 0 = src, row 1 = dst
    inp["ei_ui"] = jax.random.randint(ks[12], (2, E), 0, N, dtype=jnp.int64 if jax.config.jax_enable_x64 else jnp.int32)
    inp["ei_iu"] = jax.random.randint(ks[13], (2, E), 0, N, dtype=jnp.int64 if jax.config.jax_enable_x64 else jnp.int32)
    return inp


def _sage(h_src, h_dst, ei, Wl, Wr, b, n_dst):
    # SAGEConv with mean aggregation: out = lin_l(mean_{j in N(i)} h_src[j]) + lin_r(h_dst[i])
    msg = jnp.take(h_src, ei[0], axis=0)
    s = jax.ops.segment_sum(msg, ei[1], num_segments=n_dst)
    cnt = jax.ops.segment_sum(jnp.ones((ei.shape[1], 1), h_src.dtype), ei[1], num_segments=n_dst)
    mean = s / jnp.clip(cnt, 1.0)
    return mean @ Wl + b + h_dst @ Wr


def reference(x_user, x_item,
              W_lin_user, b_lin_user, W_lin_item, b_lin_item,
              W1_l_ui, W1_r_ui, b1_ui, W1_l_iu, W1_r_iu, b1_iu,
              W2_l_ui, W2_r_ui, b2_ui, W2_l_iu, W2_r_iu, b2_iu,
              ei_ui, ei_iu):
    # input projections
    h_u = x_user @ W_lin_user + b_lin_user
    h_i = x_item @ W_lin_item + b_lin_item
    # conv1 (HeteroConv, aggr='mean' over edge types; each dst type has one incoming edge type)
    o_i = _sage(h_u, h_i, ei_ui, W1_l_ui, W1_r_ui, b1_ui, N)
    o_u = _sage(h_i, h_u, ei_iu, W1_l_iu, W1_r_iu, b1_iu, N)
    # relu + dropout (eval mode -> identity)
    h_u = jax.nn.relu(o_u)
    h_i = jax.nn.relu(o_i)
    # conv2
    out_i = _sage(h_u, h_i, ei_ui, W2_l_ui, W2_r_ui, b2_ui, N)
    out_u = _sage(h_i, h_u, ei_iu, W2_l_iu, W2_r_iu, b2_iu, N)
    return out_u, out_i

if __name__ == "__main__":
    import jax
    _d = setup_inputs()
    print(jax.jit(kernel)(*tuple(_d.values())))

</pallas_src>

<mosaic_0001>
#map = affine_map<(d0, d1) -> (0, 0)>
#map1 = affine_map<(d0, d1) -> (0, 0, 0, 0)>
module attributes {stable_mosaic.version = 14 : i64} {
  func.func @agg(%arg0: i32, %arg1: i32, %arg2: memref<10000x64xf32, #tpu.memory_space<hbm>>, %arg3: memref<10000x64xf32, #tpu.memory_space<hbm>>, %arg4: memref<10000x64xf32, #tpu.memory_space<hbm>>, %arg5: memref<10000x64xf32, #tpu.memory_space<hbm>>, %arg6: memref<2x16x158x128xi32, #tpu.memory_space<hbm>>, %arg7: memref<2x16x158x128xi32, #tpu.memory_space<hbm>>, %arg8: memref<632x64xf32, #tpu.memory_space<hbm>>, %arg9: memref<632x16xf32, #tpu.memory_space<hbm>>, %arg10: memref<128x16xf32, #tpu.memory_space<hbm>>, %arg11: memref<10112x64xf32, #tpu.memory_space<hbm>>, %arg12: memref<10112x64xf32, #tpu.memory_space<hbm>>, %arg13: memref<10112x64xf32, #tpu.memory_space<hbm>>, %arg14: memref<10112x64xf32, #tpu.memory_space<hbm>>, %arg15: memref<10112x16xf32, #tpu.memory_space<hbm>>, %arg16: memref<10112x16xf32, #tpu.memory_space<hbm>>, %arg17: memref<158x128xi32, #tpu.memory_space<vmem>>, %arg18: memref<158x128xi32, #tpu.memory_space<vmem>>, %arg19: memref<128x64xf32, #tpu.memory_space<vmem>>, %arg20: memref<128x64xf32, #tpu.memory_space<vmem>>, %arg21: memref<10112x64xf32, #tpu.memory_space<vmem_shared>>, %arg22: memref<!tpu.dma_semaphore, #tpu.memory_space<semaphore_mem>>, %arg23: memref<!tpu.dma_semaphore, #tpu.memory_space<semaphore_mem>>, %arg24: memref<!tpu.dma_semaphore, #tpu.memory_space<semaphore_mem>>, %arg25: memref<!tpu.dma_semaphore, #tpu.memory_space<semaphore_mem>>, %arg26: memref<128x16xf32, #tpu.memory_space<vmem>>, %arg27: memref<10112x16xf32, #tpu.memory_space<vmem_shared>>, %arg28: memref<!tpu.dma_semaphore, #tpu.memory_space<semaphore_mem>>, %arg29: memref<!tpu.dma_semaphore, #tpu.memory_space<semaphore_mem>>) attributes {dimension_semantics = [#tpu.dimension_semantics<core_parallel>, #tpu.dimension_semantics<subcore_parallel>], iteration_bounds = array<i64: 2, 16>, scalar_prefetch = 0 : i64, scratch_operands = 13 : i64, tpu.core_type = #tpu.core_type<sc_vector_subcore>, window_params = [{transform_indices = #map}, {transform_indices = #map}, {transform_indices = #map}, {transform_indices = #map}, {transform_indices = #map1}, {transform_indices = #map1}, {transform_indices = #map}, {transform_indices = #map}, {transform_indices = #map}, {transform_indices = #map}, {transform_indices = #map}, {transform_indices = #map}, {transform_indices = #map}, {transform_indices = #map}, {transform_indices = #map}]} {
    %mul3A = arith.constant 632 : i32
    %mul3A_0 = arith.muli %arg1, %mul3A : i32
    "tpu.region"() ({
      %run_scoped3A = tpu.sem_alloc : memref<!tpu.dma_semaphore, #tpu.memory_space<semaphore_mem>>
      %dma_start3A = arith.constant 0 : i32
      %dma_start3A_46 = tpu.memref_slice %arg21[%mul3A_0, %dma_start3A] : memref<10112x64xf32, #tpu.memory_space<vmem_shared>> -> memref<632x64xf32, #tpu.memory_space<vmem_shared>>
      tpu.enqueue_dma source(%arg8 : memref<632x64xf32, #tpu.memory_space<hbm>>) target(%dma_start3A_46 : memref<632x64xf32, #tpu.memory_space<vmem_shared>>) target_semaphore(%run_scoped3A : memref<!tpu.dma_semaphore, #tpu.memory_space<semaphore_mem>>)
      %dma_wait3A = arith.constant 0 : i32
      %dma_wait3A_47 = tpu.memref_slice %arg21[%mul3A_0, %dma_wait3A] : memref<10112x64xf32, #tpu.memory_space<vmem_shared>> -> memref<632x64xf32, #tpu.memory_space<vmem_shared>>
      tpu.wait_dma2 semaphore(%run_scoped3A : memref<!tpu.dma_semaphore, #tpu.memory_space<semaphore_mem>>) src(%arg8 : memref<632x64xf32, #tpu.memory_space<hbm>>) dst(%dma_wait3A_47 : memref<632x64xf32, #tpu.memory_space<vmem_shared>>)
      tpu.yield
    }) : () -> ()
    "tpu.region"() ({
      %run_scoped3A = tpu.sem_alloc : memref<!tpu.dma_semaphore, #tpu.memory_space<semaphore_mem>>
      %dma_start3A = arith.constant 0 : i32
      %dma_start3A_46 = tpu.memref_slice %arg27[%mul3A_0, %dma_start3A] : memref<10112x16xf32, #tpu.memory_space<vmem_shared>> -> memref<632x16xf32, #tpu.memory_space<vmem_shared>>
      tpu.enqueue_dma source(%arg9 : memref<632x16xf32, #tpu.memory_space<hbm>>) target(%dma_start3A_46 : memref<632x16xf32, #tpu.memory_space<vmem_shared>>) target_semaphore(%run_scoped3A : memref<!tpu.dma_semaphore, #tpu.memory_space<semaphore_mem>>)
      %dma_wait3A = arith.constant 0 : i32
      %dma_wait3A_47 = tpu.memref_slice %arg27[%mul3A_0, %dma_wait3A] : memref<10112x16xf32, #tpu.memory_space<vmem_shared>> -> memref<632x16xf32, #tpu.memory_space<vmem_shared>>
      tpu.wait_dma2 semaphore(%run_scoped3A : memref<!tpu.dma_semaphore, #tpu.memory_space<semaphore_mem>>) src(%arg9 : memref<632x16xf32, #tpu.memory_space<hbm>>) dst(%dma_wait3A_47 : memref<632x16xf32, #tpu.memory_space<vmem_shared>>)
      tpu.yield
    }) : () -> ()
    "tpu.region"() ({
      %run_scoped3A = tpu.sem_alloc : memref<!tpu.dma_semaphore, #tpu.memory_space<semaphore_mem>>
      tpu.enqueue_dma source(%arg10 : memref<128x16xf32, #tpu.memory_space<hbm>>) target(%arg26 : memref<128x16xf32, #tpu.memory_space<vmem>>) target_semaphore(%run_scoped3A : memref<!tpu.dma_semaphore, #tpu.memory_space<semaphore_mem>>)
      tpu.wait_dma2 semaphore(%run_scoped3A : memref<!tpu.dma_semaphore, #tpu.memory_space<semaphore_mem>>) src(%arg10 : memref<128x16xf32, #tpu.memory_space<hbm>>) dst(%arg26 : memref<128x16xf32, #tpu.memory_space<vmem>>)
      tpu.yield
    }) : () -> ()
    %barrier3A = arith.constant 0 : index
    tpu.barrier barrier_id(%barrier3A)
    %eq3A = arith.constant 0 : i32
    %eq3A_1 = arith.cmpi eq, %arg0, %eq3A : i32
    %convert_element_type3A = arith.extui %eq3A_1 : i1 to i32
    %cond3A = arith.constant 0 : i32
    %cond3A_2 = arith.cmpi ne, %convert_element_type3A, %cond3A : i32
    scf.if %cond3A_2 {
      %run_scoped3A = arith.constant 0 : i32
      "tpu.region"() ({
        %run_scoped3A_133 = tpu.sem_alloc : memref<!tpu.dma_semaphore, #tpu.memory_space<semaphore_mem>>
        %dma_start3A_134 = arith.constant 0 : i32
        %dma_start3A_135 = arith.constant 0 : i32
        %dma_start3A_136 = tpu.memref_slice %arg6[%run_scoped3A, %arg1, %dma_start3A_134, %dma_start3A_135] : memref<2x16x158x128xi32, #tpu.memory_space<hbm>> -> memref<1x1x158x128xi32, #tpu.memory_space<hbm>>
        %dma_start3A_137 = tpu.memref_squeeze %dma_start3A_136 : memref<1x1x158x128xi32, #tpu.memory_space<hbm>> -> memref<158x128xi32, #tpu.memory_space<hbm>>
        %dma_start3A_138 = arith.constant 0 : i32
        %dma_start3A_139 = arith.constant 0 : i32
        %dma_start3A_140 = tpu.memref_slice %arg6[%run_scoped3A, %arg1, %dma_start3A_138, %dma_start3A_139] : memref<2x16x158x128xi32, #tpu.memory_space<hbm>> -> memref<1x1x158x128xi32, #tpu.memory_space<hbm>>
        %dma_start3A_141 = tpu.memref_squeeze %dma_start3A_140 : memref<1x1x158x128xi32, #tpu.memory_space<hbm>> -> memref<158x128xi32, #tpu.memory_space<hbm>>
        tpu.enqueue_dma source(%dma_start3A_141 : memref<158x128xi32, #tpu.memory_space<hbm>>) target(%arg17 : memref<158x128xi32, #tpu.memory_space<vmem>>) target_semaphore(%run_scoped3A_133 : memref<!tpu.dma_semaphore, #tpu.memory_space<semaphore_mem>>)
        %dma_wait3A_142 = arith.constant 0 : i32
        %dma_wait3A_143 = arith.constant 0 : i32
        %dma_wait3A_144 = tpu.memref_slice %arg6[%run_scoped3A, %arg1, %dma_wait3A_142, %dma_wait3A_143] : memref<2x16x158x128xi32, #tpu.memory_space<hbm>> -> memref<1x1x158x128xi32, #tpu.memory_space<hbm>>
        %dma_wait3A_145 = tpu.memref_squeeze %dma_wait3A_144 : memref<1x1x158x128xi32, #tpu.memory_space<hbm>> -> memref<158x128xi32, #tpu.memory_space<hbm>>
        %dma_wait3A_146 = arith.constant 0 : i32
        %dma_wait3A_147 = arith.constant 0 : i32
        %dma_wait3A_148 = tpu.memref_slice %arg6[%run_scoped3A, %arg1, %dma_wait3A_146, %dma_wait3A_147] : memref<2x16x158x128xi32, #tpu.memory_space<hbm>> -> memref<1x1x158x128xi32, #tpu.memory_space<hbm>>
        %dma_wait3A_149 = tpu.memref_squeeze %dma_wait3A_148 : memref<1x1x158x128xi32, #tpu.memory_space<hbm>> -> memref<158x128xi32, #tpu.memory_space<hbm>>
        tpu.wait_dma2 semaphore(%run_scoped3A_133 : memref<!tpu.dma_semaphore, #tpu.memory_space<semaphore_mem>>) src(%dma_wait3A_149 : memref<158x128xi32, #tpu.memory_space<hbm>>) dst(%arg17 : memref<158x128xi32, #tpu.memory_space<vmem>>)
        tpu.yield
      }) : () -> ()
      %run_scoped3A_46 = arith.constant 1 : i32
      "tpu.region"() ({
        %run_scoped3A_133 = tpu.sem_alloc : memref<!tpu.dma_semaphore, #tpu.memory_space<semaphore_mem>>
        %dma_start3A_134 = arith.constant 0 : i32
        %dma_start3A_135 = arith.constant 0 : i32
        %dma_start3A_136 = tpu.memref_slice %arg6[%run_scoped3A_46, %arg1, %dma_start3A_134, %dma_start3A_135] : memref<2x16x158x128xi32, #tpu.memory_space<hbm>> -> memref<1x1x158x128xi32, #tpu.memory_space<hbm>>
        %dma_start3A_137 = tpu.memref_squeeze %dma_start3A_136 : memref<1x1x158x128xi32, #tpu.memory_space<hbm>> -> memref<158x128xi32, #tpu.memory_space<hbm>>
        %dma_start3A_138 = arith.constant 0 : i32
        %dma_start3A_139 = arith.constant 0 : i32
        %dma_start3A_140 = tpu.memref_slice %arg6[%run_scoped3A_46, %arg1, %dma_start3A_138, %dma_start3A_139] : memref<2x16x158x128xi32, #tpu.memory_space<hbm>> -> memref<1x1x158x128xi32, #tpu.memory_space<hbm>>
        %dma_start3A_141 = tpu.memref_squeeze %dma_start3A_140 : memref<1x1x158x128xi32, #tpu.memory_space<hbm>> -> memref<158x128xi32, #tpu.memory_space<hbm>>
        tpu.enqueue_dma source(%dma_start3A_141 : memref<158x128xi32, #tpu.memory_space<hbm>>) target(%arg18 : memref<158x128xi32, #tpu.memory_space<vmem>>) target_semaphore(%run_scoped3A_133 : memref<!tpu.dma_semaphore, #tpu.memory_space<semaphore_mem>>)
        %dma_wait3A_142 = arith.constant 0 : i32
        %dma_wait3A_143 = arith.constant 0 : i32
        %dma_wait3A_144 = tpu.memref_slice %arg6[%run_scoped3A_46, %arg1, %dma_wait3A_142, %dma_wait3A_143] : memref<2x16x158x128xi32, #tpu.memory_space<hbm>> -> memref<1x1x158x128xi32, #tpu.memory_space<hbm>>
        %dma_wait3A_145 = tpu.memref_squeeze %dma_wait3A_144 : memref<1x1x158x128xi32, #tpu.memory_space<hbm>> -> memref<158x128xi32, #tpu.memory_space<hbm>>
        %dma_wait3A_146 = arith.constant 0 : i32
        %dma_wait3A_147 = arith.constant 0 : i32
        %dma_wait3A_148 = tpu.memref_slice %arg6[%run_scoped3A_46, %arg1, %dma_wait3A_146, %dma_wait3A_147] : memref<2x16x158x128xi32, #tpu.memory_space<hbm>> -> memref<1x1x158x128xi32, #tpu.memory_space<hbm>>
        %dma_wait3A_149 = tpu.memref_squeeze %dma_wait3A_148 : memref<1x1x158x128xi32, #tpu.memory_space<hbm>> -> memref<158x128xi32, #tpu.memory_space<hbm>>
        tpu.wait_dma2 semaphore(%run_scoped3A_133 : memref<!tpu.dma_semaphore, #tpu.memory_space<semaphore_mem>>) src(%dma_wait3A_149 : memref<158x128xi32, #tpu.memory_space<hbm>>) dst(%arg18 : memref<158x128xi32, #tpu.memory_space<vmem>>)
        tpu.yield
      }) : () -> ()
      %dma_start3A = arith.constant 0 : i32
      %dma_start3A_47 = arith.constant 0 : i32
      %dma_start3A_48 = tpu.memref_slice %arg17[%dma_start3A, %dma_start3A_47] : memref<158x128xi32, #tpu.memory_space<vmem>> -> memref<1x128xi32, #tpu.memory_space<vmem>>
      %dma_start3A_49 = tpu.memref_squeeze %dma_start3A_48 : memref<1x128xi32, #tpu.memory_space<vmem>> -> memref<128xi32, #tpu.memory_space<vmem>>
      %dma_start3A_50 = arith.constant 0 : i32
      %dma_start3A_51 = arith.constant 0 : i32
      %dma_start3A_52 = tpu.memref_slice %arg2[%dma_start3A_50, %dma_start3A_51] : memref<10000x64xf32, #tpu.memory_space<hbm>> -> memref<10000x64xf32, #tpu.memory_space<hbm>>
      tpu.enqueue_indirect_dma source(%dma_start3A_52 : memref<10000x64xf32, #tpu.memory_space<hbm>>) target(%arg19 : memref<128x64xf32, #tpu.memory_space<vmem>>) offsets(%dma_start3A_49 : memref<128xi32, #tpu.memory_space<vmem>>) semaphore(%arg22 : memref<!tpu.dma_semaphore, #tpu.memory_space<semaphore_mem>>)
      %dma_start3A_53 = arith.constant 1 : i32
      %dma_start3A_54 = arith.constant 0 : i32
      %dma_start3A_55 = tpu.memref_slice %arg17[%dma_start3A_53, %dma_start3A_54] : memref<158x128xi32, #tpu.memory_space<vmem>> -> memref<1x128xi32, #tpu.memory_space<vmem>>
      %dma_start3A_56 = tpu.memref_squeeze %dma_start3A_55 : memref<1x128xi32, #tpu.memory_space<vmem>> -> memref<128xi32, #tpu.memory_space<vmem>>
      %dma_start3A_57 = arith.constant 0 : i32
      %dma_start3A_58 = arith.constant 0 : i32
      %dma_start3A_59 = tpu.memref_slice %arg2[%dma_start3A_57, %dma_start3A_58] : memref<10000x64xf32, #tpu.memory_space<hbm>> -> memref<10000x64xf32, #tpu.memory_space<hbm>>
      tpu.enqueue_indirect_dma source(%dma_start3A_59 : memref<10000x64xf32, #tpu.memory_space<hbm>>) target(%arg20 : memref<128x64xf32, #tpu.memory_space<vmem>>) offsets(%dma_start3A_56 : memref<128xi32, #tpu.memory_space<vmem>>) semaphore(%arg23 : memref<!tpu.dma_semaphore, #tpu.memory_space<semaphore_mem>>)
      %scan3A = arith.constant 0 : i32
      %scan3A_60 = arith.constant 78 : i32
      %scan3A_61 = arith.addi %scan3A, %scan3A_60 : i32
      %scan3A_62 = arith.constant 1 : i32
      scf.for %scan3A_133 = %scan3A to %scan3A_61 step %scan3A_62  : i32 {
        %mul3A_134 = arith.constant 2 : i32
        %mul3A_135 = arith.muli %scan3A_133, %mul3A_134 : i32
        %add3A = arith.constant 0 : i32
        %add3A_136 = arith.addi %add3A, %mul3A_135 : i32
        %dma_wait3A_137 = arith.constant 0 : i32
        %dma_wait3A_138 = tpu.memref_slice %arg17[%add3A_136, %dma_wait3A_137] : memref<158x128xi32, #tpu.memory_space<vmem>> -> memref<1x128xi32, #tpu.memory_space<vmem>>
        %dma_wait3A_139 = tpu.memref_squeeze %dma_wait3A_138 : memref<1x128xi32, #tpu.memory_space<vmem>> -> memref<128xi32, #tpu.memory_space<vmem>>
        %dma_wait3A_140 = arith.constant 0 : i32
        %dma_wait3A_141 = arith.constant 0 : i32
        %dma_wait3A_142 = tpu.memref_slice %arg2[%dma_wait3A_140, %dma_wait3A_141] : memref<10000x64xf32, #tpu.memory_space<hbm>> -> memref<10000x64xf32, #tpu.memory_space<hbm>>
        tpu.wait_indirect_dma semaphore(%arg22 : memref<!tpu.dma_semaphore, #tpu.memory_space<semaphore_mem>>) src(%dma_wait3A_142 : memref<10000x64xf32, #tpu.memory_space<hbm>>) dst(%arg19 : memref<128x64xf32, #tpu.memory_space<vmem>>)
        %dma_start3A_143 = arith.constant 0 : i32
        %dma_start3A_144 = tpu.memref_slice %arg18[%add3A_136, %dma_start3A_143] : memref<158x128xi32, #tpu.memory_space<vmem>> -> memref<1x128xi32, #tpu.memory_space<vmem>>
        %dma_start3A_145 = tpu.memref_squeeze %dma_start3A_144 : memref<1x128xi32, #tpu.memory_space<vmem>> -> memref<128xi32, #tpu.memory_space<vmem>>
        %dma_start3A_146 = arith.constant 0 : i32
        %dma_start3A_147 = arith.constant 0 : i32
        %dma_start3A_148 = tpu.memref_slice %arg21[%dma_start3A_146, %dma_start3A_147] : memref<10112x64xf32, #tpu.memory_space<vmem_shared>> -> memref<10112x64xf32, #tpu.memory_space<vmem_shared>>
        tpu.enqueue_indirect_dma source(%arg19 : memref<128x64xf32, #tpu.memory_space<vmem>>) target(%dma_start3A_148 : memref<10112x64xf32, #tpu.memory_space<vmem_shared>>) offsets(%dma_start3A_145 : memref<128xi32, #tpu.memory_space<vmem>>) semaphore(%arg24 : memref<!tpu.dma_semaphore, #tpu.memory_space<semaphore_mem>>) {add = true}
        %dma_start3A_149 = arith.constant 0 : i32
        %dma_start3A_150 = tpu.memref_slice %arg18[%add3A_136, %dma_start3A_149] : memref<158x128xi32, #tpu.memory_space<vmem>> -> memref<1x128xi32, #tpu.memory_space<vmem>>
        %dma_start3A_151 = tpu.memref_squeeze %dma_start3A_150 : memref<1x128xi32, #tpu.memory_space<vmem>> -> memref<128xi32, #tpu.memory_space<vmem>>
        %dma_start3A_152 = arith.constant 0 : i32
        %dma_start3A_153 = arith.constant 0 : i32
        %dma_start3A_154 = tpu.memref_slice %arg27[%dma_start3A_152, %dma_start3A_153] : memref<10112x16xf32, #tpu.memory_space<vmem_shared>> -> memref<10112x16xf32, #tpu.memory_space<vmem_shared>>
        tpu.enqueue_indirect_dma source(%arg26 : memref<128x16xf32, #tpu.memory_space<vmem>>) target(%dma_start3A_154 : memref<10112x16xf32, #tpu.memory_space<vmem_shared>>) offsets(%dma_start3A_151 : memref<128xi32, #tpu.memory_space<vmem>>) semaphore(%arg28 : memref<!tpu.dma_semaphore, #tpu.memory_space<semaphore_mem>>) {add = true}
        %add3A_155 = arith.constant 1 : i32
        %add3A_156 = arith.addi %add3A_136, %add3A_155 : i32
        %dma_wait3A_157 = arith.constant 0 : i32
        %dma_wait3A_158 = tpu.memref_slice %arg17[%add3A_156, %dma_wait3A_157] : memref<158x128xi32, #tpu.memory_space<vmem>> -> memref<1x128xi32, #tpu.memory_space<vmem>>
        %dma_wait3A_159 = tpu.memref_squeeze %dma_wait3A_158 : memref<1x128xi32, #tpu.memory_space<vmem>> -> memref<128xi32, #tpu.memory_space<vmem>>
        %dma_wait3A_160 = arith.constant 0 : i32
        %dma_wait3A_161 = arith.constant 0 : i32
        %dma_wait3A_162 = tpu.memref_slice %arg2[%dma_wait3A_160, %dma_wait3A_161] : memref<10000x64xf32, #tpu.memory_space<hbm>> -> memref<10000x64xf32, #tpu.memory_space<hbm>>
        tpu.wait_indirect_dma semaphore(%arg23 : memref<!tpu.dma_semaphore, #tpu.memory_space<semaphore_mem>>) src(%dma_wait3A_162 : memref<10000x64xf32, #tpu.memory_space<hbm>>) dst(%arg20 : memref<128x64xf32, #tpu.memory_space<vmem>>)
        %add3A_163 = arith.constant 1 : i32
        %add3A_164 = arith.addi %add3A_136, %add3A_163 : i32
        %dma_start3A_165 = arith.constant 0 : i32
        %dma_start3A_166 = tpu.memref_slice %arg18[%add3A_164, %dma_start3A_165] : memref<158x128xi32, #tpu.memory_space<vmem>> -> memref<1x128xi32, #tpu.memory_space<vmem>>
        %dma_start3A_167 = tpu.memref_squeeze %dma_start3A_166 : memref<1x128xi32, #tpu.memory_space<vmem>> -> memref<128xi32, #tpu.memory_space<vmem>>
        %dma_start3A_168 = arith.constant 0 : i32
        %dma_start3A_169 = arith.constant 0 : i32
        %dma_start3A_170 = tpu.memref_slice %arg21[%dma_start3A_168, %dma_start3A_169] : memref<10112x64xf32, #tpu.memory_space<vmem_shared>> -> memref<10112x64xf32, #tpu.memory_space<vmem_shared>>
        tpu.enqueue_indirect_dma source(%arg20 : memref<128x64xf32, #tpu.memory_space<vmem>>) target(%dma_start3A_170 : memref<10112x64xf32, #tpu.memory_space<vmem_shared>>) offsets(%dma_start3A_167 : memref<128xi32, #tpu.memory_space<vmem>>) semaphore(%arg25 : memref<!tpu.dma_semaphore, #tpu.memory_space<semaphore_mem>>) {add = true}
        %add3A_171 = arith.constant 1 : i32
        %add3A_172 = arith.addi %add3A_136, %add3A_171 : i32
        %dma_start3A_173 = arith.constant 0 : i32
        %dma_start3A_174 = tpu.memref_slice %arg18[%add3A_172, %dma_start3A_173] : memref<158x128xi32, #tpu.memory_space<vmem>> -> memref<1x128xi32, #tpu.memory_space<vmem>>
        %dma_start3A_175 = tpu.memref_squeeze %dma_start3A_174 : memref<1x128xi32, #tpu.memory_space<vmem>> -> memref<128xi32, #tpu.memory_space<vmem>>
        %dma_start3A_176 = arith.constant 0 : i32
        %dma_start3A_177 = arith.constant 0 : i32
        %dma_start3A_178 = tpu.memref_slice %arg27[%dma_start3A_176, %dma_start3A_177] : memref<10112x16xf32, #tpu.memory_space<vmem_shared>> -> memref<10112x16xf32, #tpu.memory_space<vmem_shared>>
        tpu.enqueue_indirect_dma source(%arg26 : memref<128x16xf32, #tpu.memory_space<vmem>>) target(%dma_start3A_178 : memref<10112x16xf32, #tpu.memory_space<vmem_shared>>) offsets(%dma_start3A_175 : memref<128xi32, #tpu.memory_space<vmem>>) semaphore(%arg29 : memref<!tpu.dma_semaphore, #tpu.memory_space<semaphore_mem>>) {add = true}
        %dma_wait3A_179 = arith.constant 0 : i32
        %dma_wait3A_180 = tpu.memref_slice %arg18[%add3A_136, %dma_wait3A_179] : memref<158x128xi32, #tpu.memory_space<vmem>> -> memref<1x128xi32, #tpu.memory_space<vmem>>
        %dma_wait3A_181 = tpu.memref_squeeze %dma_wait3A_180 : memref<1x128xi32, #tpu.memory_space<vmem>> -> memref<128xi32, #tpu.memory_space<vmem>>
        %dma_wait3A_182 = arith.constant 0 : i32
        %dma_wait3A_183 = arith.constant 0 : i32
        %dma_wait3A_184 = tpu.memref_slice %arg21[%dma_wait3A_182, %dma_wait3A_183] : memref<10112x64xf32, #tpu.memory_space<vmem_shared>> -> memref<10112x64xf32, #tpu.memory_space<vmem_shared>>
        tpu.wait_indirect_dma semaphore(%arg24 : memref<!tpu.dma_semaphore, #tpu.memory_space<semaphore_mem>>) src(%arg19 : memref<128x64xf32, #tpu.memory_space<vmem>>) dst(%dma_wait3A_184 : memref<10112x64xf32, #tpu.memory_space<vmem_shared>>)
        %dma_wait3A_185 = arith.constant 0 : i32
        %dma_wait3A_186 = tpu.memref_slice %arg18[%add3A_136, %dma_wait3A_185] : memref<158x128xi32, #tpu.memory_space<vmem>> -> memref<1x128xi32, #tpu.memory_space<vmem>>
        %dma_wait3A_187 = tpu.memref_squeeze %dma_wait3A_186 : memref<1x128xi32, #tpu.memory_space<vmem>> -> memref<128xi32, #tpu.memory_space<vmem>>
        %dma_wait3A_188 = arith.constant 0 : i32
        %dma_wait3A_189 = arith.constant 0 : i32
        %dma_wait3A_190 = tpu.memref_slice %arg27[%dma_wait3A_188, %dma_wait3A_189] : memref<10112x16xf32, #tpu.memory_space<vmem_shared>> -> memref<10112x16xf32, #tpu.memory_space<vmem_shared>>
        tpu.wait_indirect_dma semaphore(%arg28 : memref<!tpu.dma_semaphore, #tpu.memory_space<semaphore_mem>>) src(%arg26 : memref<128x16xf32, #tpu.memory_space<vmem>>) dst(%dma_wait3A_190 : memref<10112x16xf32, #tpu.memory_space<vmem_shared>>)
        %add3A_191 = arith.constant 2 : i32
        %add3A_192 = arith.addi %add3A_136, %add3A_191 : i32
        %dma_start3A_193 = arith.constant 0 : i32
        %dma_start3A_194 = tpu.memref_slice %arg17[%add3A_192, %dma_start3A_193] : memref<158x128xi32, #tpu.memory_space<vmem>> -> memref<1x128xi32, #tpu.memory_space<vmem>>
        %dma_start3A_195 = tpu.memref_squeeze %dma_start3A_194 : memref<1x128xi32, #tpu.memory_space<vmem>> -> memref<128xi32, #tpu.memory_space<vmem>>
        %dma_start3A_196 = arith.constant 0 : i32
        %dma_start3A_197 = arith.constant 0 : i32
        %dma_start3A_198 = tpu.memref_slice %arg2[%dma_start3A_196, %dma_start3A_197] : memref<10000x64xf32, #tpu.memory_space<hbm>> -> memref<10000x64xf32, #tpu.memory_space<hbm>>
        tpu.enqueue_indirect_dma source(%dma_start3A_198 : memref<10000x64xf32, #tpu.memory_space<hbm>>) target(%arg19 : memref<128x64xf32, #tpu.memory_space<vmem>>) offsets(%dma_start3A_195 : memref<128xi32, #tpu.memory_space<vmem>>) semaphore(%arg22 : memref<!tpu.dma_semaphore, #tpu.memory_space<semaphore_mem>>)
        %add3A_199 = arith.constant 1 : i32
        %add3A_200 = arith.addi %add3A_136, %add3A_199 : i32
        %dma_wait3A_201 = arith.constant 0 : i32
        %dma_wait3A_202 = tpu.memref_slice %arg18[%add3A_200, %dma_wait3A_201] : memref<158x128xi32, #tpu.memory_space<vmem>> -> memref<1x128xi32, #tpu.memory_space<vmem>>
        %dma_wait3A_203 = tpu.memref_squeeze %dma_wait3A_202 : memref<1x128xi32, #tpu.memory_space<vmem>> -> memref<128xi32, #tpu.memory_space<vmem>>
        %dma_wait3A_204 = arith.constant 0 : i32
        %dma_wait3A_205 = arith.constant 0 : i32
        %dma_wait3A_206 = tpu.memref_slice %arg21[%dma_wait3A_204, %dma_wait3A_205] : memref<10112x64xf32, #tpu.memory_space<vmem_shared>> -> memref<10112x64xf32, #tpu.memory_space<vmem_shared>>
        tpu.wait_indirect_dma semaphore(%arg25 : memref<!tpu.dma_semaphore, #tpu.memory_space<semaphore_mem>>) src(%arg20 : memref<128x64xf32, #tpu.memory_space<vmem>>) dst(%dma_wait3A_206 : memref<10112x64xf32, #tpu.memory_space<vmem_shared>>)
        %add3A_207 = arith.constant 1 : i32
        %add3A_208 = arith.addi %add3A_136, %add3A_207 : i32
        %dma_wait3A_209 = arith.constant 0 : i32
        %dma_wait3A_210 = tpu.memref_slice %arg18[%add3A_208, %dma_wait3A_209] : memref<158x128xi32, #tpu.memory_space<vmem>> -> memref<1x128xi32, #tpu.memory_space<vmem>>
        %dma_wait3A_211 = tpu.memref_squeeze %dma_wait3A_210 : memref<1x128xi32, #tpu.memory_space<vmem>> -> memref<128xi32, #tpu.memory_space<vmem>>
        %dma_wait3A_212 = arith.constant 0 : i32
        %dma_wait3A_213 = arith.constant 0 : i32
        %dma_wait3A_214 = tpu.memref_slice %arg27[%dma_wait3A_212, %dma_wait3A_213] : memref<10112x16xf32, #tpu.memory_space<vmem_shared>> -> memref<10112x16xf32, #tpu.memory_space<vmem_shared>>
        tpu.wait_indirect_dma semaphore(%arg29 : memref<!tpu.dma_semaphore, #tpu.memory_space<semaphore_mem>>) src(%arg26 : memref<128x16xf32, #tpu.memory_space<vmem>>) dst(%dma_wait3A_214 : memref<10112x16xf32, #tpu.memory_space<vmem_shared>>)
        %add3A_215 = arith.constant 3 : i32
        %add3A_216 = arith.addi %add3A_136, %add3A_215 : i32
        %dma_start3A_217 = arith.constant 0 : i32
        %dma_start3A_218 = tpu.memref_slice %arg17[%add3A_216, %dma_start3A_217] : memref<158x128xi32, #tpu.memory_space<vmem>> -> memref<1x128xi32, #tpu.memory_space<vmem>>
        %dma_start3A_219 = tpu.memref_squeeze %dma_start3A_218 : memref<1x128xi32, #tpu.memory_space<vmem>> -> memref<128xi32, #tpu.memory_space<vmem>>
        %dma_start3A_220 = arith.constant 0 : i32
        %dma_start3A_221 = arith.constant 0 : i32
        %dma_start3A_222 = tpu.memref_slice %arg2[%dma_start3A_220, %dma_start3A_221] : memref<10000x64xf32, #tpu.memory_space<hbm>> -> memref<10000x64xf32, #tpu.memory_space<hbm>>
        tpu.enqueue_indirect_dma source(%dma_start3A_222 : memref<10000x64xf32, #tpu.memory_space<hbm>>) target(%arg20 : memref<128x64xf32, #tpu.memory_space<vmem>>) offsets(%dma_start3A_219 : memref<128xi32, #tpu.memory_space<vmem>>) semaphore(%arg23 : memref<!tpu.dma_semaphore, #tpu.memory_space<semaphore_mem>>)
      }
      %scan3A_63 = arith.constant 78 : i32
      %dma_wait3A = arith.constant 156 : i32
      %dma_wait3A_64 = arith.constant 0 : i32
      %dma_wait3A_65 = tpu.memref_slice %arg17[%dma_wait3A, %dma_wait3A_64] : memref<158x128xi32, #tpu.memory_space<vmem>> -> memref<1x128xi32, #tpu.memory_space<vmem>>
      %dma_wait3A_66 = tpu.memref_squeeze %dma_wait3A_65 : memref<1x128xi32, #tpu.memory_space<vmem>> -> memref<128xi32, #tpu.memory_space<vmem>>
      %dma_wait3A_67 = arith.constant 0 : i32
      %dma_wait3A_68 = arith.constant 0 : i32
      %dma_wait3A_69 = tpu.memref_slice %arg2[%dma_wait3A_67, %dma_wait3A_68] : memref<10000x64xf32, #tpu.memory_space<hbm>> -> memref<10000x64xf32, #tpu.memory_space<hbm>>
      tpu.wait_indirect_dma semaphore(%arg22 : memref<!tpu.dma_semaphore, #tpu.memory_space<semaphore_mem>>) src(%dma_wait3A_69 : memref<10000x64xf32, #tpu.memory_space<hbm>>) dst(%arg19 : memref<128x64xf32, #tpu.memory_space<vmem>>)
      %dma_start3A_70 = arith.constant 156 : i32
      %dma_start3A_71 = arith.constant 0 : i32
      %dma_start3A_72 = tpu.memref_slice %arg18[%dma_start3A_70, %dma_start3A_71] : memref<158x128xi32, #tpu.memory_space<vmem>> -> memref<1x128xi32, #tpu.memory_space<vmem>>
      %dma_start3A_73 = tpu.memref_squeeze %dma_start3A_72 : memref<1x128xi32, #tpu.memory_space<vmem>> -> memref<128xi32, #tpu.memory_space<vmem>>
      %dma_start3A_74 = arith.constant 0 : i32
      %dma_start3A_75 = arith.constant 0 : i32
      %dma_start3A_76 = tpu.memref_slice %arg21[%dma_start3A_74, %dma_start3A_75] : memref<10112x64xf32, #tpu.memory_space<vmem_shared>> -> memref<10112x64xf32, #tpu.memory_space<vmem_shared>>
      tpu.enqueue_indirect_dma source(%arg19 : memref<128x64xf32, #tpu.memory_space<vmem>>) target(%dma_start3A_76 : memref<10112x64xf32, #tpu.memory_space<vmem_shared>>) offsets(%dma_start3A_73 : memref<128xi32, #tpu.memory_space<vmem>>) semaphore(%arg24 : memref<!tpu.dma_semaphore, #tpu.memory_space<semaphore_mem>>) {add = true}
      %dma_wait3A_77 = arith.constant 157 : i32
      %dma_wait3A_78 = arith.constant 0 : i32
      %dma_wait3A_79 = tpu.memref_slice %arg17[%dma_wait3A_77, %dma_wait3A_78] : memref<158x128xi32, #tpu.memory_space<vmem>> -> memref<1x128xi32, #tpu.memory_space<vmem>>
      %dma_wait3A_80 = tpu.memref_squeeze %dma_wait3A_79 : memref<1x128xi32, #tpu.memory_space<vmem>> -> memref<128xi32, #tpu.memory_space<vmem>>
      %dma_wait3A_81 = arith.constant 0 : i32
      %dma_wait3A_82 = arith.constant 0 : i32
      %dma_wait3A_83 = tpu.memref_slice %arg2[%dma_wait3A_81, %dma_wait3A_82] : memref<10000x64xf32, #tpu.memory_space<hbm>> -> memref<10000x64xf32, #tpu.memory_space<hbm>>
      tpu.wait_indirect_dma semaphore(%arg23 : memref<!tpu.dma_semaphore, #tpu.memory_space<semaphore_mem>>) src(%dma_wait3A_83 : memref<10000x64xf32, #tpu.memory_space<hbm>>) dst(%arg20 : memref<128x64xf32, #tpu.memory_space<vmem>>)
      %dma_start3A_84 = arith.constant 157 : i32
      %dma_start3A_85 = arith.constant 0 : i32
      %dma_start3A_86 = tpu.memref_slice %arg18[%dma_start3A_84, %dma_start3A_85] : memref<158x128xi32, #tpu.memory_space<vmem>> -> memref<1x128xi32, #tpu.memory_space<vmem>>
      %dma_start3A_87 = tpu.memref_squeeze %dma_start3A_86 : memref<1x128xi32, #tpu.memory_space<vmem>> -> memref<128xi32, #tpu.memory_space<vmem>>
      %dma_start3A_88 = arith.constant 0 : i32
      %dma_start3A_89 = arith.constant 0 : i32
      %dma_start3A_90 = tpu.memref_slice %arg21[%dma_start3A_88, %dma_start3A_89] : memref<10112x64xf32, #tpu.memory_space<vmem_shared>> -> memref<10112x64xf32, #tpu.memory_space<vmem_shared>>
      tpu.enqueue_indirect_dma source(%arg20 : memref<128x64xf32, #tpu.memory_space<vmem>>) target(%dma_start3A_90 : memref<10112x64xf32, #tpu.memory_space<vmem_shared>>) offsets(%dma_start3A_87 : memref<128xi32, #tpu.memory_space<vmem>>) semaphore(%arg25 : memref<!tpu.dma_semaphore, #tpu.memory_space<semaphore_mem>>) {add = true}
      %dma_wait3A_91 = arith.constant 156 : i32
      %dma_wait3A_92 = arith.constant 0 : i32
      %dma_wait3A_93 = tpu.memref_slice %arg18[%dma_wait3A_91, %dma_wait3A_92] : memref<158x128xi32, #tpu.memory_space<vmem>> -> memref<1x128xi32, #tpu.memory_space<vmem>>
      %dma_wait3A_94 = tpu.memref_squeeze %dma_wait3A_93 : memref<1x128xi32, #tpu.memory_space<vmem>> -> memref<128xi32, #tpu.memory_space<vmem>>
      %dma_wait3A_95 = arith.constant 0 : i32
      %dma_wait3A_96 = arith.constant 0 : i32
      %dma_wait3A_97 = tpu.memref_slice %arg21[%dma_wait3A_95, %dma_wait3A_96] : memref<10112x64xf32, #tpu.memory_space<vmem_shared>> -> memref<10112x64xf32, #tpu.memory_space<vmem_shared>>
      tpu.wait_indirect_dma semaphore(%arg24 : memref<!tpu.dma_semaphore, #tpu.memory_space<semaphore_mem>>) src(%arg19 : memref<128x64xf32, #tpu.memory_space<vmem>>) dst(%dma_wait3A_97 : memref<10112x64xf32, #tpu.memory_space<vmem_shared>>)
      %dma_wait3A_98 = arith.constant 157 : i32
      %dma_wait3A_99 = arith.constant 0 : i32
      %dma_wait3A_100 = tpu.memref_slice %arg18[%dma_wait3A_98, %dma_wait3A_99] : memref<158x128xi32, #tpu.memory_space<vmem>> -> memref<1x128xi32, #tpu.memory_space<vmem>>
      %dma_wait3A_101 = tpu.memref_squeeze %dma_wait3A_100 : memref<1x128xi32, #tpu.memory_space<vmem>> -> memref<128xi32, #tpu.memory_space<vmem>>
      %dma_wait3A_102 = arith.constant 0 : i32
      %dma_wait3A_103 = arith.constant 0 : i32
      %dma_wait3A_104 = tpu.memref_slice %arg21[%dma_wait3A_102, %dma_wait3A_103] : memref<10112x64xf32, #tpu.memory_space<vmem_shared>> -> memref<10112x64xf32, #tpu.memory_space<vmem_shared>>
      tpu.wait_indirect_dma semaphore(%arg25 : memref<!tpu.dma_semaphore, #tpu.memory_space<semaphore_mem>>) src(%arg20 : memref<128x64xf32, #tpu.memory_space<vmem>>) dst(%dma_wait3A_104 : memref<10112x64xf32, #tpu.memory_space<vmem_shared>>)
      %dma_start3A_105 = arith.constant 156 : i32
      %dma_start3A_106 = arith.constant 0 : i32
      %dma_start3A_107 = tpu.memref_slice %arg18[%dma_start3A_105, %dma_start3A_106] : memref<158x128xi32, #tpu.memory_space<vmem>> -> memref<1x128xi32, #tpu.memory_space<vmem>>
      %dma_start3A_108 = tpu.memref_squeeze %dma_start3A_107 : memref<1x128xi32, #tpu.memory_space<vmem>> -> memref<128xi32, #tpu.memory_space<vmem>>
      %dma_start3A_109 = arith.constant 0 : i32
      %dma_start3A_110 = arith.constant 0 : i32
      %dma_start3A_111 = tpu.memref_slice %arg27[%dma_start3A_109, %dma_start3A_110] : memref<10112x16xf32, #tpu.memory_space<vmem_shared>> -> memref<10112x16xf32, #tpu.memory_space<vmem_shared>>
      tpu.enqueue_indirect_dma source(%arg26 : memref<128x16xf32, #tpu.memory_space<vmem>>) target(%dma_start3A_111 : memref<10112x16xf32, #tpu.memory_space<vmem_shared>>) offsets(%dma_start3A_108 : memref<128xi32, #tpu.memory_space<vmem>>) semaphore(%arg28 : memref<!tpu.dma_semaphore, #tpu.memory_space<semaphore_mem>>) {add = true}
      %dma_start3A_112 = arith.constant 157 : i32
      %dma_start3A_113 = arith.constant 0 : i32
      %dma_start3A_114 = tpu.memref_slice %arg18[%dma_start3A_112, %dma_start3A_113] : memref<158x128xi32, #tpu.memory_space<vmem>> -> memref<1x128xi32, #tpu.memory_space<vmem>>
      %dma_start3A_115 = tpu.memref_squeeze %dma_start3A_114 : memref<1x128xi32, #tpu.memory_space<vmem>> -> memref<128xi32, #tpu.memory_space<vmem>>
      %dma_start3A_116 = arith.constant 0 : i32
      %dma_start3A_117 = arith.constant 0 : i32
      %dma_start3A_118 = tpu.memref_slice %arg27[%dma_start3A_116, %dma_start3A_117] : memref<10112x16xf32, #tpu.memory_space<vmem_shared>> -> memref<10112x16xf32, #tpu.memory_space<vmem_shared>>
      tpu.enqueue_indirect_dma source(%arg26 : memref<128x16xf32, #tpu.memory_space<vmem>>) target(%dma_start3A_118 : memref<10112x16xf32, #tpu.memory_space<vmem_shared>>) offsets(%dma_start3A_115 : memref<128xi32, #tpu.memory_space<vmem>>) semaphore(%arg29 : memref<!tpu.dma_semaphore, #tpu.memory_space<semaphore_mem>>) {add = true}
      %dma_wait3A_119 = arith.constant 156 : i32
      %dma_wait3A_120 = arith.constant 0 : i32
      %dma_wait3A_121 = tpu.memref_slice %arg18[%dma_wait3A_119, %dma_wait3A_120] : memref<158x128xi32, #tpu.memory_space<vmem>> -> memref<1x128xi32, #tpu.memory_space<vmem>>
      %dma_wait3A_122 = tpu.memref_squeeze %dma_wait3A_121 : memref<1x128xi32, #tpu.memory_space<vmem>> -> memref<128xi32, #tpu.memory_space<vmem>>
      %dma_wait3A_123 = arith.constant 0 : i32
      %dma_wait3A_124 = arith.constant 0 : i32
      %dma_wait3A_125 = tpu.memref_slice %arg27[%dma_wait3A_123, %dma_wait3A_124] : memref<10112x16xf32, #tpu.memory_space<vmem_shared>> -> memref<10112x16xf32, #tpu.memory_space<vmem_shared>>
      tpu.wait_indirect_dma semaphore(%arg28 : memref<!tpu.dma_semaphore, #tpu.memory_space<semaphore_mem>>) src(%arg26 : memref<128x16xf32, #tpu.memory_space<vmem>>) dst(%dma_wait3A_125 : memref<10112x16xf32, #tpu.memory_space<vmem_shared>>)
      %dma_wait3A_126 = arith.constant 157 : i32
      %dma_wait3A_127 = arith.constant 0 : i32
      %dma_wait3A_128 = tpu.memref_slice %arg18[%dma_wait3A_126, %dma_wait3A_127] : memref<158x128xi32, #tpu.memory_space<vmem>> -> memref<1x128xi32, #tpu.memory_space<vmem>>
      %dma_wait3A_129 = tpu.memref_squeeze %dma_wait3A_128 : memref<1x128xi32, #tpu.memory_space<vmem>> -> memref<128xi32, #tpu.memory_space<vmem>>
      %dma_wait3A_130 = arith.constant 0 : i32
      %dma_wait3A_131 = arith.constant 0 : i32
      %dma_wait3A_132 = tpu.memref_slice %arg27[%dma_wait3A_130, %dma_wait3A_131] : memref<10112x16xf32, #tpu.memory_space<vmem_shared>> -> memref<10112x16xf32, #tpu.memory_space<vmem_shared>>
      tpu.wait_indirect_dma semaphore(%arg29 : memref<!tpu.dma_semaphore, #tpu.memory_space<semaphore_mem>>) src(%arg26 : memref<128x16xf32, #tpu.memory_space<vmem>>) dst(%dma_wait3A_132 : memref<10112x16xf32, #tpu.memory_space<vmem_shared>>)
    } else {
    }
    %eq3A_3 = arith.constant 1 : i32
    %eq3A_4 = arith.cmpi eq, %arg0, %eq3A_3 : i32
    %convert_element_type3A_5 = arith.extui %eq3A_4 : i1 to i32
    %cond3A_6 = arith.constant 0 : i32
    %cond3A_7 = arith.cmpi ne, %convert_element_type3A_5, %cond3A_6 : i32
    scf.if %cond3A_7 {
      %run_scoped3A = arith.constant 0 : i32
      "tpu.region"() ({
        %run_scoped3A_105 = tpu.sem_alloc : memref<!tpu.dma_semaphore, #tpu.memory_space<semaphore_mem>>
        %dma_start3A_106 = arith.constant 0 : i32
        %dma_start3A_107 = arith.constant 0 : i32
        %dma_start3A_108 = tpu.memref_slice %arg6[%run_scoped3A, %arg1, %dma_start3A_106, %dma_start3A_107] : memref<2x16x158x128xi32, #tpu.memory_space<hbm>> -> memref<1x1x158x128xi32, #tpu.memory_space<hbm>>
        %dma_start3A_109 = tpu.memref_squeeze %dma_start3A_108 : memref<1x1x158x128xi32, #tpu.memory_space<hbm>> -> memref<158x128xi32, #tpu.memory_space<hbm>>
        %dma_start3A_110 = arith.constant 0 : i32
        %dma_start3A_111 = arith.constant 0 : i32
        %dma_start3A_112 = tpu.memref_slice %arg6[%run_scoped3A, %arg1, %dma_start3A_110, %dma_start3A_111] : memref<2x16x158x128xi32, #tpu.memory_space<hbm>> -> memref<1x1x158x128xi32, #tpu.memory_space<hbm>>
        %dma_start3A_113 = tpu.memref_squeeze %dma_start3A_112 : memref<1x1x158x128xi32, #tpu.memory_space<hbm>> -> memref<158x128xi32, #tpu.memory_space<hbm>>
        tpu.enqueue_dma source(%dma_start3A_113 : memref<158x128xi32, #tpu.memory_space<hbm>>) target(%arg17 : memref<158x128xi32, #tpu.memory_space<vmem>>) target_semaphore(%run_scoped3A_105 : memref<!tpu.dma_semaphore, #tpu.memory_space<semaphore_mem>>)
        %dma_wait3A_114 = arith.constant 0 : i32
        %dma_wait3A_115 = arith.constant 0 : i32
        %dma_wait3A_116 = tpu.memref_slice %arg6[%run_scoped3A, %arg1, %dma_wait3A_114, %dma_wait3A_115] : memref<2x16x158x128xi32, #tpu.memory_space<hbm>> -> memref<1x1x158x128xi32, #tpu.memory_space<hbm>>
        %dma_wait3A_117 = tpu.memref_squeeze %dma_wait3A_116 : memref<1x1x158x128xi32, #tpu.memory_space<hbm>> -> memref<158x128xi32, #tpu.memory_space<hbm>>
        %dma_wait3A_118 = arith.constant 0 : i32
        %dma_wait3A_119 = arith.constant 0 : i32
        %dma_wait3A_120 = tpu.memref_slice %arg6[%run_scoped3A, %arg1, %dma_wait3A_118, %dma_wait3A_119] : memref<2x16x158x128xi32, #tpu.memory_space<hbm>> -> memref<1x1x158x128xi32, #tpu.memory_space<hbm>>
        %dma_wait3A_121 = tpu.memref_squeeze %dma_wait3A_120 : memref<1x1x158x128xi32, #tpu.memory_space<hbm>> -> memref<158x128xi32, #tpu.memory_space<hbm>>
        tpu.wait_dma2 semaphore(%run_scoped3A_105 : memref<!tpu.dma_semaphore, #tpu.memory_space<semaphore_mem>>) src(%dma_wait3A_121 : memref<158x128xi32, #tpu.memory_space<hbm>>) dst(%arg17 : memref<158x128xi32, #tpu.memory_space<vmem>>)
        tpu.yield
      }) : () -> ()
      %run_scoped3A_46 = arith.constant 1 : i32
      "tpu.region"() ({
        %run_scoped3A_105 = tpu.sem_alloc : memref<!tpu.dma_semaphore, #tpu.memory_space<semaphore_mem>>
        %dma_start3A_106 = arith.constant 0 : i32
        %dma_start3A_107 = arith.constant 0 : i32
        %dma_start3A_108 = tpu.memref_slice %arg6[%run_scoped3A_46, %arg1, %dma_start3A_106, %dma_start3A_107] : memref<2x16x158x128xi32, #tpu.memory_space<hbm>> -> memref<1x1x158x128xi32, #tpu.memory_space<hbm>>
        %dma_start3A_109 = tpu.memref_squeeze %dma_start3A_108 : memref<1x1x158x128xi32, #tpu.memory_space<hbm>> -> memref<158x128xi32, #tpu.memory_space<hbm>>
        %dma_start3A_110 = arith.constant 0 : i32
        %dma_start3A_111 = arith.constant 0 : i32
        %dma_start3A_112 = tpu.memref_slice %arg6[%run_scoped3A_46, %arg1, %dma_start3A_110, %dma_start3A_111] : memref<2x16x158x128xi32, #tpu.memory_space<hbm>> -> memref<1x1x158x128xi32, #tpu.memory_space<hbm>>
        %dma_start3A_113 = tpu.memref_squeeze %dma_start3A_112 : memref<1x1x158x128xi32, #tpu.memory_space<hbm>> -> memref<158x128xi32, #tpu.memory_space<hbm>>
        tpu.enqueue_dma source(%dma_start3A_113 : memref<158x128xi32, #tpu.memory_space<hbm>>) target(%arg18 : memref<158x128xi32, #tpu.memory_space<vmem>>) target_semaphore(%run_scoped3A_105 : memref<!tpu.dma_semaphore, #tpu.memory_space<semaphore_mem>>)
        %dma_wait3A_114 = arith.constant 0 : i32
        %dma_wait3A_115 = arith.constant 0 : i32
        %dma_wait3A_116 = tpu.memref_slice %arg6[%run_scoped3A_46, %arg1, %dma_wait3A_114, %dma_wait3A_115] : memref<2x16x158x128xi32, #tpu.memory_space<hbm>> -> memref<1x1x158x128xi32, #tpu.memory_space<hbm>>
        %dma_wait3A_117 = tpu.memref_squeeze %dma_wait3A_116 : memref<1x1x158x128xi32, #tpu.memory_space<hbm>> -> memref<158x128xi32, #tpu.memory_space<hbm>>
        %dma_wait3A_118 = arith.constant 0 : i32
        %dma_wait3A_119 = arith.constant 0 : i32
        %dma_wait3A_120 = tpu.memref_slice %arg6[%run_scoped3A_46, %arg1, %dma_wait3A_118, %dma_wait3A_119] : memref<2x16x158x128xi32, #tpu.memory_space<hbm>> -> memref<1x1x158x128xi32, #tpu.memory_space<hbm>>
        %dma_wait3A_121 = tpu.memref_squeeze %dma_wait3A_120 : memref<1x1x158x128xi32, #tpu.memory_space<hbm>> -> memref<158x128xi32, #tpu.memory_space<hbm>>
        tpu.wait_dma2 semaphore(%run_scoped3A_105 : memref<!tpu.dma_semaphore, #tpu.memory_space<semaphore_mem>>) src(%dma_wait3A_121 : memref<158x128xi32, #tpu.memory_space<hbm>>) dst(%arg18 : memref<158x128xi32, #tpu.memory_space<vmem>>)
        tpu.yield
      }) : () -> ()
      %dma_start3A = arith.constant 0 : i32
      %dma_start3A_47 = arith.constant 0 : i32
      %dma_start3A_48 = tpu.memref_slice %arg17[%dma_start3A, %dma_start3A_47] : memref<158x128xi32, #tpu.memory_space<vmem>> -> memref<1x128xi32, #tpu.memory_space<vmem>>
      %dma_start3A_49 = tpu.memref_squeeze %dma_start3A_48 : memref<1x128xi32, #tpu.memory_space<vmem>> -> memref<128xi32, #tpu.memory_space<vmem>>
      %dma_start3A_50 = arith.constant 0 : i32
      %dma_start3A_51 = arith.constant 0 : i32
      %dma_start3A_52 = tpu.memref_slice %arg3[%dma_start3A_50, %dma_start3A_51] : memref<10000x64xf32, #tpu.memory_space<hbm>> -> memref<10000x64xf32, #tpu.memory_space<hbm>>
      tpu.enqueue_indirect_dma source(%dma_start3A_52 : memref<10000x64xf32, #tpu.memory_space<hbm>>) target(%arg19 : memref<128x64xf32, #tpu.memory_space<vmem>>) offsets(%dma_start3A_49 : memref<128xi32, #tpu.memory_space<vmem>>) semaphore(%arg22 : memref<!tpu.dma_semaphore, #tpu.memory_space<semaphore_mem>>)
      %dma_start3A_53 = arith.constant 1 : i32
      %dma_start3A_54 = arith.constant 0 : i32
      %dma_start3A_55 = tpu.memref_slice %arg17[%dma_start3A_53, %dma_start3A_54] : memref<158x128xi32, #tpu.memory_space<vmem>> -> memref<1x128xi32, #tpu.memory_space<vmem>>
      %dma_start3A_56 = tpu.memref_squeeze %dma_start3A_55 : memref<1x128xi32, #tpu.memory_space<vmem>> -> memref<128xi32, #tpu.memory_space<vmem>>
      %dma_start3A_57 = arith.constant 0 : i32
      %dma_start3A_58 = arith.constant 0 : i32
      %dma_start3A_59 = tpu.memref_slice %arg3[%dma_start3A_57, %dma_start3A_58] : memref<10000x64xf32, #tpu.memory_space<hbm>> -> memref<10000x64xf32, #tpu.memory_space<hbm>>
      tpu.enqueue_indirect_dma source(%dma_start3A_59 : memref<10000x64xf32, #tpu.memory_space<hbm>>) target(%arg20 : memref<128x64xf32, #tpu.memory_space<vmem>>) offsets(%dma_start3A_56 : memref<128xi32, #tpu.memory_space<vmem>>) semaphore(%arg23 : memref<!tpu.dma_semaphore, #tpu.memory_space<semaphore_mem>>)
      %scan3A = arith.constant 0 : i32
      %scan3A_60 = arith.constant 78 : i32
      %scan3A_61 = arith.addi %scan3A, %scan3A_60 : i32
      %scan3A_62 = arith.constant 1 : i32
      scf.for %scan3A_105 = %scan3A to %scan3A_61 step %scan3A_62  : i32 {
        %mul3A_106 = arith.constant 2 : i32
        %mul3A_107 = arith.muli %scan3A_105, %mul3A_106 : i32
        %add3A = arith.constant 0 : i32
        %add3A_108 = arith.addi %add3A, %mul3A_107 : i32
        %dma_wait3A_109 = arith.constant 0 : i32
        %dma_wait3A_110 = tpu.memref_slice %arg17[%add3A_108, %dma_wait3A_109] : memref<158x128xi32, #tpu.memory_space<vmem>> -> memref<1x128xi32, #tpu.memory_space<vmem>>
        %dma_wait3A_111 = tpu.memref_squeeze %dma_wait3A_110 : memref<1x128xi32, #tpu.memory_space<vmem>> -> memref<128xi32, #tpu.memory_space<vmem>>
        %dma_wait3A_112 = arith.constant 0 : i32
        %dma_wait3A_113 = arith.constant 0 : i32
        %dma_wait3A_114 = tpu.memref_slice %arg3[%dma_wait3A_112, %dma_wait3A_113] : memref<10000x64xf32, #tpu.memory_space<hbm>> -> memref<10000x64xf32, #tpu.memory_space<hbm>>
        tpu.wait_indirect_dma semaphore(%arg22 : memref<!tpu.dma_semaphore, #tpu.memory_space<semaphore_mem>>) src(%dma_wait3A_114 : memref<10000x64xf32, #tpu.memory_space<hbm>>) dst(%arg19 : memref<128x64xf32, #tpu.memory_space<vmem>>)
        %dma_start3A_115 = arith.constant 0 : i32
        %dma_start3A_116 = tpu.memref_slice %arg18[%add3A_108, %dma_start3A_115] : memref<158x128xi32, #tpu.memory_space<vmem>> -> memref<1x128xi32, #tpu.memory_space<vmem>>
        %dma_start3A_117 = tpu.memref_squeeze %dma_start3A_116 : memref<1x128xi32, #tpu.memory_space<vmem>> -> memref<128xi32, #tpu.memory_space<vmem>>
        %dma_start3A_118 = arith.constant 0 : i32
        %dma_start3A_119 = arith.constant 0 : i32
        %dma_start3A_120 = tpu.memref_slice %arg21[%dma_start3A_118, %dma_start3A_119] : memref<10112x64xf32, #tpu.memory_space<vmem_shared>> -> memref<10112x64xf32, #tpu.memory_space<vmem_shared>>
        tpu.enqueue_indirect_dma source(%arg19 : memref<128x64xf32, #tpu.memory_space<vmem>>) target(%dma_start3A_120 : memref<10112x64xf32, #tpu.memory_space<vmem_shared>>) offsets(%dma_start3A_117 : memref<128xi32, #tpu.memory_space<vmem>>) semaphore(%arg24 : memref<!tpu.dma_semaphore, #tpu.memory_space<semaphore_mem>>) {add = true}
        %add3A_121 = arith.constant 1 : i32
        %add3A_122 = arith.addi %add3A_108, %add3A_121 : i32
        %dma_wait3A_123 = arith.constant 0 : i32
        %dma_wait3A_124 = tpu.memref_slice %arg17[%add3A_122, %dma_wait3A_123] : memref<158x128xi32, #tpu.memory_space<vmem>> -> memref<1x128xi32, #tpu.memory_space<vmem>>
        %dma_wait3A_125 = tpu.memref_squeeze %dma_wait3A_124 : memref<1x128xi32, #tpu.memory_space<vmem>> -> memref<128xi32, #tpu.memory_space<vmem>>
        %dma_wait3A_126 = arith.constant 0 : i32
        %dma_wait3A_127 = arith.constant 0 : i32
        %dma_wait3A_128 = tpu.memref_slice %arg3[%dma_wait3A_126, %dma_wait3A_127] : memref<10000x64xf32, #tpu.memory_space<hbm>> -> memref<10000x64xf32, #tpu.memory_space<hbm>>
        tpu.wait_indirect_dma semaphore(%arg23 : memref<!tpu.dma_semaphore, #tpu.memory_space<semaphore_mem>>) src(%dma_wait3A_128 : memref<10000x64xf32, #tpu.memory_space<hbm>>) dst(%arg20 : memref<128x64xf32, #tpu.memory_space<vmem>>)
        %add3A_129 = arith.constant 1 : i32
        %add3A_130 = arith.addi %add3A_108, %add3A_129 : i32
        %dma_start3A_131 = arith.constant 0 : i32
        %dma_start3A_132 = tpu.memref_slice %arg18[%add3A_130, %dma_start3A_131] : memref<158x128xi32, #tpu.memory_space<vmem>> -> memref<1x128xi32, #tpu.memory_space<vmem>>
        %dma_start3A_133 = tpu.memref_squeeze %dma_start3A_132 : memref<1x128xi32, #tpu.memory_space<vmem>> -> memref<128xi32, #tpu.memory_space<vmem>>
        %dma_start3A_134 = arith.constant 0 : i32
        %dma_start3A_135 = arith.constant 0 : i32
        %dma_start3A_136 = tpu.memref_slice %arg21[%dma_start3A_134, %dma_start3A_135] : memref<10112x64xf32, #tpu.memory_space<vmem_shared>> -> memref<10112x64xf32, #tpu.memory_space<vmem_shared>>
        tpu.enqueue_indirect_dma source(%arg20 : memref<128x64xf32, #tpu.memory_space<vmem>>) target(%dma_start3A_136 : memref<10112x64xf32, #tpu.memory_space<vmem_shared>>) offsets(%dma_start3A_133 : memref<128xi32, #tpu.memory_space<vmem>>) semaphore(%arg25 : memref<!tpu.dma_semaphore, #tpu.memory_space<semaphore_mem>>) {add = true}
        %dma_wait3A_137 = arith.constant 0 : i32
        %dma_wait3A_138 = tpu.memref_slice %arg18[%add3A_108, %dma_wait3A_137] : memref<158x128xi32, #tpu.memory_space<vmem>> -> memref<1x128xi32, #tpu.memory_space<vmem>>
        %dma_wait3A_139 = tpu.memref_squeeze %dma_wait3A_138 : memref<1x128xi32, #tpu.memory_space<vmem>> -> memref<128xi32, #tpu.memory_space<vmem>>
        %dma_wait3A_140 = arith.constant 0 : i32
        %dma_wait3A_141 = arith.constant 0 : i32
        %dma_wait3A_142 = tpu.memref_slice %arg21[%dma_wait3A_140, %dma_wait3A_141] : memref<10112x64xf32, #tpu.memory_space<vmem_shared>> -> memref<10112x64xf32, #tpu.memory_space<vmem_shared>>
        tpu.wait_indirect_dma semaphore(%arg24 : memref<!tpu.dma_semaphore, #tpu.memory_space<semaphore_mem>>) src(%arg19 : memref<128x64xf32, #tpu.memory_space<vmem>>) dst(%dma_wait3A_142 : memref<10112x64xf32, #tpu.memory_space<vmem_shared>>)
        %add3A_143 = arith.constant 2 : i32
        %add3A_144 = arith.addi %add3A_108, %add3A_143 : i32
        %dma_start3A_145 = arith.constant 0 : i32
        %dma_start3A_146 = tpu.memref_slice %arg17[%add3A_144, %dma_start3A_145] : memref<158x128xi32, #tpu.memory_space<vmem>> -> memref<1x128xi32, #tpu.memory_space<vmem>>
        %dma_start3A_147 = tpu.memref_squeeze %dma_start3A_146 : memref<1x128xi32, #tpu.memory_space<vmem>> -> memref<128xi32, #tpu.memory_space<vmem>>
        %dma_start3A_148 = arith.constant 0 : i32
        %dma_start3A_149 = arith.constant 0 : i32
        %dma_start3A_150 = tpu.memref_slice %arg3[%dma_start3A_148, %dma_start3A_149] : memref<10000x64xf32, #tpu.memory_space<hbm>> -> memref<10000x64xf32, #tpu.memory_space<hbm>>
        tpu.enqueue_indirect_dma source(%dma_start3A_150 : memref<10000x64xf32, #tpu.memory_space<hbm>>) target(%arg19 : memref<128x64xf32, #tpu.memory_space<vmem>>) offsets(%dma_start3A_147 : memref<128xi32, #tpu.memory_space<vmem>>) semaphore(%arg22 : memref<!tpu.dma_semaphore, #tpu.memory_space<semaphore_mem>>)
        %add3A_151 = arith.constant 1 : i32
        %add3A_152 = arith.addi %add3A_108, %add3A_151 : i32
        %dma_wait3A_153 = arith.constant 0 : i32
        %dma_wait3A_154 = tpu.memref_slice %arg18[%add3A_152, %dma_wait3A_153] : memref<158x128xi32, #tpu.memory_space<vmem>> -> memref<1x128xi32, #tpu.memory_space<vmem>>
        %dma_wait3A_155 = tpu.memref_squeeze %dma_wait3A_154 : memref<1x128xi32, #tpu.memory_space<vmem>> -> memref<128xi32, #tpu.memory_space<vmem>>
        %dma_wait3A_156 = arith.constant 0 : i32
        %dma_wait3A_157 = arith.constant 0 : i32
        %dma_wait3A_158 = tpu.memref_slice %arg21[%dma_wait3A_156, %dma_wait3A_157] : memref<10112x64xf32, #tpu.memory_space<vmem_shared>> -> memref<10112x64xf32, #tpu.memory_space<vmem_shared>>
        tpu.wait_indirect_dma semaphore(%arg25 : memref<!tpu.dma_semaphore, #tpu.memory_space<semaphore_mem>>) src(%arg20 : memref<128x64xf32, #tpu.memory_space<vmem>>) dst(%dma_wait3A_158 : memref<10112x64xf32, #tpu.memory_space<vmem_shared>>)
        %add3A_159 = arith.constant 3 : i32
        %add3A_160 = arith.addi %add3A_108, %add3A_159 : i32
        %dma_start3A_161 = arith.constant 0 : i32
        %dma_start3A_162 = tpu.memref_slice %arg17[%add3A_160, %dma_start3A_161] : memref<158x128xi32, #tpu.memory_space<vmem>> -> memref<1x128xi32, #tpu.memory_space<vmem>>
        %dma_start3A_163 = tpu.memref_squeeze %dma_start3A_162 : memref<1x128xi32, #tpu.memory_space<vmem>> -> memref<128xi32, #tpu.memory_space<vmem>>
        %dma_start3A_164 = arith.constant 0 : i32
        %dma_start3A_165 = arith.constant 0 : i32
        %dma_start3A_166 = tpu.memref_slice %arg3[%dma_start3A_164, %dma_start3A_165] : memref<10000x64xf32, #tpu.memory_space<hbm>> -> memref<10000x64xf32, #tpu.memory_space<hbm>>
        tpu.enqueue_indirect_dma source(%dma_start3A_166 : memref<10000x64xf32, #tpu.memory_space<hbm>>) target(%arg20 : memref<128x64xf32, #tpu.memory_space<vmem>>) offsets(%dma_start3A_163 : memref<128xi32, #tpu.memory_space<vmem>>) semaphore(%arg23 : memref<!tpu.dma_semaphore, #tpu.memory_space<semaphore_mem>>)
      }
      %scan3A_63 = arith.constant 78 : i32
      %dma_wait3A = arith.constant 156 : i32
      %dma_wait3A_64 = arith.constant 0 : i32
      %dma_wait3A_65 = tpu.memref_slice %arg17[%dma_wait3A, %dma_wait3A_64] : memref<158x128xi32, #tpu.memory_space<vmem>> -> memref<1x128xi32, #tpu.memory_space<vmem>>
      %dma_wait3A_66 = tpu.memref_squeeze %dma_wait3A_65 : memref<1x128xi32, #tpu.memory_space<vmem>> -> memref<128xi32, #tpu.memory_space<vmem>>
      %dma_wait3A_67 = arith.constant 0 : i32
      %dma_wait3A_68 = arith.constant 0 : i32
      %dma_wait3A_69 = tpu.memref_slice %arg3[%dma_wait3A_67, %dma_wait3A_68] : memref<10000x64xf32, #tpu.memory_space<hbm>> -> memref<10000x64xf32, #tpu.memory_space<hbm>>
      tpu.wait_indirect_dma semaphore(%arg22 : memref<!tpu.dma_semaphore, #tpu.memory_space<semaphore_mem>>) src(%dma_wait3A_69 : memref<10000x64xf32, #tpu.memory_space<hbm>>) dst(%arg19 : memref<128x64xf32, #tpu.memory_space<vmem>>)
      %dma_start3A_70 = arith.constant 156 : i32
      %dma_start3A_71 = arith.constant 0 : i32
      %dma_start3A_72 = tpu.memref_slice %arg18[%dma_start3A_70, %dma_start3A_71] : memref<158x128xi32, #tpu.memory_space<vmem>> -> memref<1x128xi32, #tpu.memory_space<vmem>>
      %dma_start3A_73 = tpu.memref_squeeze %dma_start3A_72 : memref<1x128xi32, #tpu.memory_space<vmem>> -> memref<128xi32, #tpu.memory_space<vmem>>
      %dma_start3A_74 = arith.constant 0 : i32
      %dma_start3A_75 = arith.constant 0 : i32
      %dma_start3A_76 = tpu.memref_slice %arg21[%dma_start3A_74, %dma_start3A_75] : memref<10112x64xf32, #tpu.memory_space<vmem_shared>> -> memref<10112x64xf32, #tpu.memory_space<vmem_shared>>
      tpu.enqueue_indirect_dma source(%arg19 : memref<128x64xf32, #tpu.memory_space<vmem>>) target(%dma_start3A_76 : memref<10112x64xf32, #tpu.memory_space<vmem_shared>>) offsets(%dma_start3A_73 : memref<128xi32, #tpu.memory_space<vmem>>) semaphore(%arg24 : memref<!tpu.dma_semaphore, #tpu.memory_space<semaphore_mem>>) {add = true}
      %dma_wait3A_77 = arith.constant 157 : i32
      %dma_wait3A_78 = arith.constant 0 : i32
      %dma_wait3A_79 = tpu.memref_slice %arg17[%dma_wait3A_77, %dma_wait3A_78] : memref<158x128xi32, #tpu.memory_space<vmem>> -> memref<1x128xi32, #tpu.memory_space<vmem>>
      %dma_wait3A_80 = tpu.memref_squeeze %dma_wait3A_79 : memref<1x128xi32, #tpu.memory_space<vmem>> -> memref<128xi32, #tpu.memory_space<vmem>>
      %dma_wait3A_81 = arith.constant 0 : i32
      %dma_wait3A_82 = arith.constant 0 : i32
      %dma_wait3A_83 = tpu.memref_slice %arg3[%dma_wait3A_81, %dma_wait3A_82] : memref<10000x64xf32, #tpu.memory_space<hbm>> -> memref<10000x64xf32, #tpu.memory_space<hbm>>
      tpu.wait_indirect_dma semaphore(%arg23 : memref<!tpu.dma_semaphore, #tpu.memory_space<semaphore_mem>>) src(%dma_wait3A_83 : memref<10000x64xf32, #tpu.memory_space<hbm>>) dst(%arg20 : memref<128x64xf32, #tpu.memory_space<vmem>>)
      %dma_start3A_84 = arith.constant 157 : i32
      %dma_start3A_85 = arith.constant 0 : i32
      %dma_start3A_86 = tpu.memref_slice %arg18[%dma_start3A_84, %dma_start3A_85] : memref<158x128xi32, #tpu.memory_space<vmem>> -> memref<1x128xi32, #tpu.memory_space<vmem>>
      %dma_start3A_87 = tpu.memref_squeeze %dma_start3A_86 : memref<1x128xi32, #tpu.memory_space<vmem>> -> memref<128xi32, #tpu.memory_space<vmem>>
      %dma_start3A_88 = arith.constant 0 : i32
      %dma_start3A_89 = arith.constant 0 : i32
      %dma_start3A_90 = tpu.memref_slice %arg21[%dma_start3A_88, %dma_start3A_89] : memref<10112x64xf32, #tpu.memory_space<vmem_shared>> -> memref<10112x64xf32, #tpu.memory_space<vmem_shared>>
      tpu.enqueue_indirect_dma source(%arg20 : memref<128x64xf32, #tpu.memory_space<vmem>>) target(%dma_start3A_90 : memref<10112x64xf32, #tpu.memory_space<vmem_shared>>) offsets(%dma_start3A_87 : memref<128xi32, #tpu.memory_space<vmem>>) semaphore(%arg25 : memref<!tpu.dma_semaphore, #tpu.memory_space<semaphore_mem>>) {add = true}
      %dma_wait3A_91 = arith.constant 156 : i32
      %dma_wait3A_92 = arith.constant 0 : i32
      %dma_wait3A_93 = tpu.memref_slice %arg18[%dma_wait3A_91, %dma_wait3A_92] : memref<158x128xi32, #tpu.memory_space<vmem>> -> memref<1x128xi32, #tpu.memory_space<vmem>>
      %dma_wait3A_94 = tpu.memref_squeeze %dma_wait3A_93 : memref<1x128xi32, #tpu.memory_space<vmem>> -> memref<128xi32, #tpu.memory_space<vmem>>
      %dma_wait3A_95 = arith.constant 0 : i32
      %dma_wait3A_96 = arith.constant 0 : i32
      %dma_wait3A_97 = tpu.memref_slice %arg21[%dma_wait3A_95, %dma_wait3A_96] : memref<10112x64xf32, #tpu.memory_space<vmem_shared>> -> memref<10112x64xf32, #tpu.memory_space<vmem_shared>>
      tpu.wait_indirect_dma semaphore(%arg24 : memref<!tpu.dma_semaphore, #tpu.memory_space<semaphore_mem>>) src(%arg19 : memref<128x64xf32, #tpu.memory_space<vmem>>) dst(%dma_wait3A_97 : memref<10112x64xf32, #tpu.memory_space<vmem_shared>>)
      %dma_wait3A_98 = arith.constant 157 : i32
      %dma_wait3A_99 = arith.constant 0 : i32
      %dma_wait3A_100 = tpu.memref_slice %arg18[%dma_wait3A_98, %dma_wait3A_99] : memref<158x128xi32, #tpu.memory_space<vmem>> -> memref<1x128xi32, #tpu.memory_space<vmem>>
      %dma_wait3A_101 = tpu.memref_squeeze %dma_wait3A_100 : memref<1x128xi32, #tpu.memory_space<vmem>> -> memref<128xi32, #tpu.memory_space<vmem>>
      %dma_wait3A_102 = arith.constant 0 : i32
      %dma_wait3A_103 = arith.constant 0 : i32
      %dma_wait3A_104 = tpu.memref_slice %arg21[%dma_wait3A_102, %dma_wait3A_103] : memref<10112x64xf32, #tpu.memory_space<vmem_shared>> -> memref<10112x64xf32, #tpu.memory_space<vmem_shared>>
      tpu.wait_indirect_dma semaphore(%arg25 : memref<!tpu.dma_semaphore, #tpu.memory_space<semaphore_mem>>) src(%arg20 : memref<128x64xf32, #tpu.memory_space<vmem>>) dst(%dma_wait3A_104 : memref<10112x64xf32, #tpu.memory_space<vmem_shared>>)
    } else {
    }
    %barrier3A_8 = arith.constant 0 : index
    tpu.barrier barrier_id(%barrier3A_8)
    %eq3A_9 = arith.constant 0 : i32
    %eq3A_10 = arith.cmpi eq, %arg0, %eq3A_9 : i32
    %convert_element_type3A_11 = arith.extui %eq3A_10 : i1 to i32
    %cond3A_12 = arith.constant 0 : i32
    %cond3A_13 = arith.cmpi ne, %convert_element_type3A_11, %cond3A_12 : i32
    scf.if %cond3A_13 {
      "tpu.region"() ({
        %run_scoped3A = tpu.sem_alloc : memref<!tpu.dma_semaphore, #tpu.memory_space<semaphore_mem>>
        %dma_start3A = arith.constant 0 : i32
        %dma_start3A_46 = tpu.memref_slice %arg11[%mul3A_0, %dma_start3A] : memref<10112x64xf32, #tpu.memory_space<hbm>> -> memref<632x64xf32, #tpu.memory_space<hbm>>
        %dma_start3A_47 = arith.constant 0 : i32
        %dma_start3A_48 = tpu.memref_slice %arg21[%mul3A_0, %dma_start3A_47] : memref<10112x64xf32, #tpu.memory_space<vmem_shared>> -> memref<632x64xf32, #tpu.memory_space<vmem_shared>>
        tpu.enqueue_dma source(%dma_start3A_48 : memref<632x64xf32, #tpu.memory_space<vmem_shared>>) target(%dma_start3A_46 : memref<632x64xf32, #tpu.memory_space<hbm>>) target_semaphore(%run_scoped3A : memref<!tpu.dma_semaphore, #tpu.memory_space<semaphore_mem>>)
        %dma_wait3A = arith.constant 0 : i32
        %dma_wait3A_49 = tpu.memref_slice %arg11[%mul3A_0, %dma_wait3A] : memref<10112x64xf32, #tpu.memory_space<hbm>> -> memref<632x64xf32, #tpu.memory_space<hbm>>
        %dma_wait3A_50 = arith.constant 0 : i32
        %dma_wait3A_51 = tpu.memref_slice %arg21[%mul3A_0, %dma_wait3A_50] : memref<10112x64xf32, #tpu.memory_space<vmem_shared>> -> memref<632x64xf32, #tpu.memory_space<vmem_shared>>
        tpu.wait_dma2 semaphore(%run_scoped3A : memref<!tpu.dma_semaphore, #tpu.memory_space<semaphore_mem>>) src(%dma_wait3A_51 : memref<632x64xf32, #tpu.memory_space<vmem_shared>>) dst(%dma_wait3A_49 : memref<632x64xf32, #tpu.memory_space<hbm>>)
        tpu.yield
      }) : () -> ()
      "tpu.region"() ({
        %run_scoped3A = tpu.sem_alloc : memref<!tpu.dma_semaphore, #tpu.memory_space<semaphore_mem>>
        %dma_start3A = arith.constant 0 : i32
        %dma_start3A_46 = tpu.memref_slice %arg15[%mul3A_0, %dma_start3A] : memref<10112x16xf32, #tpu.memory_space<hbm>> -> memref<632x16xf32, #tpu.memory_space<hbm>>
        %dma_start3A_47 = arith.constant 0 : i32
        %dma_start3A_48 = tpu.memref_slice %arg27[%mul3A_0, %dma_start3A_47] : memref<10112x16xf32, #tpu.memory_space<vmem_shared>> -> memref<632x16xf32, #tpu.memory_space<vmem_shared>>
        tpu.enqueue_dma source(%dma_start3A_48 : memref<632x16xf32, #tpu.memory_space<vmem_shared>>) target(%dma_start3A_46 : memref<632x16xf32, #tpu.memory_space<hbm>>) target_semaphore(%run_scoped3A : memref<!tpu.dma_semaphore, #tpu.memory_space<semaphore_mem>>)
        %dma_wait3A = arith.constant 0 : i32
        %dma_wait3A_49 = tpu.memref_slice %arg15[%mul3A_0, %dma_wait3A] : memref<10112x16xf32, #tpu.memory_space<hbm>> -> memref<632x16xf32, #tpu.memory_space<hbm>>
        %dma_wait3A_50 = arith.constant 0 : i32
        %dma_wait3A_51 = tpu.memref_slice %arg27[%mul3A_0, %dma_wait3A_50] : memref<10112x16xf32, #tpu.memory_space<vmem_shared>> -> memref<632x16xf32, #tpu.memory_space<vmem_shared>>
        tpu.wait_dma2 semaphore(%run_scoped3A : memref<!tpu.dma_semaphore, #tpu.memory_space<semaphore_mem>>) src(%dma_wait3A_51 : memref<632x16xf32, #tpu.memory_space<vmem_shared>>) dst(%dma_wait3A_49 : memref<632x16xf32, #tpu.memory_space<hbm>>)
        tpu.yield
      }) : () -> ()
    } else {
    }
    %eq3A_14 = arith.constant 1 : i32
    %eq3A_15 = arith.cmpi eq, %arg0, %eq3A_14 : i32
    %convert_element_type3A_16 = arith.extui %eq3A_15 : i1 to i32
    %cond3A_17 = arith.constant 0 : i32
    %cond3A_18 = arith.cmpi ne, %convert_element_type3A_16, %cond3A_17 : i32
    scf.if %cond3A_18 {
      "tpu.region"() ({
        %run_scoped3A = tpu.sem_alloc : memref<!tpu.dma_semaphore, #tpu.memory_space<semaphore_mem>>
        %dma_start3A = arith.constant 0 : i32
        %dma_start3A_46 = tpu.memref_slice %arg12[%mul3A_0, %dma_start3A] : memref<10112x64xf32, #tpu.memory_space<hbm>> -> memref<632x64xf32, #tpu.memory_space<hbm>>
        %dma_start3A_47 = arith.constant 0 : i32
        %dma_start3A_48 = tpu.memref_slice %arg21[%mul3A_0, %dma_start3A_47] : memref<10112x64xf32, #tpu.memory_space<vmem_shared>> -> memref<632x64xf32, #tpu.memory_space<vmem_shared>>
        tpu.enqueue_dma source(%dma_start3A_48 : memref<632x64xf32, #tpu.memory_space<vmem_shared>>) target(%dma_start3A_46 : memref<632x64xf32, #tpu.memory_space<hbm>>) target_semaphore(%run_scoped3A : memref<!tpu.dma_semaphore, #tpu.memory_space<semaphore_mem>>)
        %dma_wait3A = arith.constant 0 : i32
        %dma_wait3A_49 = tpu.memref_slice %arg12[%mul3A_0, %dma_wait3A] : memref<10112x64xf32, #tpu.memory_space<hbm>> -> memref<632x64xf32, #tpu.memory_space<hbm>>
        %dma_wait3A_50 = arith.constant 0 : i32
        %dma_wait3A_51 = tpu.memref_slice %arg21[%mul3A_0, %dma_wait3A_50] : memref<10112x64xf32, #tpu.memory_space<vmem_shared>> -> memref<632x64xf32, #tpu.memory_space<vmem_shared>>
        tpu.wait_dma2 semaphore(%run_scoped3A : memref<!tpu.dma_semaphore, #tpu.memory_space<semaphore_mem>>) src(%dma_wait3A_51 : memref<632x64xf32, #tpu.memory_space<vmem_shared>>) dst(%dma_wait3A_49 : memref<632x64xf32, #tpu.memory_space<hbm>>)
        tpu.yield
      }) : () -> ()
    } else {
    }
    "tpu.region"() ({
      %run_scoped3A = tpu.sem_alloc : memref<!tpu.dma_semaphore, #tpu.memory_space<semaphore_mem>>
      %dma_start3A = arith.constant 0 : i32
      %dma_start3A_46 = tpu.memref_slice %arg21[%mul3A_0, %dma_start3A] : memref<10112x64xf32, #tpu.memory_space<vmem_shared>> -> memref<632x64xf32, #tpu.memory_space<vmem_shared>>
      tpu.enqueue_dma source(%arg8 : memref<632x64xf32, #tpu.memory_space<hbm>>) target(%dma_start3A_46 : memref<632x64xf32, #tpu.memory_space<vmem_shared>>) target_semaphore(%run_scoped3A : memref<!tpu.dma_semaphore, #tpu.memory_space<semaphore_mem>>)
      %dma_wait3A = arith.constant 0 : i32
      %dma_wait3A_47 = tpu.memref_slice %arg21[%mul3A_0, %dma_wait3A] : memref<10112x64xf32, #tpu.memory_space<vmem_shared>> -> memref<632x64xf32, #tpu.memory_space<vmem_shared>>
      tpu.wait_dma2 semaphore(%run_scoped3A : memref<!tpu.dma_semaphore, #tpu.memory_space<semaphore_mem>>) src(%arg8 : memref<632x64xf32, #tpu.memory_space<hbm>>) dst(%dma_wait3A_47 : memref<632x64xf32, #tpu.memory_space<vmem_shared>>)
      tpu.yield
    }) : () -> ()
    %eq3A_19 = arith.constant 1 : i32
    %eq3A_20 = arith.cmpi eq, %arg0, %eq3A_19 : i32
    %convert_element_type3A_21 = arith.extui %eq3A_20 : i1 to i32
    %cond3A_22 = arith.constant 0 : i32
    %cond3A_23 = arith.cmpi ne, %convert_element_type3A_21, %cond3A_22 : i32
    scf.if %cond3A_23 {
      "tpu.region"() ({
        %run_scoped3A = tpu.sem_alloc : memref<!tpu.dma_semaphore, #tpu.memory_space<semaphore_mem>>
        %dma_start3A = arith.constant 0 : i32
        %dma_start3A_46 = tpu.memref_slice %arg27[%mul3A_0, %dma_start3A] : memref<10112x16xf32, #tpu.memory_space<vmem_shared>> -> memref<632x16xf32, #tpu.memory_space<vmem_shared>>
        tpu.enqueue_dma source(%arg9 : memref<632x16xf32, #tpu.memory_space<hbm>>) target(%dma_start3A_46 : memref<632x16xf32, #tpu.memory_space<vmem_shared>>) target_semaphore(%run_scoped3A : memref<!tpu.dma_semaphore, #tpu.memory_space<semaphore_mem>>)
        %dma_wait3A = arith.constant 0 : i32
        %dma_wait3A_47 = tpu.memref_slice %arg27[%mul3A_0, %dma_wait3A] : memref<10112x16xf32, #tpu.memory_space<vmem_shared>> -> memref<632x16xf32, #tpu.memory_space<vmem_shared>>
        tpu.wait_dma2 semaphore(%run_scoped3A : memref<!tpu.dma_semaphore, #tpu.memory_space<semaphore_mem>>) src(%arg9 : memref<632x16xf32, #tpu.memory_space<hbm>>) dst(%dma_wait3A_47 : memref<632x16xf32, #tpu.memory_space<vmem_shared>>)
        tpu.yield
      }) : () -> ()
    } else {
    }
    %barrier3A_24 = arith.constant 0 : index
    tpu.barrier barrier_id(%barrier3A_24)
    %eq3A_25 = arith.constant 0 : i32
    %eq3A_26 = arith.cmpi eq, %arg0, %eq3A_25 : i32
    %convert_element_type3A_27 = arith.extui %eq3A_26 : i1 to i32
    %cond3A_28 = arith.constant 0 : i32
    %cond3A_29 = arith.cmpi ne, %convert_element_type3A_27, %cond3A_28 : i32
    scf.if %cond3A_29 {
      %run_scoped3A = arith.constant 0 : i32
      "tpu.region"() ({
        %run_scoped3A_105 = tpu.sem_alloc : memref<!tpu.dma_semaphore, #tpu.memory_space<semaphore_mem>>
        %dma_start3A_106 = arith.constant 0 : i32
        %dma_start3A_107 = arith.constant 0 : i32
        %dma_start3A_108 = tpu.memref_slice %arg7[%run_scoped3A, %arg1, %dma_start3A_106, %dma_start3A_107] : memref<2x16x158x128xi32, #tpu.memory_space<hbm>> -> memref<1x1x158x128xi32, #tpu.memory_space<hbm>>
        %dma_start3A_109 = tpu.memref_squeeze %dma_start3A_108 : memref<1x1x158x128xi32, #tpu.memory_space<hbm>> -> memref<158x128xi32, #tpu.memory_space<hbm>>
        %dma_start3A_110 = arith.constant 0 : i32
        %dma_start3A_111 = arith.constant 0 : i32
        %dma_start3A_112 = tpu.memref_slice %arg7[%run_scoped3A, %arg1, %dma_start3A_110, %dma_start3A_111] : memref<2x16x158x128xi32, #tpu.memory_space<hbm>> -> memref<1x1x158x128xi32, #tpu.memory_space<hbm>>
        %dma_start3A_113 = tpu.memref_squeeze %dma_start3A_112 : memref<1x1x158x128xi32, #tpu.memory_space<hbm>> -> memref<158x128xi32, #tpu.memory_space<hbm>>
        tpu.enqueue_dma source(%dma_start3A_113 : memref<158x128xi32, #tpu.memory_space<hbm>>) target(%arg17 : memref<158x128xi32, #tpu.memory_space<vmem>>) target_semaphore(%run_scoped3A_105 : memref<!tpu.dma_semaphore, #tpu.memory_space<semaphore_mem>>)
        %dma_wait3A_114 = arith.constant 0 : i32
        %dma_wait3A_115 = arith.constant 0 : i32
        %dma_wait3A_116 = tpu.memref_slice %arg7[%run_scoped3A, %arg1, %dma_wait3A_114, %dma_wait3A_115] : memref<2x16x158x128xi32, #tpu.memory_space<hbm>> -> memref<1x1x158x128xi32, #tpu.memory_space<hbm>>
        %dma_wait3A_117 = tpu.memref_squeeze %dma_wait3A_116 : memref<1x1x158x128xi32, #tpu.memory_space<hbm>> -> memref<158x128xi32, #tpu.memory_space<hbm>>
        %dma_wait3A_118 = arith.constant 0 : i32
        %dma_wait3A_119 = arith.constant 0 : i32
        %dma_wait3A_120 = tpu.memref_slice %arg7[%run_scoped3A, %arg1, %dma_wait3A_118, %dma_wait3A_119] : memref<2x16x158x128xi32, #tpu.memory_space<hbm>> -> memref<1x1x158x128xi32, #tpu.memory_space<hbm>>
        %dma_wait3A_121 = tpu.memref_squeeze %dma_wait3A_120 : memref<1x1x158x128xi32, #tpu.memory_space<hbm>> -> memref<158x128xi32, #tpu.memory_space<hbm>>
        tpu.wait_dma2 semaphore(%run_scoped3A_105 : memref<!tpu.dma_semaphore, #tpu.memory_space<semaphore_mem>>) src(%dma_wait3A_121 : memref<158x128xi32, #tpu.memory_space<hbm>>) dst(%arg17 : memref<158x128xi32, #tpu.memory_space<vmem>>)
        tpu.yield
      }) : () -> ()
      %run_scoped3A_46 = arith.constant 1 : i32
      "tpu.region"() ({
        %run_scoped3A_105 = tpu.sem_alloc : memref<!tpu.dma_semaphore, #tpu.memory_space<semaphore_mem>>
        %dma_start3A_106 = arith.constant 0 : i32
        %dma_start3A_107 = arith.constant 0 : i32
        %dma_start3A_108 = tpu.memref_slice %arg7[%run_scoped3A_46, %arg1, %dma_start3A_106, %dma_start3A_107] : memref<2x16x158x128xi32, #tpu.memory_space<hbm>> -> memref<1x1x158x128xi32, #tpu.memory_space<hbm>>
        %dma_start3A_109 = tpu.memref_squeeze %dma_start3A_108 : memref<1x1x158x128xi32, #tpu.memory_space<hbm>> -> memref<158x128xi32, #tpu.memory_space<hbm>>
        %dma_start3A_110 = arith.constant 0 : i32
        %dma_start3A_111 = arith.constant 0 : i32
        %dma_start3A_112 = tpu.memref_slice %arg7[%run_scoped3A_46, %arg1, %dma_start3A_110, %dma_start3A_111] : memref<2x16x158x128xi32, #tpu.memory_space<hbm>> -> memref<1x1x158x128xi32, #tpu.memory_space<hbm>>
        %dma_start3A_113 = tpu.memref_squeeze %dma_start3A_112 : memref<1x1x158x128xi32, #tpu.memory_space<hbm>> -> memref<158x128xi32, #tpu.memory_space<hbm>>
        tpu.enqueue_dma source(%dma_start3A_113 : memref<158x128xi32, #tpu.memory_space<hbm>>) target(%arg18 : memref<158x128xi32, #tpu.memory_space<vmem>>) target_semaphore(%run_scoped3A_105 : memref<!tpu.dma_semaphore, #tpu.memory_space<semaphore_mem>>)
        %dma_wait3A_114 = arith.constant 0 : i32
        %dma_wait3A_115 = arith.constant 0 : i32
        %dma_wait3A_116 = tpu.memref_slice %arg7[%run_scoped3A_46, %arg1, %dma_wait3A_114, %dma_wait3A_115] : memref<2x16x158x128xi32, #tpu.memory_space<hbm>> -> memref<1x1x158x128xi32, #tpu.memory_space<hbm>>
        %dma_wait3A_117 = tpu.memref_squeeze %dma_wait3A_116 : memref<1x1x158x128xi32, #tpu.memory_space<hbm>> -> memref<158x128xi32, #tpu.memory_space<hbm>>
        %dma_wait3A_118 = arith.constant 0 : i32
        %dma_wait3A_119 = arith.constant 0 : i32
        %dma_wait3A_120 = tpu.memref_slice %arg7[%run_scoped3A_46, %arg1, %dma_wait3A_118, %dma_wait3A_119] : memref<2x16x158x128xi32, #tpu.memory_space<hbm>> -> memref<1x1x158x128xi32, #tpu.memory_space<hbm>>
        %dma_wait3A_121 = tpu.memref_squeeze %dma_wait3A_120 : memref<1x1x158x128xi32, #tpu.memory_space<hbm>> -> memref<158x128xi32, #tpu.memory_space<hbm>>
        tpu.wait_dma2 semaphore(%run_scoped3A_105 : memref<!tpu.dma_semaphore, #tpu.memory_space<semaphore_mem>>) src(%dma_wait3A_121 : memref<158x128xi32, #tpu.memory_space<hbm>>) dst(%arg18 : memref<158x128xi32, #tpu.memory_space<vmem>>)
        tpu.yield
      }) : () -> ()
      %dma_start3A = arith.constant 0 : i32
      %dma_start3A_47 = arith.constant 0 : i32
      %dma_start3A_48 = tpu.memref_slice %arg17[%dma_start3A, %dma_start3A_47] : memref<158x128xi32, #tpu.memory_space<vmem>> -> memref<1x128xi32, #tpu.memory_space<vmem>>
      %dma_start3A_49 = tpu.memref_squeeze %dma_start3A_48 : memref<1x128xi32, #tpu.memory_space<vmem>> -> memref<128xi32, #tpu.memory_space<vmem>>
      %dma_start3A_50 = arith.constant 0 : i32
      %dma_start3A_51 = arith.constant 0 : i32
      %dma_start3A_52 = tpu.memref_slice %arg4[%dma_start3A_50, %dma_start3A_51] : memref<10000x64xf32, #tpu.memory_space<hbm>> -> memref<10000x64xf32, #tpu.memory_space<hbm>>
      tpu.enqueue_indirect_dma source(%dma_start3A_52 : memref<10000x64xf32, #tpu.memory_space<hbm>>) target(%arg19 : memref<128x64xf32, #tpu.memory_space<vmem>>) offsets(%dma_start3A_49 : memref<128xi32, #tpu.memory_space<vmem>>) semaphore(%arg22 : memref<!tpu.dma_semaphore, #tpu.memory_space<semaphore_mem>>)
      %dma_start3A_53 = arith.constant 1 : i32
      %dma_start3A_54 = arith.constant 0 : i32
      %dma_start3A_55 = tpu.memref_slice %arg17[%dma_start3A_53, %dma_start3A_54] : memref<158x128xi32, #tpu.memory_space<vmem>> -> memref<1x128xi32, #tpu.memory_space<vmem>>
      %dma_start3A_56 = tpu.memref_squeeze %dma_start3A_55 : memref<1x128xi32, #tpu.memory_space<vmem>> -> memref<128xi32, #tpu.memory_space<vmem>>
      %dma_start3A_57 = arith.constant 0 : i32
      %dma_start3A_58 = arith.constant 0 : i32
      %dma_start3A_59 = tpu.memref_slice %arg4[%dma_start3A_57, %dma_start3A_58] : memref<10000x64xf32, #tpu.memory_space<hbm>> -> memref<10000x64xf32, #tpu.memory_space<hbm>>
      tpu.enqueue_indirect_dma source(%dma_start3A_59 : memref<10000x64xf32, #tpu.memory_space<hbm>>) target(%arg20 : memref<128x64xf32, #tpu.memory_space<vmem>>) offsets(%dma_start3A_56 : memref<128xi32, #tpu.memory_space<vmem>>) semaphore(%arg23 : memref<!tpu.dma_semaphore, #tpu.memory_space<semaphore_mem>>)
      %scan3A = arith.constant 0 : i32
      %scan3A_60 = arith.constant 78 : i32
      %scan3A_61 = arith.addi %scan3A, %scan3A_60 : i32
      %scan3A_62 = arith.constant 1 : i32
      scf.for %scan3A_105 = %scan3A to %scan3A_61 step %scan3A_62  : i32 {
        %mul3A_106 = arith.constant 2 : i32
        %mul3A_107 = arith.muli %scan3A_105, %mul3A_106 : i32
        %add3A = arith.constant 0 : i32
        %add3A_108 = arith.addi %add3A, %mul3A_107 : i32
        %dma_wait3A_109 = arith.constant 0 : i32
        %dma_wait3A_110 = tpu.memref_slice %arg17[%add3A_108, %dma_wait3A_109] : memref<158x128xi32, #tpu.memory_space<vmem>> -> memref<1x128xi32, #tpu.memory_space<vmem>>
        %dma_wait3A_111 = tpu.memref_squeeze %dma_wait3A_110 : memref<1x128xi32, #tpu.memory_space<vmem>> -> memref<128xi32, #tpu.memory_space<vmem>>
        %dma_wait3A_112 = arith.constant 0 : i32
        %dma_wait3A_113 = arith.constant 0 : i32
        %dma_wait3A_114 = tpu.memref_slice %arg4[%dma_wait3A_112, %dma_wait3A_113] : memref<10000x64xf32, #tpu.memory_space<hbm>> -> memref<10000x64xf32, #tpu.memory_space<hbm>>
        tpu.wait_indirect_dma semaphore(%arg22 : memref<!tpu.dma_semaphore, #tpu.memory_space<semaphore_mem>>) src(%dma_wait3A_114 : memref<10000x64xf32, #tpu.memory_space<hbm>>) dst(%arg19 : memref<128x64xf32, #tpu.memory_space<vmem>>)
        %dma_start3A_115 = arith.constant 0 : i32
        %dma_start3A_116 = tpu.memref_slice %arg18[%add3A_108, %dma_start3A_115] : memref<158x128xi32, #tpu.memory_space<vmem>> -> memref<1x128xi32, #tpu.memory_space<vmem>>
        %dma_start3A_117 = tpu.memref_squeeze %dma_start3A_116 : memref<1x128xi32, #tpu.memory_space<vmem>> -> memref<128xi32, #tpu.memory_space<vmem>>
        %dma_start3A_118 = arith.constant 0 : i32
        %dma_start3A_119 = arith.constant 0 : i32
        %dma_start3A_120 = tpu.memref_slice %arg21[%dma_start3A_118, %dma_start3A_119] : memref<10112x64xf32, #tpu.memory_space<vmem_shared>> -> memref<10112x64xf32, #tpu.memory_space<vmem_shared>>
        tpu.enqueue_indirect_dma source(%arg19 : memref<128x64xf32, #tpu.memory_space<vmem>>) target(%dma_start3A_120 : memref<10112x64xf32, #tpu.memory_space<vmem_shared>>) offsets(%dma_start3A_117 : memref<128xi32, #tpu.memory_space<vmem>>) semaphore(%arg24 : memref<!tpu.dma_semaphore, #tpu.memory_space<semaphore_mem>>) {add = true}
        %add3A_121 = arith.constant 1 : i32
        %add3A_122 = arith.addi %add3A_108, %add3A_121 : i32
        %dma_wait3A_123 = arith.constant 0 : i32
        %dma_wait3A_124 = tpu.memref_slice %arg17[%add3A_122, %dma_wait3A_123] : memref<158x128xi32, #tpu.memory_space<vmem>> -> memref<1x128xi32, #tpu.memory_space<vmem>>
        %dma_wait3A_125 = tpu.memref_squeeze %dma_wait3A_124 : memref<1x128xi32, #tpu.memory_space<vmem>> -> memref<128xi32, #tpu.memory_space<vmem>>
        %dma_wait3A_126 = arith.constant 0 : i32
        %dma_wait3A_127 = arith.constant 0 : i32
        %dma_wait3A_128 = tpu.memref_slice %arg4[%dma_wait3A_126, %dma_wait3A_127] : memref<10000x64xf32, #tpu.memory_space<hbm>> -> memref<10000x64xf32, #tpu.memory_space<hbm>>
        tpu.wait_indirect_dma semaphore(%arg23 : memref<!tpu.dma_semaphore, #tpu.memory_space<semaphore_mem>>) src(%dma_wait3A_128 : memref<10000x64xf32, #tpu.memory_space<hbm>>) dst(%arg20 : memref<128x64xf32, #tpu.memory_space<vmem>>)
        %add3A_129 = arith.constant 1 : i32
        %add3A_130 = arith.addi %add3A_108, %add3A_129 : i32
        %dma_start3A_131 = arith.constant 0 : i32
        %dma_start3A_132 = tpu.memref_slice %arg18[%add3A_130, %dma_start3A_131] : memref<158x128xi32, #tpu.memory_space<vmem>> -> memref<1x128xi32, #tpu.memory_space<vmem>>
        %dma_start3A_133 = tpu.memref_squeeze %dma_start3A_132 : memref<1x128xi32, #tpu.memory_space<vmem>> -> memref<128xi32, #tpu.memory_space<vmem>>
        %dma_start3A_134 = arith.constant 0 : i32
        %dma_start3A_135 = arith.constant 0 : i32
        %dma_start3A_136 = tpu.memref_slice %arg21[%dma_start3A_134, %dma_start3A_135] : memref<10112x64xf32, #tpu.memory_space<vmem_shared>> -> memref<10112x64xf32, #tpu.memory_space<vmem_shared>>
        tpu.enqueue_indirect_dma source(%arg20 : memref<128x64xf32, #tpu.memory_space<vmem>>) target(%dma_start3A_136 : memref<10112x64xf32, #tpu.memory_space<vmem_shared>>) offsets(%dma_start3A_133 : memref<128xi32, #tpu.memory_space<vmem>>) semaphore(%arg25 : memref<!tpu.dma_semaphore, #tpu.memory_space<semaphore_mem>>) {add = true}
        %dma_wait3A_137 = arith.constant 0 : i32
        %dma_wait3A_138 = tpu.memref_slice %arg18[%add3A_108, %dma_wait3A_137] : memref<158x128xi32, #tpu.memory_space<vmem>> -> memref<1x128xi32, #tpu.memory_space<vmem>>
        %dma_wait3A_139 = tpu.memref_squeeze %dma_wait3A_138 : memref<1x128xi32, #tpu.memory_space<vmem>> -> memref<128xi32, #tpu.memory_space<vmem>>
        %dma_wait3A_140 = arith.constant 0 : i32
        %dma_wait3A_141 = arith.constant 0 : i32
        %dma_wait3A_142 = tpu.memref_slice %arg21[%dma_wait3A_140, %dma_wait3A_141] : memref<10112x64xf32, #tpu.memory_space<vmem_shared>> -> memref<10112x64xf32, #tpu.memory_space<vmem_shared>>
        tpu.wait_indirect_dma semaphore(%arg24 : memref<!tpu.dma_semaphore, #tpu.memory_space<semaphore_mem>>) src(%arg19 : memref<128x64xf32, #tpu.memory_space<vmem>>) dst(%dma_wait3A_142 : memref<10112x64xf32, #tpu.memory_space<vmem_shared>>)
        %add3A_143 = arith.constant 2 : i32
        %add3A_144 = arith.addi %add3A_108, %add3A_143 : i32
        %dma_start3A_145 = arith.constant 0 : i32
        %dma_start3A_146 = tpu.memref_slice %arg17[%add3A_144, %dma_start3A_145] : memref<158x128xi32, #tpu.memory_space<vmem>> -> memref<1x128xi32, #tpu.memory_space<vmem>>
        %dma_start3A_147 = tpu.memref_squeeze %dma_start3A_146 : memref<1x128xi32, #tpu.memory_space<vmem>> -> memref<128xi32, #tpu.memory_space<vmem>>
        %dma_start3A_148 = arith.constant 0 : i32
        %dma_start3A_149 = arith.constant 0 : i32
        %dma_start3A_150 = tpu.memref_slice %arg4[%dma_start3A_148, %dma_start3A_149] : memref<10000x64xf32, #tpu.memory_space<hbm>> -> memref<10000x64xf32, #tpu.memory_space<hbm>>
        tpu.enqueue_indirect_dma source(%dma_start3A_150 : memref<10000x64xf32, #tpu.memory_space<hbm>>) target(%arg19 : memref<128x64xf32, #tpu.memory_space<vmem>>) offsets(%dma_start3A_147 : memref<128xi32, #tpu.memory_space<vmem>>) semaphore(%arg22 : memref<!tpu.dma_semaphore, #tpu.memory_space<semaphore_mem>>)
        %add3A_151 = arith.constant 1 : i32
        %add3A_152 = arith.addi %add3A_108, %add3A_151 : i32
        %dma_wait3A_153 = arith.constant 0 : i32
        %dma_wait3A_154 = tpu.memref_slice %arg18[%add3A_152, %dma_wait3A_153] : memref<158x128xi32, #tpu.memory_space<vmem>> -> memref<1x128xi32, #tpu.memory_space<vmem>>
        %dma_wait3A_155 = tpu.memref_squeeze %dma_wait3A_154 : memref<1x128xi32, #tpu.memory_space<vmem>> -> memref<128xi32, #tpu.memory_space<vmem>>
        %dma_wait3A_156 = arith.constant 0 : i32
        %dma_wait3A_157 = arith.constant 0 : i32
        %dma_wait3A_158 = tpu.memref_slice %arg21[%dma_wait3A_156, %dma_wait3A_157] : memref<10112x64xf32, #tpu.memory_space<vmem_shared>> -> memref<10112x64xf32, #tpu.memory_space<vmem_shared>>
        tpu.wait_indirect_dma semaphore(%arg25 : memref<!tpu.dma_semaphore, #tpu.memory_space<semaphore_mem>>) src(%arg20 : memref<128x64xf32, #tpu.memory_space<vmem>>) dst(%dma_wait3A_158 : memref<10112x64xf32, #tpu.memory_space<vmem_shared>>)
        %add3A_159 = arith.constant 3 : i32
        %add3A_160 = arith.addi %add3A_108, %add3A_159 : i32
        %dma_start3A_161 = arith.constant 0 : i32
        %dma_start3A_162 = tpu.memref_slice %arg17[%add3A_160, %dma_start3A_161] : memref<158x128xi32, #tpu.memory_space<vmem>> -> memref<1x128xi32, #tpu.memory_space<vmem>>
        %dma_start3A_163 = tpu.memref_squeeze %dma_start3A_162 : memref<1x128xi32, #tpu.memory_space<vmem>> -> memref<128xi32, #tpu.memory_space<vmem>>
        %dma_start3A_164 = arith.constant 0 : i32
        %dma_start3A_165 = arith.constant 0 : i32
        %dma_start3A_166 = tpu.memref_slice %arg4[%dma_start3A_164, %dma_start3A_165] : memref<10000x64xf32, #tpu.memory_space<hbm>> -> memref<10000x64xf32, #tpu.memory_space<hbm>>
        tpu.enqueue_indirect_dma source(%dma_start3A_166 : memref<10000x64xf32, #tpu.memory_space<hbm>>) target(%arg20 : memref<128x64xf32, #tpu.memory_space<vmem>>) offsets(%dma_start3A_163 : memref<128xi32, #tpu.memory_space<vmem>>) semaphore(%arg23 : memref<!tpu.dma_semaphore, #tpu.memory_space<semaphore_mem>>)
      }
      %scan3A_63 = arith.constant 78 : i32
      %dma_wait3A = arith.constant 156 : i32
      %dma_wait3A_64 = arith.constant 0 : i32
      %dma_wait3A_65 = tpu.memref_slice %arg17[%dma_wait3A, %dma_wait3A_64] : memref<158x128xi32, #tpu.memory_space<vmem>> -> memref<1x128xi32, #tpu.memory_space<vmem>>
      %dma_wait3A_66 = tpu.memref_squeeze %dma_wait3A_65 : memref<1x128xi32, #tpu.memory_space<vmem>> -> memref<128xi32, #tpu.memory_space<vmem>>
      %dma_wait3A_67 = arith.constant 0 : i32
      %dma_wait3A_68 = arith.constant 0 : i32
      %dma_wait3A_69 = tpu.memref_slice %arg4[%dma_wait3A_67, %dma_wait3A_68] : memref<10000x64xf32, #tpu.memory_space<hbm>> -> memref<10000x64xf32, #tpu.memory_space<hbm>>
      tpu.wait_indirect_dma semaphore(%arg22 : memref<!tpu.dma_semaphore, #tpu.memory_space<semaphore_mem>>) src(%dma_wait3A_69 : memref<10000x64xf32, #tpu.memory_space<hbm>>) dst(%arg19 : memref<128x64xf32, #tpu.memory_space<vmem>>)
      %dma_start3A_70 = arith.constant 156 : i32
      %dma_start3A_71 = arith.constant 0 : i32
      %dma_start3A_72 = tpu.memref_slice %arg18[%dma_start3A_70, %dma_start3A_71] : memref<158x128xi32, #tpu.memory_space<vmem>> -> memref<1x128xi32, #tpu.memory_space<vmem>>
      %dma_start3A_73 = tpu.memref_squeeze %dma_start3A_72 : memref<1x128xi32, #tpu.memory_space<vmem>> -> memref<128xi32, #tpu.memory_space<vmem>>
      %dma_start3A_74 = arith.constant 0 : i32
      %dma_start3A_75 = arith.constant 0 : i32
      %dma_start3A_76 = tpu.memref_slice %arg21[%dma_start3A_74, %dma_start3A_75] : memref<10112x64xf32, #tpu.memory_space<vmem_shared>> -> memref<10112x64xf32, #tpu.memory_space<vmem_shared>>
      tpu.enqueue_indirect_dma source(%arg19 : memref<128x64xf32, #tpu.memory_space<vmem>>) target(%dma_start3A_76 : memref<10112x64xf32, #tpu.memory_space<vmem_shared>>) offsets(%dma_start3A_73 : memref<128xi32, #tpu.memory_space<vmem>>) semaphore(%arg24 : memref<!tpu.dma_semaphore, #tpu.memory_space<semaphore_mem>>) {add = true}
      %dma_wait3A_77 = arith.constant 157 : i32
      %dma_wait3A_78 = arith.constant 0 : i32
      %dma_wait3A_79 = tpu.memref_slice %arg17[%dma_wait3A_77, %dma_wait3A_78] : memref<158x128xi32, #tpu.memory_space<vmem>> -> memref<1x128xi32, #tpu.memory_space<vmem>>
      %dma_wait3A_80 = tpu.memref_squeeze %dma_wait3A_79 : memref<1x128xi32, #tpu.memory_space<vmem>> -> memref<128xi32, #tpu.memory_space<vmem>>
      %dma_wait3A_81 = arith.constant 0 : i32
      %dma_wait3A_82 = arith.constant 0 : i32
      %dma_wait3A_83 = tpu.memref_slice %arg4[%dma_wait3A_81, %dma_wait3A_82] : memref<10000x64xf32, #tpu.memory_space<hbm>> -> memref<10000x64xf32, #tpu.memory_space<hbm>>
      tpu.wait_indirect_dma semaphore(%arg23 : memref<!tpu.dma_semaphore, #tpu.memory_space<semaphore_mem>>) src(%dma_wait3A_83 : memref<10000x64xf32, #tpu.memory_space<hbm>>) dst(%arg20 : memref<128x64xf32, #tpu.memory_space<vmem>>)
      %dma_start3A_84 = arith.constant 157 : i32
      %dma_start3A_85 = arith.constant 0 : i32
      %dma_start3A_86 = tpu.memref_slice %arg18[%dma_start3A_84, %dma_start3A_85] : memref<158x128xi32, #tpu.memory_space<vmem>> -> memref<1x128xi32, #tpu.memory_space<vmem>>
      %dma_start3A_87 = tpu.memref_squeeze %dma_start3A_86 : memref<1x128xi32, #tpu.memory_space<vmem>> -> memref<128xi32, #tpu.memory_space<vmem>>
      %dma_start3A_88 = arith.constant 0 : i32
      %dma_start3A_89 = arith.constant 0 : i32
      %dma_start3A_90 = tpu.memref_slice %arg21[%dma_start3A_88, %dma_start3A_89] : memref<10112x64xf32, #tpu.memory_space<vmem_shared>> -> memref<10112x64xf32, #tpu.memory_space<vmem_shared>>
      tpu.enqueue_indirect_dma source(%arg20 : memref<128x64xf32, #tpu.memory_space<vmem>>) target(%dma_start3A_90 : memref<10112x64xf32, #tpu.memory_space<vmem_shared>>) offsets(%dma_start3A_87 : memref<128xi32, #tpu.memory_space<vmem>>) semaphore(%arg25 : memref<!tpu.dma_semaphore, #tpu.memory_space<semaphore_mem>>) {add = true}
      %dma_wait3A_91 = arith.constant 156 : i32
      %dma_wait3A_92 = arith.constant 0 : i32
      %dma_wait3A_93 = tpu.memref_slice %arg18[%dma_wait3A_91, %dma_wait3A_92] : memref<158x128xi32, #tpu.memory_space<vmem>> -> memref<1x128xi32, #tpu.memory_space<vmem>>
      %dma_wait3A_94 = tpu.memref_squeeze %dma_wait3A_93 : memref<1x128xi32, #tpu.memory_space<vmem>> -> memref<128xi32, #tpu.memory_space<vmem>>
      %dma_wait3A_95 = arith.constant 0 : i32
      %dma_wait3A_96 = arith.constant 0 : i32
      %dma_wait3A_97 = tpu.memref_slice %arg21[%dma_wait3A_95, %dma_wait3A_96] : memref<10112x64xf32, #tpu.memory_space<vmem_shared>> -> memref<10112x64xf32, #tpu.memory_space<vmem_shared>>
      tpu.wait_indirect_dma semaphore(%arg24 : memref<!tpu.dma_semaphore, #tpu.memory_space<semaphore_mem>>) src(%arg19 : memref<128x64xf32, #tpu.memory_space<vmem>>) dst(%dma_wait3A_97 : memref<10112x64xf32, #tpu.memory_space<vmem_shared>>)
      %dma_wait3A_98 = arith.constant 157 : i32
      %dma_wait3A_99 = arith.constant 0 : i32
      %dma_wait3A_100 = tpu.memref_slice %arg18[%dma_wait3A_98, %dma_wait3A_99] : memref<158x128xi32, #tpu.memory_space<vmem>> -> memref<1x128xi32, #tpu.memory_space<vmem>>
      %dma_wait3A_101 = tpu.memref_squeeze %dma_wait3A_100 : memref<1x128xi32, #tpu.memory_space<vmem>> -> memref<128xi32, #tpu.memory_space<vmem>>
      %dma_wait3A_102 = arith.constant 0 : i32
      %dma_wait3A_103 = arith.constant 0 : i32
      %dma_wait3A_104 = tpu.memref_slice %arg21[%dma_wait3A_102, %dma_wait3A_103] : memref<10112x64xf32, #tpu.memory_space<vmem_shared>> -> memref<10112x64xf32, #tpu.memory_space<vmem_shared>>
      tpu.wait_indirect_dma semaphore(%arg25 : memref<!tpu.dma_semaphore, #tpu.memory_space<semaphore_mem>>) src(%arg20 : memref<128x64xf32, #tpu.memory_space<vmem>>) dst(%dma_wait3A_104 : memref<10112x64xf32, #tpu.memory_space<vmem_shared>>)
    } else {
    }
    %eq3A_30 = arith.constant 1 : i32
    %eq3A_31 = arith.cmpi eq, %arg0, %eq3A_30 : i32
    %convert_element_type3A_32 = arith.extui %eq3A_31 : i1 to i32
    %cond3A_33 = arith.constant 0 : i32
    %cond3A_34 = arith.cmpi ne, %convert_element_type3A_32, %cond3A_33 : i32
    scf.if %cond3A_34 {
      %run_scoped3A = arith.constant 0 : i32
      "tpu.region"() ({
        %run_scoped3A_133 = tpu.sem_alloc : memref<!tpu.dma_semaphore, #tpu.memory_space<semaphore_mem>>
        %dma_start3A_134 = arith.constant 0 : i32
        %dma_start3A_135 = arith.constant 0 : i32
        %dma_start3A_136 = tpu.memref_slice %arg7[%run_scoped3A, %arg1, %dma_start3A_134, %dma_start3A_135] : memref<2x16x158x128xi32, #tpu.memory_space<hbm>> -> memref<1x1x158x128xi32, #tpu.memory_space<hbm>>
        %dma_start3A_137 = tpu.memref_squeeze %dma_start3A_136 : memref<1x1x158x128xi32, #tpu.memory_space<hbm>> -> memref<158x128xi32, #tpu.memory_space<hbm>>
        %dma_start3A_138 = arith.constant 0 : i32
        %dma_start3A_139 = arith.constant 0 : i32
        %dma_start3A_140 = tpu.memref_slice %arg7[%run_scoped3A, %arg1, %dma_start3A_138, %dma_start3A_139] : memref<2x16x158x128xi32, #tpu.memory_space<hbm>> -> memref<1x1x158x128xi32, #tpu.memory_space<hbm>>
        %dma_start3A_141 = tpu.memref_squeeze %dma_start3A_140 : memref<1x1x158x128xi32, #tpu.memory_space<hbm>> -> memref<158x128xi32, #tpu.memory_space<hbm>>
        tpu.enqueue_dma source(%dma_start3A_141 : memref<158x128xi32, #tpu.memory_space<hbm>>) target(%arg17 : memref<158x128xi32, #tpu.memory_space<vmem>>) target_semaphore(%run_scoped3A_133 : memref<!tpu.dma_semaphore, #tpu.memory_space<semaphore_mem>>)
        %dma_wait3A_142 = arith.constant 0 : i32
        %dma_wait3A_143 = arith.constant 0 : i32
        %dma_wait3A_144 = tpu.memref_slice %arg7[%run_scoped3A, %arg1, %dma_wait3A_142, %dma_wait3A_143] : memref<2x16x158x128xi32, #tpu.memory_space<hbm>> -> memref<1x1x158x128xi32, #tpu.memory_space<hbm>>
        %dma_wait3A_145 = tpu.memref_squeeze %dma_wait3A_144 : memref<1x1x158x128xi32, #tpu.memory_space<hbm>> -> memref<158x128xi32, #tpu.memory_space<hbm>>
        %dma_wait3A_146 = arith.constant 0 : i32
        %dma_wait3A_147 = arith.constant 0 : i32
        %dma_wait3A_148 = tpu.memref_slice %arg7[%run_scoped3A, %arg1, %dma_wait3A_146, %dma_wait3A_147] : memref<2x16x158x128xi32, #tpu.memory_space<hbm>> -> memref<1x1x158x128xi32, #tpu.memory_space<hbm>>
        %dma_wait3A_149 = tpu.memref_squeeze %dma_wait3A_148 : memref<1x1x158x128xi32, #tpu.memory_space<hbm>> -> memref<158x128xi32, #tpu.memory_space<hbm>>
        tpu.wait_dma2 semaphore(%run_scoped3A_133 : memref<!tpu.dma_semaphore, #tpu.memory_space<semaphore_mem>>) src(%dma_wait3A_149 : memref<158x128xi32, #tpu.memory_space<hbm>>) dst(%arg17 : memref<158x128xi32, #tpu.memory_space<vmem>>)
        tpu.yield
      }) : () -> ()
      %run_scoped3A_46 = arith.constant 1 : i32
      "tpu.region"() ({
        %run_scoped3A_133 = tpu.sem_alloc : memref<!tpu.dma_semaphore, #tpu.memory_space<semaphore_mem>>
        %dma_start3A_134 = arith.constant 0 : i32
        %dma_start3A_135 = arith.constant 0 : i32
        %dma_start3A_136 = tpu.memref_slice %arg7[%run_scoped3A_46, %arg1, %dma_start3A_134, %dma_start3A_135] : memref<2x16x158x128xi32, #tpu.memory_space<hbm>> -> memref<1x1x158x128xi32, #tpu.memory_space<hbm>>
        %dma_start3A_137 = tpu.memref_squeeze %dma_start3A_136 : memref<1x1x158x128xi32, #tpu.memory_space<hbm>> -> memref<158x128xi32, #tpu.memory_space<hbm>>
        %dma_start3A_138 = arith.constant 0 : i32
        %dma_start3A_139 = arith.constant 0 : i32
        %dma_start3A_140 = tpu.memref_slice %arg7[%run_scoped3A_46, %arg1, %dma_start3A_138, %dma_start3A_139] : memref<2x16x158x128xi32, #tpu.memory_space<hbm>> -> memref<1x1x158x128xi32, #tpu.memory_space<hbm>>
        %dma_start3A_141 = tpu.memref_squeeze %dma_start3A_140 : memref<1x1x158x128xi32, #tpu.memory_space<hbm>> -> memref<158x128xi32, #tpu.memory_space<hbm>>
        tpu.enqueue_dma source(%dma_start3A_141 : memref<158x128xi32, #tpu.memory_space<hbm>>) target(%arg18 : memref<158x128xi32, #tpu.memory_space<vmem>>) target_semaphore(%run_scoped3A_133 : memref<!tpu.dma_semaphore, #tpu.memory_space<semaphore_mem>>)
        %dma_wait3A_142 = arith.constant 0 : i32
        %dma_wait3A_143 = arith.constant 0 : i32
        %dma_wait3A_144 = tpu.memref_slice %arg7[%run_scoped3A_46, %arg1, %dma_wait3A_142, %dma_wait3A_143] : memref<2x16x158x128xi32, #tpu.memory_space<hbm>> -> memref<1x1x158x128xi32, #tpu.memory_space<hbm>>
        %dma_wait3A_145 = tpu.memref_squeeze %dma_wait3A_144 : memref<1x1x158x128xi32, #tpu.memory_space<hbm>> -> memref<158x128xi32, #tpu.memory_space<hbm>>
        %dma_wait3A_146 = arith.constant 0 : i32
        %dma_wait3A_147 = arith.constant 0 : i32
        %dma_wait3A_148 = tpu.memref_slice %arg7[%run_scoped3A_46, %arg1, %dma_wait3A_146, %dma_wait3A_147] : memref<2x16x158x128xi32, #tpu.memory_space<hbm>> -> memref<1x1x158x128xi32, #tpu.memory_space<hbm>>
        %dma_wait3A_149 = tpu.memref_squeeze %dma_wait3A_148 : memref<1x1x158x128xi32, #tpu.memory_space<hbm>> -> memref<158x128xi32, #tpu.memory_space<hbm>>
        tpu.wait_dma2 semaphore(%run_scoped3A_133 : memref<!tpu.dma_semaphore, #tpu.memory_space<semaphore_mem>>) src(%dma_wait3A_149 : memref<158x128xi32, #tpu.memory_space<hbm>>) dst(%arg18 : memref<158x128xi32, #tpu.memory_space<vmem>>)
        tpu.yield
      }) : () -> ()
      %dma_start3A = arith.constant 0 : i32
      %dma_start3A_47 = arith.constant 0 : i32
      %dma_start3A_48 = tpu.memref_slice %arg17[%dma_start3A, %dma_start3A_47] : memref<158x128xi32, #tpu.memory_space<vmem>> -> memref<1x128xi32, #tpu.memory_space<vmem>>
      %dma_start3A_49 = tpu.memref_squeeze %dma_start3A_48 : memref<1x128xi32, #tpu.memory_space<vmem>> -> memref<128xi32, #tpu.memory_space<vmem>>
      %dma_start3A_50 = arith.constant 0 : i32
      %dma_start3A_51 = arith.constant 0 : i32
      %dma_start3A_52 = tpu.memref_slice %arg5[%dma_start3A_50, %dma_start3A_51] : memref<10000x64xf32, #tpu.memory_space<hbm>> -> memref<10000x64xf32, #tpu.memory_space<hbm>>
      tpu.enqueue_indirect_dma source(%dma_start3A_52 : memref<10000x64xf32, #tpu.memory_space<hbm>>) target(%arg19 : memref<128x64xf32, #tpu.memory_space<vmem>>) offsets(%dma_start3A_49 : memref<128xi32, #tpu.memory_space<vmem>>) semaphore(%arg22 : memref<!tpu.dma_semaphore, #tpu.memory_space<semaphore_mem>>)
      %dma_start3A_53 = arith.constant 1 : i32
      %dma_start3A_54 = arith.constant 0 : i32
      %dma_start3A_55 = tpu.memref_slice %arg17[%dma_start3A_53, %dma_start3A_54] : memref<158x128xi32, #tpu.memory_space<vmem>> -> memref<1x128xi32, #tpu.memory_space<vmem>>
      %dma_start3A_56 = tpu.memref_squeeze %dma_start3A_55 : memref<1x128xi32, #tpu.memory_space<vmem>> -> memref<128xi32, #tpu.memory_space<vmem>>
      %dma_start3A_57 = arith.constant 0 : i32
      %dma_start3A_58 = arith.constant 0 : i32
      %dma_start3A_59 = tpu.memref_slice %arg5[%dma_start3A_57, %dma_start3A_58] : memref<10000x64xf32, #tpu.memory_space<hbm>> -> memref<10000x64xf32, #tpu.memory_space<hbm>>
      tpu.enqueue_indirect_dma source(%dma_start3A_59 : memref<10000x64xf32, #tpu.memory_space<hbm>>) target(%arg20 : memref<128x64xf32, #tpu.memory_space<vmem>>) offsets(%dma_start3A_56 : memref<128xi32, #tpu.memory_space<vmem>>) semaphore(%arg23 : memref<!tpu.dma_semaphore, #tpu.memory_space<semaphore_mem>>)
      %scan3A = arith.constant 0 : i32
      %scan3A_60 = arith.constant 78 : i32
      %scan3A_61 = arith.addi %scan3A, %scan3A_60 : i32
      %scan3A_62 = arith.constant 1 : i32
      scf.for %scan3A_133 = %scan3A to %scan3A_61 step %scan3A_62  : i32 {
        %mul3A_134 = arith.constant 2 : i32
        %mul3A_135 = arith.muli %scan3A_133, %mul3A_134 : i32
        %add3A = arith.constant 0 : i32
        %add3A_136 = arith.addi %add3A, %mul3A_135 : i32
        %dma_wait3A_137 = arith.constant 0 : i32
        %dma_wait3A_138 = tpu.memref_slice %arg17[%add3A_136, %dma_wait3A_137] : memref<158x128xi32, #tpu.memory_space<vmem>> -> memref<1x128xi32, #tpu.memory_space<vmem>>
        %dma_wait3A_139 = tpu.memref_squeeze %dma_wait3A_138 : memref<1x128xi32, #tpu.memory_space<vmem>> -> memref<128xi32, #tpu.memory_space<vmem>>
        %dma_wait3A_140 = arith.constant 0 : i32
        %dma_wait3A_141 = arith.constant 0 : i32
        %dma_wait3A_142 = tpu.memref_slice %arg5[%dma_wait3A_140, %dma_wait3A_141] : memref<10000x64xf32, #tpu.memory_space<hbm>> -> memref<10000x64xf32, #tpu.memory_space<hbm>>
        tpu.wait_indirect_dma semaphore(%arg22 : memref<!tpu.dma_semaphore, #tpu.memory_space<semaphore_mem>>) src(%dma_wait3A_142 : memref<10000x64xf32, #tpu.memory_space<hbm>>) dst(%arg19 : memref<128x64xf32, #tpu.memory_space<vmem>>)
        %dma_start3A_143 = arith.constant 0 : i32
        %dma_start3A_144 = tpu.memref_slice %arg18[%add3A_136, %dma_start3A_143] : memref<158x128xi32, #tpu.memory_space<vmem>> -> memref<1x128xi32, #tpu.memory_space<vmem>>
        %dma_start3A_145 = tpu.memref_squeeze %dma_start3A_144 : memref<1x128xi32, #tpu.memory_space<vmem>> -> memref<128xi32, #tpu.memory_space<vmem>>
        %dma_start3A_146 = arith.constant 0 : i32
        %dma_start3A_147 = arith.constant 0 : i32
        %dma_start3A_148 = tpu.memref_slice %arg21[%dma_start3A_146, %dma_start3A_147] : memref<10112x64xf32, #tpu.memory_space<vmem_shared>> -> memref<10112x64xf32, #tpu.memory_space<vmem_shared>>
        tpu.enqueue_indirect_dma source(%arg19 : memref<128x64xf32, #tpu.memory_space<vmem>>) target(%dma_start3A_148 : memref<10112x64xf32, #tpu.memory_space<vmem_shared>>) offsets(%dma_start3A_145 : memref<128xi32, #tpu.memory_space<vmem>>) semaphore(%arg24 : memref<!tpu.dma_semaphore, #tpu.memory_space<semaphore_mem>>) {add = true}
        %dma_start3A_149 = arith.constant 0 : i32
        %dma_start3A_150 = tpu.memref_slice %arg18[%add3A_136, %dma_start3A_149] : memref<158x128xi32, #tpu.memory_space<vmem>> -> memref<1x128xi32, #tpu.memory_space<vmem>>
        %dma_start3A_151 = tpu.memref_squeeze %dma_start3A_150 : memref<1x128xi32, #tpu.memory_space<vmem>> -> memref<128xi32, #tpu.memory_space<vmem>>
        %dma_start3A_152 = arith.constant 0 : i32
        %dma_start3A_153 = arith.constant 0 : i32
        %dma_start3A_154 = tpu.memref_slice %arg27[%dma_start3A_152, %dma_start3A_153] : memref<10112x16xf32, #tpu.memory_space<vmem_shared>> -> memref<10112x16xf32, #tpu.memory_space<vmem_shared>>
        tpu.enqueue_indirect_dma source(%arg26 : memref<128x16xf32, #tpu.memory_space<vmem>>) target(%dma_start3A_154 : memref<10112x16xf32, #tpu.memory_space<vmem_shared>>) offsets(%dma_start3A_151 : memref<128xi32, #tpu.memory_space<vmem>>) semaphore(%arg28 : memref<!tpu.dma_semaphore, #tpu.memory_space<semaphore_mem>>) {add = true}
        %add3A_155 = arith.constant 1 : i32
        %add3A_156 = arith.addi %add3A_136, %add3A_155 : i32
        %dma_wait3A_157 = arith.constant 0 : i32
        %dma_wait3A_158 = tpu.memref_slice %arg17[%add3A_156, %dma_wait3A_157] : memref<158x128xi32, #tpu.memory_space<vmem>> -> memref<1x128xi32, #tpu.memory_space<vmem>>
        %dma_wait3A_159 = tpu.memref_squeeze %dma_wait3A_158 : memref<1x128xi32, #tpu.memory_space<vmem>> -> memref<128xi32, #tpu.memory_space<vmem>>
        %dma_wait3A_160 = arith.constant 0 : i32
        %dma_wait3A_161 = arith.constant 0 : i32
        %dma_wait3A_162 = tpu.memref_slice %arg5[%dma_wait3A_160, %dma_wait3A_161] : memref<10000x64xf32, #tpu.memory_space<hbm>> -> memref<10000x64xf32, #tpu.memory_space<hbm>>
        tpu.wait_indirect_dma semaphore(%arg23 : memref<!tpu.dma_semaphore, #tpu.memory_space<semaphore_mem>>) src(%dma_wait3A_162 : memref<10000x64xf32, #tpu.memory_space<hbm>>) dst(%arg20 : memref<128x64xf32, #tpu.memory_space<vmem>>)
        %add3A_163 = arith.constant 1 : i32
        %add3A_164 = arith.addi %add3A_136, %add3A_163 : i32
        %dma_start3A_165 = arith.constant 0 : i32
        %dma_start3A_166 = tpu.memref_slice %arg18[%add3A_164, %dma_start3A_165] : memref<158x128xi32, #tpu.memory_space<vmem>> -> memref<1x128xi32, #tpu.memory_space<vmem>>
        %dma_start3A_167 = tpu.memref_squeeze %dma_start3A_166 : memref<1x128xi32, #tpu.memory_space<vmem>> -> memref<128xi32, #tpu.memory_space<vmem>>
        %dma_start3A_168 = arith.constant 0 : i32
        %dma_start3A_169 = arith.constant 0 : i32
        %dma_start3A_170 = tpu.memref_slice %arg21[%dma_start3A_168, %dma_start3A_169] : memref<10112x64xf32, #tpu.memory_space<vmem_shared>> -> memref<10112x64xf32, #tpu.memory_space<vmem_shared>>
        tpu.enqueue_indirect_dma source(%arg20 : memref<128x64xf32, #tpu.memory_space<vmem>>) target(%dma_start3A_170 : memref<10112x64xf32, #tpu.memory_space<vmem_shared>>) offsets(%dma_start3A_167 : memref<128xi32, #tpu.memory_space<vmem>>) semaphore(%arg25 : memref<!tpu.dma_semaphore, #tpu.memory_space<semaphore_mem>>) {add = true}
        %add3A_171 = arith.constant 1 : i32
        %add3A_172 = arith.addi %add3A_136, %add3A_171 : i32
        %dma_start3A_173 = arith.constant 0 : i32
        %dma_start3A_174 = tpu.memref_slice %arg18[%add3A_172, %dma_start3A_173] : memref<158x128xi32, #tpu.memory_space<vmem>> -> memref<1x128xi32, #tpu.memory_space<vmem>>
        %dma_start3A_175 = tpu.memref_squeeze %dma_start3A_174 : memref<1x128xi32, #tpu.memory_space<vmem>> -> memref<128xi32, #tpu.memory_space<vmem>>
        %dma_start3A_176 = arith.constant 0 : i32
        %dma_start3A_177 = arith.constant 0 : i32
        %dma_start3A_178 = tpu.memref_slice %arg27[%dma_start3A_176, %dma_start3A_177] : memref<10112x16xf32, #tpu.memory_space<vmem_shared>> -> memref<10112x16xf32, #tpu.memory_space<vmem_shared>>
        tpu.enqueue_indirect_dma source(%arg26 : memref<128x16xf32, #tpu.memory_space<vmem>>) target(%dma_start3A_178 : memref<10112x16xf32, #tpu.memory_space<vmem_shared>>) offsets(%dma_start3A_175 : memref<128xi32, #tpu.memory_space<vmem>>) semaphore(%arg29 : memref<!tpu.dma_semaphore, #tpu.memory_space<semaphore_mem>>) {add = true}
        %dma_wait3A_179 = arith.constant 0 : i32
        %dma_wait3A_180 = tpu.memref_slice %arg18[%add3A_136, %dma_wait3A_179] : memref<158x128xi32, #tpu.memory_space<vmem>> -> memref<1x128xi32, #tpu.memory_space<vmem>>
        %dma_wait3A_181 = tpu.memref_squeeze %dma_wait3A_180 : memref<1x128xi32, #tpu.memory_space<vmem>> -> memref<128xi32, #tpu.memory_space<vmem>>
        %dma_wait3A_182 = arith.constant 0 : i32
        %dma_wait3A_183 = arith.constant 0 : i32
        %dma_wait3A_184 = tpu.memref_slice %arg21[%dma_wait3A_182, %dma_wait3A_183] : memref<10112x64xf32, #tpu.memory_space<vmem_shared>> -> memref<10112x64xf32, #tpu.memory_space<vmem_shared>>
        tpu.wait_indirect_dma semaphore(%arg24 : memref<!tpu.dma_semaphore, #tpu.memory_space<semaphore_mem>>) src(%arg19 : memref<128x64xf32, #tpu.memory_space<vmem>>) dst(%dma_wait3A_184 : memref<10112x64xf32, #tpu.memory_space<vmem_shared>>)
        %dma_wait3A_185 = arith.constant 0 : i32
        %dma_wait3A_186 = tpu.memref_slice %arg18[%add3A_136, %dma_wait3A_185] : memref<158x128xi32, #tpu.memory_space<vmem>> -> memref<1x128xi32, #tpu.memory_space<vmem>>
        %dma_wait3A_187 = tpu.memref_squeeze %dma_wait3A_186 : memref<1x128xi32, #tpu.memory_space<vmem>> -> memref<128xi32, #tpu.memory_space<vmem>>
        %dma_wait3A_188 = arith.constant 0 : i32
        %dma_wait3A_189 = arith.constant 0 : i32
        %dma_wait3A_190 = tpu.memref_slice %arg27[%dma_wait3A_188, %dma_wait3A_189] : memref<10112x16xf32, #tpu.memory_space<vmem_shared>> -> memref<10112x16xf32, #tpu.memory_space<vmem_shared>>
        tpu.wait_indirect_dma semaphore(%arg28 : memref<!tpu.dma_semaphore, #tpu.memory_space<semaphore_mem>>) src(%arg26 : memref<128x16xf32, #tpu.memory_space<vmem>>) dst(%dma_wait3A_190 : memref<10112x16xf32, #tpu.memory_space<vmem_shared>>)
        %add3A_191 = arith.constant 2 : i32
        %add3A_192 = arith.addi %add3A_136, %add3A_191 : i32
        %dma_start3A_193 = arith.constant 0 : i32
        %dma_start3A_194 = tpu.memref_slice %arg17[%add3A_192, %dma_start3A_193] : memref<158x128xi32, #tpu.memory_space<vmem>> -> memref<1x128xi32, #tpu.memory_space<vmem>>
        %dma_start3A_195 = tpu.memref_squeeze %dma_start3A_194 : memref<1x128xi32, #tpu.memory_space<vmem>> -> memref<128xi32, #tpu.memory_space<vmem>>
        %dma_start3A_196 = arith.constant 0 : i32
        %dma_start3A_197 = arith.constant 0 : i32
        %dma_start3A_198 = tpu.memref_slice %arg5[%dma_start3A_196, %dma_start3A_197] : memref<10000x64xf32, #tpu.memory_space<hbm>> -> memref<10000x64xf32, #tpu.memory_space<hbm>>
        tpu.enqueue_indirect_dma source(%dma_start3A_198 : memref<10000x64xf32, #tpu.memory_space<hbm>>) target(%arg19 : memref<128x64xf32, #tpu.memory_space<vmem>>) offsets(%dma_start3A_195 : memref<128xi32, #tpu.memory_space<vmem>>) semaphore(%arg22 : memref<!tpu.dma_semaphore, #tpu.memory_space<semaphore_mem>>)
        %add3A_199 = arith.constant 1 : i32
        %add3A_200 = arith.addi %add3A_136, %add3A_199 : i32
        %dma_wait3A_201 = arith.constant 0 : i32
        %dma_wait3A_202 = tpu.memref_slice %arg18[%add3A_200, %dma_wait3A_201] : memref<158x128xi32, #tpu.memory_space<vmem>> -> memref<1x128xi32, #tpu.memory_space<vmem>>
        %dma_wait3A_203 = tpu.memref_squeeze %dma_wait3A_202 : memref<1x128xi32, #tpu.memory_space<vmem>> -> memref<128xi32, #tpu.memory_space<vmem>>
        %dma_wait3A_204 = arith.constant 0 : i32
        %dma_wait3A_205 = arith.constant 0 : i32
        %dma_wait3A_206 = tpu.memref_slice %arg21[%dma_wait3A_204, %dma_wait3A_205] : memref<10112x64xf32, #tpu.memory_space<vmem_shared>> -> memref<10112x64xf32, #tpu.memory_space<vmem_shared>>
        tpu.wait_indirect_dma semaphore(%arg25 : memref<!tpu.dma_semaphore, #tpu.memory_space<semaphore_mem>>) src(%arg20 : memref<128x64xf32, #tpu.memory_space<vmem>>) dst(%dma_wait3A_206 : memref<10112x64xf32, #tpu.memory_space<vmem_shared>>)
        %add3A_207 = arith.constant 1 : i32
        %add3A_208 = arith.addi %add3A_136, %add3A_207 : i32
        %dma_wait3A_209 = arith.constant 0 : i32
        %dma_wait3A_210 = tpu.memref_slice %arg18[%add3A_208, %dma_wait3A_209] : memref<158x128xi32, #tpu.memory_space<vmem>> -> memref<1x128xi32, #tpu.memory_space<vmem>>
        %dma_wait3A_211 = tpu.memref_squeeze %dma_wait3A_210 : memref<1x128xi32, #tpu.memory_space<vmem>> -> memref<128xi32, #tpu.memory_space<vmem>>
        %dma_wait3A_212 = arith.constant 0 : i32
        %dma_wait3A_213 = arith.constant 0 : i32
        %dma_wait3A_214 = tpu.memref_slice %arg27[%dma_wait3A_212, %dma_wait3A_213] : memref<10112x16xf32, #tpu.memory_space<vmem_shared>> -> memref<10112x16xf32, #tpu.memory_space<vmem_shared>>
        tpu.wait_indirect_dma semaphore(%arg29 : memref<!tpu.dma_semaphore, #tpu.memory_space<semaphore_mem>>) src(%arg26 : memref<128x16xf32, #tpu.memory_space<vmem>>) dst(%dma_wait3A_214 : memref<10112x16xf32, #tpu.memory_space<vmem_shared>>)
        %add3A_215 = arith.constant 3 : i32
        %add3A_216 = arith.addi %add3A_136, %add3A_215 : i32
        %dma_start3A_217 = arith.constant 0 : i32
        %dma_start3A_218 = tpu.memref_slice %arg17[%add3A_216, %dma_start3A_217] : memref<158x128xi32, #tpu.memory_space<vmem>> -> memref<1x128xi32, #tpu.memory_space<vmem>>
        %dma_start3A_219 = tpu.memref_squeeze %dma_start3A_218 : memref<1x128xi32, #tpu.memory_space<vmem>> -> memref<128xi32, #tpu.memory_space<vmem>>
        %dma_start3A_220 = arith.constant 0 : i32
        %dma_start3A_221 = arith.constant 0 : i32
        %dma_start3A_222 = tpu.memref_slice %arg5[%dma_start3A_220, %dma_start3A_221] : memref<10000x64xf32, #tpu.memory_space<hbm>> -> memref<10000x64xf32, #tpu.memory_space<hbm>>
        tpu.enqueue_indirect_dma source(%dma_start3A_222 : memref<10000x64xf32, #tpu.memory_space<hbm>>) target(%arg20 : memref<128x64xf32, #tpu.memory_space<vmem>>) offsets(%dma_start3A_219 : memref<128xi32, #tpu.memory_space<vmem>>) semaphore(%arg23 : memref<!tpu.dma_semaphore, #tpu.memory_space<semaphore_mem>>)
      }
      %scan3A_63 = arith.constant 78 : i32
      %dma_wait3A = arith.constant 156 : i32
      %dma_wait3A_64 = arith.constant 0 : i32
      %dma_wait3A_65 = tpu.memref_slice %arg17[%dma_wait3A, %dma_wait3A_64] : memref<158x128xi32, #tpu.memory_space<vmem>> -> memref<1x128xi32, #tpu.memory_space<vmem>>
      %dma_wait3A_66 = tpu.memref_squeeze %dma_wait3A_65 : memref<1x128xi32, #tpu.memory_space<vmem>> -> memref<128xi32, #tpu.memory_space<vmem>>
      %dma_wait3A_67 = arith.constant 0 : i32
      %dma_wait3A_68 = arith.constant 0 : i32
      %dma_wait3A_69 = tpu.memref_slice %arg5[%dma_wait3A_67, %dma_wait3A_68] : memref<10000x64xf32, #tpu.memory_space<hbm>> -> memref<10000x64xf32, #tpu.memory_space<hbm>>
      tpu.wait_indirect_dma semaphore(%arg22 : memref<!tpu.dma_semaphore, #tpu.memory_space<semaphore_mem>>) src(%dma_wait3A_69 : memref<10000x64xf32, #tpu.memory_space<hbm>>) dst(%arg19 : memref<128x64xf32, #tpu.memory_space<vmem>>)
      %dma_start3A_70 = arith.constant 156 : i32
      %dma_start3A_71 = arith.constant 0 : i32
      %dma_start3A_72 = tpu.memref_slice %arg18[%dma_start3A_70, %dma_start3A_71] : memref<158x128xi32, #tpu.memory_space<vmem>> -> memref<1x128xi32, #tpu.memory_space<vmem>>
      %dma_start3A_73 = tpu.memref_squeeze %dma_start3A_72 : memref<1x128xi32, #tpu.memory_space<vmem>> -> memref<128xi32, #tpu.memory_space<vmem>>
      %dma_start3A_74 = arith.constant 0 : i32
      %dma_start3A_75 = arith.constant 0 : i32
      %dma_start3A_76 = tpu.memref_slice %arg21[%dma_start3A_74, %dma_start3A_75] : memref<10112x64xf32, #tpu.memory_space<vmem_shared>> -> memref<10112x64xf32, #tpu.memory_space<vmem_shared>>
      tpu.enqueue_indirect_dma source(%arg19 : memref<128x64xf32, #tpu.memory_space<vmem>>) target(%dma_start3A_76 : memref<10112x64xf32, #tpu.memory_space<vmem_shared>>) offsets(%dma_start3A_73 : memref<128xi32, #tpu.memory_space<vmem>>) semaphore(%arg24 : memref<!tpu.dma_semaphore, #tpu.memory_space<semaphore_mem>>) {add = true}
      %dma_wait3A_77 = arith.constant 157 : i32
      %dma_wait3A_78 = arith.constant 0 : i32
      %dma_wait3A_79 = tpu.memref_slice %arg17[%dma_wait3A_77, %dma_wait3A_78] : memref<158x128xi32, #tpu.memory_space<vmem>> -> memref<1x128xi32, #tpu.memory_space<vmem>>
      %dma_wait3A_80 = tpu.memref_squeeze %dma_wait3A_79 : memref<1x128xi32, #tpu.memory_space<vmem>> -> memref<128xi32, #tpu.memory_space<vmem>>
      %dma_wait3A_81 = arith.constant 0 : i32
      %dma_wait3A_82 = arith.constant 0 : i32
      %dma_wait3A_83 = tpu.memref_slice %arg5[%dma_wait3A_81, %dma_wait3A_82] : memref<10000x64xf32, #tpu.memory_space<hbm>> -> memref<10000x64xf32, #tpu.memory_space<hbm>>
      tpu.wait_indirect_dma semaphore(%arg23 : memref<!tpu.dma_semaphore, #tpu.memory_space<semaphore_mem>>) src(%dma_wait3A_83 : memref<10000x64xf32, #tpu.memory_space<hbm>>) dst(%arg20 : memref<128x64xf32, #tpu.memory_space<vmem>>)
      %dma_start3A_84 = arith.constant 157 : i32
      %dma_start3A_85 = arith.constant 0 : i32
      %dma_start3A_86 = tpu.memref_slice %arg18[%dma_start3A_84, %dma_start3A_85] : memref<158x128xi32, #tpu.memory_space<vmem>> -> memref<1x128xi32, #tpu.memory_space<vmem>>
      %dma_start3A_87 = tpu.memref_squeeze %dma_start3A_86 : memref<1x128xi32, #tpu.memory_space<vmem>> -> memref<128xi32, #tpu.memory_space<vmem>>
      %dma_start3A_88 = arith.constant 0 : i32
      %dma_start3A_89 = arith.constant 0 : i32
      %dma_start3A_90 = tpu.memref_slice %arg21[%dma_start3A_88, %dma_start3A_89] : memref<10112x64xf32, #tpu.memory_space<vmem_shared>> -> memref<10112x64xf32, #tpu.memory_space<vmem_shared>>
      tpu.enqueue_indirect_dma source(%arg20 : memref<128x64xf32, #tpu.memory_space<vmem>>) target(%dma_start3A_90 : memref<10112x64xf32, #tpu.memory_space<vmem_shared>>) offsets(%dma_start3A_87 : memref<128xi32, #tpu.memory_space<vmem>>) semaphore(%arg25 : memref<!tpu.dma_semaphore, #tpu.memory_space<semaphore_mem>>) {add = true}
      %dma_wait3A_91 = arith.constant 156 : i32
      %dma_wait3A_92 = arith.constant 0 : i32
      %dma_wait3A_93 = tpu.memref_slice %arg18[%dma_wait3A_91, %dma_wait3A_92] : memref<158x128xi32, #tpu.memory_space<vmem>> -> memref<1x128xi32, #tpu.memory_space<vmem>>
      %dma_wait3A_94 = tpu.memref_squeeze %dma_wait3A_93 : memref<1x128xi32, #tpu.memory_space<vmem>> -> memref<128xi32, #tpu.memory_space<vmem>>
      %dma_wait3A_95 = arith.constant 0 : i32
      %dma_wait3A_96 = arith.constant 0 : i32
      %dma_wait3A_97 = tpu.memref_slice %arg21[%dma_wait3A_95, %dma_wait3A_96] : memref<10112x64xf32, #tpu.memory_space<vmem_shared>> -> memref<10112x64xf32, #tpu.memory_space<vmem_shared>>
      tpu.wait_indirect_dma semaphore(%arg24 : memref<!tpu.dma_semaphore, #tpu.memory_space<semaphore_mem>>) src(%arg19 : memref<128x64xf32, #tpu.memory_space<vmem>>) dst(%dma_wait3A_97 : memref<10112x64xf32, #tpu.memory_space<vmem_shared>>)
      %dma_wait3A_98 = arith.constant 157 : i32
      %dma_wait3A_99 = arith.constant 0 : i32
      %dma_wait3A_100 = tpu.memref_slice %arg18[%dma_wait3A_98, %dma_wait3A_99] : memref<158x128xi32, #tpu.memory_space<vmem>> -> memref<1x128xi32, #tpu.memory_space<vmem>>
      %dma_wait3A_101 = tpu.memref_squeeze %dma_wait3A_100 : memref<1x128xi32, #tpu.memory_space<vmem>> -> memref<128xi32, #tpu.memory_space<vmem>>
      %dma_wait3A_102 = arith.constant 0 : i32
      %dma_wait3A_103 = arith.constant 0 : i32
      %dma_wait3A_104 = tpu.memref_slice %arg21[%dma_wait3A_102, %dma_wait3A_103] : memref<10112x64xf32, #tpu.memory_space<vmem_shared>> -> memref<10112x64xf32, #tpu.memory_space<vmem_shared>>
      tpu.wait_indirect_dma semaphore(%arg25 : memref<!tpu.dma_semaphore, #tpu.memory_space<semaphore_mem>>) src(%arg20 : memref<128x64xf32, #tpu.memory_space<vmem>>) dst(%dma_wait3A_104 : memref<10112x64xf32, #tpu.memory_space<vmem_shared>>)
      %dma_start3A_105 = arith.constant 156 : i32
      %dma_start3A_106 = arith.constant 0 : i32
      %dma_start3A_107 = tpu.memref_slice %arg18[%dma_start3A_105, %dma_start3A_106] : memref<158x128xi32, #tpu.memory_space<vmem>> -> memref<1x128xi32, #tpu.memory_space<vmem>>
      %dma_start3A_108 = tpu.memref_squeeze %dma_start3A_107 : memref<1x128xi32, #tpu.memory_space<vmem>> -> memref<128xi32, #tpu.memory_space<vmem>>
      %dma_start3A_109 = arith.constant 0 : i32
      %dma_start3A_110 = arith.constant 0 : i32
      %dma_start3A_111 = tpu.memref_slice %arg27[%dma_start3A_109, %dma_start3A_110] : memref<10112x16xf32, #tpu.memory_space<vmem_shared>> -> memref<10112x16xf32, #tpu.memory_space<vmem_shared>>
      tpu.enqueue_indirect_dma source(%arg26 : memref<128x16xf32, #tpu.memory_space<vmem>>) target(%dma_start3A_111 : memref<10112x16xf32, #tpu.memory_space<vmem_shared>>) offsets(%dma_start3A_108 : memref<128xi32, #tpu.memory_space<vmem>>) semaphore(%arg28 : memref<!tpu.dma_semaphore, #tpu.memory_space<semaphore_mem>>) {add = true}
      %dma_start3A_112 = arith.constant 157 : i32
      %dma_start3A_113 = arith.constant 0 : i32
      %dma_start3A_114 = tpu.memref_slice %arg18[%dma_start3A_112, %dma_start3A_113] : memref<158x128xi32, #tpu.memory_space<vmem>> -> memref<1x128xi32, #tpu.memory_space<vmem>>
      %dma_start3A_115 = tpu.memref_squeeze %dma_start3A_114 : memref<1x128xi32, #tpu.memory_space<vmem>> -> memref<128xi32, #tpu.memory_space<vmem>>
      %dma_start3A_116 = arith.constant 0 : i32
      %dma_start3A_117 = arith.constant 0 : i32
      %dma_start3A_118 = tpu.memref_slice %arg27[%dma_start3A_116, %dma_start3A_117] : memref<10112x16xf32, #tpu.memory_space<vmem_shared>> -> memref<10112x16xf32, #tpu.memory_space<vmem_shared>>
      tpu.enqueue_indirect_dma source(%arg26 : memref<128x16xf32, #tpu.memory_space<vmem>>) target(%dma_start3A_118 : memref<10112x16xf32, #tpu.memory_space<vmem_shared>>) offsets(%dma_start3A_115 : memref<128xi32, #tpu.memory_space<vmem>>) semaphore(%arg29 : memref<!tpu.dma_semaphore, #tpu.memory_space<semaphore_mem>>) {add = true}
      %dma_wait3A_119 = arith.constant 156 : i32
      %dma_wait3A_120 = arith.constant 0 : i32
      %dma_wait3A_121 = tpu.memref_slice %arg18[%dma_wait3A_119, %dma_wait3A_120] : memref<158x128xi32, #tpu.memory_space<vmem>> -> memref<1x128xi32, #tpu.memory_space<vmem>>
      %dma_wait3A_122 = tpu.memref_squeeze %dma_wait3A_121 : memref<1x128xi32, #tpu.memory_space<vmem>> -> memref<128xi32, #tpu.memory_space<vmem>>
      %dma_wait3A_123 = arith.constant 0 : i32
      %dma_wait3A_124 = arith.constant 0 : i32
      %dma_wait3A_125 = tpu.memref_slice %arg27[%dma_wait3A_123, %dma_wait3A_124] : memref<10112x16xf32, #tpu.memory_space<vmem_shared>> -> memref<10112x16xf32, #tpu.memory_space<vmem_shared>>
      tpu.wait_indirect_dma semaphore(%arg28 : memref<!tpu.dma_semaphore, #tpu.memory_space<semaphore_mem>>) src(%arg26 : memref<128x16xf32, #tpu.memory_space<vmem>>) dst(%dma_wait3A_125 : memref<10112x16xf32, #tpu.memory_space<vmem_shared>>)
      %dma_wait3A_126 = arith.constant 157 : i32
      %dma_wait3A_127 = arith.constant 0 : i32
      %dma_wait3A_128 = tpu.memref_slice %arg18[%dma_wait3A_126, %dma_wait3A_127] : memref<158x128xi32, #tpu.memory_space<vmem>> -> memref<1x128xi32, #tpu.memory_space<vmem>>
      %dma_wait3A_129 = tpu.memref_squeeze %dma_wait3A_128 : memref<1x128xi32, #tpu.memory_space<vmem>> -> memref<128xi32, #tpu.memory_space<vmem>>
      %dma_wait3A_130 = arith.constant 0 : i32
      %dma_wait3A_131 = arith.constant 0 : i32
      %dma_wait3A_132 = tpu.memref_slice %arg27[%dma_wait3A_130, %dma_wait3A_131] : memref<10112x16xf32, #tpu.memory_space<vmem_shared>> -> memref<10112x16xf32, #tpu.memory_space<vmem_shared>>
      tpu.wait_indirect_dma semaphore(%arg29 : memref<!tpu.dma_semaphore, #tpu.memory_space<semaphore_mem>>) src(%arg26 : memref<128x16xf32, #tpu.memory_space<vmem>>) dst(%dma_wait3A_132 : memref<10112x16xf32, #tpu.memory_space<vmem_shared>>)
    } else {
    }
    %barrier3A_35 = arith.constant 0 : index
    tpu.barrier barrier_id(%barrier3A_35)
    %eq3A_36 = arith.constant 0 : i32
    %eq3A_37 = arith.cmpi eq, %arg0, %eq3A_36 : i32
    %convert_element_type3A_38 = arith.extui %eq3A_37 : i1 to i32
    %cond3A_39 = arith.constant 0 : i32
    %cond3A_40 = arith.cmpi ne, %convert_element_type3A_38, %cond3A_39 : i32
    scf.if %cond3A_40 {
      "tpu.region"() ({
        %run_scoped3A = tpu.sem_alloc : memref<!tpu.dma_semaphore, #tpu.memory_space<semaphore_mem>>
        %dma_start3A = arith.constant 0 : i32
        %dma_start3A_46 = tpu.memref_slice %arg13[%mul3A_0, %dma_start3A] : memref<10112x64xf32, #tpu.memory_space<hbm>> -> memref<632x64xf32, #tpu.memory_space<hbm>>
        %dma_start3A_47 = arith.constant 0 : i32
        %dma_start3A_48 = tpu.memref_slice %arg21[%mul3A_0, %dma_start3A_47] : memref<10112x64xf32, #tpu.memory_space<vmem_shared>> -> memref<632x64xf32, #tpu.memory_space<vmem_shared>>
        tpu.enqueue_dma source(%dma_start3A_48 : memref<632x64xf32, #tpu.memory_space<vmem_shared>>) target(%dma_start3A_46 : memref<632x64xf32, #tpu.memory_space<hbm>>) target_semaphore(%run_scoped3A : memref<!tpu.dma_semaphore, #tpu.memory_space<semaphore_mem>>)
        %dma_wait3A = arith.constant 0 : i32
        %dma_wait3A_49 = tpu.memref_slice %arg13[%mul3A_0, %dma_wait3A] : memref<10112x64xf32, #tpu.memory_space<hbm>> -> memref<632x64xf32, #tpu.memory_space<hbm>>
        %dma_wait3A_50 = arith.constant 0 : i32
        %dma_wait3A_51 = tpu.memref_slice %arg21[%mul3A_0, %dma_wait3A_50] : memref<10112x64xf32, #tpu.memory_space<vmem_shared>> -> memref<632x64xf32, #tpu.memory_space<vmem_shared>>
        tpu.wait_dma2 semaphore(%run_scoped3A : memref<!tpu.dma_semaphore, #tpu.memory_space<semaphore_mem>>) src(%dma_wait3A_51 : memref<632x64xf32, #tpu.memory_space<vmem_shared>>) dst(%dma_wait3A_49 : memref<632x64xf32, #tpu.memory_space<hbm>>)
        tpu.yield
      }) : () -> ()
    } else {
    }
    %eq3A_41 = arith.constant 1 : i32
    %eq3A_42 = arith.cmpi eq, %arg0, %eq3A_41 : i32
    %convert_element_type3A_43 = arith.extui %eq3A_42 : i1 to i32
    %cond3A_44 = arith.constant 0 : i32
    %cond3A_45 = arith.cmpi ne, %convert_element_type3A_43, %cond3A_44 : i32
    scf.if %cond3A_45 {
      "tpu.region"() ({
        %run_scoped3A = tpu.sem_alloc : memref<!tpu.dma_semaphore, #tpu.memory_space<semaphore_mem>>
        %dma_start3A = arith.constant 0 : i32
        %dma_start3A_46 = tpu.memref_slice %arg14[%mul3A_0, %dma_start3A] : memref<10112x64xf32, #tpu.memory_space<hbm>> -> memref<632x64xf32, #tpu.memory_space<hbm>>
        %dma_start3A_47 = arith.constant 0 : i32
        %dma_start3A_48 = tpu.memref_slice %arg21[%mul3A_0, %dma_start3A_47] : memref<10112x64xf32, #tpu.memory_space<vmem_shared>> -> memref<632x64xf32, #tpu.memory_space<vmem_shared>>
        tpu.enqueue_dma source(%dma_start3A_48 : memref<632x64xf32, #tpu.memory_space<vmem_shared>>) target(%dma_start3A_46 : memref<632x64xf32, #tpu.memory_space<hbm>>) target_semaphore(%run_scoped3A : memref<!tpu.dma_semaphore, #tpu.memory_space<semaphore_mem>>)
        %dma_wait3A = arith.constant 0 : i32
        %dma_wait3A_49 = tpu.memref_slice %arg14[%mul3A_0, %dma_wait3A] : memref<10112x64xf32, #tpu.memory_space<hbm>> -> memref<632x64xf32, #tpu.memory_space<hbm>>
        %dma_wait3A_50 = arith.constant 0 : i32
        %dma_wait3A_51 = tpu.memref_slice %arg21[%mul3A_0, %dma_wait3A_50] : memref<10112x64xf32, #tpu.memory_space<vmem_shared>> -> memref<632x64xf32, #tpu.memory_space<vmem_shared>>
        tpu.wait_dma2 semaphore(%run_scoped3A : memref<!tpu.dma_semaphore, #tpu.memory_space<semaphore_mem>>) src(%dma_wait3A_51 : memref<632x64xf32, #tpu.memory_space<vmem_shared>>) dst(%dma_wait3A_49 : memref<632x64xf32, #tpu.memory_space<hbm>>)
        tpu.yield
      }) : () -> ()
      "tpu.region"() ({
        %run_scoped3A = tpu.sem_alloc : memref<!tpu.dma_semaphore, #tpu.memory_space<semaphore_mem>>
        %dma_start3A = arith.constant 0 : i32
        %dma_start3A_46 = tpu.memref_slice %arg16[%mul3A_0, %dma_start3A] : memref<10112x16xf32, #tpu.memory_space<hbm>> -> memref<632x16xf32, #tpu.memory_space<hbm>>
        %dma_start3A_47 = arith.constant 0 : i32
        %dma_start3A_48 = tpu.memref_slice %arg27[%mul3A_0, %dma_start3A_47] : memref<10112x16xf32, #tpu.memory_space<vmem_shared>> -> memref<632x16xf32, #tpu.memory_space<vmem_shared>>
        tpu.enqueue_dma source(%dma_start3A_48 : memref<632x16xf32, #tpu.memory_space<vmem_shared>>) target(%dma_start3A_46 : memref<632x16xf32, #tpu.memory_space<hbm>>) target_semaphore(%run_scoped3A : memref<!tpu.dma_semaphore, #tpu.memory_space<semaphore_mem>>)
        %dma_wait3A = arith.constant 0 : i32
        %dma_wait3A_49 = tpu.memref_slice %arg16[%mul3A_0, %dma_wait3A] : memref<10112x16xf32, #tpu.memory_space<hbm>> -> memref<632x16xf32, #tpu.memory_space<hbm>>
        %dma_wait3A_50 = arith.constant 0 : i32
        %dma_wait3A_51 = tpu.memref_slice %arg27[%mul3A_0, %dma_wait3A_50] : memref<10112x16xf32, #tpu.memory_space<vmem_shared>> -> memref<632x16xf32, #tpu.memory_space<vmem_shared>>
        tpu.wait_dma2 semaphore(%run_scoped3A : memref<!tpu.dma_semaphore, #tpu.memory_space<semaphore_mem>>) src(%dma_wait3A_51 : memref<632x16xf32, #tpu.memory_space<vmem_shared>>) dst(%dma_wait3A_49 : memref<632x16xf32, #tpu.memory_space<hbm>>)
        tpu.yield
      }) : () -> ()
    } else {
    }
    return
  }
}

#map = affine_map<(d0, d1) -> (0, 0)>
#map1 = affine_map<(d0, d1) -> (0, 0, 0, 0)>
module attributes {stable_mosaic.version = 14 : i64} {
  func.func @agg(%arg0: i32, %arg1: i32, %arg2: memref<10000x64xf32, #tpu.memory_space<hbm>>, %arg3: memref<10000x64xf32, #tpu.memory_space<hbm>>, %arg4: memref<10000x64xf32, #tpu.memory_space<hbm>>, %arg5: memref<10000x64xf32, #tpu.memory_space<hbm>>, %arg6: memref<2x16x158x128xi32, #tpu.memory_space<hbm>>, %arg7: memref<2x16x158x128xi32, #tpu.memory_space<hbm>>, %arg8: memref<632x64xf32, #tpu.memory_space<hbm>>, %arg9: memref<10112x64xf32, #tpu.memory_space<hbm>>, %arg10: memref<10112x64xf32, #tpu.memory_space<hbm>>, %arg11: memref<10112x64xf32, #tpu.memory_space<hbm>>, %arg12: memref<10112x64xf32, #tpu.memory_space<hbm>>, %arg13: memref<158x128xi32, #tpu.memory_space<vmem>>, %arg14: memref<158x128xi32, #tpu.memory_space<vmem>>, %arg15: memref<128x64xf32, #tpu.memory_space<vmem>>, %arg16: memref<128x64xf32, #tpu.memory_space<vmem>>, %arg17: memref<10112x64xf32, #tpu.memory_space<vmem_shared>>, %arg18: memref<!tpu.dma_semaphore, #tpu.memory_space<semaphore_mem>>, %arg19: memref<!tpu.dma_semaphore, #tpu.memory_space<semaphore_mem>>, %arg20: memref<!tpu.dma_semaphore, #tpu.memory_space<semaphore_mem>>, %arg21: memref<!tpu.dma_semaphore, #tpu.memory_space<semaphore_mem>>) attributes {dimension_semantics = [#tpu.dimension_semantics<core_parallel>, #tpu.dimension_semantics<subcore_parallel>], iteration_bounds = array<i64: 2, 16>, scalar_prefetch = 0 : i64, scratch_operands = 9 : i64, tpu.core_type = #tpu.core_type<sc_vector_subcore>, window_params = [{transform_indices = #map}, {transform_indices = #map}, {transform_indices = #map}, {transform_indices = #map}, {transform_indices = #map1}, {transform_indices = #map1}, {transform_indices = #map}, {transform_indices = #map}, {transform_indices = #map}, {transform_indices = #map}, {transform_indices = #map}]} {
    %mul3A = arith.constant 632 : i32
    %mul3A_0 = arith.muli %arg1, %mul3A : i32
    "tpu.region"() ({
      %run_scoped3A = tpu.sem_alloc : memref<!tpu.dma_semaphore, #tpu.memory_space<semaphore_mem>>
      %dma_start3A = arith.constant 0 : i32
      %dma_start3A_41 = tpu.memref_slice %arg17[%mul3A_0, %dma_start3A] : memref<10112x64xf32, #tpu.memory_space<vmem_shared>> -> memref<632x64xf32, #tpu.memory_space<vmem_shared>>
      tpu.enqueue_dma source(%arg8 : memref<632x64xf32, #tpu.memory_space<hbm>>) target(%dma_start3A_41 : memref<632x64xf32, #tpu.memory_space<vmem_shared>>) target_semaphore(%run_scoped3A : memref<!tpu.dma_semaphore, #tpu.memory_space<semaphore_mem>>)
      %dma_wait3A = arith.constant 0 : i32
      %dma_wait3A_42 = tpu.memref_slice %arg17[%mul3A_0, %dma_wait3A] : memref<10112x64xf32, #tpu.memory_space<vmem_shared>> -> memref<632x64xf32, #tpu.memory_space<vmem_shared>>
      tpu.wait_dma2 semaphore(%run_scoped3A : memref<!tpu.dma_semaphore, #tpu.memory_space<semaphore_mem>>) src(%arg8 : memref<632x64xf32, #tpu.memory_space<hbm>>) dst(%dma_wait3A_42 : memref<632x64xf32, #tpu.memory_space<vmem_shared>>)
      tpu.yield
    }) : () -> ()
    %barrier3A = arith.constant 0 : index
    tpu.barrier barrier_id(%barrier3A)
    %eq3A = arith.constant 0 : i32
    %eq3A_1 = arith.cmpi eq, %arg0, %eq3A : i32
    %convert_element_type3A = arith.extui %eq3A_1 : i1 to i32
    %cond3A = arith.constant 0 : i32
    %cond3A_2 = arith.cmpi ne, %convert_element_type3A, %cond3A : i32
    scf.if %cond3A_2 {
      %run_scoped3A = arith.constant 0 : i32
      "tpu.region"() ({
        %run_scoped3A_100 = tpu.sem_alloc : memref<!tpu.dma_semaphore, #tpu.memory_space<semaphore_mem>>
        %dma_start3A_101 = arith.constant 0 : i32
        %dma_start3A_102 = arith.constant 0 : i32
        %dma_start3A_103 = tpu.memref_slice %arg6[%run_scoped3A, %arg1, %dma_start3A_101, %dma_start3A_102] : memref<2x16x158x128xi32, #tpu.memory_space<hbm>> -> memref<1x1x158x128xi32, #tpu.memory_space<hbm>>
        %dma_start3A_104 = tpu.memref_squeeze %dma_start3A_103 : memref<1x1x158x128xi32, #tpu.memory_space<hbm>> -> memref<158x128xi32, #tpu.memory_space<hbm>>
        %dma_start3A_105 = arith.constant 0 : i32
        %dma_start3A_106 = arith.constant 0 : i32
        %dma_start3A_107 = tpu.memref_slice %arg6[%run_scoped3A, %arg1, %dma_start3A_105, %dma_start3A_106] : memref<2x16x158x128xi32, #tpu.memory_space<hbm>> -> memref<1x1x158x128xi32, #tpu.memory_space<hbm>>
        %dma_start3A_108 = tpu.memref_squeeze %dma_start3A_107 : memref<1x1x158x128xi32, #tpu.memory_space<hbm>> -> memref<158x128xi32, #tpu.memory_space<hbm>>
        tpu.enqueue_dma source(%dma_start3A_108 : memref<158x128xi32, #tpu.memory_space<hbm>>) target(%arg13 : memref<158x128xi32, #tpu.memory_space<vmem>>) target_semaphore(%run_scoped3A_100 : memref<!tpu.dma_semaphore, #tpu.memory_space<semaphore_mem>>)
        %dma_wait3A_109 = arith.constant 0 : i32
        %dma_wait3A_110 = arith.constant 0 : i32
        %dma_wait3A_111 = tpu.memref_slice %arg6[%run_scoped3A, %arg1, %dma_wait3A_109, %dma_wait3A_110] : memref<2x16x158x128xi32, #tpu.memory_space<hbm>> -> memref<1x1x158x128xi32, #tpu.memory_space<hbm>>
        %dma_wait3A_112 = tpu.memref_squeeze %dma_wait3A_111 : memref<1x1x158x128xi32, #tpu.memory_space<hbm>> -> memref<158x128xi32, #tpu.memory_space<hbm>>
        %dma_wait3A_113 = arith.constant 0 : i32
        %dma_wait3A_114 = arith.constant 0 : i32
        %dma_wait3A_115 = tpu.memref_slice %arg6[%run_scoped3A, %arg1, %dma_wait3A_113, %dma_wait3A_114] : memref<2x16x158x128xi32, #tpu.memory_space<hbm>> -> memref<1x1x158x128xi32, #tpu.memory_space<hbm>>
        %dma_wait3A_116 = tpu.memref_squeeze %dma_wait3A_115 : memref<1x1x158x128xi32, #tpu.memory_space<hbm>> -> memref<158x128xi32, #tpu.memory_space<hbm>>
        tpu.wait_dma2 semaphore(%run_scoped3A_100 : memref<!tpu.dma_semaphore, #tpu.memory_space<semaphore_mem>>) src(%dma_wait3A_116 : memref<158x128xi32, #tpu.memory_space<hbm>>) dst(%arg13 : memref<158x128xi32, #tpu.memory_space<vmem>>)
        tpu.yield
      }) : () -> ()
      %run_scoped3A_41 = arith.constant 1 : i32
      "tpu.region"() ({
        %run_scoped3A_100 = tpu.sem_alloc : memref<!tpu.dma_semaphore, #tpu.memory_space<semaphore_mem>>
        %dma_start3A_101 = arith.constant 0 : i32
        %dma_start3A_102 = arith.constant 0 : i32
        %dma_start3A_103 = tpu.memref_slice %arg6[%run_scoped3A_41, %arg1, %dma_start3A_101, %dma_start3A_102] : memref<2x16x158x128xi32, #tpu.memory_space<hbm>> -> memref<1x1x158x128xi32, #tpu.memory_space<hbm>>
        %dma_start3A_104 = tpu.memref_squeeze %dma_start3A_103 : memref<1x1x158x128xi32, #tpu.memory_space<hbm>> -> memref<158x128xi32, #tpu.memory_space<hbm>>
        %dma_start3A_105 = arith.constant 0 : i32
        %dma_start3A_106 = arith.constant 0 : i32
        %dma_start3A_107 = tpu.memref_slice %arg6[%run_scoped3A_41, %arg1, %dma_start3A_105, %dma_start3A_106] : memref<2x16x158x128xi32, #tpu.memory_space<hbm>> -> memref<1x1x158x128xi32, #tpu.memory_space<hbm>>
        %dma_start3A_108 = tpu.memref_squeeze %dma_start3A_107 : memref<1x1x158x128xi32, #tpu.memory_space<hbm>> -> memref<158x128xi32, #tpu.memory_space<hbm>>
        tpu.enqueue_dma source(%dma_start3A_108 : memref<158x128xi32, #tpu.memory_space<hbm>>) target(%arg14 : memref<158x128xi32, #tpu.memory_space<vmem>>) target_semaphore(%run_scoped3A_100 : memref<!tpu.dma_semaphore, #tpu.memory_space<semaphore_mem>>)
        %dma_wait3A_109 = arith.constant 0 : i32
        %dma_wait3A_110 = arith.constant 0 : i32
        %dma_wait3A_111 = tpu.memref_slice %arg6[%run_scoped3A_41, %arg1, %dma_wait3A_109, %dma_wait3A_110] : memref<2x16x158x128xi32, #tpu.memory_space<hbm>> -> memref<1x1x158x128xi32, #tpu.memory_space<hbm>>
        %dma_wait3A_112 = tpu.memref_squeeze %dma_wait3A_111 : memref<1x1x158x128xi32, #tpu.memory_space<hbm>> -> memref<158x128xi32, #tpu.memory_space<hbm>>
        %dma_wait3A_113 = arith.constant 0 : i32
        %dma_wait3A_114 = arith.constant 0 : i32
        %dma_wait3A_115 = tpu.memref_slice %arg6[%run_scoped3A_41, %arg1, %dma_wait3A_113, %dma_wait3A_114] : memref<2x16x158x128xi32, #tpu.memory_space<hbm>> -> memref<1x1x158x128xi32, #tpu.memory_space<hbm>>
        %dma_wait3A_116 = tpu.memref_squeeze %dma_wait3A_115 : memref<1x1x158x128xi32, #tpu.memory_space<hbm>> -> memref<158x128xi32, #tpu.memory_space<hbm>>
        tpu.wait_dma2 semaphore(%run_scoped3A_100 : memref<!tpu.dma_semaphore, #tpu.memory_space<semaphore_mem>>) src(%dma_wait3A_116 : memref<158x128xi32, #tpu.memory_space<hbm>>) dst(%arg14 : memref<158x128xi32, #tpu.memory_space<vmem>>)
        tpu.yield
      }) : () -> ()
      %dma_start3A = arith.constant 0 : i32
      %dma_start3A_42 = arith.constant 0 : i32
      %dma_start3A_43 = tpu.memref_slice %arg13[%dma_start3A, %dma_start3A_42] : memref<158x128xi32, #tpu.memory_space<vmem>> -> memref<1x128xi32, #tpu.memory_space<vmem>>
      %dma_start3A_44 = tpu.memref_squeeze %dma_start3A_43 : memref<1x128xi32, #tpu.memory_space<vmem>> -> memref<128xi32, #tpu.memory_space<vmem>>
      %dma_start3A_45 = arith.constant 0 : i32
      %dma_start3A_46 = arith.constant 0 : i32
      %dma_start3A_47 = tpu.memref_slice %arg2[%dma_start3A_45, %dma_start3A_46] : memref<10000x64xf32, #tpu.memory_space<hbm>> -> memref<10000x64xf32, #tpu.memory_space<hbm>>
      tpu.enqueue_indirect_dma source(%dma_start3A_47 : memref<10000x64xf32, #tpu.memory_space<hbm>>) target(%arg15 : memref<128x64xf32, #tpu.memory_space<vmem>>) offsets(%dma_start3A_44 : memref<128xi32, #tpu.memory_space<vmem>>) semaphore(%arg18 : memref<!tpu.dma_semaphore, #tpu.memory_space<semaphore_mem>>)
      %dma_start3A_48 = arith.constant 1 : i32
      %dma_start3A_49 = arith.constant 0 : i32
      %dma_start3A_50 = tpu.memref_slice %arg13[%dma_start3A_48, %dma_start3A_49] : memref<158x128xi32, #tpu.memory_space<vmem>> -> memref<1x128xi32, #tpu.memory_space<vmem>>
      %dma_start3A_51 = tpu.memref_squeeze %dma_start3A_50 : memref<1x128xi32, #tpu.memory_space<vmem>> -> memref<128xi32, #tpu.memory_space<vmem>>
      %dma_start3A_52 = arith.constant 0 : i32
      %dma_start3A_53 = arith.constant 0 : i32
      %dma_start3A_54 = tpu.memref_slice %arg2[%dma_start3A_52, %dma_start3A_53] : memref<10000x64xf32, #tpu.memory_space<hbm>> -> memref<10000x64xf32, #tpu.memory_space<hbm>>
      tpu.enqueue_indirect_dma source(%dma_start3A_54 : memref<10000x64xf32, #tpu.memory_space<hbm>>) target(%arg16 : memref<128x64xf32, #tpu.memory_space<vmem>>) offsets(%dma_start3A_51 : memref<128xi32, #tpu.memory_space<vmem>>) semaphore(%arg19 : memref<!tpu.dma_semaphore, #tpu.memory_space<semaphore_mem>>)
      %scan3A = arith.constant 0 : i32
      %scan3A_55 = arith.constant 78 : i32
      %scan3A_56 = arith.addi %scan3A, %scan3A_55 : i32
      %scan3A_57 = arith.constant 1 : i32
      scf.for %scan3A_100 = %scan3A to %scan3A_56 step %scan3A_57  : i32 {
        %mul3A_101 = arith.constant 2 : i32
        %mul3A_102 = arith.muli %scan3A_100, %mul3A_101 : i32
        %add3A = arith.constant 0 : i32
        %add3A_103 = arith.addi %add3A, %mul3A_102 : i32
        %dma_wait3A_104 = arith.constant 0 : i32
        %dma_wait3A_105 = tpu.memref_slice %arg13[%add3A_103, %dma_wait3A_104] : memref<158x128xi32, #tpu.memory_space<vmem>> -> memref<1x128xi32, #tpu.memory_space<vmem>>
        %dma_wait3A_106 = tpu.memref_squeeze %dma_wait3A_105 : memref<1x128xi32, #tpu.memory_space<vmem>> -> memref<128xi32, #tpu.memory_space<vmem>>
        %dma_wait3A_107 = arith.constant 0 : i32
        %dma_wait3A_108 = arith.constant 0 : i32
        %dma_wait3A_109 = tpu.memref_slice %arg2[%dma_wait3A_107, %dma_wait3A_108] : memref<10000x64xf32, #tpu.memory_space<hbm>> -> memref<10000x64xf32, #tpu.memory_space<hbm>>
        tpu.wait_indirect_dma semaphore(%arg18 : memref<!tpu.dma_semaphore, #tpu.memory_space<semaphore_mem>>) src(%dma_wait3A_109 : memref<10000x64xf32, #tpu.memory_space<hbm>>) dst(%arg15 : memref<128x64xf32, #tpu.memory_space<vmem>>)
        %dma_start3A_110 = arith.constant 0 : i32
        %dma_start3A_111 = tpu.memref_slice %arg14[%add3A_103, %dma_start3A_110] : memref<158x128xi32, #tpu.memory_space<vmem>> -> memref<1x128xi32, #tpu.memory_space<vmem>>
        %dma_start3A_112 = tpu.memref_squeeze %dma_start3A_111 : memref<1x128xi32, #tpu.memory_space<vmem>> -> memref<128xi32, #tpu.memory_space<vmem>>
        %dma_start3A_113 = arith.constant 0 : i32
        %dma_start3A_114 = arith.constant 0 : i32
        %dma_start3A_115 = tpu.memref_slice %arg17[%dma_start3A_113, %dma_start3A_114] : memref<10112x64xf32, #tpu.memory_space<vmem_shared>> -> memref<10112x64xf32, #tpu.memory_space<vmem_shared>>
        tpu.enqueue_indirect_dma source(%arg15 : memref<128x64xf32, #tpu.memory_space<vmem>>) target(%dma_start3A_115 : memref<10112x64xf32, #tpu.memory_space<vmem_shared>>) offsets(%dma_start3A_112 : memref<128xi32, #tpu.memory_space<vmem>>) semaphore(%arg20 : memref<!tpu.dma_semaphore, #tpu.memory_space<semaphore_mem>>) {add = true}
        %add3A_116 = arith.constant 1 : i32
        %add3A_117 = arith.addi %add3A_103, %add3A_116 : i32
        %dma_wait3A_118 = arith.constant 0 : i32
        %dma_wait3A_119 = tpu.memref_slice %arg13[%add3A_117, %dma_wait3A_118] : memref<158x128xi32, #tpu.memory_space<vmem>> -> memref<1x128xi32, #tpu.memory_space<vmem>>
        %dma_wait3A_120 = tpu.memref_squeeze %dma_wait3A_119 : memref<1x128xi32, #tpu.memory_space<vmem>> -> memref<128xi32, #tpu.memory_space<vmem>>
        %dma_wait3A_121 = arith.constant 0 : i32
        %dma_wait3A_122 = arith.constant 0 : i32
        %dma_wait3A_123 = tpu.memref_slice %arg2[%dma_wait3A_121, %dma_wait3A_122] : memref<10000x64xf32, #tpu.memory_space<hbm>> -> memref<10000x64xf32, #tpu.memory_space<hbm>>
        tpu.wait_indirect_dma semaphore(%arg19 : memref<!tpu.dma_semaphore, #tpu.memory_space<semaphore_mem>>) src(%dma_wait3A_123 : memref<10000x64xf32, #tpu.memory_space<hbm>>) dst(%arg16 : memref<128x64xf32, #tpu.memory_space<vmem>>)
        %add3A_124 = arith.constant 1 : i32
        %add3A_125 = arith.addi %add3A_103, %add3A_124 : i32
        %dma_start3A_126 = arith.constant 0 : i32
        %dma_start3A_127 = tpu.memref_slice %arg14[%add3A_125, %dma_start3A_126] : memref<158x128xi32, #tpu.memory_space<vmem>> -> memref<1x128xi32, #tpu.memory_space<vmem>>
        %dma_start3A_128 = tpu.memref_squeeze %dma_start3A_127 : memref<1x128xi32, #tpu.memory_space<vmem>> -> memref<128xi32, #tpu.memory_space<vmem>>
        %dma_start3A_129 = arith.constant 0 : i32
        %dma_start3A_130 = arith.constant 0 : i32
        %dma_start3A_131 = tpu.memref_slice %arg17[%dma_start3A_129, %dma_start3A_130] : memref<10112x64xf32, #tpu.memory_space<vmem_shared>> -> memref<10112x64xf32, #tpu.memory_space<vmem_shared>>
        tpu.enqueue_indirect_dma source(%arg16 : memref<128x64xf32, #tpu.memory_space<vmem>>) target(%dma_start3A_131 : memref<10112x64xf32, #tpu.memory_space<vmem_shared>>) offsets(%dma_start3A_128 : memref<128xi32, #tpu.memory_space<vmem>>) semaphore(%arg21 : memref<!tpu.dma_semaphore, #tpu.memory_space<semaphore_mem>>) {add = true}
        %dma_wait3A_132 = arith.constant 0 : i32
        %dma_wait3A_133 = tpu.memref_slice %arg14[%add3A_103, %dma_wait3A_132] : memref<158x128xi32, #tpu.memory_space<vmem>> -> memref<1x128xi32, #tpu.memory_space<vmem>>
        %dma_wait3A_134 = tpu.memref_squeeze %dma_wait3A_133 : memref<1x128xi32, #tpu.memory_space<vmem>> -> memref<128xi32, #tpu.memory_space<vmem>>
        %dma_wait3A_135 = arith.constant 0 : i32
        %dma_wait3A_136 = arith.constant 0 : i32
        %dma_wait3A_137 = tpu.memref_slice %arg17[%dma_wait3A_135, %dma_wait3A_136] : memref<10112x64xf32, #tpu.memory_space<vmem_shared>> -> memref<10112x64xf32, #tpu.memory_space<vmem_shared>>
        tpu.wait_indirect_dma semaphore(%arg20 : memref<!tpu.dma_semaphore, #tpu.memory_space<semaphore_mem>>) src(%arg15 : memref<128x64xf32, #tpu.memory_space<vmem>>) dst(%dma_wait3A_137 : memref<10112x64xf32, #tpu.memory_space<vmem_shared>>)
        %add3A_138 = arith.constant 2 : i32
        %add3A_139 = arith.addi %add3A_103, %add3A_138 : i32
        %dma_start3A_140 = arith.constant 0 : i32
        %dma_start3A_141 = tpu.memref_slice %arg13[%add3A_139, %dma_start3A_140] : memref<158x128xi32, #tpu.memory_space<vmem>> -> memref<1x128xi32, #tpu.memory_space<vmem>>
        %dma_start3A_142 = tpu.memref_squeeze %dma_start3A_141 : memref<1x128xi32, #tpu.memory_space<vmem>> -> memref<128xi32, #tpu.memory_space<vmem>>
        %dma_start3A_143 = arith.constant 0 : i32
        %dma_start3A_144 = arith.constant 0 : i32
        %dma_start3A_145 = tpu.memref_slice %arg2[%dma_start3A_143, %dma_start3A_144] : memref<10000x64xf32, #tpu.memory_space<hbm>> -> memref<10000x64xf32, #tpu.memory_space<hbm>>
        tpu.enqueue_indirect_dma source(%dma_start3A_145 : memref<10000x64xf32, #tpu.memory_space<hbm>>) target(%arg15 : memref<128x64xf32, #tpu.memory_space<vmem>>) offsets(%dma_start3A_142 : memref<128xi32, #tpu.memory_space<vmem>>) semaphore(%arg18 : memref<!tpu.dma_semaphore, #tpu.memory_space<semaphore_mem>>)
        %add3A_146 = arith.constant 1 : i32
        %add3A_147 = arith.addi %add3A_103, %add3A_146 : i32
        %dma_wait3A_148 = arith.constant 0 : i32
        %dma_wait3A_149 = tpu.memref_slice %arg14[%add3A_147, %dma_wait3A_148] : memref<158x128xi32, #tpu.memory_space<vmem>> -> memref<1x128xi32, #tpu.memory_space<vmem>>
        %dma_wait3A_150 = tpu.memref_squeeze %dma_wait3A_149 : memref<1x128xi32, #tpu.memory_space<vmem>> -> memref<128xi32, #tpu.memory_space<vmem>>
        %dma_wait3A_151 = arith.constant 0 : i32
        %dma_wait3A_152 = arith.constant 0 : i32
        %dma_wait3A_153 = tpu.memref_slice %arg17[%dma_wait3A_151, %dma_wait3A_152] : memref<10112x64xf32, #tpu.memory_space<vmem_shared>> -> memref<10112x64xf32, #tpu.memory_space<vmem_shared>>
        tpu.wait_indirect_dma semaphore(%arg21 : memref<!tpu.dma_semaphore, #tpu.memory_space<semaphore_mem>>) src(%arg16 : memref<128x64xf32, #tpu.memory_space<vmem>>) dst(%dma_wait3A_153 : memref<10112x64xf32, #tpu.memory_space<vmem_shared>>)
        %add3A_154 = arith.constant 3 : i32
        %add3A_155 = arith.addi %add3A_103, %add3A_154 : i32
        %dma_start3A_156 = arith.constant 0 : i32
        %dma_start3A_157 = tpu.memref_slice %arg13[%add3A_155, %dma_start3A_156] : memref<158x128xi32, #tpu.memory_space<vmem>> -> memref<1x128xi32, #tpu.memory_space<vmem>>
        %dma_start3A_158 = tpu.memref_squeeze %dma_start3A_157 : memref<1x128xi32, #tpu.memory_space<vmem>> -> memref<128xi32, #tpu.memory_space<vmem>>
        %dma_start3A_159 = arith.constant 0 : i32
        %dma_start3A_160 = arith.constant 0 : i32
        %dma_start3A_161 = tpu.memref_slice %arg2[%dma_start3A_159, %dma_start3A_160] : memref<10000x64xf32, #tpu.memory_space<hbm>> -> memref<10000x64xf32, #tpu.memory_space<hbm>>
        tpu.enqueue_indirect_dma source(%dma_start3A_161 : memref<10000x64xf32, #tpu.memory_space<hbm>>) target(%arg16 : memref<128x64xf32, #tpu.memory_space<vmem>>) offsets(%dma_start3A_158 : memref<128xi32, #tpu.memory_space<vmem>>) semaphore(%arg19 : memref<!tpu.dma_semaphore, #tpu.memory_space<semaphore_mem>>)
      }
      %scan3A_58 = arith.constant 78 : i32
      %dma_wait3A = arith.constant 156 : i32
      %dma_wait3A_59 = arith.constant 0 : i32
      %dma_wait3A_60 = tpu.memref_slice %arg13[%dma_wait3A, %dma_wait3A_59] : memref<158x128xi32, #tpu.memory_space<vmem>> -> memref<1x128xi32, #tpu.memory_space<vmem>>
      %dma_wait3A_61 = tpu.memref_squeeze %dma_wait3A_60 : memref<1x128xi32, #tpu.memory_space<vmem>> -> memref<128xi32, #tpu.memory_space<vmem>>
      %dma_wait3A_62 = arith.constant 0 : i32
      %dma_wait3A_63 = arith.constant 0 : i32
      %dma_wait3A_64 = tpu.memref_slice %arg2[%dma_wait3A_62, %dma_wait3A_63] : memref<10000x64xf32, #tpu.memory_space<hbm>> -> memref<10000x64xf32, #tpu.memory_space<hbm>>
      tpu.wait_indirect_dma semaphore(%arg18 : memref<!tpu.dma_semaphore, #tpu.memory_space<semaphore_mem>>) src(%dma_wait3A_64 : memref<10000x64xf32, #tpu.memory_space<hbm>>) dst(%arg15 : memref<128x64xf32, #tpu.memory_space<vmem>>)
      %dma_start3A_65 = arith.constant 156 : i32
      %dma_start3A_66 = arith.constant 0 : i32
      %dma_start3A_67 = tpu.memref_slice %arg14[%dma_start3A_65, %dma_start3A_66] : memref<158x128xi32, #tpu.memory_space<vmem>> -> memref<1x128xi32, #tpu.memory_space<vmem>>
      %dma_start3A_68 = tpu.memref_squeeze %dma_start3A_67 : memref<1x128xi32, #tpu.memory_space<vmem>> -> memref<128xi32, #tpu.memory_space<vmem>>
      %dma_start3A_69 = arith.constant 0 : i32
      %dma_start3A_70 = arith.constant 0 : i32
      %dma_start3A_71 = tpu.memref_slice %arg17[%dma_start3A_69, %dma_start3A_70] : memref<10112x64xf32, #tpu.memory_space<vmem_shared>> -> memref<10112x64xf32, #tpu.memory_space<vmem_shared>>
      tpu.enqueue_indirect_dma source(%arg15 : memref<128x64xf32, #tpu.memory_space<vmem>>) target(%dma_start3A_71 : memref<10112x64xf32, #tpu.memory_space<vmem_shared>>) offsets(%dma_start3A_68 : memref<128xi32, #tpu.memory_space<vmem>>) semaphore(%arg20 : memref<!tpu.dma_semaphore, #tpu.memory_space<semaphore_mem>>) {add = true}
      %dma_wait3A_72 = arith.constant 157 : i32
      %dma_wait3A_73 = arith.constant 0 : i32
      %dma_wait3A_74 = tpu.memref_slice %arg13[%dma_wait3A_72, %dma_wait3A_73] : memref<158x128xi32, #tpu.memory_space<vmem>> -> memref<1x128xi32, #tpu.memory_space<vmem>>
      %dma_wait3A_75 = tpu.memref_squeeze %dma_wait3A_74 : memref<1x128xi32, #tpu.memory_space<vmem>> -> memref<128xi32, #tpu.memory_space<vmem>>
      %dma_wait3A_76 = arith.constant 0 : i32
      %dma_wait3A_77 = arith.constant 0 : i32
      %dma_wait3A_78 = tpu.memref_slice %arg2[%dma_wait3A_76, %dma_wait3A_77] : memref<10000x64xf32, #tpu.memory_space<hbm>> -> memref<10000x64xf32, #tpu.memory_space<hbm>>
      tpu.wait_indirect_dma semaphore(%arg19 : memref<!tpu.dma_semaphore, #tpu.memory_space<semaphore_mem>>) src(%dma_wait3A_78 : memref<10000x64xf32, #tpu.memory_space<hbm>>) dst(%arg16 : memref<128x64xf32, #tpu.memory_space<vmem>>)
      %dma_start3A_79 = arith.constant 157 : i32
      %dma_start3A_80 = arith.constant 0 : i32
      %dma_start3A_81 = tpu.memref_slice %arg14[%dma_start3A_79, %dma_start3A_80] : memref<158x128xi32, #tpu.memory_space<vmem>> -> memref<1x128xi32, #tpu.memory_space<vmem>>
      %dma_start3A_82 = tpu.memref_squeeze %dma_start3A_81 : memref<1x128xi32, #tpu.memory_space<vmem>> -> memref<128xi32, #tpu.memory_space<vmem>>
      %dma_start3A_83 = arith.constant 0 : i32
      %dma_start3A_84 = arith.constant 0 : i32
      %dma_start3A_85 = tpu.memref_slice %arg17[%dma_start3A_83, %dma_start3A_84] : memref<10112x64xf32, #tpu.memory_space<vmem_shared>> -> memref<10112x64xf32, #tpu.memory_space<vmem_shared>>
      tpu.enqueue_indirect_dma source(%arg16 : memref<128x64xf32, #tpu.memory_space<vmem>>) target(%dma_start3A_85 : memref<10112x64xf32, #tpu.memory_space<vmem_shared>>) offsets(%dma_start3A_82 : memref<128xi32, #tpu.memory_space<vmem>>) semaphore(%arg21 : memref<!tpu.dma_semaphore, #tpu.memory_space<semaphore_mem>>) {add = true}
      %dma_wait3A_86 = arith.constant 156 : i32
      %dma_wait3A_87 = arith.constant 0 : i32
      %dma_wait3A_88 = tpu.memref_slice %arg14[%dma_wait3A_86, %dma_wait3A_87] : memref<158x128xi32, #tpu.memory_space<vmem>> -> memref<1x128xi32, #tpu.memory_space<vmem>>
      %dma_wait3A_89 = tpu.memref_squeeze %dma_wait3A_88 : memref<1x128xi32, #tpu.memory_space<vmem>> -> memref<128xi32, #tpu.memory_space<vmem>>
      %dma_wait3A_90 = arith.constant 0 : i32
      %dma_wait3A_91 = arith.constant 0 : i32
      %dma_wait3A_92 = tpu.memref_slice %arg17[%dma_wait3A_90, %dma_wait3A_91] : memref<10112x64xf32, #tpu.memory_space<vmem_shared>> -> memref<10112x64xf32, #tpu.memory_space<vmem_shared>>
      tpu.wait_indirect_dma semaphore(%arg20 : memref<!tpu.dma_semaphore, #tpu.memory_space<semaphore_mem>>) src(%arg15 : memref<128x64xf32, #tpu.memory_space<vmem>>) dst(%dma_wait3A_92 : memref<10112x64xf32, #tpu.memory_space<vmem_shared>>)
      %dma_wait3A_93 = arith.constant 157 : i32
      %dma_wait3A_94 = arith.constant 0 : i32
      %dma_wait3A_95 = tpu.memref_slice %arg14[%dma_wait3A_93, %dma_wait3A_94] : memref<158x128xi32, #tpu.memory_space<vmem>> -> memref<1x128xi32, #tpu.memory_space<vmem>>
      %dma_wait3A_96 = tpu.memref_squeeze %dma_wait3A_95 : memref<1x128xi32, #tpu.memory_space<vmem>> -> memref<128xi32, #tpu.memory_space<vmem>>
      %dma_wait3A_97 = arith.constant 0 : i32
      %dma_wait3A_98 = arith.constant 0 : i32
      %dma_wait3A_99 = tpu.memref_slice %arg17[%dma_wait3A_97, %dma_wait3A_98] : memref<10112x64xf32, #tpu.memory_space<vmem_shared>> -> memref<10112x64xf32, #tpu.memory_space<vmem_shared>>
      tpu.wait_indirect_dma semaphore(%arg21 : memref<!tpu.dma_semaphore, #tpu.memory_space<semaphore_mem>>) src(%arg16 : memref<128x64xf32, #tpu.memory_space<vmem>>) dst(%dma_wait3A_99 : memref<10112x64xf32, #tpu.memory_space<vmem_shared>>)
    } else {
    }
    %eq3A_3 = arith.constant 1 : i32
    %eq3A_4 = arith.cmpi eq, %arg0, %eq3A_3 : i32
    %convert_element_type3A_5 = arith.extui %eq3A_4 : i1 to i32
    %cond3A_6 = arith.constant 0 : i32
    %cond3A_7 = arith.cmpi ne, %convert_element_type3A_5, %cond3A_6 : i32
    scf.if %cond3A_7 {
      %run_scoped3A = arith.constant 0 : i32
      "tpu.region"() ({
        %run_scoped3A_100 = tpu.sem_alloc : memref<!tpu.dma_semaphore, #tpu.memory_space<semaphore_mem>>
        %dma_start3A_101 = arith.constant 0 : i32
        %dma_start3A_102 = arith.constant 0 : i32
        %dma_start3A_103 = tpu.memref_slice %arg6[%run_scoped3A, %arg1, %dma_start3A_101, %dma_start3A_102] : memref<2x16x158x128xi32, #tpu.memory_space<hbm>> -> memref<1x1x158x128xi32, #tpu.memory_space<hbm>>
        %dma_start3A_104 = tpu.memref_squeeze %dma_start3A_103 : memref<1x1x158x128xi32, #tpu.memory_space<hbm>> -> memref<158x128xi32, #tpu.memory_space<hbm>>
        %dma_start3A_105 = arith.constant 0 : i32
        %dma_start3A_106 = arith.constant 0 : i32
        %dma_start3A_107 = tpu.memref_slice %arg6[%run_scoped3A, %arg1, %dma_start3A_105, %dma_start3A_106] : memref<2x16x158x128xi32, #tpu.memory_space<hbm>> -> memref<1x1x158x128xi32, #tpu.memory_space<hbm>>
        %dma_start3A_108 = tpu.memref_squeeze %dma_start3A_107 : memref<1x1x158x128xi32, #tpu.memory_space<hbm>> -> memref<158x128xi32, #tpu.memory_space<hbm>>
        tpu.enqueue_dma source(%dma_start3A_108 : memref<158x128xi32, #tpu.memory_space<hbm>>) target(%arg13 : memref<158x128xi32, #tpu.memory_space<vmem>>) target_semaphore(%run_scoped3A_100 : memref<!tpu.dma_semaphore, #tpu.memory_space<semaphore_mem>>)
        %dma_wait3A_109 = arith.constant 0 : i32
        %dma_wait3A_110 = arith.constant 0 : i32
        %dma_wait3A_111 = tpu.memref_slice %arg6[%run_scoped3A, %arg1, %dma_wait3A_109, %dma_wait3A_110] : memref<2x16x158x128xi32, #tpu.memory_space<hbm>> -> memref<1x1x158x128xi32, #tpu.memory_space<hbm>>
        %dma_wait3A_112 = tpu.memref_squeeze %dma_wait3A_111 : memref<1x1x158x128xi32, #tpu.memory_space<hbm>> -> memref<158x128xi32, #tpu.memory_space<hbm>>
        %dma_wait3A_113 = arith.constant 0 : i32
        %dma_wait3A_114 = arith.constant 0 : i32
        %dma_wait3A_115 = tpu.memref_slice %arg6[%run_scoped3A, %arg1, %dma_wait3A_113, %dma_wait3A_114] : memref<2x16x158x128xi32, #tpu.memory_space<hbm>> -> memref<1x1x158x128xi32, #tpu.memory_space<hbm>>
        %dma_wait3A_116 = tpu.memref_squeeze %dma_wait3A_115 : memref<1x1x158x128xi32, #tpu.memory_space<hbm>> -> memref<158x128xi32, #tpu.memory_space<hbm>>
        tpu.wait_dma2 semaphore(%run_scoped3A_100 : memref<!tpu.dma_semaphore, #tpu.memory_space<semaphore_mem>>) src(%dma_wait3A_116 : memref<158x128xi32, #tpu.memory_space<hbm>>) dst(%arg13 : memref<158x128xi32, #tpu.memory_space<vmem>>)
        tpu.yield
      }) : () -> ()
      %run_scoped3A_41 = arith.constant 1 : i32
      "tpu.region"() ({
        %run_scoped3A_100 = tpu.sem_alloc : memref<!tpu.dma_semaphore, #tpu.memory_space<semaphore_mem>>
        %dma_start3A_101 = arith.constant 0 : i32
        %dma_start3A_102 = arith.constant 0 : i32
        %dma_start3A_103 = tpu.memref_slice %arg6[%run_scoped3A_41, %arg1, %dma_start3A_101, %dma_start3A_102] : memref<2x16x158x128xi32, #tpu.memory_space<hbm>> -> memref<1x1x158x128xi32, #tpu.memory_space<hbm>>
        %dma_start3A_104 = tpu.memref_squeeze %dma_start3A_103 : memref<1x1x158x128xi32, #tpu.memory_space<hbm>> -> memref<158x128xi32, #tpu.memory_space<hbm>>
        %dma_start3A_105 = arith.constant 0 : i32
        %dma_start3A_106 = arith.constant 0 : i32
        %dma_start3A_107 = tpu.memref_slice %arg6[%run_scoped3A_41, %arg1, %dma_start3A_105, %dma_start3A_106] : memref<2x16x158x128xi32, #tpu.memory_space<hbm>> -> memref<1x1x158x128xi32, #tpu.memory_space<hbm>>
        %dma_start3A_108 = tpu.memref_squeeze %dma_start3A_107 : memref<1x1x158x128xi32, #tpu.memory_space<hbm>> -> memref<158x128xi32, #tpu.memory_space<hbm>>
        tpu.enqueue_dma source(%dma_start3A_108 : memref<158x128xi32, #tpu.memory_space<hbm>>) target(%arg14 : memref<158x128xi32, #tpu.memory_space<vmem>>) target_semaphore(%run_scoped3A_100 : memref<!tpu.dma_semaphore, #tpu.memory_space<semaphore_mem>>)
        %dma_wait3A_109 = arith.constant 0 : i32
        %dma_wait3A_110 = arith.constant 0 : i32
        %dma_wait3A_111 = tpu.memref_slice %arg6[%run_scoped3A_41, %arg1, %dma_wait3A_109, %dma_wait3A_110] : memref<2x16x158x128xi32, #tpu.memory_space<hbm>> -> memref<1x1x158x128xi32, #tpu.memory_space<hbm>>
        %dma_wait3A_112 = tpu.memref_squeeze %dma_wait3A_111 : memref<1x1x158x128xi32, #tpu.memory_space<hbm>> -> memref<158x128xi32, #tpu.memory_space<hbm>>
        %dma_wait3A_113 = arith.constant 0 : i32
        %dma_wait3A_114 = arith.constant 0 : i32
        %dma_wait3A_115 = tpu.memref_slice %arg6[%run_scoped3A_41, %arg1, %dma_wait3A_113, %dma_wait3A_114] : memref<2x16x158x128xi32, #tpu.memory_space<hbm>> -> memref<1x1x158x128xi32, #tpu.memory_space<hbm>>
        %dma_wait3A_116 = tpu.memref_squeeze %dma_wait3A_115 : memref<1x1x158x128xi32, #tpu.memory_space<hbm>> -> memref<158x128xi32, #tpu.memory_space<hbm>>
        tpu.wait_dma2 semaphore(%run_scoped3A_100 : memref<!tpu.dma_semaphore, #tpu.memory_space<semaphore_mem>>) src(%dma_wait3A_116 : memref<158x128xi32, #tpu.memory_space<hbm>>) dst(%arg14 : memref<158x128xi32, #tpu.memory_space<vmem>>)
        tpu.yield
      }) : () -> ()
      %dma_start3A = arith.constant 0 : i32
      %dma_start3A_42 = arith.constant 0 : i32
      %dma_start3A_43 = tpu.memref_slice %arg13[%dma_start3A, %dma_start3A_42] : memref<158x128xi32, #tpu.memory_space<vmem>> -> memref<1x128xi32, #tpu.memory_space<vmem>>
      %dma_start3A_44 = tpu.memref_squeeze %dma_start3A_43 : memref<1x128xi32, #tpu.memory_space<vmem>> -> memref<128xi32, #tpu.memory_space<vmem>>
      %dma_start3A_45 = arith.constant 0 : i32
      %dma_start3A_46 = arith.constant 0 : i32
      %dma_start3A_47 = tpu.memref_slice %arg3[%dma_start3A_45, %dma_start3A_46] : memref<10000x64xf32, #tpu.memory_space<hbm>> -> memref<10000x64xf32, #tpu.memory_space<hbm>>
      tpu.enqueue_indirect_dma source(%dma_start3A_47 : memref<10000x64xf32, #tpu.memory_space<hbm>>) target(%arg15 : memref<128x64xf32, #tpu.memory_space<vmem>>) offsets(%dma_start3A_44 : memref<128xi32, #tpu.memory_space<vmem>>) semaphore(%arg18 : memref<!tpu.dma_semaphore, #tpu.memory_space<semaphore_mem>>)
      %dma_start3A_48 = arith.constant 1 : i32
      %dma_start3A_49 = arith.constant 0 : i32
      %dma_start3A_50 = tpu.memref_slice %arg13[%dma_start3A_48, %dma_start3A_49] : memref<158x128xi32, #tpu.memory_space<vmem>> -> memref<1x128xi32, #tpu.memory_space<vmem>>
      %dma_start3A_51 = tpu.memref_squeeze %dma_start3A_50 : memref<1x128xi32, #tpu.memory_space<vmem>> -> memref<128xi32, #tpu.memory_space<vmem>>
      %dma_start3A_52 = arith.constant 0 : i32
      %dma_start3A_53 = arith.constant 0 : i32
      %dma_start3A_54 = tpu.memref_slice %arg3[%dma_start3A_52, %dma_start3A_53] : memref<10000x64xf32, #tpu.memory_space<hbm>> -> memref<10000x64xf32, #tpu.memory_space<hbm>>
      tpu.enqueue_indirect_dma source(%dma_start3A_54 : memref<10000x64xf32, #tpu.memory_space<hbm>>) target(%arg16 : memref<128x64xf32, #tpu.memory_space<vmem>>) offsets(%dma_start3A_51 : memref<128xi32, #tpu.memory_space<vmem>>) semaphore(%arg19 : memref<!tpu.dma_semaphore, #tpu.memory_space<semaphore_mem>>)
      %scan3A = arith.constant 0 : i32
      %scan3A_55 = arith.constant 78 : i32
      %scan3A_56 = arith.addi %scan3A, %scan3A_55 : i32
      %scan3A_57 = arith.constant 1 : i32
      scf.for %scan3A_100 = %scan3A to %scan3A_56 step %scan3A_57  : i32 {
        %mul3A_101 = arith.constant 2 : i32
        %mul3A_102 = arith.muli %scan3A_100, %mul3A_101 : i32
        %add3A = arith.constant 0 : i32
        %add3A_103 = arith.addi %add3A, %mul3A_102 : i32
        %dma_wait3A_104 = arith.constant 0 : i32
        %dma_wait3A_105 = tpu.memref_slice %arg13[%add3A_103, %dma_wait3A_104] : memref<158x128xi32, #tpu.memory_space<vmem>> -> memref<1x128xi32, #tpu.memory_space<vmem>>
        %dma_wait3A_106 = tpu.memref_squeeze %dma_wait3A_105 : memref<1x128xi32, #tpu.memory_space<vmem>> -> memref<128xi32, #tpu.memory_space<vmem>>
        %dma_wait3A_107 = arith.constant 0 : i32
        %dma_wait3A_108 = arith.constant 0 : i32
        %dma_wait3A_109 = tpu.memref_slice %arg3[%dma_wait3A_107, %dma_wait3A_108] : memref<10000x64xf32, #tpu.memory_space<hbm>> -> memref<10000x64xf32, #tpu.memory_space<hbm>>
        tpu.wait_indirect_dma semaphore(%arg18 : memref<!tpu.dma_semaphore, #tpu.memory_space<semaphore_mem>>) src(%dma_wait3A_109 : memref<10000x64xf32, #tpu.memory_space<hbm>>) dst(%arg15 : memref<128x64xf32, #tpu.memory_space<vmem>>)
        %dma_start3A_110 = arith.constant 0 : i32
        %dma_start3A_111 = tpu.memref_slice %arg14[%add3A_103, %dma_start3A_110] : memref<158x128xi32, #tpu.memory_space<vmem>> -> memref<1x128xi32, #tpu.memory_space<vmem>>
        %dma_start3A_112 = tpu.memref_squeeze %dma_start3A_111 : memref<1x128xi32, #tpu.memory_space<vmem>> -> memref<128xi32, #tpu.memory_space<vmem>>
        %dma_start3A_113 = arith.constant 0 : i32
        %dma_start3A_114 = arith.constant 0 : i32
        %dma_start3A_115 = tpu.memref_slice %arg17[%dma_start3A_113, %dma_start3A_114] : memref<10112x64xf32, #tpu.memory_space<vmem_shared>> -> memref<10112x64xf32, #tpu.memory_space<vmem_shared>>
        tpu.enqueue_indirect_dma source(%arg15 : memref<128x64xf32, #tpu.memory_space<vmem>>) target(%dma_start3A_115 : memref<10112x64xf32, #tpu.memory_space<vmem_shared>>) offsets(%dma_start3A_112 : memref<128xi32, #tpu.memory_space<vmem>>) semaphore(%arg20 : memref<!tpu.dma_semaphore, #tpu.memory_space<semaphore_mem>>) {add = true}
        %add3A_116 = arith.constant 1 : i32
        %add3A_117 = arith.addi %add3A_103, %add3A_116 : i32
        %dma_wait3A_118 = arith.constant 0 : i32
        %dma_wait3A_119 = tpu.memref_slice %arg13[%add3A_117, %dma_wait3A_118] : memref<158x128xi32, #tpu.memory_space<vmem>> -> memref<1x128xi32, #tpu.memory_space<vmem>>
        %dma_wait3A_120 = tpu.memref_squeeze %dma_wait3A_119 : memref<1x128xi32, #tpu.memory_space<vmem>> -> memref<128xi32, #tpu.memory_space<vmem>>
        %dma_wait3A_121 = arith.constant 0 : i32
        %dma_wait3A_122 = arith.constant 0 : i32
        %dma_wait3A_123 = tpu.memref_slice %arg3[%dma_wait3A_121, %dma_wait3A_122] : memref<10000x64xf32, #tpu.memory_space<hbm>> -> memref<10000x64xf32, #tpu.memory_space<hbm>>
        tpu.wait_indirect_dma semaphore(%arg19 : memref<!tpu.dma_semaphore, #tpu.memory_space<semaphore_mem>>) src(%dma_wait3A_123 : memref<10000x64xf32, #tpu.memory_space<hbm>>) dst(%arg16 : memref<128x64xf32, #tpu.memory_space<vmem>>)
        %add3A_124 = arith.constant 1 : i32
        %add3A_125 = arith.addi %add3A_103, %add3A_124 : i32
        %dma_start3A_126 = arith.constant 0 : i32
        %dma_start3A_127 = tpu.memref_slice %arg14[%add3A_125, %dma_start3A_126] : memref<158x128xi32, #tpu.memory_space<vmem>> -> memref<1x128xi32, #tpu.memory_space<vmem>>
        %dma_start3A_128 = tpu.memref_squeeze %dma_start3A_127 : memref<1x128xi32, #tpu.memory_space<vmem>> -> memref<128xi32, #tpu.memory_space<vmem>>
        %dma_start3A_129 = arith.constant 0 : i32
        %dma_start3A_130 = arith.constant 0 : i32
        %dma_start3A_131 = tpu.memref_slice %arg17[%dma_start3A_129, %dma_start3A_130] : memref<10112x64xf32, #tpu.memory_space<vmem_shared>> -> memref<10112x64xf32, #tpu.memory_space<vmem_shared>>
        tpu.enqueue_indirect_dma source(%arg16 : memref<128x64xf32, #tpu.memory_space<vmem>>) target(%dma_start3A_131 : memref<10112x64xf32, #tpu.memory_space<vmem_shared>>) offsets(%dma_start3A_128 : memref<128xi32, #tpu.memory_space<vmem>>) semaphore(%arg21 : memref<!tpu.dma_semaphore, #tpu.memory_space<semaphore_mem>>) {add = true}
        %dma_wait3A_132 = arith.constant 0 : i32
        %dma_wait3A_133 = tpu.memref_slice %arg14[%add3A_103, %dma_wait3A_132] : memref<158x128xi32, #tpu.memory_space<vmem>> -> memref<1x128xi32, #tpu.memory_space<vmem>>
        %dma_wait3A_134 = tpu.memref_squeeze %dma_wait3A_133 : memref<1x128xi32, #tpu.memory_space<vmem>> -> memref<128xi32, #tpu.memory_space<vmem>>
        %dma_wait3A_135 = arith.constant 0 : i32
        %dma_wait3A_136 = arith.constant 0 : i32
        %dma_wait3A_137 = tpu.memref_slice %arg17[%dma_wait3A_135, %dma_wait3A_136] : memref<10112x64xf32, #tpu.memory_space<vmem_shared>> -> memref<10112x64xf32, #tpu.memory_space<vmem_shared>>
        tpu.wait_indirect_dma semaphore(%arg20 : memref<!tpu.dma_semaphore, #tpu.memory_space<semaphore_mem>>) src(%arg15 : memref<128x64xf32, #tpu.memory_space<vmem>>) dst(%dma_wait3A_137 : memref<10112x64xf32, #tpu.memory_space<vmem_shared>>)
        %add3A_138 = arith.constant 2 : i32
        %add3A_139 = arith.addi %add3A_103, %add3A_138 : i32
        %dma_start3A_140 = arith.constant 0 : i32
        %dma_start3A_141 = tpu.memref_slice %arg13[%add3A_139, %dma_start3A_140] : memref<158x128xi32, #tpu.memory_space<vmem>> -> memref<1x128xi32, #tpu.memory_space<vmem>>
        %dma_start3A_142 = tpu.memref_squeeze %dma_start3A_141 : memref<1x128xi32, #tpu.memory_space<vmem>> -> memref<128xi32, #tpu.memory_space<vmem>>
        %dma_start3A_143 = arith.constant 0 : i32
        %dma_start3A_144 = arith.constant 0 : i32
        %dma_start3A_145 = tpu.memref_slice %arg3[%dma_start3A_143, %dma_start3A_144] : memref<10000x64xf32, #tpu.memory_space<hbm>> -> memref<10000x64xf32, #tpu.memory_space<hbm>>
        tpu.enqueue_indirect_dma source(%dma_start3A_145 : memref<10000x64xf32, #tpu.memory_space<hbm>>) target(%arg15 : memref<128x64xf32, #tpu.memory_space<vmem>>) offsets(%dma_start3A_142 : memref<128xi32, #tpu.memory_space<vmem>>) semaphore(%arg18 : memref<!tpu.dma_semaphore, #tpu.memory_space<semaphore_mem>>)
        %add3A_146 = arith.constant 1 : i32
        %add3A_147 = arith.addi %add3A_103, %add3A_146 : i32
        %dma_wait3A_148 = arith.constant 0 : i32
        %dma_wait3A_149 = tpu.memref_slice %arg14[%add3A_147, %dma_wait3A_148] : memref<158x128xi32, #tpu.memory_space<vmem>> -> memref<1x128xi32, #tpu.memory_space<vmem>>
        %dma_wait3A_150 = tpu.memref_squeeze %dma_wait3A_149 : memref<1x128xi32, #tpu.memory_space<vmem>> -> memref<128xi32, #tpu.memory_space<vmem>>
        %dma_wait3A_151 = arith.constant 0 : i32
        %dma_wait3A_152 = arith.constant 0 : i32
        %dma_wait3A_153 = tpu.memref_slice %arg17[%dma_wait3A_151, %dma_wait3A_152] : memref<10112x64xf32, #tpu.memory_space<vmem_shared>> -> memref<10112x64xf32, #tpu.memory_space<vmem_shared>>
        tpu.wait_indirect_dma semaphore(%arg21 : memref<!tpu.dma_semaphore, #tpu.memory_space<semaphore_mem>>) src(%arg16 : memref<128x64xf32, #tpu.memory_space<vmem>>) dst(%dma_wait3A_153 : memref<10112x64xf32, #tpu.memory_space<vmem_shared>>)
        %add3A_154 = arith.constant 3 : i32
        %add3A_155 = arith.addi %add3A_103, %add3A_154 : i32
        %dma_start3A_156 = arith.constant 0 : i32
        %dma_start3A_157 = tpu.memref_slice %arg13[%add3A_155, %dma_start3A_156] : memref<158x128xi32, #tpu.memory_space<vmem>> -> memref<1x128xi32, #tpu.memory_space<vmem>>
        %dma_start3A_158 = tpu.memref_squeeze %dma_start3A_157 : memref<1x128xi32, #tpu.memory_space<vmem>> -> memref<128xi32, #tpu.memory_space<vmem>>
        %dma_start3A_159 = arith.constant 0 : i32
        %dma_start3A_160 = arith.constant 0 : i32
        %dma_start3A_161 = tpu.memref_slice %arg3[%dma_start3A_159, %dma_start3A_160] : memref<10000x64xf32, #tpu.memory_space<hbm>> -> memref<10000x64xf32, #tpu.memory_space<hbm>>
        tpu.enqueue_indirect_dma source(%dma_start3A_161 : memref<10000x64xf32, #tpu.memory_space<hbm>>) target(%arg16 : memref<128x64xf32, #tpu.memory_space<vmem>>) offsets(%dma_start3A_158 : memref<128xi32, #tpu.memory_space<vmem>>) semaphore(%arg19 : memref<!tpu.dma_semaphore, #tpu.memory_space<semaphore_mem>>)
      }
      %scan3A_58 = arith.constant 78 : i32
      %dma_wait3A = arith.constant 156 : i32
      %dma_wait3A_59 = arith.constant 0 : i32
      %dma_wait3A_60 = tpu.memref_slice %arg13[%dma_wait3A, %dma_wait3A_59] : memref<158x128xi32, #tpu.memory_space<vmem>> -> memref<1x128xi32, #tpu.memory_space<vmem>>
      %dma_wait3A_61 = tpu.memref_squeeze %dma_wait3A_60 : memref<1x128xi32, #tpu.memory_space<vmem>> -> memref<128xi32, #tpu.memory_space<vmem>>
      %dma_wait3A_62 = arith.constant 0 : i32
      %dma_wait3A_63 = arith.constant 0 : i32
      %dma_wait3A_64 = tpu.memref_slice %arg3[%dma_wait3A_62, %dma_wait3A_63] : memref<10000x64xf32, #tpu.memory_space<hbm>> -> memref<10000x64xf32, #tpu.memory_space<hbm>>
      tpu.wait_indirect_dma semaphore(%arg18 : memref<!tpu.dma_semaphore, #tpu.memory_space<semaphore_mem>>) src(%dma_wait3A_64 : memref<10000x64xf32, #tpu.memory_space<hbm>>) dst(%arg15 : memref<128x64xf32, #tpu.memory_space<vmem>>)
      %dma_start3A_65 = arith.constant 156 : i32
      %dma_start3A_66 = arith.constant 0 : i32
      %dma_start3A_67 = tpu.memref_slice %arg14[%dma_start3A_65, %dma_start3A_66] : memref<158x128xi32, #tpu.memory_space<vmem>> -> memref<1x128xi32, #tpu.memory_space<vmem>>
      %dma_start3A_68 = tpu.memref_squeeze %dma_start3A_67 : memref<1x128xi32, #tpu.memory_space<vmem>> -> memref<128xi32, #tpu.memory_space<vmem>>
      %dma_start3A_69 = arith.constant 0 : i32
      %dma_start3A_70 = arith.constant 0 : i32
      %dma_start3A_71 = tpu.memref_slice %arg17[%dma_start3A_69, %dma_start3A_70] : memref<10112x64xf32, #tpu.memory_space<vmem_shared>> -> memref<10112x64xf32, #tpu.memory_space<vmem_shared>>
      tpu.enqueue_indirect_dma source(%arg15 : memref<128x64xf32, #tpu.memory_space<vmem>>) target(%dma_start3A_71 : memref<10112x64xf32, #tpu.memory_space<vmem_shared>>) offsets(%dma_start3A_68 : memref<128xi32, #tpu.memory_space<vmem>>) semaphore(%arg20 : memref<!tpu.dma_semaphore, #tpu.memory_space<semaphore_mem>>) {add = true}
      %dma_wait3A_72 = arith.constant 157 : i32
      %dma_wait3A_73 = arith.constant 0 : i32
      %dma_wait3A_74 = tpu.memref_slice %arg13[%dma_wait3A_72, %dma_wait3A_73] : memref<158x128xi32, #tpu.memory_space<vmem>> -> memref<1x128xi32, #tpu.memory_space<vmem>>
      %dma_wait3A_75 = tpu.memref_squeeze %dma_wait3A_74 : memref<1x128xi32, #tpu.memory_space<vmem>> -> memref<128xi32, #tpu.memory_space<vmem>>
      %dma_wait3A_76 = arith.constant 0 : i32
      %dma_wait3A_77 = arith.constant 0 : i32
      %dma_wait3A_78 = tpu.memref_slice %arg3[%dma_wait3A_76, %dma_wait3A_77] : memref<10000x64xf32, #tpu.memory_space<hbm>> -> memref<10000x64xf32, #tpu.memory_space<hbm>>
      tpu.wait_indirect_dma semaphore(%arg19 : memref<!tpu.dma_semaphore, #tpu.memory_space<semaphore_mem>>) src(%dma_wait3A_78 : memref<10000x64xf32, #tpu.memory_space<hbm>>) dst(%arg16 : memref<128x64xf32, #tpu.memory_space<vmem>>)
      %dma_start3A_79 = arith.constant 157 : i32
      %dma_start3A_80 = arith.constant 0 : i32
      %dma_start3A_81 = tpu.memref_slice %arg14[%dma_start3A_79, %dma_start3A_80] : memref<158x128xi32, #tpu.memory_space<vmem>> -> memref<1x128xi32, #tpu.memory_space<vmem>>
      %dma_start3A_82 = tpu.memref_squeeze %dma_start3A_81 : memref<1x128xi32, #tpu.memory_space<vmem>> -> memref<128xi32, #tpu.memory_space<vmem>>
      %dma_start3A_83 = arith.constant 0 : i32
      %dma_start3A_84 = arith.constant 0 : i32
      %dma_start3A_85 = tpu.memref_slice %arg17[%dma_start3A_83, %dma_start3A_84] : memref<10112x64xf32, #tpu.memory_space<vmem_shared>> -> memref<10112x64xf32, #tpu.memory_space<vmem_shared>>
      tpu.enqueue_indirect_dma source(%arg16 : memref<128x64xf32, #tpu.memory_space<vmem>>) target(%dma_start3A_85 : memref<10112x64xf32, #tpu.memory_space<vmem_shared>>) offsets(%dma_start3A_82 : memref<128xi32, #tpu.memory_space<vmem>>) semaphore(%arg21 : memref<!tpu.dma_semaphore, #tpu.memory_space<semaphore_mem>>) {add = true}
      %dma_wait3A_86 = arith.constant 156 : i32
      %dma_wait3A_87 = arith.constant 0 : i32
      %dma_wait3A_88 = tpu.memref_slice %arg14[%dma_wait3A_86, %dma_wait3A_87] : memref<158x128xi32, #tpu.memory_space<vmem>> -> memref<1x128xi32, #tpu.memory_space<vmem>>
      %dma_wait3A_89 = tpu.memref_squeeze %dma_wait3A_88 : memref<1x128xi32, #tpu.memory_space<vmem>> -> memref<128xi32, #tpu.memory_space<vmem>>
      %dma_wait3A_90 = arith.constant 0 : i32
      %dma_wait3A_91 = arith.constant 0 : i32
      %dma_wait3A_92 = tpu.memref_slice %arg17[%dma_wait3A_90, %dma_wait3A_91] : memref<10112x64xf32, #tpu.memory_space<vmem_shared>> -> memref<10112x64xf32, #tpu.memory_space<vmem_shared>>
      tpu.wait_indirect_dma semaphore(%arg20 : memref<!tpu.dma_semaphore, #tpu.memory_space<semaphore_mem>>) src(%arg15 : memref<128x64xf32, #tpu.memory_space<vmem>>) dst(%dma_wait3A_92 : memref<10112x64xf32, #tpu.memory_space<vmem_shared>>)
      %dma_wait3A_93 = arith.constant 157 : i32
      %dma_wait3A_94 = arith.constant 0 : i32
      %dma_wait3A_95 = tpu.memref_slice %arg14[%dma_wait3A_93, %dma_wait3A_94] : memref<158x128xi32, #tpu.memory_space<vmem>> -> memref<1x128xi32, #tpu.memory_space<vmem>>
      %dma_wait3A_96 = tpu.memref_squeeze %dma_wait3A_95 : memref<1x128xi32, #tpu.memory_space<vmem>> -> memref<128xi32, #tpu.memory_space<vmem>>
      %dma_wait3A_97 = arith.constant 0 : i32
      %dma_wait3A_98 = arith.constant 0 : i32
      %dma_wait3A_99 = tpu.memref_slice %arg17[%dma_wait3A_97, %dma_wait3A_98] : memref<10112x64xf32, #tpu.memory_space<vmem_shared>> -> memref<10112x64xf32, #tpu.memory_space<vmem_shared>>
      tpu.wait_indirect_dma semaphore(%arg21 : memref<!tpu.dma_semaphore, #tpu.memory_space<semaphore_mem>>) src(%arg16 : memref<128x64xf32, #tpu.memory_space<vmem>>) dst(%dma_wait3A_99 : memref<10112x64xf32, #tpu.memory_space<vmem_shared>>)
    } else {
    }
    %barrier3A_8 = arith.constant 0 : index
    tpu.barrier barrier_id(%barrier3A_8)
    %eq3A_9 = arith.constant 0 : i32
    %eq3A_10 = arith.cmpi eq, %arg0, %eq3A_9 : i32
    %convert_element_type3A_11 = arith.extui %eq3A_10 : i1 to i32
    %cond3A_12 = arith.constant 0 : i32
    %cond3A_13 = arith.cmpi ne, %convert_element_type3A_11, %cond3A_12 : i32
    scf.if %cond3A_13 {
      "tpu.region"() ({
        %run_scoped3A = tpu.sem_alloc : memref<!tpu.dma_semaphore, #tpu.memory_space<semaphore_mem>>
        %dma_start3A = arith.constant 0 : i32
        %dma_start3A_41 = tpu.memref_slice %arg9[%mul3A_0, %dma_start3A] : memref<10112x64xf32, #tpu.memory_space<hbm>> -> memref<632x64xf32, #tpu.memory_space<hbm>>
        %dma_start3A_42 = arith.constant 0 : i32
        %dma_start3A_43 = tpu.memref_slice %arg17[%mul3A_0, %dma_start3A_42] : memref<10112x64xf32, #tpu.memory_space<vmem_shared>> -> memref<632x64xf32, #tpu.memory_space<vmem_shared>>
        tpu.enqueue_dma source(%dma_start3A_43 : memref<632x64xf32, #tpu.memory_space<vmem_shared>>) target(%dma_start3A_41 : memref<632x64xf32, #tpu.memory_space<hbm>>) target_semaphore(%run_scoped3A : memref<!tpu.dma_semaphore, #tpu.memory_space<semaphore_mem>>)
        %dma_wait3A = arith.constant 0 : i32
        %dma_wait3A_44 = tpu.memref_slice %arg9[%mul3A_0, %dma_wait3A] : memref<10112x64xf32, #tpu.memory_space<hbm>> -> memref<632x64xf32, #tpu.memory_space<hbm>>
        %dma_wait3A_45 = arith.constant 0 : i32
        %dma_wait3A_46 = tpu.memref_slice %arg17[%mul3A_0, %dma_wait3A_45] : memref<10112x64xf32, #tpu.memory_space<vmem_shared>> -> memref<632x64xf32, #tpu.memory_space<vmem_shared>>
        tpu.wait_dma2 semaphore(%run_scoped3A : memref<!tpu.dma_semaphore, #tpu.memory_space<semaphore_mem>>) src(%dma_wait3A_46 : memref<632x64xf32, #tpu.memory_space<vmem_shared>>) dst(%dma_wait3A_44 : memref<632x64xf32, #tpu.memory_space<hbm>>)
        tpu.yield
      }) : () -> ()
    } else {
    }
    %eq3A_14 = arith.constant 1 : i32
    %eq3A_15 = arith.cmpi eq, %arg0, %eq3A_14 : i32
    %convert_element_type3A_16 = arith.extui %eq3A_15 : i1 to i32
    %cond3A_17 = arith.constant 0 : i32
    %cond3A_18 = arith.cmpi ne, %convert_element_type3A_16, %cond3A_17 : i32
    scf.if %cond3A_18 {
      "tpu.region"() ({
        %run_scoped3A = tpu.sem_alloc : memref<!tpu.dma_semaphore, #tpu.memory_space<semaphore_mem>>
        %dma_start3A = arith.constant 0 : i32
        %dma_start3A_41 = tpu.memref_slice %arg10[%mul3A_0, %dma_start3A] : memref<10112x64xf32, #tpu.memory_space<hbm>> -> memref<632x64xf32, #tpu.memory_space<hbm>>
        %dma_start3A_42 = arith.constant 0 : i32
        %dma_start3A_43 = tpu.memref_slice %arg17[%mul3A_0, %dma_start3A_42] : memref<10112x64xf32, #tpu.memory_space<vmem_shared>> -> memref<632x64xf32, #tpu.memory_space<vmem_shared>>
        tpu.enqueue_dma source(%dma_start3A_43 : memref<632x64xf32, #tpu.memory_space<vmem_shared>>) target(%dma_start3A_41 : memref<632x64xf32, #tpu.memory_space<hbm>>) target_semaphore(%run_scoped3A : memref<!tpu.dma_semaphore, #tpu.memory_space<semaphore_mem>>)
        %dma_wait3A = arith.constant 0 : i32
        %dma_wait3A_44 = tpu.memref_slice %arg10[%mul3A_0, %dma_wait3A] : memref<10112x64xf32, #tpu.memory_space<hbm>> -> memref<632x64xf32, #tpu.memory_space<hbm>>
        %dma_wait3A_45 = arith.constant 0 : i32
        %dma_wait3A_46 = tpu.memref_slice %arg17[%mul3A_0, %dma_wait3A_45] : memref<10112x64xf32, #tpu.memory_space<vmem_shared>> -> memref<632x64xf32, #tpu.memory_space<vmem_shared>>
        tpu.wait_dma2 semaphore(%run_scoped3A : memref<!tpu.dma_semaphore, #tpu.memory_space<semaphore_mem>>) src(%dma_wait3A_46 : memref<632x64xf32, #tpu.memory_space<vmem_shared>>) dst(%dma_wait3A_44 : memref<632x64xf32, #tpu.memory_space<hbm>>)
        tpu.yield
      }) : () -> ()
    } else {
    }
    "tpu.region"() ({
      %run_scoped3A = tpu.sem_alloc : memref<!tpu.dma_semaphore, #tpu.memory_space<semaphore_mem>>
      %dma_start3A = arith.constant 0 : i32
      %dma_start3A_41 = tpu.memref_slice %arg17[%mul3A_0, %dma_start3A] : memref<10112x64xf32, #tpu.memory_space<vmem_shared>> -> memref<632x64xf32, #tpu.memory_space<vmem_shared>>
      tpu.enqueue_dma source(%arg8 : memref<632x64xf32, #tpu.memory_space<hbm>>) target(%dma_start3A_41 : memref<632x64xf32, #tpu.memory_space<vmem_shared>>) target_semaphore(%run_scoped3A : memref<!tpu.dma_semaphore, #tpu.memory_space<semaphore_mem>>)
      %dma_wait3A = arith.constant 0 : i32
      %dma_wait3A_42 = tpu.memref_slice %arg17[%mul3A_0, %dma_wait3A] : memref<10112x64xf32, #tpu.memory_space<vmem_shared>> -> memref<632x64xf32, #tpu.memory_space<vmem_shared>>
      tpu.wait_dma2 semaphore(%run_scoped3A : memref<!tpu.dma_semaphore, #tpu.memory_space<semaphore_mem>>) src(%arg8 : memref<632x64xf32, #tpu.memory_space<hbm>>) dst(%dma_wait3A_42 : memref<632x64xf32, #tpu.memory_space<vmem_shared>>)
      tpu.yield
    }) : () -> ()
    %barrier3A_19 = arith.constant 0 : index
    tpu.barrier barrier_id(%barrier3A_19)
    %eq3A_20 = arith.constant 0 : i32
    %eq3A_21 = arith.cmpi eq, %arg0, %eq3A_20 : i32
    %convert_element_type3A_22 = arith.extui %eq3A_21 : i1 to i32
    %cond3A_23 = arith.constant 0 : i32
    %cond3A_24 = arith.cmpi ne, %convert_element_type3A_22, %cond3A_23 : i32
    scf.if %cond3A_24 {
      %run_scoped3A = arith.constant 0 : i32
      "tpu.region"() ({
        %run_scoped3A_100 = tpu.sem_alloc : memref<!tpu.dma_semaphore, #tpu.memory_space<semaphore_mem>>
        %dma_start3A_101 = arith.constant 0 : i32
        %dma_start3A_102 = arith.constant 0 : i32
        %dma_start3A_103 = tpu.memref_slice %arg7[%run_scoped3A, %arg1, %dma_start3A_101, %dma_start3A_102] : memref<2x16x158x128xi32, #tpu.memory_space<hbm>> -> memref<1x1x158x128xi32, #tpu.memory_space<hbm>>
        %dma_start3A_104 = tpu.memref_squeeze %dma_start3A_103 : memref<1x1x158x128xi32, #tpu.memory_space<hbm>> -> memref<158x128xi32, #tpu.memory_space<hbm>>
        %dma_start3A_105 = arith.constant 0 : i32
        %dma_start3A_106 = arith.constant 0 : i32
        %dma_start3A_107 = tpu.memref_slice %arg7[%run_scoped3A, %arg1, %dma_start3A_105, %dma_start3A_106] : memref<2x16x158x128xi32, #tpu.memory_space<hbm>> -> memref<1x1x158x128xi32, #tpu.memory_space<hbm>>
        %dma_start3A_108 = tpu.memref_squeeze %dma_start3A_107 : memref<1x1x158x128xi32, #tpu.memory_space<hbm>> -> memref<158x128xi32, #tpu.memory_space<hbm>>
        tpu.enqueue_dma source(%dma_start3A_108 : memref<158x128xi32, #tpu.memory_space<hbm>>) target(%arg13 : memref<158x128xi32, #tpu.memory_space<vmem>>) target_semaphore(%run_scoped3A_100 : memref<!tpu.dma_semaphore, #tpu.memory_space<semaphore_mem>>)
        %dma_wait3A_109 = arith.constant 0 : i32
        %dma_wait3A_110 = arith.constant 0 : i32
        %dma_wait3A_111 = tpu.memref_slice %arg7[%run_scoped3A, %arg1, %dma_wait3A_109, %dma_wait3A_110] : memref<2x16x158x128xi32, #tpu.memory_space<hbm>> -> memref<1x1x158x128xi32, #tpu.memory_space<hbm>>
        %dma_wait3A_112 = tpu.memref_squeeze %dma_wait3A_111 : memref<1x1x158x128xi32, #tpu.memory_space<hbm>> -> memref<158x128xi32, #tpu.memory_space<hbm>>
        %dma_wait3A_113 = arith.constant 0 : i32
        %dma_wait3A_114 = arith.constant 0 : i32
        %dma_wait3A_115 = tpu.memref_slice %arg7[%run_scoped3A, %arg1, %dma_wait3A_113, %dma_wait3A_114] : memref<2x16x158x128xi32, #tpu.memory_space<hbm>> -> memref<1x1x158x128xi32, #tpu.memory_space<hbm>>
        %dma_wait3A_116 = tpu.memref_squeeze %dma_wait3A_115 : memref<1x1x158x128xi32, #tpu.memory_space<hbm>> -> memref<158x128xi32, #tpu.memory_space<hbm>>
        tpu.wait_dma2 semaphore(%run_scoped3A_100 : memref<!tpu.dma_semaphore, #tpu.memory_space<semaphore_mem>>) src(%dma_wait3A_116 : memref<158x128xi32, #tpu.memory_space<hbm>>) dst(%arg13 : memref<158x128xi32, #tpu.memory_space<vmem>>)
        tpu.yield
      }) : () -> ()
      %run_scoped3A_41 = arith.constant 1 : i32
      "tpu.region"() ({
        %run_scoped3A_100 = tpu.sem_alloc : memref<!tpu.dma_semaphore, #tpu.memory_space<semaphore_mem>>
        %dma_start3A_101 = arith.constant 0 : i32
        %dma_start3A_102 = arith.constant 0 : i32
        %dma_start3A_103 = tpu.memref_slice %arg7[%run_scoped3A_41, %arg1, %dma_start3A_101, %dma_start3A_102] : memref<2x16x158x128xi32, #tpu.memory_space<hbm>> -> memref<1x1x158x128xi32, #tpu.memory_space<hbm>>
        %dma_start3A_104 = tpu.memref_squeeze %dma_start3A_103 : memref<1x1x158x128xi32, #tpu.memory_space<hbm>> -> memref<158x128xi32, #tpu.memory_space<hbm>>
        %dma_start3A_105 = arith.constant 0 : i32
        %dma_start3A_106 = arith.constant 0 : i32
        %dma_start3A_107 = tpu.memref_slice %arg7[%run_scoped3A_41, %arg1, %dma_start3A_105, %dma_start3A_106] : memref<2x16x158x128xi32, #tpu.memory_space<hbm>> -> memref<1x1x158x128xi32, #tpu.memory_space<hbm>>
        %dma_start3A_108 = tpu.memref_squeeze %dma_start3A_107 : memref<1x1x158x128xi32, #tpu.memory_space<hbm>> -> memref<158x128xi32, #tpu.memory_space<hbm>>
        tpu.enqueue_dma source(%dma_start3A_108 : memref<158x128xi32, #tpu.memory_space<hbm>>) target(%arg14 : memref<158x128xi32, #tpu.memory_space<vmem>>) target_semaphore(%run_scoped3A_100 : memref<!tpu.dma_semaphore, #tpu.memory_space<semaphore_mem>>)
        %dma_wait3A_109 = arith.constant 0 : i32
        %dma_wait3A_110 = arith.constant 0 : i32
        %dma_wait3A_111 = tpu.memref_slice %arg7[%run_scoped3A_41, %arg1, %dma_wait3A_109, %dma_wait3A_110] : memref<2x16x158x128xi32, #tpu.memory_space<hbm>> -> memref<1x1x158x128xi32, #tpu.memory_space<hbm>>
        %dma_wait3A_112 = tpu.memref_squeeze %dma_wait3A_111 : memref<1x1x158x128xi32, #tpu.memory_space<hbm>> -> memref<158x128xi32, #tpu.memory_space<hbm>>
        %dma_wait3A_113 = arith.constant 0 : i32
        %dma_wait3A_114 = arith.constant 0 : i32
        %dma_wait3A_115 = tpu.memref_slice %arg7[%run_scoped3A_41, %arg1, %dma_wait3A_113, %dma_wait3A_114] : memref<2x16x158x128xi32, #tpu.memory_space<hbm>> -> memref<1x1x158x128xi32, #tpu.memory_space<hbm>>
        %dma_wait3A_116 = tpu.memref_squeeze %dma_wait3A_115 : memref<1x1x158x128xi32, #tpu.memory_space<hbm>> -> memref<158x128xi32, #tpu.memory_space<hbm>>
        tpu.wait_dma2 semaphore(%run_scoped3A_100 : memref<!tpu.dma_semaphore, #tpu.memory_space<semaphore_mem>>) src(%dma_wait3A_116 : memref<158x128xi32, #tpu.memory_space<hbm>>) dst(%arg14 : memref<158x128xi32, #tpu.memory_space<vmem>>)
        tpu.yield
      }) : () -> ()
      %dma_start3A = arith.constant 0 : i32
      %dma_start3A_42 = arith.constant 0 : i32
      %dma_start3A_43 = tpu.memref_slice %arg13[%dma_start3A, %dma_start3A_42] : memref<158x128xi32, #tpu.memory_space<vmem>> -> memref<1x128xi32, #tpu.memory_space<vmem>>
      %dma_start3A_44 = tpu.memref_squeeze %dma_start3A_43 : memref<1x128xi32, #tpu.memory_space<vmem>> -> memref<128xi32, #tpu.memory_space<vmem>>
      %dma_start3A_45 = arith.constant 0 : i32
      %dma_start3A_46 = arith.constant 0 : i32
      %dma_start3A_47 = tpu.memref_slice %arg4[%dma_start3A_45, %dma_start3A_46] : memref<10000x64xf32, #tpu.memory_space<hbm>> -> memref<10000x64xf32, #tpu.memory_space<hbm>>
      tpu.enqueue_indirect_dma source(%dma_start3A_47 : memref<10000x64xf32, #tpu.memory_space<hbm>>) target(%arg15 : memref<128x64xf32, #tpu.memory_space<vmem>>) offsets(%dma_start3A_44 : memref<128xi32, #tpu.memory_space<vmem>>) semaphore(%arg18 : memref<!tpu.dma_semaphore, #tpu.memory_space<semaphore_mem>>)
      %dma_start3A_48 = arith.constant 1 : i32
      %dma_start3A_49 = arith.constant 0 : i32
      %dma_start3A_50 = tpu.memref_slice %arg13[%dma_start3A_48, %dma_start3A_49] : memref<158x128xi32, #tpu.memory_space<vmem>> -> memref<1x128xi32, #tpu.memory_space<vmem>>
      %dma_start3A_51 = tpu.memref_squeeze %dma_start3A_50 : memref<1x128xi32, #tpu.memory_space<vmem>> -> memref<128xi32, #tpu.memory_space<vmem>>
      %dma_start3A_52 = arith.constant 0 : i32
      %dma_start3A_53 = arith.constant 0 : i32
      %dma_start3A_54 = tpu.memref_slice %arg4[%dma_start3A_52, %dma_start3A_53] : memref<10000x64xf32, #tpu.memory_space<hbm>> -> memref<10000x64xf32, #tpu.memory_space<hbm>>
      tpu.enqueue_indirect_dma source(%dma_start3A_54 : memref<10000x64xf32, #tpu.memory_space<hbm>>) target(%arg16 : memref<128x64xf32, #tpu.memory_space<vmem>>) offsets(%dma_start3A_51 : memref<128xi32, #tpu.memory_space<vmem>>) semaphore(%arg19 : memref<!tpu.dma_semaphore, #tpu.memory_space<semaphore_mem>>)
      %scan3A = arith.constant 0 : i32
      %scan3A_55 = arith.constant 78 : i32
      %scan3A_56 = arith.addi %scan3A, %scan3A_55 : i32
      %scan3A_57 = arith.constant 1 : i32
      scf.for %scan3A_100 = %scan3A to %scan3A_56 step %scan3A_57  : i32 {
        %mul3A_101 = arith.constant 2 : i32
        %mul3A_102 = arith.muli %scan3A_100, %mul3A_101 : i32
        %add3A = arith.constant 0 : i32
        %add3A_103 = arith.addi %add3A, %mul3A_102 : i32
        %dma_wait3A_104 = arith.constant 0 : i32
        %dma_wait3A_105 = tpu.memref_slice %arg13[%add3A_103, %dma_wait3A_104] : memref<158x128xi32, #tpu.memory_space<vmem>> -> memref<1x128xi32, #tpu.memory_space<vmem>>
        %dma_wait3A_106 = tpu.memref_squeeze %dma_wait3A_105 : memref<1x128xi32, #tpu.memory_space<vmem>> -> memref<128xi32, #tpu.memory_space<vmem>>
        %dma_wait3A_107 = arith.constant 0 : i32
        %dma_wait3A_108 = arith.constant 0 : i32
        %dma_wait3A_109 = tpu.memref_slice %arg4[%dma_wait3A_107, %dma_wait3A_108] : memref<10000x64xf32, #tpu.memory_space<hbm>> -> memref<10000x64xf32, #tpu.memory_space<hbm>>
        tpu.wait_indirect_dma semaphore(%arg18 : memref<!tpu.dma_semaphore, #tpu.memory_space<semaphore_mem>>) src(%dma_wait3A_109 : memref<10000x64xf32, #tpu.memory_space<hbm>>) dst(%arg15 : memref<128x64xf32, #tpu.memory_space<vmem>>)
        %dma_start3A_110 = arith.constant 0 : i32
        %dma_start3A_111 = tpu.memref_slice %arg14[%add3A_103, %dma_start3A_110] : memref<158x128xi32, #tpu.memory_space<vmem>> -> memref<1x128xi32, #tpu.memory_space<vmem>>
        %dma_start3A_112 = tpu.memref_squeeze %dma_start3A_111 : memref<1x128xi32, #tpu.memory_space<vmem>> -> memref<128xi32, #tpu.memory_space<vmem>>
        %dma_start3A_113 = arith.constant 0 : i32
        %dma_start3A_114 = arith.constant 0 : i32
        %dma_start3A_115 = tpu.memref_slice %arg17[%dma_start3A_113, %dma_start3A_114] : memref<10112x64xf32, #tpu.memory_space<vmem_shared>> -> memref<10112x64xf32, #tpu.memory_space<vmem_shared>>
        tpu.enqueue_indirect_dma source(%arg15 : memref<128x64xf32, #tpu.memory_space<vmem>>) target(%dma_start3A_115 : memref<10112x64xf32, #tpu.memory_space<vmem_shared>>) offsets(%dma_start3A_112 : memref<128xi32, #tpu.memory_space<vmem>>) semaphore(%arg20 : memref<!tpu.dma_semaphore, #tpu.memory_space<semaphore_mem>>) {add = true}
        %add3A_116 = arith.constant 1 : i32
        %add3A_117 = arith.addi %add3A_103, %add3A_116 : i32
        %dma_wait3A_118 = arith.constant 0 : i32
        %dma_wait3A_119 = tpu.memref_slice %arg13[%add3A_117, %dma_wait3A_118] : memref<158x128xi32, #tpu.memory_space<vmem>> -> memref<1x128xi32, #tpu.memory_space<vmem>>
        %dma_wait3A_120 = tpu.memref_squeeze %dma_wait3A_119 : memref<1x128xi32, #tpu.memory_space<vmem>> -> memref<128xi32, #tpu.memory_space<vmem>>
        %dma_wait3A_121 = arith.constant 0 : i32
        %dma_wait3A_122 = arith.constant 0 : i32
        %dma_wait3A_123 = tpu.memref_slice %arg4[%dma_wait3A_121, %dma_wait3A_122] : memref<10000x64xf32, #tpu.memory_space<hbm>> -> memref<10000x64xf32, #tpu.memory_space<hbm>>
        tpu.wait_indirect_dma semaphore(%arg19 : memref<!tpu.dma_semaphore, #tpu.memory_space<semaphore_mem>>) src(%dma_wait3A_123 : memref<10000x64xf32, #tpu.memory_space<hbm>>) dst(%arg16 : memref<128x64xf32, #tpu.memory_space<vmem>>)
        %add3A_124 = arith.constant 1 : i32
        %add3A_125 = arith.addi %add3A_103, %add3A_124 : i32
        %dma_start3A_126 = arith.constant 0 : i32
        %dma_start3A_127 = tpu.memref_slice %arg14[%add3A_125, %dma_start3A_126] : memref<158x128xi32, #tpu.memory_space<vmem>> -> memref<1x128xi32, #tpu.memory_space<vmem>>
        %dma_start3A_128 = tpu.memref_squeeze %dma_start3A_127 : memref<1x128xi32, #tpu.memory_space<vmem>> -> memref<128xi32, #tpu.memory_space<vmem>>
        %dma_start3A_129 = arith.constant 0 : i32
        %dma_start3A_130 = arith.constant 0 : i32
        %dma_start3A_131 = tpu.memref_slice %arg17[%dma_start3A_129, %dma_start3A_130] : memref<10112x64xf32, #tpu.memory_space<vmem_shared>> -> memref<10112x64xf32, #tpu.memory_space<vmem_shared>>
        tpu.enqueue_indirect_dma source(%arg16 : memref<128x64xf32, #tpu.memory_space<vmem>>) target(%dma_start3A_131 : memref<10112x64xf32, #tpu.memory_space<vmem_shared>>) offsets(%dma_start3A_128 : memref<128xi32, #tpu.memory_space<vmem>>) semaphore(%arg21 : memref<!tpu.dma_semaphore, #tpu.memory_space<semaphore_mem>>) {add = true}
        %dma_wait3A_132 = arith.constant 0 : i32
        %dma_wait3A_133 = tpu.memref_slice %arg14[%add3A_103, %dma_wait3A_132] : memref<158x128xi32, #tpu.memory_space<vmem>> -> memref<1x128xi32, #tpu.memory_space<vmem>>
        %dma_wait3A_134 = tpu.memref_squeeze %dma_wait3A_133 : memref<1x128xi32, #tpu.memory_space<vmem>> -> memref<128xi32, #tpu.memory_space<vmem>>
        %dma_wait3A_135 = arith.constant 0 : i32
        %dma_wait3A_136 = arith.constant 0 : i32
        %dma_wait3A_137 = tpu.memref_slice %arg17[%dma_wait3A_135, %dma_wait3A_136] : memref<10112x64xf32, #tpu.memory_space<vmem_shared>> -> memref<10112x64xf32, #tpu.memory_space<vmem_shared>>
        tpu.wait_indirect_dma semaphore(%arg20 : memref<!tpu.dma_semaphore, #tpu.memory_space<semaphore_mem>>) src(%arg15 : memref<128x64xf32, #tpu.memory_space<vmem>>) dst(%dma_wait3A_137 : memref<10112x64xf32, #tpu.memory_space<vmem_shared>>)
        %add3A_138 = arith.constant 2 : i32
        %add3A_139 = arith.addi %add3A_103, %add3A_138 : i32
        %dma_start3A_140 = arith.constant 0 : i32
        %dma_start3A_141 = tpu.memref_slice %arg13[%add3A_139, %dma_start3A_140] : memref<158x128xi32, #tpu.memory_space<vmem>> -> memref<1x128xi32, #tpu.memory_space<vmem>>
        %dma_start3A_142 = tpu.memref_squeeze %dma_start3A_141 : memref<1x128xi32, #tpu.memory_space<vmem>> -> memref<128xi32, #tpu.memory_space<vmem>>
        %dma_start3A_143 = arith.constant 0 : i32
        %dma_start3A_144 = arith.constant 0 : i32
        %dma_start3A_145 = tpu.memref_slice %arg4[%dma_start3A_143, %dma_start3A_144] : memref<10000x64xf32, #tpu.memory_space<hbm>> -> memref<10000x64xf32, #tpu.memory_space<hbm>>
        tpu.enqueue_indirect_dma source(%dma_start3A_145 : memref<10000x64xf32, #tpu.memory_space<hbm>>) target(%arg15 : memref<128x64xf32, #tpu.memory_space<vmem>>) offsets(%dma_start3A_142 : memref<128xi32, #tpu.memory_space<vmem>>) semaphore(%arg18 : memref<!tpu.dma_semaphore, #tpu.memory_space<semaphore_mem>>)
        %add3A_146 = arith.constant 1 : i32
        %add3A_147 = arith.addi %add3A_103, %add3A_146 : i32
        %dma_wait3A_148 = arith.constant 0 : i32
        %dma_wait3A_149 = tpu.memref_slice %arg14[%add3A_147, %dma_wait3A_148] : memref<158x128xi32, #tpu.memory_space<vmem>> -> memref<1x128xi32, #tpu.memory_space<vmem>>
        %dma_wait3A_150 = tpu.memref_squeeze %dma_wait3A_149 : memref<1x128xi32, #tpu.memory_space<vmem>> -> memref<128xi32, #tpu.memory_space<vmem>>
        %dma_wait3A_151 = arith.constant 0 : i32
        %dma_wait3A_152 = arith.constant 0 : i32
        %dma_wait3A_153 = tpu.memref_slice %arg17[%dma_wait3A_151, %dma_wait3A_152] : memref<10112x64xf32, #tpu.memory_space<vmem_shared>> -> memref<10112x64xf32, #tpu.memory_space<vmem_shared>>
        tpu.wait_indirect_dma semaphore(%arg21 : memref<!tpu.dma_semaphore, #tpu.memory_space<semaphore_mem>>) src(%arg16 : memref<128x64xf32, #tpu.memory_space<vmem>>) dst(%dma_wait3A_153 : memref<10112x64xf32, #tpu.memory_space<vmem_shared>>)
        %add3A_154 = arith.constant 3 : i32
        %add3A_155 = arith.addi %add3A_103, %add3A_154 : i32
        %dma_start3A_156 = arith.constant 0 : i32
        %dma_start3A_157 = tpu.memref_slice %arg13[%add3A_155, %dma_start3A_156] : memref<158x128xi32, #tpu.memory_space<vmem>> -> memref<1x128xi32, #tpu.memory_space<vmem>>
        %dma_start3A_158 = tpu.memref_squeeze %dma_start3A_157 : memref<1x128xi32, #tpu.memory_space<vmem>> -> memref<128xi32, #tpu.memory_space<vmem>>
        %dma_start3A_159 = arith.constant 0 : i32
        %dma_start3A_160 = arith.constant 0 : i32
        %dma_start3A_161 = tpu.memref_slice %arg4[%dma_start3A_159, %dma_start3A_160] : memref<10000x64xf32, #tpu.memory_space<hbm>> -> memref<10000x64xf32, #tpu.memory_space<hbm>>
        tpu.enqueue_indirect_dma source(%dma_start3A_161 : memref<10000x64xf32, #tpu.memory_space<hbm>>) target(%arg16 : memref<128x64xf32, #tpu.memory_space<vmem>>) offsets(%dma_start3A_158 : memref<128xi32, #tpu.memory_space<vmem>>) semaphore(%arg19 : memref<!tpu.dma_semaphore, #tpu.memory_space<semaphore_mem>>)
      }
      %scan3A_58 = arith.constant 78 : i32
      %dma_wait3A = arith.constant 156 : i32
      %dma_wait3A_59 = arith.constant 0 : i32
      %dma_wait3A_60 = tpu.memref_slice %arg13[%dma_wait3A, %dma_wait3A_59] : memref<158x128xi32, #tpu.memory_space<vmem>> -> memref<1x128xi32, #tpu.memory_space<vmem>>
      %dma_wait3A_61 = tpu.memref_squeeze %dma_wait3A_60 : memref<1x128xi32, #tpu.memory_space<vmem>> -> memref<128xi32, #tpu.memory_space<vmem>>
      %dma_wait3A_62 = arith.constant 0 : i32
      %dma_wait3A_63 = arith.constant 0 : i32
      %dma_wait3A_64 = tpu.memref_slice %arg4[%dma_wait3A_62, %dma_wait3A_63] : memref<10000x64xf32, #tpu.memory_space<hbm>> -> memref<10000x64xf32, #tpu.memory_space<hbm>>
      tpu.wait_indirect_dma semaphore(%arg18 : memref<!tpu.dma_semaphore, #tpu.memory_space<semaphore_mem>>) src(%dma_wait3A_64 : memref<10000x64xf32, #tpu.memory_space<hbm>>) dst(%arg15 : memref<128x64xf32, #tpu.memory_space<vmem>>)
      %dma_start3A_65 = arith.constant 156 : i32
      %dma_start3A_66 = arith.constant 0 : i32
      %dma_start3A_67 = tpu.memref_slice %arg14[%dma_start3A_65, %dma_start3A_66] : memref<158x128xi32, #tpu.memory_space<vmem>> -> memref<1x128xi32, #tpu.memory_space<vmem>>
      %dma_start3A_68 = tpu.memref_squeeze %dma_start3A_67 : memref<1x128xi32, #tpu.memory_space<vmem>> -> memref<128xi32, #tpu.memory_space<vmem>>
      %dma_start3A_69 = arith.constant 0 : i32
      %dma_start3A_70 = arith.constant 0 : i32
      %dma_start3A_71 = tpu.memref_slice %arg17[%dma_start3A_69, %dma_start3A_70] : memref<10112x64xf32, #tpu.memory_space<vmem_shared>> -> memref<10112x64xf32, #tpu.memory_space<vmem_shared>>
      tpu.enqueue_indirect_dma source(%arg15 : memref<128x64xf32, #tpu.memory_space<vmem>>) target(%dma_start3A_71 : memref<10112x64xf32, #tpu.memory_space<vmem_shared>>) offsets(%dma_start3A_68 : memref<128xi32, #tpu.memory_space<vmem>>) semaphore(%arg20 : memref<!tpu.dma_semaphore, #tpu.memory_space<semaphore_mem>>) {add = true}
      %dma_wait3A_72 = arith.constant 157 : i32
      %dma_wait3A_73 = arith.constant 0 : i32
      %dma_wait3A_74 = tpu.memref_slice %arg13[%dma_wait3A_72, %dma_wait3A_73] : memref<158x128xi32, #tpu.memory_space<vmem>> -> memref<1x128xi32, #tpu.memory_space<vmem>>
      %dma_wait3A_75 = tpu.memref_squeeze %dma_wait3A_74 : memref<1x128xi32, #tpu.memory_space<vmem>> -> memref<128xi32, #tpu.memory_space<vmem>>
      %dma_wait3A_76 = arith.constant 0 : i32
      %dma_wait3A_77 = arith.constant 0 : i32
      %dma_wait3A_78 = tpu.memref_slice %arg4[%dma_wait3A_76, %dma_wait3A_77] : memref<10000x64xf32, #tpu.memory_space<hbm>> -> memref<10000x64xf32, #tpu.memory_space<hbm>>
      tpu.wait_indirect_dma semaphore(%arg19 : memref<!tpu.dma_semaphore, #tpu.memory_space<semaphore_mem>>) src(%dma_wait3A_78 : memref<10000x64xf32, #tpu.memory_space<hbm>>) dst(%arg16 : memref<128x64xf32, #tpu.memory_space<vmem>>)
      %dma_start3A_79 = arith.constant 157 : i32
      %dma_start3A_80 = arith.constant 0 : i32
      %dma_start3A_81 = tpu.memref_slice %arg14[%dma_start3A_79, %dma_start3A_80] : memref<158x128xi32, #tpu.memory_space<vmem>> -> memref<1x128xi32, #tpu.memory_space<vmem>>
      %dma_start3A_82 = tpu.memref_squeeze %dma_start3A_81 : memref<1x128xi32, #tpu.memory_space<vmem>> -> memref<128xi32, #tpu.memory_space<vmem>>
      %dma_start3A_83 = arith.constant 0 : i32
      %dma_start3A_84 = arith.constant 0 : i32
      %dma_start3A_85 = tpu.memref_slice %arg17[%dma_start3A_83, %dma_start3A_84] : memref<10112x64xf32, #tpu.memory_space<vmem_shared>> -> memref<10112x64xf32, #tpu.memory_space<vmem_shared>>
      tpu.enqueue_indirect_dma source(%arg16 : memref<128x64xf32, #tpu.memory_space<vmem>>) target(%dma_start3A_85 : memref<10112x64xf32, #tpu.memory_space<vmem_shared>>) offsets(%dma_start3A_82 : memref<128xi32, #tpu.memory_space<vmem>>) semaphore(%arg21 : memref<!tpu.dma_semaphore, #tpu.memory_space<semaphore_mem>>) {add = true}
      %dma_wait3A_86 = arith.constant 156 : i32
      %dma_wait3A_87 = arith.constant 0 : i32
      %dma_wait3A_88 = tpu.memref_slice %arg14[%dma_wait3A_86, %dma_wait3A_87] : memref<158x128xi32, #tpu.memory_space<vmem>> -> memref<1x128xi32, #tpu.memory_space<vmem>>
      %dma_wait3A_89 = tpu.memref_squeeze %dma_wait3A_88 : memref<1x128xi32, #tpu.memory_space<vmem>> -> memref<128xi32, #tpu.memory_space<vmem>>
      %dma_wait3A_90 = arith.constant 0 : i32
      %dma_wait3A_91 = arith.constant 0 : i32
      %dma_wait3A_92 = tpu.memref_slice %arg17[%dma_wait3A_90, %dma_wait3A_91] : memref<10112x64xf32, #tpu.memory_space<vmem_shared>> -> memref<10112x64xf32, #tpu.memory_space<vmem_shared>>
      tpu.wait_indirect_dma semaphore(%arg20 : memref<!tpu.dma_semaphore, #tpu.memory_space<semaphore_mem>>) src(%arg15 : memref<128x64xf32, #tpu.memory_space<vmem>>) dst(%dma_wait3A_92 : memref<10112x64xf32, #tpu.memory_space<vmem_shared>>)
      %dma_wait3A_93 = arith.constant 157 : i32
      %dma_wait3A_94 = arith.constant 0 : i32
      %dma_wait3A_95 = tpu.memref_slice %arg14[%dma_wait3A_93, %dma_wait3A_94] : memref<158x128xi32, #tpu.memory_space<vmem>> -> memref<1x128xi32, #tpu.memory_space<vmem>>
      %dma_wait3A_96 = tpu.memref_squeeze %dma_wait3A_95 : memref<1x128xi32, #tpu.memory_space<vmem>> -> memref<128xi32, #tpu.memory_space<vmem>>
      %dma_wait3A_97 = arith.constant 0 : i32
      %dma_wait3A_98 = arith.constant 0 : i32
      %dma_wait3A_99 = tpu.memref_slice %arg17[%dma_wait3A_97, %dma_wait3A_98] : memref<10112x64xf32, #tpu.memory_space<vmem_shared>> -> memref<10112x64xf32, #tpu.memory_space<vmem_shared>>
      tpu.wait_indirect_dma semaphore(%arg21 : memref<!tpu.dma_semaphore, #tpu.memory_space<semaphore_mem>>) src(%arg16 : memref<128x64xf32, #tpu.memory_space<vmem>>) dst(%dma_wait3A_99 : memref<10112x64xf32, #tpu.memory_space<vmem_shared>>)
    } else {
    }
    %eq3A_25 = arith.constant 1 : i32
    %eq3A_26 = arith.cmpi eq, %arg0, %eq3A_25 : i32
    %convert_element_type3A_27 = arith.extui %eq3A_26 : i1 to i32
    %cond3A_28 = arith.constant 0 : i32
    %cond3A_29 = arith.cmpi ne, %convert_element_type3A_27, %cond3A_28 : i32
    scf.if %cond3A_29 {
      %run_scoped3A = arith.constant 0 : i32
      "tpu.region"() ({
        %run_scoped3A_100 = tpu.sem_alloc : memref<!tpu.dma_semaphore, #tpu.memory_space<semaphore_mem>>
        %dma_start3A_101 = arith.constant 0 : i32
        %dma_start3A_102 = arith.constant 0 : i32
        %dma_start3A_103 = tpu.memref_slice %arg7[%run_scoped3A, %arg1, %dma_start3A_101, %dma_start3A_102] : memref<2x16x158x128xi32, #tpu.memory_space<hbm>> -> memref<1x1x158x128xi32, #tpu.memory_space<hbm>>
        %dma_start3A_104 = tpu.memref_squeeze %dma_start3A_103 : memref<1x1x158x128xi32, #tpu.memory_space<hbm>> -> memref<158x128xi32, #tpu.memory_space<hbm>>
        %dma_start3A_105 = arith.constant 0 : i32
        %dma_start3A_106 = arith.constant 0 : i32
        %dma_start3A_107 = tpu.memref_slice %arg7[%run_scoped3A, %arg1, %dma_start3A_105, %dma_start3A_106] : memref<2x16x158x128xi32, #tpu.memory_space<hbm>> -> memref<1x1x158x128xi32, #tpu.memory_space<hbm>>
        %dma_start3A_108 = tpu.memref_squeeze %dma_start3A_107 : memref<1x1x158x128xi32, #tpu.memory_space<hbm>> -> memref<158x128xi32, #tpu.memory_space<hbm>>
        tpu.enqueue_dma source(%dma_start3A_108 : memref<158x128xi32, #tpu.memory_space<hbm>>) target(%arg13 : memref<158x128xi32, #tpu.memory_space<vmem>>) target_semaphore(%run_scoped3A_100 : memref<!tpu.dma_semaphore, #tpu.memory_space<semaphore_mem>>)
        %dma_wait3A_109 = arith.constant 0 : i32
        %dma_wait3A_110 = arith.constant 0 : i32
        %dma_wait3A_111 = tpu.memref_slice %arg7[%run_scoped3A, %arg1, %dma_wait3A_109, %dma_wait3A_110] : memref<2x16x158x128xi32, #tpu.memory_space<hbm>> -> memref<1x1x158x128xi32, #tpu.memory_space<hbm>>
        %dma_wait3A_112 = tpu.memref_squeeze %dma_wait3A_111 : memref<1x1x158x128xi32, #tpu.memory_space<hbm>> -> memref<158x128xi32, #tpu.memory_space<hbm>>
        %dma_wait3A_113 = arith.constant 0 : i32
        %dma_wait3A_114 = arith.constant 0 : i32
        %dma_wait3A_115 = tpu.memref_slice %arg7[%run_scoped3A, %arg1, %dma_wait3A_113, %dma_wait3A_114] : memref<2x16x158x128xi32, #tpu.memory_space<hbm>> -> memref<1x1x158x128xi32, #tpu.memory_space<hbm>>
        %dma_wait3A_116 = tpu.memref_squeeze %dma_wait3A_115 : memref<1x1x158x128xi32, #tpu.memory_space<hbm>> -> memref<158x128xi32, #tpu.memory_space<hbm>>
        tpu.wait_dma2 semaphore(%run_scoped3A_100 : memref<!tpu.dma_semaphore, #tpu.memory_space<semaphore_mem>>) src(%dma_wait3A_116 : memref<158x128xi32, #tpu.memory_space<hbm>>) dst(%arg13 : memref<158x128xi32, #tpu.memory_space<vmem>>)
        tpu.yield
      }) : () -> ()
      %run_scoped3A_41 = arith.constant 1 : i32
      "tpu.region"() ({
        %run_scoped3A_100 = tpu.sem_alloc : memref<!tpu.dma_semaphore, #tpu.memory_space<semaphore_mem>>
        %dma_start3A_101 = arith.constant 0 : i32
        %dma_start3A_102 = arith.constant 0 : i32
        %dma_start3A_103 = tpu.memref_slice %arg7[%run_scoped3A_41, %arg1, %dma_start3A_101, %dma_start3A_102] : memref<2x16x158x128xi32, #tpu.memory_space<hbm>> -> memref<1x1x158x128xi32, #tpu.memory_space<hbm>>
        %dma_start3A_104 = tpu.memref_squeeze %dma_start3A_103 : memref<1x1x158x128xi32, #tpu.memory_space<hbm>> -> memref<158x128xi32, #tpu.memory_space<hbm>>
        %dma_start3A_105 = arith.constant 0 : i32
        %dma_start3A_106 = arith.constant 0 : i32
        %dma_start3A_107 = tpu.memref_slice %arg7[%run_scoped3A_41, %arg1, %dma_start3A_105, %dma_start3A_106] : memref<2x16x158x128xi32, #tpu.memory_space<hbm>> -> memref<1x1x158x128xi32, #tpu.memory_space<hbm>>
        %dma_start3A_108 = tpu.memref_squeeze %dma_start3A_107 : memref<1x1x158x128xi32, #tpu.memory_space<hbm>> -> memref<158x128xi32, #tpu.memory_space<hbm>>
        tpu.enqueue_dma source(%dma_start3A_108 : memref<158x128xi32, #tpu.memory_space<hbm>>) target(%arg14 : memref<158x128xi32, #tpu.memory_space<vmem>>) target_semaphore(%run_scoped3A_100 : memref<!tpu.dma_semaphore, #tpu.memory_space<semaphore_mem>>)
        %dma_wait3A_109 = arith.constant 0 : i32
        %dma_wait3A_110 = arith.constant 0 : i32
        %dma_wait3A_111 = tpu.memref_slice %arg7[%run_scoped3A_41, %arg1, %dma_wait3A_109, %dma_wait3A_110] : memref<2x16x158x128xi32, #tpu.memory_space<hbm>> -> memref<1x1x158x128xi32, #tpu.memory_space<hbm>>
        %dma_wait3A_112 = tpu.memref_squeeze %dma_wait3A_111 : memref<1x1x158x128xi32, #tpu.memory_space<hbm>> -> memref<158x128xi32, #tpu.memory_space<hbm>>
        %dma_wait3A_113 = arith.constant 0 : i32
        %dma_wait3A_114 = arith.constant 0 : i32
        %dma_wait3A_115 = tpu.memref_slice %arg7[%run_scoped3A_41, %arg1, %dma_wait3A_113, %dma_wait3A_114] : memref<2x16x158x128xi32, #tpu.memory_space<hbm>> -> memref<1x1x158x128xi32, #tpu.memory_space<hbm>>
        %dma_wait3A_116 = tpu.memref_squeeze %dma_wait3A_115 : memref<1x1x158x128xi32, #tpu.memory_space<hbm>> -> memref<158x128xi32, #tpu.memory_space<hbm>>
        tpu.wait_dma2 semaphore(%run_scoped3A_100 : memref<!tpu.dma_semaphore, #tpu.memory_space<semaphore_mem>>) src(%dma_wait3A_116 : memref<158x128xi32, #tpu.memory_space<hbm>>) dst(%arg14 : memref<158x128xi32, #tpu.memory_space<vmem>>)
        tpu.yield
      }) : () -> ()
      %dma_start3A = arith.constant 0 : i32
      %dma_start3A_42 = arith.constant 0 : i32
      %dma_start3A_43 = tpu.memref_slice %arg13[%dma_start3A, %dma_start3A_42] : memref<158x128xi32, #tpu.memory_space<vmem>> -> memref<1x128xi32, #tpu.memory_space<vmem>>
      %dma_start3A_44 = tpu.memref_squeeze %dma_start3A_43 : memref<1x128xi32, #tpu.memory_space<vmem>> -> memref<128xi32, #tpu.memory_space<vmem>>
      %dma_start3A_45 = arith.constant 0 : i32
      %dma_start3A_46 = arith.constant 0 : i32
      %dma_start3A_47 = tpu.memref_slice %arg5[%dma_start3A_45, %dma_start3A_46] : memref<10000x64xf32, #tpu.memory_space<hbm>> -> memref<10000x64xf32, #tpu.memory_space<hbm>>
      tpu.enqueue_indirect_dma source(%dma_start3A_47 : memref<10000x64xf32, #tpu.memory_space<hbm>>) target(%arg15 : memref<128x64xf32, #tpu.memory_space<vmem>>) offsets(%dma_start3A_44 : memref<128xi32, #tpu.memory_space<vmem>>) semaphore(%arg18 : memref<!tpu.dma_semaphore, #tpu.memory_space<semaphore_mem>>)
      %dma_start3A_48 = arith.constant 1 : i32
      %dma_start3A_49 = arith.constant 0 : i32
      %dma_start3A_50 = tpu.memref_slice %arg13[%dma_start3A_48, %dma_start3A_49] : memref<158x128xi32, #tpu.memory_space<vmem>> -> memref<1x128xi32, #tpu.memory_space<vmem>>
      %dma_start3A_51 = tpu.memref_squeeze %dma_start3A_50 : memref<1x128xi32, #tpu.memory_space<vmem>> -> memref<128xi32, #tpu.memory_space<vmem>>
      %dma_start3A_52 = arith.constant 0 : i32
      %dma_start3A_53 = arith.constant 0 : i32
      %dma_start3A_54 = tpu.memref_slice %arg5[%dma_start3A_52, %dma_start3A_53] : memref<10000x64xf32, #tpu.memory_space<hbm>> -> memref<10000x64xf32, #tpu.memory_space<hbm>>
      tpu.enqueue_indirect_dma source(%dma_start3A_54 : memref<10000x64xf32, #tpu.memory_space<hbm>>) target(%arg16 : memref<128x64xf32, #tpu.memory_space<vmem>>) offsets(%dma_start3A_51 : memref<128xi32, #tpu.memory_space<vmem>>) semaphore(%arg19 : memref<!tpu.dma_semaphore, #tpu.memory_space<semaphore_mem>>)
      %scan3A = arith.constant 0 : i32
      %scan3A_55 = arith.constant 78 : i32
      %scan3A_56 = arith.addi %scan3A, %scan3A_55 : i32
      %scan3A_57 = arith.constant 1 : i32
      scf.for %scan3A_100 = %scan3A to %scan3A_56 step %scan3A_57  : i32 {
        %mul3A_101 = arith.constant 2 : i32
        %mul3A_102 = arith.muli %scan3A_100, %mul3A_101 : i32
        %add3A = arith.constant 0 : i32
        %add3A_103 = arith.addi %add3A, %mul3A_102 : i32
        %dma_wait3A_104 = arith.constant 0 : i32
        %dma_wait3A_105 = tpu.memref_slice %arg13[%add3A_103, %dma_wait3A_104] : memref<158x128xi32, #tpu.memory_space<vmem>> -> memref<1x128xi32, #tpu.memory_space<vmem>>
        %dma_wait3A_106 = tpu.memref_squeeze %dma_wait3A_105 : memref<1x128xi32, #tpu.memory_space<vmem>> -> memref<128xi32, #tpu.memory_space<vmem>>
        %dma_wait3A_107 = arith.constant 0 : i32
        %dma_wait3A_108 = arith.constant 0 : i32
        %dma_wait3A_109 = tpu.memref_slice %arg5[%dma_wait3A_107, %dma_wait3A_108] : memref<10000x64xf32, #tpu.memory_space<hbm>> -> memref<10000x64xf32, #tpu.memory_space<hbm>>
        tpu.wait_indirect_dma semaphore(%arg18 : memref<!tpu.dma_semaphore, #tpu.memory_space<semaphore_mem>>) src(%dma_wait3A_109 : memref<10000x64xf32, #tpu.memory_space<hbm>>) dst(%arg15 : memref<128x64xf32, #tpu.memory_space<vmem>>)
        %dma_start3A_110 = arith.constant 0 : i32
        %dma_start3A_111 = tpu.memref_slice %arg14[%add3A_103, %dma_start3A_110] : memref<158x128xi32, #tpu.memory_space<vmem>> -> memref<1x128xi32, #tpu.memory_space<vmem>>
        %dma_start3A_112 = tpu.memref_squeeze %dma_start3A_111 : memref<1x128xi32, #tpu.memory_space<vmem>> -> memref<128xi32, #tpu.memory_space<vmem>>
        %dma_start3A_113 = arith.constant 0 : i32
        %dma_start3A_114 = arith.constant 0 : i32
        %dma_start3A_115 = tpu.memref_slice %arg17[%dma_start3A_113, %dma_start3A_114] : memref<10112x64xf32, #tpu.memory_space<vmem_shared>> -> memref<10112x64xf32, #tpu.memory_space<vmem_shared>>
        tpu.enqueue_indirect_dma source(%arg15 : memref<128x64xf32, #tpu.memory_space<vmem>>) target(%dma_start3A_115 : memref<10112x64xf32, #tpu.memory_space<vmem_shared>>) offsets(%dma_start3A_112 : memref<128xi32, #tpu.memory_space<vmem>>) semaphore(%arg20 : memref<!tpu.dma_semaphore, #tpu.memory_space<semaphore_mem>>) {add = true}
        %add3A_116 = arith.constant 1 : i32
        %add3A_117 = arith.addi %add3A_103, %add3A_116 : i32
        %dma_wait3A_118 = arith.constant 0 : i32
        %dma_wait3A_119 = tpu.memref_slice %arg13[%add3A_117, %dma_wait3A_118] : memref<158x128xi32, #tpu.memory_space<vmem>> -> memref<1x128xi32, #tpu.memory_space<vmem>>
        %dma_wait3A_120 = tpu.memref_squeeze %dma_wait3A_119 : memref<1x128xi32, #tpu.memory_space<vmem>> -> memref<128xi32, #tpu.memory_space<vmem>>
        %dma_wait3A_121 = arith.constant 0 : i32
        %dma_wait3A_122 = arith.constant 0 : i32
        %dma_wait3A_123 = tpu.memref_slice %arg5[%dma_wait3A_121, %dma_wait3A_122] : memref<10000x64xf32, #tpu.memory_space<hbm>> -> memref<10000x64xf32, #tpu.memory_space<hbm>>
        tpu.wait_indirect_dma semaphore(%arg19 : memref<!tpu.dma_semaphore, #tpu.memory_space<semaphore_mem>>) src(%dma_wait3A_123 : memref<10000x64xf32, #tpu.memory_space<hbm>>) dst(%arg16 : memref<128x64xf32, #tpu.memory_space<vmem>>)
        %add3A_124 = arith.constant 1 : i32
        %add3A_125 = arith.addi %add3A_103, %add3A_124 : i32
        %dma_start3A_126 = arith.constant 0 : i32
        %dma_start3A_127 = tpu.memref_slice %arg14[%add3A_125, %dma_start3A_126] : memref<158x128xi32, #tpu.memory_space<vmem>> -> memref<1x128xi32, #tpu.memory_space<vmem>>
        %dma_start3A_128 = tpu.memref_squeeze %dma_start3A_127 : memref<1x128xi32, #tpu.memory_space<vmem>> -> memref<128xi32, #tpu.memory_space<vmem>>
        %dma_start3A_129 = arith.constant 0 : i32
        %dma_start3A_130 = arith.constant 0 : i32
        %dma_start3A_131 = tpu.memref_slice %arg17[%dma_start3A_129, %dma_start3A_130] : memref<10112x64xf32, #tpu.memory_space<vmem_shared>> -> memref<10112x64xf32, #tpu.memory_space<vmem_shared>>
        tpu.enqueue_indirect_dma source(%arg16 : memref<128x64xf32, #tpu.memory_space<vmem>>) target(%dma_start3A_131 : memref<10112x64xf32, #tpu.memory_space<vmem_shared>>) offsets(%dma_start3A_128 : memref<128xi32, #tpu.memory_space<vmem>>) semaphore(%arg21 : memref<!tpu.dma_semaphore, #tpu.memory_space<semaphore_mem>>) {add = true}
        %dma_wait3A_132 = arith.constant 0 : i32
        %dma_wait3A_133 = tpu.memref_slice %arg14[%add3A_103, %dma_wait3A_132] : memref<158x128xi32, #tpu.memory_space<vmem>> -> memref<1x128xi32, #tpu.memory_space<vmem>>
        %dma_wait3A_134 = tpu.memref_squeeze %dma_wait3A_133 : memref<1x128xi32, #tpu.memory_space<vmem>> -> memref<128xi32, #tpu.memory_space<vmem>>
        %dma_wait3A_135 = arith.constant 0 : i32
        %dma_wait3A_136 = arith.constant 0 : i32
        %dma_wait3A_137 = tpu.memref_slice %arg17[%dma_wait3A_135, %dma_wait3A_136] : memref<10112x64xf32, #tpu.memory_space<vmem_shared>> -> memref<10112x64xf32, #tpu.memory_space<vmem_shared>>
        tpu.wait_indirect_dma semaphore(%arg20 : memref<!tpu.dma_semaphore, #tpu.memory_space<semaphore_mem>>) src(%arg15 : memref<128x64xf32, #tpu.memory_space<vmem>>) dst(%dma_wait3A_137 : memref<10112x64xf32, #tpu.memory_space<vmem_shared>>)
        %add3A_138 = arith.constant 2 : i32
        %add3A_139 = arith.addi %add3A_103, %add3A_138 : i32
        %dma_start3A_140 = arith.constant 0 : i32
        %dma_start3A_141 = tpu.memref_slice %arg13[%add3A_139, %dma_start3A_140] : memref<158x128xi32, #tpu.memory_space<vmem>> -> memref<1x128xi32, #tpu.memory_space<vmem>>
        %dma_start3A_142 = tpu.memref_squeeze %dma_start3A_141 : memref<1x128xi32, #tpu.memory_space<vmem>> -> memref<128xi32, #tpu.memory_space<vmem>>
        %dma_start3A_143 = arith.constant 0 : i32
        %dma_start3A_144 = arith.constant 0 : i32
        %dma_start3A_145 = tpu.memref_slice %arg5[%dma_start3A_143, %dma_start3A_144] : memref<10000x64xf32, #tpu.memory_space<hbm>> -> memref<10000x64xf32, #tpu.memory_space<hbm>>
        tpu.enqueue_indirect_dma source(%dma_start3A_145 : memref<10000x64xf32, #tpu.memory_space<hbm>>) target(%arg15 : memref<128x64xf32, #tpu.memory_space<vmem>>) offsets(%dma_start3A_142 : memref<128xi32, #tpu.memory_space<vmem>>) semaphore(%arg18 : memref<!tpu.dma_semaphore, #tpu.memory_space<semaphore_mem>>)
        %add3A_146 = arith.constant 1 : i32
        %add3A_147 = arith.addi %add3A_103, %add3A_146 : i32
        %dma_wait3A_148 = arith.constant 0 : i32
        %dma_wait3A_149 = tpu.memref_slice %arg14[%add3A_147, %dma_wait3A_148] : memref<158x128xi32, #tpu.memory_space<vmem>> -> memref<1x128xi32, #tpu.memory_space<vmem>>
        %dma_wait3A_150 = tpu.memref_squeeze %dma_wait3A_149 : memref<1x128xi32, #tpu.memory_space<vmem>> -> memref<128xi32, #tpu.memory_space<vmem>>
        %dma_wait3A_151 = arith.constant 0 : i32
        %dma_wait3A_152 = arith.constant 0 : i32
        %dma_wait3A_153 = tpu.memref_slice %arg17[%dma_wait3A_151, %dma_wait3A_152] : memref<10112x64xf32, #tpu.memory_space<vmem_shared>> -> memref<10112x64xf32, #tpu.memory_space<vmem_shared>>
        tpu.wait_indirect_dma semaphore(%arg21 : memref<!tpu.dma_semaphore, #tpu.memory_space<semaphore_mem>>) src(%arg16 : memref<128x64xf32, #tpu.memory_space<vmem>>) dst(%dma_wait3A_153 : memref<10112x64xf32, #tpu.memory_space<vmem_shared>>)
        %add3A_154 = arith.constant 3 : i32
        %add3A_155 = arith.addi %add3A_103, %add3A_154 : i32
        %dma_start3A_156 = arith.constant 0 : i32
        %dma_start3A_157 = tpu.memref_slice %arg13[%add3A_155, %dma_start3A_156] : memref<158x128xi32, #tpu.memory_space<vmem>> -> memref<1x128xi32, #tpu.memory_space<vmem>>
        %dma_start3A_158 = tpu.memref_squeeze %dma_start3A_157 : memref<1x128xi32, #tpu.memory_space<vmem>> -> memref<128xi32, #tpu.memory_space<vmem>>
        %dma_start3A_159 = arith.constant 0 : i32
        %dma_start3A_160 = arith.constant 0 : i32
        %dma_start3A_161 = tpu.memref_slice %arg5[%dma_start3A_159, %dma_start3A_160] : memref<10000x64xf32, #tpu.memory_space<hbm>> -> memref<10000x64xf32, #tpu.memory_space<hbm>>
        tpu.enqueue_indirect_dma source(%dma_start3A_161 : memref<10000x64xf32, #tpu.memory_space<hbm>>) target(%arg16 : memref<128x64xf32, #tpu.memory_space<vmem>>) offsets(%dma_start3A_158 : memref<128xi32, #tpu.memory_space<vmem>>) semaphore(%arg19 : memref<!tpu.dma_semaphore, #tpu.memory_space<semaphore_mem>>)
      }
      %scan3A_58 = arith.constant 78 : i32
      %dma_wait3A = arith.constant 156 : i32
      %dma_wait3A_59 = arith.constant 0 : i32
      %dma_wait3A_60 = tpu.memref_slice %arg13[%dma_wait3A, %dma_wait3A_59] : memref<158x128xi32, #tpu.memory_space<vmem>> -> memref<1x128xi32, #tpu.memory_space<vmem>>
      %dma_wait3A_61 = tpu.memref_squeeze %dma_wait3A_60 : memref<1x128xi32, #tpu.memory_space<vmem>> -> memref<128xi32, #tpu.memory_space<vmem>>
      %dma_wait3A_62 = arith.constant 0 : i32
      %dma_wait3A_63 = arith.constant 0 : i32
      %dma_wait3A_64 = tpu.memref_slice %arg5[%dma_wait3A_62, %dma_wait3A_63] : memref<10000x64xf32, #tpu.memory_space<hbm>> -> memref<10000x64xf32, #tpu.memory_space<hbm>>
      tpu.wait_indirect_dma semaphore(%arg18 : memref<!tpu.dma_semaphore, #tpu.memory_space<semaphore_mem>>) src(%dma_wait3A_64 : memref<10000x64xf32, #tpu.memory_space<hbm>>) dst(%arg15 : memref<128x64xf32, #tpu.memory_space<vmem>>)
      %dma_start3A_65 = arith.constant 156 : i32
      %dma_start3A_66 = arith.constant 0 : i32
      %dma_start3A_67 = tpu.memref_slice %arg14[%dma_start3A_65, %dma_start3A_66] : memref<158x128xi32, #tpu.memory_space<vmem>> -> memref<1x128xi32, #tpu.memory_space<vmem>>
      %dma_start3A_68 = tpu.memref_squeeze %dma_start3A_67 : memref<1x128xi32, #tpu.memory_space<vmem>> -> memref<128xi32, #tpu.memory_space<vmem>>
      %dma_start3A_69 = arith.constant 0 : i32
      %dma_start3A_70 = arith.constant 0 : i32
      %dma_start3A_71 = tpu.memref_slice %arg17[%dma_start3A_69, %dma_start3A_70] : memref<10112x64xf32, #tpu.memory_space<vmem_shared>> -> memref<10112x64xf32, #tpu.memory_space<vmem_shared>>
      tpu.enqueue_indirect_dma source(%arg15 : memref<128x64xf32, #tpu.memory_space<vmem>>) target(%dma_start3A_71 : memref<10112x64xf32, #tpu.memory_space<vmem_shared>>) offsets(%dma_start3A_68 : memref<128xi32, #tpu.memory_space<vmem>>) semaphore(%arg20 : memref<!tpu.dma_semaphore, #tpu.memory_space<semaphore_mem>>) {add = true}
      %dma_wait3A_72 = arith.constant 157 : i32
      %dma_wait3A_73 = arith.constant 0 : i32
      %dma_wait3A_74 = tpu.memref_slice %arg13[%dma_wait3A_72, %dma_wait3A_73] : memref<158x128xi32, #tpu.memory_space<vmem>> -> memref<1x128xi32, #tpu.memory_space<vmem>>
      %dma_wait3A_75 = tpu.memref_squeeze %dma_wait3A_74 : memref<1x128xi32, #tpu.memory_space<vmem>> -> memref<128xi32, #tpu.memory_space<vmem>>
      %dma_wait3A_76 = arith.constant 0 : i32
      %dma_wait3A_77 = arith.constant 0 : i32
      %dma_wait3A_78 = tpu.memref_slice %arg5[%dma_wait3A_76, %dma_wait3A_77] : memref<10000x64xf32, #tpu.memory_space<hbm>> -> memref<10000x64xf32, #tpu.memory_space<hbm>>
      tpu.wait_indirect_dma semaphore(%arg19 : memref<!tpu.dma_semaphore, #tpu.memory_space<semaphore_mem>>) src(%dma_wait3A_78 : memref<10000x64xf32, #tpu.memory_space<hbm>>) dst(%arg16 : memref<128x64xf32, #tpu.memory_space<vmem>>)
      %dma_start3A_79 = arith.constant 157 : i32
      %dma_start3A_80 = arith.constant 0 : i32
      %dma_start3A_81 = tpu.memref_slice %arg14[%dma_start3A_79, %dma_start3A_80] : memref<158x128xi32, #tpu.memory_space<vmem>> -> memref<1x128xi32, #tpu.memory_space<vmem>>
      %dma_start3A_82 = tpu.memref_squeeze %dma_start3A_81 : memref<1x128xi32, #tpu.memory_space<vmem>> -> memref<128xi32, #tpu.memory_space<vmem>>
      %dma_start3A_83 = arith.constant 0 : i32
      %dma_start3A_84 = arith.constant 0 : i32
      %dma_start3A_85 = tpu.memref_slice %arg17[%dma_start3A_83, %dma_start3A_84] : memref<10112x64xf32, #tpu.memory_space<vmem_shared>> -> memref<10112x64xf32, #tpu.memory_space<vmem_shared>>
      tpu.enqueue_indirect_dma source(%arg16 : memref<128x64xf32, #tpu.memory_space<vmem>>) target(%dma_start3A_85 : memref<10112x64xf32, #tpu.memory_space<vmem_shared>>) offsets(%dma_start3A_82 : memref<128xi32, #tpu.memory_space<vmem>>) semaphore(%arg21 : memref<!tpu.dma_semaphore, #tpu.memory_space<semaphore_mem>>) {add = true}
      %dma_wait3A_86 = arith.constant 156 : i32
      %dma_wait3A_87 = arith.constant 0 : i32
      %dma_wait3A_88 = tpu.memref_slice %arg14[%dma_wait3A_86, %dma_wait3A_87] : memref<158x128xi32, #tpu.memory_space<vmem>> -> memref<1x128xi32, #tpu.memory_space<vmem>>
      %dma_wait3A_89 = tpu.memref_squeeze %dma_wait3A_88 : memref<1x128xi32, #tpu.memory_space<vmem>> -> memref<128xi32, #tpu.memory_space<vmem>>
      %dma_wait3A_90 = arith.constant 0 : i32
      %dma_wait3A_91 = arith.constant 0 : i32
      %dma_wait3A_92 = tpu.memref_slice %arg17[%dma_wait3A_90, %dma_wait3A_91] : memref<10112x64xf32, #tpu.memory_space<vmem_shared>> -> memref<10112x64xf32, #tpu.memory_space<vmem_shared>>
      tpu.wait_indirect_dma semaphore(%arg20 : memref<!tpu.dma_semaphore, #tpu.memory_space<semaphore_mem>>) src(%arg15 : memref<128x64xf32, #tpu.memory_space<vmem>>) dst(%dma_wait3A_92 : memref<10112x64xf32, #tpu.memory_space<vmem_shared>>)
      %dma_wait3A_93 = arith.constant 157 : i32
      %dma_wait3A_94 = arith.constant 0 : i32
      %dma_wait3A_95 = tpu.memref_slice %arg14[%dma_wait3A_93, %dma_wait3A_94] : memref<158x128xi32, #tpu.memory_space<vmem>> -> memref<1x128xi32, #tpu.memory_space<vmem>>
      %dma_wait3A_96 = tpu.memref_squeeze %dma_wait3A_95 : memref<1x128xi32, #tpu.memory_space<vmem>> -> memref<128xi32, #tpu.memory_space<vmem>>
      %dma_wait3A_97 = arith.constant 0 : i32
      %dma_wait3A_98 = arith.constant 0 : i32
      %dma_wait3A_99 = tpu.memref_slice %arg17[%dma_wait3A_97, %dma_wait3A_98] : memref<10112x64xf32, #tpu.memory_space<vmem_shared>> -> memref<10112x64xf32, #tpu.memory_space<vmem_shared>>
      tpu.wait_indirect_dma semaphore(%arg21 : memref<!tpu.dma_semaphore, #tpu.memory_space<semaphore_mem>>) src(%arg16 : memref<128x64xf32, #tpu.memory_space<vmem>>) dst(%dma_wait3A_99 : memref<10112x64xf32, #tpu.memory_space<vmem_shared>>)
    } else {
    }
    %barrier3A_30 = arith.constant 0 : index
    tpu.barrier barrier_id(%barrier3A_30)
    %eq3A_31 = arith.constant 0 : i32
    %eq3A_32 = arith.cmpi eq, %arg0, %eq3A_31 : i32
    %convert_element_type3A_33 = arith.extui %eq3A_32 : i1 to i32
    %cond3A_34 = arith.constant 0 : i32
    %cond3A_35 = arith.cmpi ne, %convert_element_type3A_33, %cond3A_34 : i32
    scf.if %cond3A_35 {
      "tpu.region"() ({
        %run_scoped3A = tpu.sem_alloc : memref<!tpu.dma_semaphore, #tpu.memory_space<semaphore_mem>>
        %dma_start3A = arith.constant 0 : i32
        %dma_start3A_41 = tpu.memref_slice %arg11[%mul3A_0, %dma_start3A] : memref<10112x64xf32, #tpu.memory_space<hbm>> -> memref<632x64xf32, #tpu.memory_space<hbm>>
        %dma_start3A_42 = arith.constant 0 : i32
        %dma_start3A_43 = tpu.memref_slice %arg17[%mul3A_0, %dma_start3A_42] : memref<10112x64xf32, #tpu.memory_space<vmem_shared>> -> memref<632x64xf32, #tpu.memory_space<vmem_shared>>
        tpu.enqueue_dma source(%dma_start3A_43 : memref<632x64xf32, #tpu.memory_space<vmem_shared>>) target(%dma_start3A_41 : memref<632x64xf32, #tpu.memory_space<hbm>>) target_semaphore(%run_scoped3A : memref<!tpu.dma_semaphore, #tpu.memory_space<semaphore_mem>>)
        %dma_wait3A = arith.constant 0 : i32
        %dma_wait3A_44 = tpu.memref_slice %arg11[%mul3A_0, %dma_wait3A] : memref<10112x64xf32, #tpu.memory_space<hbm>> -> memref<632x64xf32, #tpu.memory_space<hbm>>
        %dma_wait3A_45 = arith.constant 0 : i32
        %dma_wait3A_46 = tpu.memref_slice %arg17[%mul3A_0, %dma_wait3A_45] : memref<10112x64xf32, #tpu.memory_space<vmem_shared>> -> memref<632x64xf32, #tpu.memory_space<vmem_shared>>
        tpu.wait_dma2 semaphore(%run_scoped3A : memref<!tpu.dma_semaphore, #tpu.memory_space<semaphore_mem>>) src(%dma_wait3A_46 : memref<632x64xf32, #tpu.memory_space<vmem_shared>>) dst(%dma_wait3A_44 : memref<632x64xf32, #tpu.memory_space<hbm>>)
        tpu.yield
      }) : () -> ()
    } else {
    }
    %eq3A_36 = arith.constant 1 : i32
    %eq3A_37 = arith.cmpi eq, %arg0, %eq3A_36 : i32
    %convert_element_type3A_38 = arith.extui %eq3A_37 : i1 to i32
    %cond3A_39 = arith.constant 0 : i32
    %cond3A_40 = arith.cmpi ne, %convert_element_type3A_38, %cond3A_39 : i32
    scf.if %cond3A_40 {
      "tpu.region"() ({
        %run_scoped3A = tpu.sem_alloc : memref<!tpu.dma_semaphore, #tpu.memory_space<semaphore_mem>>
        %dma_start3A = arith.constant 0 : i32
        %dma_start3A_41 = tpu.memref_slice %arg12[%mul3A_0, %dma_start3A] : memref<10112x64xf32, #tpu.memory_space<hbm>> -> memref<632x64xf32, #tpu.memory_space<hbm>>
        %dma_start3A_42 = arith.constant 0 : i32
        %dma_start3A_43 = tpu.memref_slice %arg17[%mul3A_0, %dma_start3A_42] : memref<10112x64xf32, #tpu.memory_space<vmem_shared>> -> memref<632x64xf32, #tpu.memory_space<vmem_shared>>
        tpu.enqueue_dma source(%dma_start3A_43 : memref<632x64xf32, #tpu.memory_space<vmem_shared>>) target(%dma_start3A_41 : memref<632x64xf32, #tpu.memory_space<hbm>>) target_semaphore(%run_scoped3A : memref<!tpu.dma_semaphore, #tpu.memory_space<semaphore_mem>>)
        %dma_wait3A = arith.constant 0 : i32
        %dma_wait3A_44 = tpu.memref_slice %arg12[%mul3A_0, %dma_wait3A] : memref<10112x64xf32, #tpu.memory_space<hbm>> -> memref<632x64xf32, #tpu.memory_space<hbm>>
        %dma_wait3A_45 = arith.constant 0 : i32
        %dma_wait3A_46 = tpu.memref_slice %arg17[%mul3A_0, %dma_wait3A_45] : memref<10112x64xf32, #tpu.memory_space<vmem_shared>> -> memref<632x64xf32, #tpu.memory_space<vmem_shared>>
        tpu.wait_dma2 semaphore(%run_scoped3A : memref<!tpu.dma_semaphore, #tpu.memory_space<semaphore_mem>>) src(%dma_wait3A_46 : memref<632x64xf32, #tpu.memory_space<vmem_shared>>) dst(%dma_wait3A_44 : memref<632x64xf32, #tpu.memory_space<hbm>>)
        tpu.yield
      }) : () -> ()
    } else {
    }
    return
  }
}

module attributes {stable_mosaic.version = 14 : i64} {
  func.func @body(%arg0: i32, %arg1: memref<1000x128xf32, #tpu.memory_space<vmem>>, %arg2: memref<128x128xf32, #tpu.memory_space<vmem>>, %arg3: memref<1x128xf32, #tpu.memory_space<vmem>>, %arg4: memref<1000x128xf32, #tpu.memory_space<vmem>>, %arg5: memref<128x128xf32, #tpu.memory_space<vmem>>, %arg6: memref<1x128xf32, #tpu.memory_space<vmem>>, %arg7: memref<1000x64xf32, #tpu.memory_space<vmem>>, %arg8: memref<1000x64xf32, #tpu.memory_space<vmem>>, %arg9: memref<1000x64xf32, #tpu.memory_space<vmem>>, %arg10: memref<1000x64xf32, #tpu.memory_space<vmem>>) attributes {dimension_semantics = [#tpu.dimension_semantics<arbitrary>], iteration_bounds = array<i64: 10>, scalar_prefetch = 0 : i64, scratch_operands = 0 : i64, tpu.core_type = #tpu.core_type<tc>, window_params = [{transform_indices = @transform_0, window_bounds = array<i64: 1000, 128>}, {pipeline_mode = #tpu.pipeline_mode<synchronous>, transform_indices = @transform_1, window_bounds = array<i64: 128, 128>}, {pipeline_mode = #tpu.pipeline_mode<synchronous>, transform_indices = @transform_2, window_bounds = array<i64: 1, 128>}, {transform_indices = @transform_3, window_bounds = array<i64: 1000, 128>}, {pipeline_mode = #tpu.pipeline_mode<synchronous>, transform_indices = @transform_4, window_bounds = array<i64: 128, 128>}, {pipeline_mode = #tpu.pipeline_mode<synchronous>, transform_indices = @transform_5, window_bounds = array<i64: 1, 128>}, {transform_indices = @transform_6, window_bounds = array<i64: 1000, 64>}, {transform_indices = @transform_7, window_bounds = array<i64: 1000, 64>}, {transform_indices = @transform_8, window_bounds = array<i64: 1000, 64>}, {transform_indices = @transform_9, window_bounds = array<i64: 1000, 64>}]} {
    %get3A = arith.constant 0 : index
    %get3A_0 = arith.constant 0 : index
    %get3A_1 = vector.load %arg1[%get3A, %get3A_0] : memref<1000x128xf32, #tpu.memory_space<vmem>>, vector<1000x128xf32>
    %get3A_2 = arith.constant 0 : index
    %get3A_3 = arith.constant 0 : index
    %get3A_4 = vector.load %arg2[%get3A_2, %get3A_3] : memref<128x128xf32, #tpu.memory_space<vmem>>, vector<128x128xf32>
    %dot_general3A = arith.constant dense<0.000000e+00> : vector<1000x128xf32>
    %dot_general3A_5 = tpu.matmul %get3A_1, %get3A_4, %dot_general3A {dimension_numbers = #tpu.dot_dimension_numbers<[1], [0], [0], [1], [0, 0, 1, 1], [], []>, transpose_lhs_hint = false} : vector<1000x128xf32>, vector<128x128xf32>, vector<1000x128xf32> -> vector<1000x128xf32>
    %get3A_6 = arith.constant 0 : index
    %get3A_7 = arith.constant 0 : index
    %get3A_8 = vector.load %arg3[%get3A_6, %get3A_7] : memref<1x128xf32, #tpu.memory_space<vmem>>, vector<1x128xf32>
    %add3A = vector.broadcast %get3A_8 : vector<1x128xf32> to vector<1000x128xf32>
    %add3A_9 = arith.addf %dot_general3A_5, %add3A : vector<1000x128xf32>
    %slice3A = vector.extract_strided_slice %add3A_9 {offsets = [0, 0], sizes = [1000, 64], strides = [1, 1]} : vector<1000x128xf32> to vector<1000x64xf32>
    %swap3A = arith.constant 0 : index
    %swap3A_10 = arith.constant 0 : index
    %swap3A_11 = vector.load %arg7[%swap3A, %swap3A_10] : memref<1000x64xf32, #tpu.memory_space<vmem>>, vector<1000x64xf32>
    tpu.vector_store %arg7[%swap3A, %swap3A_10], %slice3A {strides = array<i32>} : memref<1000x64xf32, #tpu.memory_space<vmem>>, vector<1000x64xf32>,
    %slice3A_12 = vector.extract_strided_slice %add3A_9 {offsets = [0, 64], sizes = [1000, 64], strides = [1, 1]} : vector<1000x128xf32> to vector<1000x64xf32>
    %swap3A_13 = arith.constant 0 : index
    %swap3A_14 = arith.constant 0 : index
    %swap3A_15 = vector.load %arg8[%swap3A_13, %swap3A_14] : memref<1000x64xf32, #tpu.memory_space<vmem>>, vector<1000x64xf32>
    tpu.vector_store %arg8[%swap3A_13, %swap3A_14], %slice3A_12 {strides = array<i32>} : memref<1000x64xf32, #tpu.memory_space<vmem>>, vector<1000x64xf32>,
    %get3A_16 = arith.constant 0 : index
    %get3A_17 = arith.constant 0 : index
    %get3A_18 = vector.load %arg4[%get3A_16, %get3A_17] : memref<1000x128xf32, #tpu.memory_space<vmem>>, vector<1000x128xf32>
    %get3A_19 = arith.constant 0 : index
    %get3A_20 = arith.constant 0 : index
    %get3A_21 = vector.load %arg5[%get3A_19, %get3A_20] : memref<128x128xf32, #tpu.memory_space<vmem>>, vector<128x128xf32>
    %dot_general3A_22 = arith.constant dense<0.000000e+00> : vector<1000x128xf32>
    %dot_general3A_23 = tpu.matmul %get3A_18, %get3A_21, %dot_general3A_22 {dimension_numbers = #tpu.dot_dimension_numbers<[1], [0], [0], [1], [0, 0, 1, 1], [], []>, transpose_lhs_hint = false} : vector<1000x128xf32>, vector<128x128xf32>, vector<1000x128xf32> -> vector<1000x128xf32>
    %get3A_24 = arith.constant 0 : index
    %get3A_25 = arith.constant 0 : index
    %get3A_26 = vector.load %arg6[%get3A_24, %get3A_25] : memref<1x128xf32, #tpu.memory_space<vmem>>, vector<1x128xf32>
    %add3A_27 = vector.broadcast %get3A_26 : vector<1x128xf32> to vector<1000x128xf32>
    %add3A_28 = arith.addf %dot_general3A_23, %add3A_27 : vector<1000x128xf32>
    %slice3A_29 = vector.extract_strided_slice %add3A_28 {offsets = [0, 0], sizes = [1000, 64], strides = [1, 1]} : vector<1000x128xf32> to vector<1000x64xf32>
    %swap3A_30 = arith.constant 0 : index
    %swap3A_31 = arith.constant 0 : index
    %swap3A_32 = vector.load %arg9[%swap3A_30, %swap3A_31] : memref<1000x64xf32, #tpu.memory_space<vmem>>, vector<1000x64xf32>
    tpu.vector_store %arg9[%swap3A_30, %swap3A_31], %slice3A_29 {strides = array<i32>} : memref<1000x64xf32, #tpu.memory_space<vmem>>, vector<1000x64xf32>,
    %slice3A_33 = vector.extract_strided_slice %add3A_28 {offsets = [0, 64], sizes = [1000, 64], strides = [1, 1]} : vector<1000x128xf32> to vector<1000x64xf32>
    %swap3A_34 = arith.constant 0 : index
    %swap3A_35 = arith.constant 0 : index
    %swap3A_36 = vector.load %arg10[%swap3A_34, %swap3A_35] : memref<1000x64xf32, #tpu.memory_space<vmem>>, vector<1000x64xf32>
    tpu.vector_store %arg10[%swap3A_34, %swap3A_35], %slice3A_33 {strides = array<i32>} : memref<1000x64xf32, #tpu.memory_space<vmem>>, vector<1000x64xf32>,
    return
  }
  func.func @transform_0(%arg0: i32) -> (i32, i32) {
    %c0_i32 = arith.constant 0 : i32
    %c0_i32_0 = arith.constant 0 : i32
    return %arg0, %c0_i32 : i32, i32
  }
  func.func @transform_1(%arg0: i32) -> (i32, i32) {
    %c0_i32 = arith.constant 0 : i32
    %c0_i32_0 = arith.constant 0 : i32
    %c0_i32_1 = arith.constant 0 : i32
    return %c0_i32, %c0_i32_0 : i32, i32
  }
  func.func @transform_2(%arg0: i32) -> (i32, i32) {
    %c0_i32 = arith.constant 0 : i32
    %c0_i32_0 = arith.constant 0 : i32
    %c0_i32_1 = arith.constant 0 : i32
    return %c0_i32, %c0_i32_0 : i32, i32
  }
  func.func @transform_3(%arg0: i32) -> (i32, i32) {
    %c0_i32 = arith.constant 0 : i32
    %c0_i32_0 = arith.constant 0 : i32
    return %arg0, %c0_i32 : i32, i32
  }
  func.func @transform_4(%arg0: i32) -> (i32, i32) {
    %c0_i32 = arith.constant 0 : i32
    %c0_i32_0 = arith.constant 0 : i32
    %c0_i32_1 = arith.constant 0 : i32
    return %c0_i32, %c0_i32_0 : i32, i32
  }
  func.func @transform_5(%arg0: i32) -> (i32, i32) {
    %c0_i32 = arith.constant 0 : i32
    %c0_i32_0 = arith.constant 0 : i32
    %c0_i32_1 = arith.constant 0 : i32
    return %c0_i32, %c0_i32_0 : i32, i32
  }
  func.func @transform_6(%arg0: i32) -> (i32, i32) {
    %c0_i32 = arith.constant 0 : i32
    %c0_i32_0 = arith.constant 0 : i32
    return %arg0, %c0_i32 : i32, i32
  }
  func.func @transform_7(%arg0: i32) -> (i32, i32) {
    %c0_i32 = arith.constant 0 : i32
    %c0_i32_0 = arith.constant 0 : i32
    return %arg0, %c0_i32 : i32, i32
  }
  func.func @transform_8(%arg0: i32) -> (i32, i32) {
    %c0_i32 = arith.constant 0 : i32
    %c0_i32_0 = arith.constant 0 : i32
    return %arg0, %c0_i32 : i32, i32
  }
  func.func @transform_9(%arg0: i32) -> (i32, i32) {
    %c0_i32 = arith.constant 0 : i32
    %c0_i32_0 = arith.constant 0 : i32
    return %arg0, %c0_i32 : i32, i32
  }
}

module attributes {stable_mosaic.version = 14 : i64} {
  func.func @body(%arg0: i32, %arg1: memref<1000x64xf32, #tpu.memory_space<vmem>>, %arg2: memref<1000x64xf32, #tpu.memory_space<vmem>>, %arg3: memref<1000x16xf32, #tpu.memory_space<vmem>>, %arg4: memref<1000x64xf32, #tpu.memory_space<vmem>>, %arg5: memref<1000x64xf32, #tpu.memory_space<vmem>>, %arg6: memref<128x128xf32, #tpu.memory_space<vmem>>, %arg7: memref<128x128xf32, #tpu.memory_space<vmem>>, %arg8: memref<1x128xf32, #tpu.memory_space<vmem>>, %arg9: memref<1000x64xf32, #tpu.memory_space<vmem>>, %arg10: memref<1000x64xf32, #tpu.memory_space<vmem>>, %arg11: memref<1000x16xf32, #tpu.memory_space<vmem>>, %arg12: memref<1000x64xf32, #tpu.memory_space<vmem>>, %arg13: memref<1000x64xf32, #tpu.memory_space<vmem>>, %arg14: memref<128x128xf32, #tpu.memory_space<vmem>>, %arg15: memref<128x128xf32, #tpu.memory_space<vmem>>, %arg16: memref<1x128xf32, #tpu.memory_space<vmem>>, %arg17: memref<1000x64xf32, #tpu.memory_space<vmem>>, %arg18: memref<1000x64xf32, #tpu.memory_space<vmem>>, %arg19: memref<1000x64xf32, #tpu.memory_space<vmem>>, %arg20: memref<1000x64xf32, #tpu.memory_space<vmem>>) attributes {dimension_semantics = [#tpu.dimension_semantics<arbitrary>], iteration_bounds = array<i64: 10>, scalar_prefetch = 0 : i64, scratch_operands = 0 : i64, tpu.core_type = #tpu.core_type<tc>, window_params = [{transform_indices = @transform_0, window_bounds = array<i64: 1000, 64>}, {transform_indices = @transform_1, window_bounds = array<i64: 1000, 64>}, {transform_indices = @transform_2, window_bounds = array<i64: 1000, 16>}, {transform_indices = @transform_3, window_bounds = array<i64: 1000, 64>}, {transform_indices = @transform_4, window_bounds = array<i64: 1000, 64>}, {pipeline_mode = #tpu.pipeline_mode<synchronous>, transform_indices = @transform_5, window_bounds = array<i64: 128, 128>}, {pipeline_mode = #tpu.pipeline_mode<synchronous>, transform_indices = @transform_6, window_bounds = array<i64: 128, 128>}, {pipeline_mode = #tpu.pipeline_mode<synchronous>, transform_indices = @transform_7, window_bounds = array<i64: 1, 128>}, {transform_indices = @transform_8, window_bounds = array<i64: 1000, 64>}, {transform_indices = @transform_9, window_bounds = array<i64: 1000, 64>}, {transform_indices = @transform_10, window_bounds = array<i64: 1000, 16>}, {transform_indices = @transform_11, window_bounds = array<i64: 1000, 64>}, {transform_indices = @transform_12, window_bounds = array<i64: 1000, 64>}, {pipeline_mode = #tpu.pipeline_mode<synchronous>, transform_indices = @transform_13, window_bounds = array<i64: 128, 128>}, {pipeline_mode = #tpu.pipeline_mode<synchronous>, transform_indices = @transform_14, window_bounds = array<i64: 128, 128>}, {pipeline_mode = #tpu.pipeline_mode<synchronous>, transform_indices = @transform_15, window_bounds = array<i64: 1, 128>}, {transform_indices = @transform_16, window_bounds = array<i64: 1000, 64>}, {transform_indices = @transform_17, window_bounds = array<i64: 1000, 64>}, {transform_indices = @transform_18, window_bounds = array<i64: 1000, 64>}, {transform_indices = @transform_19, window_bounds = array<i64: 1000, 64>}]} {
    %get3A = arith.constant 0 : index
    %get3A_0 = arith.constant 0 : index
    %get3A_1 = vector.load %arg3[%get3A, %get3A_0] : memref<1000x16xf32, #tpu.memory_space<vmem>>, vector<1000x1xf32>
    %max3A = arith.constant 1.000000e+00 : f32
    %max3A_2 = vector.broadcast %max3A : f32 to vector<1000x1xf32>
    %max3A_3 = arith.maximumf %get3A_1, %max3A_2 : vector<1000x1xf32>
    %get3A_4 = arith.constant 0 : index
    %get3A_5 = arith.constant 0 : index
    %get3A_6 = vector.load %arg1[%get3A_4, %get3A_5] : memref<1000x64xf32, #tpu.memory_space<vmem>>, vector<1000x64xf32>
    %div3A = vector.broadcast %max3A_3 : vector<1000x1xf32> to vector<1000x64xf32>
    %div3A_7 = arith.divf %get3A_6, %div3A : vector<1000x64xf32>
    %get3A_8 = arith.constant 0 : index
    %get3A_9 = arith.constant 0 : index
    %get3A_10 = vector.load %arg2[%get3A_8, %get3A_9] : memref<1000x64xf32, #tpu.memory_space<vmem>>, vector<1000x64xf32>
    %div3A_11 = vector.broadcast %max3A_3 : vector<1000x1xf32> to vector<1000x64xf32>
    %div3A_12 = arith.divf %get3A_10, %div3A_11 : vector<1000x64xf32>
    %get3A_13 = arith.constant 0 : index
    %get3A_14 = arith.constant 0 : index
    %get3A_15 = vector.load %arg6[%get3A_13, %get3A_14] : memref<128x128xf32, #tpu.memory_space<vmem>>, vector<64x128xf32>
    %dot_general3A = arith.constant dense<0.000000e+00> : vector<1000x128xf32>
    %dot_general3A_16 = tpu.matmul %div3A_7, %get3A_15, %dot_general3A {dimension_numbers = #tpu.dot_dimension_numbers<[1], [0], [0], [1], [0, 0, 1, 1], [], []>, transpose_lhs_hint = false} : vector<1000x64xf32>, vector<64x128xf32>, vector<1000x128xf32> -> vector<1000x128xf32>
    %get3A_17 = arith.constant 64 : index
    %get3A_18 = arith.constant 0 : index
    %get3A_19 = vector.load %arg6[%get3A_17, %get3A_18] : memref<128x128xf32, #tpu.memory_space<vmem>>, vector<64x128xf32>
    %dot_general3A_20 = arith.constant dense<0.000000e+00> : vector<1000x128xf32>
    %dot_general3A_21 = tpu.matmul %div3A_12, %get3A_19, %dot_general3A_20 {dimension_numbers = #tpu.dot_dimension_numbers<[1], [0], [0], [1], [0, 0, 1, 1], [], []>, transpose_lhs_hint = false} : vector<1000x64xf32>, vector<64x128xf32>, vector<1000x128xf32> -> vector<1000x128xf32>
    %add3A = arith.addf %dot_general3A_16, %dot_general3A_21 : vector<1000x128xf32>
    %get3A_22 = arith.constant 0 : index
    %get3A_23 = arith.constant 0 : index
    %get3A_24 = vector.load %arg4[%get3A_22, %get3A_23] : memref<1000x64xf32, #tpu.memory_space<vmem>>, vector<1000x64xf32>
    %get3A_25 = arith.constant 0 : index
    %get3A_26 = arith.constant 0 : index
    %get3A_27 = vector.load %arg7[%get3A_25, %get3A_26] : memref<128x128xf32, #tpu.memory_space<vmem>>, vector<64x128xf32>
    %dot_general3A_28 = arith.constant dense<0.000000e+00> : vector<1000x128xf32>
    %dot_general3A_29 = tpu.matmul %get3A_24, %get3A_27, %dot_general3A_28 {dimension_numbers = #tpu.dot_dimension_numbers<[1], [0], [0], [1], [0, 0, 1, 1], [], []>, transpose_lhs_hint = false} : vector<1000x64xf32>, vector<64x128xf32>, vector<1000x128xf32> -> vector<1000x128xf32>
    %add3A_30 = arith.addf %add3A, %dot_general3A_29 : vector<1000x128xf32>
    %get3A_31 = arith.constant 0 : index
    %get3A_32 = arith.constant 0 : index
    %get3A_33 = vector.load %arg5[%get3A_31, %get3A_32] : memref<1000x64xf32, #tpu.memory_space<vmem>>, vector<1000x64xf32>
    %get3A_34 = arith.constant 64 : index
    %get3A_35 = arith.constant 0 : index
    %get3A_36 = vector.load %arg7[%get3A_34, %get3A_35] : memref<128x128xf32, #tpu.memory_space<vmem>>, vector<64x128xf32>
    %dot_general3A_37 = arith.constant dense<0.000000e+00> : vector<1000x128xf32>
    %dot_general3A_38 = tpu.matmul %get3A_33, %get3A_36, %dot_general3A_37 {dimension_numbers = #tpu.dot_dimension_numbers<[1], [0], [0], [1], [0, 0, 1, 1], [], []>, transpose_lhs_hint = false} : vector<1000x64xf32>, vector<64x128xf32>, vector<1000x128xf32> -> vector<1000x128xf32>
    %add3A_39 = arith.addf %add3A_30, %dot_general3A_38 : vector<1000x128xf32>
    %get3A_40 = arith.constant 0 : index
    %get3A_41 = arith.constant 0 : index
    %get3A_42 = vector.load %arg8[%get3A_40, %get3A_41] : memref<1x128xf32, #tpu.memory_space<vmem>>, vector<1x128xf32>
    %add3A_43 = vector.broadcast %get3A_42 : vector<1x128xf32> to vector<1000x128xf32>
    %add3A_44 = arith.addf %add3A_39, %add3A_43 : vector<1000x128xf32>
    %max3A_45 = arith.constant 0.000000e+00 : f32
    %max3A_46 = vector.broadcast %max3A_45 : f32 to vector<1000x128xf32>
    %max3A_47 = arith.maximumf %add3A_44, %max3A_46 : vector<1000x128xf32>
    %slice3A = vector.extract_strided_slice %max3A_47 {offsets = [0, 0], sizes = [1000, 64], strides = [1, 1]} : vector<1000x128xf32> to vector<1000x64xf32>
    %swap3A = arith.constant 0 : index
    %swap3A_48 = arith.constant 0 : index
    %swap3A_49 = vector.load %arg17[%swap3A, %swap3A_48] : memref<1000x64xf32, #tpu.memory_space<vmem>>, vector<1000x64xf32>
    tpu.vector_store %arg17[%swap3A, %swap3A_48], %slice3A {strides = array<i32>} : memref<1000x64xf32, #tpu.memory_space<vmem>>, vector<1000x64xf32>,
    %slice3A_50 = vector.extract_strided_slice %max3A_47 {offsets = [0, 64], sizes = [1000, 64], strides = [1, 1]} : vector<1000x128xf32> to vector<1000x64xf32>
    %swap3A_51 = arith.constant 0 : index
    %swap3A_52 = arith.constant 0 : index
    %swap3A_53 = vector.load %arg18[%swap3A_51, %swap3A_52] : memref<1000x64xf32, #tpu.memory_space<vmem>>, vector<1000x64xf32>
    tpu.vector_store %arg18[%swap3A_51, %swap3A_52], %slice3A_50 {strides = array<i32>} : memref<1000x64xf32, #tpu.memory_space<vmem>>, vector<1000x64xf32>,
    %get3A_54 = arith.constant 0 : index
    %get3A_55 = arith.constant 0 : index
    %get3A_56 = vector.load %arg11[%get3A_54, %get3A_55] : memref<1000x16xf32, #tpu.memory_space<vmem>>, vector<1000x1xf32>
    %max3A_57 = arith.constant 1.000000e+00 : f32
    %max3A_58 = vector.broadcast %max3A_57 : f32 to vector<1000x1xf32>
    %max3A_59 = arith.maximumf %get3A_56, %max3A_58 : vector<1000x1xf32>
    %get3A_60 = arith.constant 0 : index
    %get3A_61 = arith.constant 0 : index
    %get3A_62 = vector.load %arg9[%get3A_60, %get3A_61] : memref<1000x64xf32, #tpu.memory_space<vmem>>, vector<1000x64xf32>
    %div3A_63 = vector.broadcast %max3A_59 : vector<1000x1xf32> to vector<1000x64xf32>
    %div3A_64 = arith.divf %get3A_62, %div3A_63 : vector<1000x64xf32>
    %get3A_65 = arith.constant 0 : index
    %get3A_66 = arith.constant 0 : index
    %get3A_67 = vector.load %arg10[%get3A_65, %get3A_66] : memref<1000x64xf32, #tpu.memory_space<vmem>>, vector<1000x64xf32>
    %div3A_68 = vector.broadcast %max3A_59 : vector<1000x1xf32> to vector<1000x64xf32>
    %div3A_69 = arith.divf %get3A_67, %div3A_68 : vector<1000x64xf32>
    %get3A_70 = arith.constant 0 : index
    %get3A_71 = arith.constant 0 : index
    %get3A_72 = vector.load %arg14[%get3A_70, %get3A_71] : memref<128x128xf32, #tpu.memory_space<vmem>>, vector<64x128xf32>
    %dot_general3A_73 = arith.constant dense<0.000000e+00> : vector<1000x128xf32>
    %dot_general3A_74 = tpu.matmul %div3A_64, %get3A_72, %dot_general3A_73 {dimension_numbers = #tpu.dot_dimension_numbers<[1], [0], [0], [1], [0, 0, 1, 1], [], []>, transpose_lhs_hint = false} : vector<1000x64xf32>, vector<64x128xf32>, vector<1000x128xf32> -> vector<1000x128xf32>
    %get3A_75 = arith.constant 64 : index
    %get3A_76 = arith.constant 0 : index
    %get3A_77 = vector.load %arg14[%get3A_75, %get3A_76] : memref<128x128xf32, #tpu.memory_space<vmem>>, vector<64x128xf32>
    %dot_general3A_78 = arith.constant dense<0.000000e+00> : vector<1000x128xf32>
    %dot_general3A_79 = tpu.matmul %div3A_69, %get3A_77, %dot_general3A_78 {dimension_numbers = #tpu.dot_dimension_numbers<[1], [0], [0], [1], [0, 0, 1, 1], [], []>, transpose_lhs_hint = false} : vector<1000x64xf32>, vector<64x128xf32>, vector<1000x128xf32> -> vector<1000x128xf32>
    %add3A_80 = arith.addf %dot_general3A_74, %dot_general3A_79 : vector<1000x128xf32>
    %get3A_81 = arith.constant 0 : index
    %get3A_82 = arith.constant 0 : index
    %get3A_83 = vector.load %arg12[%get3A_81, %get3A_82] : memref<1000x64xf32, #tpu.memory_space<vmem>>, vector<1000x64xf32>
    %get3A_84 = arith.constant 0 : index
    %get3A_85 = arith.constant 0 : index
    %get3A_86 = vector.load %arg15[%get3A_84, %get3A_85] : memref<128x128xf32, #tpu.memory_space<vmem>>, vector<64x128xf32>
    %dot_general3A_87 = arith.constant dense<0.000000e+00> : vector<1000x128xf32>
    %dot_general3A_88 = tpu.matmul %get3A_83, %get3A_86, %dot_general3A_87 {dimension_numbers = #tpu.dot_dimension_numbers<[1], [0], [0], [1], [0, 0, 1, 1], [], []>, transpose_lhs_hint = false} : vector<1000x64xf32>, vector<64x128xf32>, vector<1000x128xf32> -> vector<1000x128xf32>
    %add3A_89 = arith.addf %add3A_80, %dot_general3A_88 : vector<1000x128xf32>
    %get3A_90 = arith.constant 0 : index
    %get3A_91 = arith.constant 0 : index
    %get3A_92 = vector.load %arg13[%get3A_90, %get3A_91] : memref<1000x64xf32, #tpu.memory_space<vmem>>, vector<1000x64xf32>
    %get3A_93 = arith.constant 64 : index
    %get3A_94 = arith.constant 0 : index
    %get3A_95 = vector.load %arg15[%get3A_93, %get3A_94] : memref<128x128xf32, #tpu.memory_space<vmem>>, vector<64x128xf32>
    %dot_general3A_96 = arith.constant dense<0.000000e+00> : vector<1000x128xf32>
    %dot_general3A_97 = tpu.matmul %get3A_92, %get3A_95, %dot_general3A_96 {dimension_numbers = #tpu.dot_dimension_numbers<[1], [0], [0], [1], [0, 0, 1, 1], [], []>, transpose_lhs_hint = false} : vector<1000x64xf32>, vector<64x128xf32>, vector<1000x128xf32> -> vector<1000x128xf32>
    %add3A_98 = arith.addf %add3A_89, %dot_general3A_97 : vector<1000x128xf32>
    %get3A_99 = arith.constant 0 : index
    %get3A_100 = arith.constant 0 : index
    %get3A_101 = vector.load %arg16[%get3A_99, %get3A_100] : memref<1x128xf32, #tpu.memory_space<vmem>>, vector<1x128xf32>
    %add3A_102 = vector.broadcast %get3A_101 : vector<1x128xf32> to vector<1000x128xf32>
    %add3A_103 = arith.addf %add3A_98, %add3A_102 : vector<1000x128xf32>
    %max3A_104 = arith.constant 0.000000e+00 : f32
    %max3A_105 = vector.broadcast %max3A_104 : f32 to vector<1000x128xf32>
    %max3A_106 = arith.maximumf %add3A_103, %max3A_105 : vector<1000x128xf32>
    %slice3A_107 = vector.extract_strided_slice %max3A_106 {offsets = [0, 0], sizes = [1000, 64], strides = [1, 1]} : vector<1000x128xf32> to vector<1000x64xf32>
    %swap3A_108 = arith.constant 0 : index
    %swap3A_109 = arith.constant 0 : index
    %swap3A_110 = vector.load %arg19[%swap3A_108, %swap3A_109] : memref<1000x64xf32, #tpu.memory_space<vmem>>, vector<1000x64xf32>
    tpu.vector_store %arg19[%swap3A_108, %swap3A_109], %slice3A_107 {strides = array<i32>} : memref<1000x64xf32, #tpu.memory_space<vmem>>, vector<1000x64xf32>,
    %slice3A_111 = vector.extract_strided_slice %max3A_106 {offsets = [0, 64], sizes = [1000, 64], strides = [1, 1]} : vector<1000x128xf32> to vector<1000x64xf32>
    %swap3A_112 = arith.constant 0 : index
    %swap3A_113 = arith.constant 0 : index
    %swap3A_114 = vector.load %arg20[%swap3A_112, %swap3A_113] : memref<1000x64xf32, #tpu.memory_space<vmem>>, vector<1000x64xf32>
    tpu.vector_store %arg20[%swap3A_112, %swap3A_113], %slice3A_111 {strides = array<i32>} : memref<1000x64xf32, #tpu.memory_space<vmem>>, vector<1000x64xf32>,
    return
  }
  func.func @transform_0(%arg0: i32) -> (i32, i32) {
    %c0_i32 = arith.constant 0 : i32
    %c0_i32_0 = arith.constant 0 : i32
    return %arg0, %c0_i32 : i32, i32
  }
  func.func @transform_1(%arg0: i32) -> (i32, i32) {
    %c0_i32 = arith.constant 0 : i32
    %c0_i32_0 = arith.constant 0 : i32
    return %arg0, %c0_i32 : i32, i32
  }
  func.func @transform_2(%arg0: i32) -> (i32, i32) {
    %c0_i32 = arith.constant 0 : i32
    %c0_i32_0 = arith.constant 0 : i32
    return %arg0, %c0_i32 : i32, i32
  }
  func.func @transform_3(%arg0: i32) -> (i32, i32) {
    %c0_i32 = arith.constant 0 : i32
    %c0_i32_0 = arith.constant 0 : i32
    return %arg0, %c0_i32 : i32, i32
  }
  func.func @transform_4(%arg0: i32) -> (i32, i32) {
    %c0_i32 = arith.constant 0 : i32
    %c0_i32_0 = arith.constant 0 : i32
    return %arg0, %c0_i32 : i32, i32
  }
  func.func @transform_5(%arg0: i32) -> (i32, i32) {
    %c0_i32 = arith.constant 0 : i32
    %c0_i32_0 = arith.constant 0 : i32
    %c0_i32_1 = arith.constant 0 : i32
    return %c0_i32, %c0_i32_0 : i32, i32
  }
  func.func @transform_6(%arg0: i32) -> (i32, i32) {
    %c0_i32 = arith.constant 0 : i32
    %c0_i32_0 = arith.constant 0 : i32
    %c0_i32_1 = arith.constant 0 : i32
    return %c0_i32, %c0_i32_0 : i32, i32
  }
  func.func @transform_7(%arg0: i32) -> (i32, i32) {
    %c0_i32 = arith.constant 0 : i32
    %c0_i32_0 = arith.constant 0 : i32
    %c0_i32_1 = arith.constant 0 : i32
    return %c0_i32, %c0_i32_0 : i32, i32
  }
  func.func @transform_8(%arg0: i32) -> (i32, i32) {
    %c0_i32 = arith.constant 0 : i32
    %c0_i32_0 = arith.constant 0 : i32
    return %arg0, %c0_i32 : i32, i32
  }
  func.func @transform_9(%arg0: i32) -> (i32, i32) {
    %c0_i32 = arith.constant 0 : i32
    %c0_i32_0 = arith.constant 0 : i32
    return %arg0, %c0_i32 : i32, i32
  }
  func.func @transform_10(%arg0: i32) -> (i32, i32) {
    %c0_i32 = arith.constant 0 : i32
    %c0_i32_0 = arith.constant 0 : i32
    return %arg0, %c0_i32 : i32, i32
  }
  func.func @transform_11(%arg0: i32) -> (i32, i32) {
    %c0_i32 = arith.constant 0 : i32
    %c0_i32_0 = arith.constant 0 : i32
    return %arg0, %c0_i32 : i32, i32
  }
  func.func @transform_12(%arg0: i32) -> (i32, i32) {
    %c0_i32 = arith.constant 0 : i32
    %c0_i32_0 = arith.constant 0 : i32
    return %arg0, %c0_i32 : i32, i32
  }
  func.func @transform_13(%arg0: i32) -> (i32, i32) {
    %c0_i32 = arith.constant 0 : i32
    %c0_i32_0 = arith.constant 0 : i32
    %c0_i32_1 = arith.constant 0 : i32
    return %c0_i32, %c0_i32_0 : i32, i32
  }
  func.func @transform_14(%arg0: i32) -> (i32, i32) {
    %c0_i32 = arith.constant 0 : i32
    %c0_i32_0 = arith.constant 0 : i32
    %c0_i32_1 = arith.constant 0 : i32
    return %c0_i32, %c0_i32_0 : i32, i32
  }
  func.func @transform_15(%arg0: i32) -> (i32, i32) {
    %c0_i32 = arith.constant 0 : i32
    %c0_i32_0 = arith.constant 0 : i32
    %c0_i32_1 = arith.constant 0 : i32
    return %c0_i32, %c0_i32_0 : i32, i32
  }
  func.func @transform_16(%arg0: i32) -> (i32, i32) {
    %c0_i32 = arith.constant 0 : i32
    %c0_i32_0 = arith.constant 0 : i32
    return %arg0, %c0_i32 : i32, i32
  }
  func.func @transform_17(%arg0: i32) -> (i32, i32) {
    %c0_i32 = arith.constant 0 : i32
    %c0_i32_0 = arith.constant 0 : i32
    return %arg0, %c0_i32 : i32, i32
  }
  func.func @transform_18(%arg0: i32) -> (i32, i32) {
    %c0_i32 = arith.constant 0 : i32
    %c0_i32_0 = arith.constant 0 : i32
    return %arg0, %c0_i32 : i32, i32
  }
  func.func @transform_19(%arg0: i32) -> (i32, i32) {
    %c0_i32 = arith.constant 0 : i32
    %c0_i32_0 = arith.constant 0 : i32
    return %arg0, %c0_i32 : i32, i32
  }
}

module attributes {stable_mosaic.version = 14 : i64} {
  func.func @body(%arg0: i32, %arg1: memref<1000x64xf32, #tpu.memory_space<vmem>>, %arg2: memref<1000x64xf32, #tpu.memory_space<vmem>>, %arg3: memref<1000x16xf32, #tpu.memory_space<vmem>>, %arg4: memref<1000x64xf32, #tpu.memory_space<vmem>>, %arg5: memref<1000x64xf32, #tpu.memory_space<vmem>>, %arg6: memref<128x128xf32, #tpu.memory_space<vmem>>, %arg7: memref<128x128xf32, #tpu.memory_space<vmem>>, %arg8: memref<1x128xf32, #tpu.memory_space<vmem>>, %arg9: memref<1000x64xf32, #tpu.memory_space<vmem>>, %arg10: memref<1000x64xf32, #tpu.memory_space<vmem>>, %arg11: memref<1000x16xf32, #tpu.memory_space<vmem>>, %arg12: memref<1000x64xf32, #tpu.memory_space<vmem>>, %arg13: memref<1000x64xf32, #tpu.memory_space<vmem>>, %arg14: memref<128x128xf32, #tpu.memory_space<vmem>>, %arg15: memref<128x128xf32, #tpu.memory_space<vmem>>, %arg16: memref<1x128xf32, #tpu.memory_space<vmem>>, %arg17: memref<1000x128xf32, #tpu.memory_space<vmem>>, %arg18: memref<1000x128xf32, #tpu.memory_space<vmem>>) attributes {dimension_semantics = [#tpu.dimension_semantics<arbitrary>], iteration_bounds = array<i64: 10>, scalar_prefetch = 0 : i64, scratch_operands = 0 : i64, tpu.core_type = #tpu.core_type<tc>, window_params = [{transform_indices = @transform_0, window_bounds = array<i64: 1000, 64>}, {transform_indices = @transform_1, window_bounds = array<i64: 1000, 64>}, {transform_indices = @transform_2, window_bounds = array<i64: 1000, 16>}, {transform_indices = @transform_3, window_bounds = array<i64: 1000, 64>}, {transform_indices = @transform_4, window_bounds = array<i64: 1000, 64>}, {pipeline_mode = #tpu.pipeline_mode<synchronous>, transform_indices = @transform_5, window_bounds = array<i64: 128, 128>}, {pipeline_mode = #tpu.pipeline_mode<synchronous>, transform_indices = @transform_6, window_bounds = array<i64: 128, 128>}, {pipeline_mode = #tpu.pipeline_mode<synchronous>, transform_indices = @transform_7, window_bounds = array<i64: 1, 128>}, {transform_indices = @transform_8, window_bounds = array<i64: 1000, 64>}, {transform_indices = @transform_9, window_bounds = array<i64: 1000, 64>}, {transform_indices = @transform_10, window_bounds = array<i64: 1000, 16>}, {transform_indices = @transform_11, window_bounds = array<i64: 1000, 64>}, {transform_indices = @transform_12, window_bounds = array<i64: 1000, 64>}, {pipeline_mode = #tpu.pipeline_mode<synchronous>, transform_indices = @transform_13, window_bounds = array<i64: 128, 128>}, {pipeline_mode = #tpu.pipeline_mode<synchronous>, transform_indices = @transform_14, window_bounds = array<i64: 128, 128>}, {pipeline_mode = #tpu.pipeline_mode<synchronous>, transform_indices = @transform_15, window_bounds = array<i64: 1, 128>}, {transform_indices = @transform_16, window_bounds = array<i64: 1000, 128>}, {transform_indices = @transform_17, window_bounds = array<i64: 1000, 128>}]} {
    %get3A = arith.constant 0 : index
    %get3A_0 = arith.constant 0 : index
    %get3A_1 = vector.load %arg3[%get3A, %get3A_0] : memref<1000x16xf32, #tpu.memory_space<vmem>>, vector<1000x1xf32>
    %max3A = arith.constant 1.000000e+00 : f32
    %max3A_2 = vector.broadcast %max3A : f32 to vector<1000x1xf32>
    %max3A_3 = arith.maximumf %get3A_1, %max3A_2 : vector<1000x1xf32>
    %get3A_4 = arith.constant 0 : index
    %get3A_5 = arith.constant 0 : index
    %get3A_6 = vector.load %arg1[%get3A_4, %get3A_5] : memref<1000x64xf32, #tpu.memory_space<vmem>>, vector<1000x64xf32>
    %div3A = vector.broadcast %max3A_3 : vector<1000x1xf32> to vector<1000x64xf32>
    %div3A_7 = arith.divf %get3A_6, %div3A : vector<1000x64xf32>
    %get3A_8 = arith.constant 0 : index
    %get3A_9 = arith.constant 0 : index
    %get3A_10 = vector.load %arg2[%get3A_8, %get3A_9] : memref<1000x64xf32, #tpu.memory_space<vmem>>, vector<1000x64xf32>
    %div3A_11 = vector.broadcast %max3A_3 : vector<1000x1xf32> to vector<1000x64xf32>
    %div3A_12 = arith.divf %get3A_10, %div3A_11 : vector<1000x64xf32>
    %get3A_13 = arith.constant 0 : index
    %get3A_14 = arith.constant 0 : index
    %get3A_15 = vector.load %arg6[%get3A_13, %get3A_14] : memref<128x128xf32, #tpu.memory_space<vmem>>, vector<64x128xf32>
    %dot_general3A = arith.constant dense<0.000000e+00> : vector<1000x128xf32>
    %dot_general3A_16 = tpu.matmul %div3A_7, %get3A_15, %dot_general3A {dimension_numbers = #tpu.dot_dimension_numbers<[1], [0], [0], [1], [0, 0, 1, 1], [], []>, transpose_lhs_hint = false} : vector<1000x64xf32>, vector<64x128xf32>, vector<1000x128xf32> -> vector<1000x128xf32>
    %get3A_17 = arith.constant 64 : index
    %get3A_18 = arith.constant 0 : index
    %get3A_19 = vector.load %arg6[%get3A_17, %get3A_18] : memref<128x128xf32, #tpu.memory_space<vmem>>, vector<64x128xf32>
    %dot_general3A_20 = arith.constant dense<0.000000e+00> : vector<1000x128xf32>
    %dot_general3A_21 = tpu.matmul %div3A_12, %get3A_19, %dot_general3A_20 {dimension_numbers = #tpu.dot_dimension_numbers<[1], [0], [0], [1], [0, 0, 1, 1], [], []>, transpose_lhs_hint = false} : vector<1000x64xf32>, vector<64x128xf32>, vector<1000x128xf32> -> vector<1000x128xf32>
    %add3A = arith.addf %dot_general3A_16, %dot_general3A_21 : vector<1000x128xf32>
    %get3A_22 = arith.constant 0 : index
    %get3A_23 = arith.constant 0 : index
    %get3A_24 = vector.load %arg4[%get3A_22, %get3A_23] : memref<1000x64xf32, #tpu.memory_space<vmem>>, vector<1000x64xf32>
    %get3A_25 = arith.constant 0 : index
    %get3A_26 = arith.constant 0 : index
    %get3A_27 = vector.load %arg7[%get3A_25, %get3A_26] : memref<128x128xf32, #tpu.memory_space<vmem>>, vector<64x128xf32>
    %dot_general3A_28 = arith.constant dense<0.000000e+00> : vector<1000x128xf32>
    %dot_general3A_29 = tpu.matmul %get3A_24, %get3A_27, %dot_general3A_28 {dimension_numbers = #tpu.dot_dimension_numbers<[1], [0], [0], [1], [0, 0, 1, 1], [], []>, transpose_lhs_hint = false} : vector<1000x64xf32>, vector<64x128xf32>, vector<1000x128xf32> -> vector<1000x128xf32>
    %add3A_30 = arith.addf %add3A, %dot_general3A_29 : vector<1000x128xf32>
    %get3A_31 = arith.constant 0 : index
    %get3A_32 = arith.constant 0 : index
    %get3A_33 = vector.load %arg5[%get3A_31, %get3A_32] : memref<1000x64xf32, #tpu.memory_space<vmem>>, vector<1000x64xf32>
    %get3A_34 = arith.constant 64 : index
    %get3A_35 = arith.constant 0 : index
    %get3A_36 = vector.load %arg7[%get3A_34, %get3A_35] : memref<128x128xf32, #tpu.memory_space<vmem>>, vector<64x128xf32>
    %dot_general3A_37 = arith.constant dense<0.000000e+00> : vector<1000x128xf32>
    %dot_general3A_38 = tpu.matmul %get3A_33, %get3A_36, %dot_general3A_37 {dimension_numbers = #tpu.dot_dimension_numbers<[1], [0], [0], [1], [0, 0, 1, 1], [], []>, transpose_lhs_hint = false} : vector<1000x64xf32>, vector<64x128xf32>, vector<1000x128xf32> -> vector<1000x128xf32>
    %add3A_39 = arith.addf %add3A_30, %dot_general3A_38 : vector<1000x128xf32>
    %get3A_40 = arith.constant 0 : index
    %get3A_41 = arith.constant 0 : index
    %get3A_42 = vector.load %arg8[%get3A_40, %get3A_41] : memref<1x128xf32, #tpu.memory_space<vmem>>, vector<1x128xf32>
    %add3A_43 = vector.broadcast %get3A_42 : vector<1x128xf32> to vector<1000x128xf32>
    %add3A_44 = arith.addf %add3A_39, %add3A_43 : vector<1000x128xf32>
    %swap3A = arith.constant 0 : index
    %swap3A_45 = arith.constant 0 : index
    %swap3A_46 = vector.load %arg17[%swap3A, %swap3A_45] : memref<1000x128xf32, #tpu.memory_space<vmem>>, vector<1000x128xf32>
    tpu.vector_store %arg17[%swap3A, %swap3A_45], %add3A_44 {strides = array<i32>} : memref<1000x128xf32, #tpu.memory_space<vmem>>, vector<1000x128xf32>,
    %get3A_47 = arith.constant 0 : index
    %get3A_48 = arith.constant 0 : index
    %get3A_49 = vector.load %arg11[%get3A_47, %get3A_48] : memref<1000x16xf32, #tpu.memory_space<vmem>>, vector<1000x1xf32>
    %max3A_50 = arith.constant 1.000000e+00 : f32
    %max3A_51 = vector.broadcast %max3A_50 : f32 to vector<1000x1xf32>
    %max3A_52 = arith.maximumf %get3A_49, %max3A_51 : vector<1000x1xf32>
    %get3A_53 = arith.constant 0 : index
    %get3A_54 = arith.constant 0 : index
    %get3A_55 = vector.load %arg9[%get3A_53, %get3A_54] : memref<1000x64xf32, #tpu.memory_space<vmem>>, vector<1000x64xf32>
    %div3A_56 = vector.broadcast %max3A_52 : vector<1000x1xf32> to vector<1000x64xf32>
    %div3A_57 = arith.divf %get3A_55, %div3A_56 : vector<1000x64xf32>
    %get3A_58 = arith.constant 0 : index
    %get3A_59 = arith.constant 0 : index
    %get3A_60 = vector.load %arg10[%get3A_58, %get3A_59] : memref<1000x64xf32, #tpu.memory_space<vmem>>, vector<1000x64xf32>
    %div3A_61 = vector.broadcast %max3A_52 : vector<1000x1xf32> to vector<1000x64xf32>
    %div3A_62 = arith.divf %get3A_60, %div3A_61 : vector<1000x64xf32>
    %get3A_63 = arith.constant 0 : index
    %get3A_64 = arith.constant 0 : index
    %get3A_65 = vector.load %arg14[%get3A_63, %get3A_64] : memref<128x128xf32, #tpu.memory_space<vmem>>, vector<64x128xf32>
    %dot_general3A_66 = arith.constant dense<0.000000e+00> : vector<1000x128xf32>
    %dot_general3A_67 = tpu.matmul %div3A_57, %get3A_65, %dot_general3A_66 {dimension_numbers = #tpu.dot_dimension_numbers<[1], [0], [0], [1], [0, 0, 1, 1], [], []>, transpose_lhs_hint = false} : vector<1000x64xf32>, vector<64x128xf32>, vector<1000x128xf32> -> vector<1000x128xf32>
    %get3A_68 = arith.constant 64 : index
    %get3A_69 = arith.constant 0 : index
    %get3A_70 = vector.load %arg14[%get3A_68, %get3A_69] : memref<128x128xf32, #tpu.memory_space<vmem>>, vector<64x128xf32>
    %dot_general3A_71 = arith.constant dense<0.000000e+00> : vector<1000x128xf32>
    %dot_general3A_72 = tpu.matmul %div3A_62, %get3A_70, %dot_general3A_71 {dimension_numbers = #tpu.dot_dimension_numbers<[1], [0], [0], [1], [0, 0, 1, 1], [], []>, transpose_lhs_hint = false} : vector<1000x64xf32>, vector<64x128xf32>, vector<1000x128xf32> -> vector<1000x128xf32>
    %add3A_73 = arith.addf %dot_general3A_67, %dot_general3A_72 : vector<1000x128xf32>
    %get3A_74 = arith.constant 0 : index
    %get3A_75 = arith.constant 0 : index
    %get3A_76 = vector.load %arg12[%get3A_74, %get3A_75] : memref<1000x64xf32, #tpu.memory_space<vmem>>, vector<1000x64xf32>
    %get3A_77 = arith.constant 0 : index
    %get3A_78 = arith.constant 0 : index
    %get3A_79 = vector.load %arg15[%get3A_77, %get3A_78] : memref<128x128xf32, #tpu.memory_space<vmem>>, vector<64x128xf32>
    %dot_general3A_80 = arith.constant dense<0.000000e+00> : vector<1000x128xf32>
    %dot_general3A_81 = tpu.matmul %get3A_76, %get3A_79, %dot_general3A_80 {dimension_numbers = #tpu.dot_dimension_numbers<[1], [0], [0], [1], [0, 0, 1, 1], [], []>, transpose_lhs_hint = false} : vector<1000x64xf32>, vector<64x128xf32>, vector<1000x128xf32> -> vector<1000x128xf32>
    %add3A_82 = arith.addf %add3A_73, %dot_general3A_81 : vector<1000x128xf32>
    %get3A_83 = arith.constant 0 : index
    %get3A_84 = arith.constant 0 : index
    %get3A_85 = vector.load %arg13[%get3A_83, %get3A_84] : memref<1000x64xf32, #tpu.memory_space<vmem>>, vector<1000x64xf32>
    %get3A_86 = arith.constant 64 : index
    %get3A_87 = arith.constant 0 : index
    %get3A_88 = vector.load %arg15[%get3A_86, %get3A_87] : memref<128x128xf32, #tpu.memory_space<vmem>>, vector<64x128xf32>
    %dot_general3A_89 = arith.constant dense<0.000000e+00> : vector<1000x128xf32>
    %dot_general3A_90 = tpu.matmul %get3A_85, %get3A_88, %dot_general3A_89 {dimension_numbers = #tpu.dot_dimension_numbers<[1], [0], [0], [1], [0, 0, 1, 1], [], []>, transpose_lhs_hint = false} : vector<1000x64xf32>, vector<64x128xf32>, vector<1000x128xf32> -> vector<1000x128xf32>
    %add3A_91 = arith.addf %add3A_82, %dot_general3A_90 : vector<1000x128xf32>
    %get3A_92 = arith.constant 0 : index
    %get3A_93 = arith.constant 0 : index
    %get3A_94 = vector.load %arg16[%get3A_92, %get3A_93] : memref<1x128xf32, #tpu.memory_space<vmem>>, vector<1x128xf32>
    %add3A_95 = vector.broadcast %get3A_94 : vector<1x128xf32> to vector<1000x128xf32>
    %add3A_96 = arith.addf %add3A_91, %add3A_95 : vector<1000x128xf32>
    %swap3A_97 = arith.constant 0 : index
    %swap3A_98 = arith.constant 0 : index
    %swap3A_99 = vector.load %arg18[%swap3A_97, %swap3A_98] : memref<1000x128xf32, #tpu.memory_space<vmem>>, vector<1000x128xf32>
    tpu.vector_store %arg18[%swap3A_97, %swap3A_98], %add3A_96 {strides = array<i32>} : memref<1000x128xf32, #tpu.memory_space<vmem>>, vector<1000x128xf32>,
    return
  }
  func.func @transform_0(%arg0: i32) -> (i32, i32) {
    %c0_i32 = arith.constant 0 : i32
    %c0_i32_0 = arith.constant 0 : i32
    return %arg0, %c0_i32 : i32, i32
  }
  func.func @transform_1(%arg0: i32) -> (i32, i32) {
    %c0_i32 = arith.constant 0 : i32
    %c0_i32_0 = arith.constant 0 : i32
    return %arg0, %c0_i32 : i32, i32
  }
  func.func @transform_2(%arg0: i32) -> (i32, i32) {
    %c0_i32 = arith.constant 0 : i32
    %c0_i32_0 = arith.constant 0 : i32
    return %arg0, %c0_i32 : i32, i32
  }
  func.func @transform_3(%arg0: i32) -> (i32, i32) {
    %c0_i32 = arith.constant 0 : i32
    %c0_i32_0 = arith.constant 0 : i32
    return %arg0, %c0_i32 : i32, i32
  }
  func.func @transform_4(%arg0: i32) -> (i32, i32) {
    %c0_i32 = arith.constant 0 : i32
    %c0_i32_0 = arith.constant 0 : i32
    return %arg0, %c0_i32 : i32, i32
  }
  func.func @transform_5(%arg0: i32) -> (i32, i32) {
    %c0_i32 = arith.constant 0 : i32
    %c0_i32_0 = arith.constant 0 : i32
    %c0_i32_1 = arith.constant 0 : i32
    return %c0_i32, %c0_i32_0 : i32, i32
  }
  func.func @transform_6(%arg0: i32) -> (i32, i32) {
    %c0_i32 = arith.constant 0 : i32
    %c0_i32_0 = arith.constant 0 : i32
    %c0_i32_1 = arith.constant 0 : i32
    return %c0_i32, %c0_i32_0 : i32, i32
  }
  func.func @transform_7(%arg0: i32) -> (i32, i32) {
    %c0_i32 = arith.constant 0 : i32
    %c0_i32_0 = arith.constant 0 : i32
    %c0_i32_1 = arith.constant 0 : i32
    return %c0_i32, %c0_i32_0 : i32, i32
  }
  func.func @transform_8(%arg0: i32) -> (i32, i32) {
    %c0_i32 = arith.constant 0 : i32
    %c0_i32_0 = arith.constant 0 : i32
    return %arg0, %c0_i32 : i32, i32
  }
  func.func @transform_9(%arg0: i32) -> (i32, i32) {
    %c0_i32 = arith.constant 0 : i32
    %c0_i32_0 = arith.constant 0 : i32
    return %arg0, %c0_i32 : i32, i32
  }
  func.func @transform_10(%arg0: i32) -> (i32, i32) {
    %c0_i32 = arith.constant 0 : i32
    %c0_i32_0 = arith.constant 0 : i32
    return %arg0, %c0_i32 : i32, i32
  }
  func.func @transform_11(%arg0: i32) -> (i32, i32) {
    %c0_i32 = arith.constant 0 : i32
    %c0_i32_0 = arith.constant 0 : i32
    return %arg0, %c0_i32 : i32, i32
  }
  func.func @transform_12(%arg0: i32) -> (i32, i32) {
    %c0_i32 = arith.constant 0 : i32
    %c0_i32_0 = arith.constant 0 : i32
    return %arg0, %c0_i32 : i32, i32
  }
  func.func @transform_13(%arg0: i32) -> (i32, i32) {
    %c0_i32 = arith.constant 0 : i32
    %c0_i32_0 = arith.constant 0 : i32
    %c0_i32_1 = arith.constant 0 : i32
    return %c0_i32, %c0_i32_0 : i32, i32
  }
  func.func @transform_14(%arg0: i32) -> (i32, i32) {
    %c0_i32 = arith.constant 0 : i32
    %c0_i32_0 = arith.constant 0 : i32
    %c0_i32_1 = arith.constant 0 : i32
    return %c0_i32, %c0_i32_0 : i32, i32
  }
  func.func @transform_15(%arg0: i32) -> (i32, i32) {
    %c0_i32 = arith.constant 0 : i32
    %c0_i32_0 = arith.constant 0 : i32
    %c0_i32_1 = arith.constant 0 : i32
    return %c0_i32, %c0_i32_0 : i32, i32
  }
  func.func @transform_16(%arg0: i32) -> (i32, i32) {
    %c0_i32 = arith.constant 0 : i32
    %c0_i32_0 = arith.constant 0 : i32
    return %arg0, %c0_i32 : i32, i32
  }
  func.func @transform_17(%arg0: i32) -> (i32, i32) {
    %c0_i32 = arith.constant 0 : i32
    %c0_i32_0 = arith.constant 0 : i32
    return %arg0, %c0_i32 : i32, i32
  }
}

</mosaic_0001>

<sc_bundles>
// kernel: kernel.10.cloned.1.call-start
scs
__scs_entry_jumppad:
0x0: {  	(pc) =	sbr.rel $0x88, $3  }
0x1: {  	(tag) =	ssettag $0x0;
	lr =	simm.s32 $0x1  }
0x2: {  	[smem:$0x3F8D] =	sst lr;
	_ =	strace $0xD0000000  }
0x3: {  	_ = 	snop  }
0x4: {  	_ = 	snop  }
0x5: {  	_ = 	snop  }
0x6: {  	_ = 	snop  }
0x7: {  	_ = 	snop  }
__scs_overlays_trampoline_lowered:
0x8: {  	[smem:$0x3F9C] =	sst s0  }
0x9: {  	[smem:$0x3F9D] =	sst s1  }
0xa: {  	[smem:$0x3F9E] =	sst s2  }
0xb: {  	[smem:$0x3F9F] =	sst s3  }
0xc: {  	[smem:$0x3FA0] =	sst s4  }
0xd: {  	[smem:$0x3FA1] =	sst s5  }
0xe: {  	[smem:$0x3FA2] =	sst s6  }
0xf: {  	[smem:$0x3FA3] =	sst s7  }
0x10: {  	[smem:$0x3FA4] =	sst s8  }
0x11: {  	[smem:$0x3FA5] =	sst s9;
	s0 =	simm.s32 @!p0 $0x0  }
0x12: {  	s1 =	sld [smem:$0x3F8B];
	s0 =	simm.s32 @p0 $0x1  }
0x13: {  	[smem:$0x3FA6] =	sst s0;
	s0 =	simm.s32 @!p1 $0x0  }
0x14: {  	s2 =	sld [smem:$0x3F8A];
	s0 =	simm.s32 @p1 $0x1  }
0x15: {  	[smem:$0x3FA7] =	sst s0;
	s0 =	simm.s32 @!p2 $0x0  }
0x16: {  	s3 =	sld [smem:$0x3FDB];
	s0 =	simm.s32 @p2 $0x1  }
0x17: {  	s4 =	simm.s32 $0x1BF5;
	[smem:$0x3FA9] =	sst s0  }
0x18: {  	s0 =	sld [smem:$0x3F8C];
	_ =	swait.ge [sflag:s4], $0x0  }
0x19: {  	s7 =	sld [smem:$0x3F8D]  }
0x1a: {  	s8 =	sadd.s32 $0xFFFFE003, lr  }
0x1b: {  	s9 =	sadd.s32 $0xFFFFFEF7, lr;
	s5 =	simm.s32 $0xFFFFFFFF;
	p2 =	slt.u32 s8, $0xFFFFF086  }
0x1c: {  	p1 =	slt.u32 s9, $0xF7A;
	s5 =	simm.s32 @!p2 $0x0  }
0x1d: {  	s5 =	simm.s32 @p1 $0x1;
	p0 =	seq.s32 s7, s2  }
0x1e: {  	s7 =	smul.u32 @!p0 $0xF7A, s2;
	p2 =	seq.s32 @!p0 s5, $0x0  }
0x1f: {  	s9 =	smul.u32 $0xF7A, s1;
	s8 =	simm.s32 @!p0 $0x1BF5;
	p2 =	por !p2, p0  }
0x20: {  	[sflag:s8] =	ssyncset.s32 @!p0 $0xFFFFF086;
	s6 =	sadd.s32 @!p0 s3, s7;
	s7 =	simm.s32 @!p0 $0x108  }
0x21: {  	s3 =	sadd.s32 s3, s9;
	s6 =	sadd.s32 @!p0 $0x88, s6;
	s7 =	simm.s32 @p2 $0x1082  }
0x22: {  	[simem:s7], [sflag:s8] =	dma.local @!p0 [hbm:s6], $0xF7A  }
0x23: {  	s9 =	sor.u32 $0xD0000000, s2;
	s6 =	simm.s32 $0x108;
	_ =	swait.ge @!p0 [sflag:s8], $0x0  }
0x24: {  	s3 =	sadd.s32 $0x88, s3;
	s6 =	simm.s32 @!p1 $0x1082;
	[sflag:s4] =	ssyncset.s32 $0xFFFFF086  }
0x25: {  	[simem:s6], [sflag:s4] =	dma.local [hbm:s3], $0xF7A  }
0x26: {  	[smem:$0x3F8D] =	sst s1;
	(tag) =	ssettag s2;
	_ =	strace s9  }
0x27: {  	s1 =	sld [smem:$0x3F9D]  }
0x28: {  	s2 =	sld [smem:$0x3F9E]  }
0x29: {  	s4 =	sld [smem:$0x3FA0]  }
0x2a: {  	p0 =	seq.s32 s5, $0x0;
	s5 =	sld [smem:$0x3FA1]  }
0x2b: {  	s6 =	sld [smem:$0x3FA2]  }
0x2c: {  	s7 =	sld [smem:$0x3FA3]  }
0x2d: {  	s3 =	simm.s32 $0x108;
	s8 =	sld [smem:$0x3FA4]  }
0x2e: {  	s3 =	simm.s32 @!p0 $0x1082;
	s9 =	sld [smem:$0x3FA5]  }
0x2f: {  	lr =	sadd.s32 s0, s3;
	s0 =	sld [smem:$0x3F9C]  }
0x30: {  	s3 =	sld [smem:$0x3F9F]  }
0x31: {  	[smem:$0x3FA8] =	sst s10  }
0x32: {  	s10 =	sld [smem:$0x3FA6];
	_ =	sdelay $0x3  }
0x33: {  	p0 =	seq.s32 s10, $0x1;
	s10 =	sld [smem:$0x3FA8];
	_ =	sdelay $0x3  }
0x34: {  	[smem:$0x3FA8] =	sst s10  }
0x35: {  	s10 =	sld [smem:$0x3FA7];
	_ =	sdelay $0x3  }
0x36: {  	p1 =	seq.s32 s10, $0x1;
	s10 =	sld [smem:$0x3FA8];
	_ =	sdelay $0x3  }
0x37: {  	[smem:$0x3FA8] =	sst s10  }
0x38: {  	s10 =	sld [smem:$0x3FA9]  }
0x39: {  	_ = 	snop;
	(pc) =	sbr.ind lr, $3  }
0x3a: {  	_ = 	snop  }
0x3b: {  	_ = 	snop  }
0x3c: {  	p2 =	seq.s32 s10, $0x1;
	s10 =	sld [smem:$0x3FA8]  }
0x3d: {  	_ =	shalt  }
0x3e: {  	_ =	shalt  }
0x3f: {  	_ =	shalt  }
0x40: {  	_ =	shalt  }
0x41: {  	_ =	shalt  }
0x42: {  	_ =	shalt  }
0x43: {  	_ =	shalt  }
0x44: {  	_ =	shalt  }
0x45: {  	_ =	shalt  }
0x46: {  	_ =	shalt  }
0x47: {  	_ =	shalt  }
0x48: {  	_ =	shalt  }
0x49: {  	_ =	shalt  }
0x4a: {  	_ =	shalt  }
0x4b: {  	_ =	shalt  }
0x4c: {  	_ =	shalt  }
0x4d: {  	_ =	shalt  }
0x4e: {  	_ =	shalt  }
0x4f: {  	_ =	shalt  }
0x50: {  	_ =	shalt  }
0x51: {  	_ =	shalt  }
0x52: {  	_ =	shalt  }
0x53: {  	_ =	shalt  }
0x54: {  	_ =	shalt  }
0x55: {  	_ =	shalt  }
0x56: {  	_ =	shalt  }
0x57: {  	_ =	shalt  }
0x58: {  	_ =	shalt  }
0x59: {  	_ =	shalt  }
0x5a: {  	_ =	shalt  }
0x5b: {  	_ =	shalt  }
0x5c: {  	_ =	shalt  }
0x5d: {  	_ =	shalt  }
0x5e: {  	_ =	shalt  }
0x5f: {  	_ =	shalt  }
0x60: {  	_ =	shalt  }
0x61: {  	_ =	shalt  }
0x62: {  	_ =	shalt  }
0x63: {  	_ =	shalt  }
0x64: {  	_ =	shalt  }
0x65: {  	_ =	shalt  }
0x66: {  	_ =	shalt  }
0x67: {  	_ =	shalt  }
0x68: {  	_ =	shalt  }
0x69: {  	_ =	shalt  }
0x6a: {  	_ =	shalt  }
0x6b: {  	_ =	shalt  }
0x6c: {  	_ =	shalt  }
0x6d: {  	_ =	shalt  }
0x6e: {  	_ =	shalt  }
0x6f: {  	_ =	shalt  }
0x70: {  	_ =	shalt  }
0x71: {  	_ =	shalt  }
0x72: {  	_ =	shalt  }
0x73: {  	_ =	shalt  }
0x74: {  	_ =	shalt  }
0x75: {  	_ =	shalt  }
0x76: {  	_ =	shalt  }
0x77: {  	_ =	shalt  }
0x78: {  	_ =	shalt  }
0x79: {  	_ =	shalt  }
0x7a: {  	_ =	shalt  }
0x7b: {  	_ =	shalt  }
0x7c: {  	_ =	shalt  }
0x7d: {  	_ =	shalt  }
0x7e: {  	_ =	shalt  }
0x7f: {  	_ =	shalt  }
0x80: {  	_ =	shalt  }
0x81: {  	_ =	shalt  }
0x82: {  	_ =	shalt  }
0x83: {  	_ =	shalt  }
0x84: {  	_ =	shalt  }
0x85: {  	_ =	shalt  }
0x86: {  	_ =	shalt  }
0x87: {  	_ =	shalt  }
.Lfunc_end0:
.L_simem_size_0:
called_computation.1_lowered:
.L_overlay_start_0:
0x88: {  	s2 =	sld [smem:$0x3FD9]  }
0x89: {  	s3 =	sld [smem:$0x3FFE];
	_ =	sdelay $0x1  }
0x8a: {  	s1 =	srdreg.scid  }
0x8b: {  	s0 =	sand.u32 $0x1, s1  }
0x8c: {  	s14 =	sshll.u32 s0, $0xA;
	s2 =	sadd.s32 s3, s2  }
0x8d: {  	s2 =	sadd.s32 s2, s14  }
0x8e: {  	[smem:$0x3FB4] =	sst s2  }
0x8f: {  	_ = 	snop  }
0x90: {  	s2 =	sld [smem:$0x3FD0];
	_ =	sdelay $0x2  }
0x91: {  	s15 =	simm.s32 $0xA;
	s4 =	simm.s32 $0x10  }
0x92: {  	[smem:s4], [sflag:s15] =	dma.local [hbm:s2], $0x1  }
0x93: {  	_ =	swait.eq [sflag:s15], $0x1  }
0x94: {  	[sflag:s15] =	ssyncset.done $0x0  }
0x95: {  	s16 =	sld [smem:$0x10];
	[sflag:s15] =	ssyncadd.s32 $0xFFFFFFFF  }
0x96: {  	s17 =	sld [smem:$0x11];
	(tm) =	ssettm $0x1  }
0x97: {  	s18 =	sld [smem:$0x3FFB];
	_ =	sdelay $0x3  }
0x98: {  	_ =	strace s18  }
0x99: {  	s4 =	sld [smem:$0x3FFC];
	_ =	sdelay $0x3  }
0x9a: {  	_ =	strace s4  }
0x9b: {  	s4 =	sld [smem:$0x3FFD];
	_ =	sdelay $0x3  }
0x9c: {  	_ =	strace s4  }
0x9d: {  	_ =	strace $0x8FFFFFFF  }
0x9e: {  	s19 =	sld [smem:$0x3FDB];
	_ =	sdelay $0x1  }
0x9f: {  	s5 =	simm.s32 $_scs_section_size  }
0xa0: {  	s6 =	simm.s32 $_size__tile_overlayer_lowered;
	s7 =	simm.s32 $_tile_overlayer_lowered  }
0xa1: {  	s22 =	simm.s32 $0x1BFF;
	s21 =	sshll.u32 s7, $0x1;
	s4 =	sadd.s32 s5, s19  }
0xa2: {  	s8 =	simm.s32 $0x0;
	s20 =	sshll.u32 s6, $0x1;
	s6 =	sadd.s32 s21, s4  }
0xa3: {  	[timem:s8], [sflag:s22] =	dma.local [hbm:s6], s20  }
0xa4: {  	_ =	swait.ge [sflag:s22], s20  }
0xa5: {  	s5 =	ssub.s32 $0x0, s20;
	[sflag:s22] =	ssyncset.done $0x0  }
0xa6: {  	[sflag:s22] =	ssyncadd.s32 s5;
	_ =	sdelay $0x1  }
0xa7: {  	s23 =	simm.s32 $0x1B8B  }
0xa8: {  	_ =	swait.ge [sflag:s23], $0x1  }
0xa9: {  	[sflag:s23] =	ssyncset.done $0x0  }
0xaa: {  	s25 =	simm.s32 $0x1B8E;
	s24 =	sld [smem:$0x3FFE];
	[sflag:s23] =	ssyncadd.s32 $0xFFFFFFFF  }
0xab: {  	s26 =	simm.s32 $execute0_lowered;
	[smem:$0x3FD2] =	sst s25  }
0xac: {  	s6 =	sshll.u32 s26, $0x1;
	_ =	strace $0x80000049;
	[dreg:$0x1] =	wrdreg $0xFFFFFFFF  }
0xad: {  	s28 =	simm.s32 $_size_execute0_lowered;
	s4 =	sadd.s32 s4, s6;
	[dreg:$0x0] =	wrdreg $0x0  }
0xae: {  	s6 =	sshll.u32 s28, $0x1;
	[dreg:$0x2] =	wrdreg s4  }
0xaf: {  	[dreg:$0x3] =	wrdreg s6  }
0xb0: {  	[dreg:$0x4] =	wrdreg $0xC0  }
0xb1: {  	_ =	task [dreg:s8], $0x5FFFF  }
0xb2: {  	[dreg:$0x1] =	wrdreg $0xFFFFFFFF  }
0xb3: {  	[dreg:$0x0] =	wrdreg $0x60  }
0xb4: {  	[dreg:$0x2] =	wrdreg s24  }
0xb5: {  	[dreg:$0x3] =	wrdreg s16  }
0xb6: {  	[dreg:$0x4] =	wrdreg s17  }
0xb7: {  	[dreg:$0x5] =	wrdreg $0xDE000  }
0xb8: {  	[dreg:$0x6] =	wrdreg $0x9  }
0xb9: {  	_ =	task.clear_ibuf [dreg:s8], $0x7FFFF;
	_ =	strace $0x90000049  }
0xba: {  	s29 =	simm.s32 $0x9;
	_ =	strace $0x8000004B  }
0xbb: {  	_ =	swait.ge [sflag:s29], $0x1  }
0xbc: {  	[sflag:s29] =	ssyncadd.s32 $0xFFFFFFFF  }
0xbd: {  	_ =	strace $0x9000004B  }
0xbe: {  	_ =	sfence  }
0xbf: {  	s30 =	sld [smem:$0x0];
	_ =	sdelay $0x2  }
0xc0: {  	s31 =	sshll.u32 s1, $0xD;
	s1 =	sshrl.u32 s1, $0x2  }
0xc1: {  	s3 =	sand.u32 $0x4000, s31;
	s1 =	sadd.s32 s1, s30  }
0xc2: {  	s0 =	sor.u32 s3, s0;
	s1 =	sshll.u32 s1, $0x11  }
0xc3: {  	s0 =	sor.u32 s1, s0  }
0xc4: {  	s0 =	sadd.s32 $0x8F2B, s0  }
0xc5: {  	[sflag:s0] =	ssyncadd.remote.s32 $0x1  }
0xc6: {  	_ =	sfence.sel $0xFFFF  }
0xc7: {  	[dreg:$0x0] =	wrdreg $0xFFFFFFFF;
	(pc) =	sbr.abs _section_cstart, $3  }
0xc8: {  	[dreg:$0x1] =	wrdreg $0xFFFFFFFF  }
0xc9: {  	_ =	task.clear_ibuf [dreg:s8], $0x2FFFF;
	_ =	strace $0x9FFFFFFF  }
0xca: {  	(tm) =	ssettm $0x7FFFFFFF  }
0xcb: {  	_ =	shalt  }
tec
execute0_lowered:
.L_overlay_start_1:
0x0: {  	(tag) =	ssettag $0x1  }
0x1: {  	s0 =	rddreg [dreg:$0x0]  }
0x2: {  	s3 =	rddreg [dreg:$0x3];
	s4 =	simm.s32 $0x0;
	s2 =	srdreg.scid  }
0x3: {  	s11 =	stileid.u32;
	s21 =	simm.s32 $0x5;
	s22 =	simm.s32 $0x4F00  }
0x4: {  	s23 =	simm.s32 $0x80;
	s24 =	simm.s32 $0x9E00;
	s28 =	simm.s32 $0x2  }
0x5: {  	s29 =	simm.s32 $0x3;
	s30 =	simm.s32 $0x4;
	s31 =	simm.s32 $0x9D00  }
0x6: {  	[smem:$0x7FF] =	sst s4;
	s5 =	sadd.s32 $0xC9C00, s0;
	s6 =	sadd.s32 $0xDD600, s0  }
0x7: {  	s7 =	sadd.s32 $0xF1000, s0;
	s9 =	sadd.s32 $0x104A00, s0;
	s1 =	sadd.s32 $0x17800, s0  }
0x8: {  	s8 =	sadd.s32 $0x3C00, s0;
	s2 =	sand.u32 $0x1, s2;
	s14 =	smul.u32 $0x4F00, s11  }
0x9: {  	s10 =	sadd.s32 $0xC8800, s0;
	s12 =	sadd.s32 $0x2B400, s0;
	s16 =	smul.u32 $0x9E00, s11  }
0xa: {  	s26 =	sshll.u32 s11, $0x6;
	_ =	strace $0x8000004A;
	s13 =	ssub.s32 $0x2, s2  }
0xb: {  	[dreg:$0x5] =	wrdreg s12;
	s12 =	sadd.s32 $0x3F000, s0;
	p0 =	sne.s32 s2, $0x0  }
0xc: {  	s0 =	simm.s32 $0x9D80;
	s15 =	sshrl.u32 s13, $0x1;
	s17 =	sshrl.u32 s14, $0x3  }
.Ltmp0:
0xd: {  	s20 =	sadd.s32 s16, s3;
	s16 =	sshrl.u32 s16, $0x3;
	(pc) =	sbr.rel .LBB2_1-.Ltmp0, $4  }
0xe: {  	s25 =	ssub.s32 s13, s15;
	s18 =	sadd.s32 $0x9E00, s17;
	s13 =	sor.u32 $0x1C05, s26  }
0xf: {  	s14 =	sadd.s32 s1, s17;
	s17 =	sadd.s32 s8, s17;
	s20 =	sshrl.u32 s20, $0x3  }
0x10: {  	s26 =	simm.s32 $0x1;
	s15 =	sadd.s32 s1, s18;
	s18 =	sadd.s32 s8, s18  }
0x11: {  	s19 =	smax.u32 s25, $0x1;
	s25 =	simm.s32 $0xBE00;
	s8 =	simm.s32 $0x0  }
.LBB2_14:
0x12: {  	[tilespmem:s25], [sflag:$0x2] =	stream.indirect.gather [hbm4b:s9+s23], $0x40, s2, s23, $0xb8;
	[tilespmem:$0x17C00] =	vst v63  }
0x13: {  	s1 =	smov.u32 s12  }
.LBB2_15:
0x14: {  	_ =	swait.ge [sflag:s26], $0x2000  }
0x15: {  	[sflag:s26] =	ssyncset.done $0x0  }
0x16: {  	[sflag:s26] =	ssyncadd.s32 $0xFFFFE000  }
0x17: {  	[spmem:s3] =	stream.indirect.scatter.add.f32 [tilespmem:s24], [sflag:$0x3], $0x40, s31, s23, $0xb8;
	[tilespmem:$0x17C00] =	vst v63  }
0x18: {  	_ =	swait.ge [sflag:s28], $0x2000  }
0x19: {  	[sflag:s28] =	ssyncset.done $0x0  }
0x1a: {  	[sflag:s28] =	ssyncadd.s32 $0xFFFFE000  }
0x1b: {  	[spmem:s3] =	stream.indirect.scatter.add.f32 [tilespmem:s25], [sflag:$0x4], $0x40, s0, s23, $0xb8;
	[tilespmem:$0x17C00] =	vst v63  }
0x1c: {  	_ =	swait.ge [sflag:s29], $0x2000  }
0x1d: {  	[sflag:s29] =	ssyncset.done $0x0  }
0x1e: {  	[sflag:s29] =	ssyncadd.s32 $0xFFFFE000  }
0x1f: {  	_ =	swait.ge [sflag:s30], $0x2000  }
0x20: {  	s8 =	sadd.s32 $0x1, s8;
	[sflag:s30] =	ssyncset.done $0x0  }
0x21: {  	p1 =	sne.s32 s8, s19;
	[sflag:s30] =	ssyncadd.s32 $0xFFFFE000  }
.Ltmp1:
0x22: {  	s1 =	sadd.s32 s1, s16;
	[bflag:$0x0] =	sbarrier.arrive $0xFFFF;
	(pc) =	sbr.rel @!p1 .LBB2_16-.Ltmp1, $4  }
0x23: {  	[hbm:s1], [sflag:s13] =	dma.local [spmem:s20], $0x13C0  }
0x24: {  	_ =	swait.ge [sflag:s21], $0x13C0  }
0x25: {  	[sflag:s21] =	ssyncset.done $0x0  }
0x26: {  	[sflag:s21] =	ssyncadd.s32 $0xFFFFEC40  }
.LBB2_1:
0x27: {  	[spmem:s20], [sflag:s13] =	dma.local [hbm:s10], $0x13C0  }
0x28: {  	_ =	swait.ge [sflag:s21], $0x13C0  }
0x29: {  	[sflag:s21] =	ssyncset.done $0x0  }
0x2a: {  	[sflag:s21] =	ssyncadd.s32 $0xFFFFEC40  }
0x2b: {  	[bflag:$0x0] =	sbarrier.arrive $0xFFFF  }
0x2c: {  	[tilespmem:s4], [sflag:$0x5] =	stream.linear.gather [hbm4b:s14+s4], $0x4F00, $0x38;
	[tilespmem:$0x17C00] =	vst v63  }
0x2d: {  	_ =	swait.ge [sflag:s21], $0x4F00  }
0x2e: {  	[sflag:s21] =	ssyncset.done $0x0  }
.Ltmp2:
0x2f: {  	[sflag:s21] =	ssyncadd.s32 $0xFFFFB100;
	(pc) =	sbr.rel @p0 .LBB2_5-.Ltmp2, $4  }
0x30: {  	[tilespmem:s22], [sflag:$0x5] =	stream.linear.gather [hbm4b:s15+s4], $0x4F00, $0x38;
	[tilespmem:$0x17C00] =	vst v63  }
0x31: {  	_ =	swait.ge [sflag:s21], $0x4F00  }
0x32: {  	[sflag:s21] =	ssyncset.done $0x0  }
0x33: {  	s1 =	simm.s32 $0x0;
	[sflag:s21] =	ssyncadd.s32 $0xFFFFB100  }
0x34: {  	[tilespmem:s24], [sflag:$0x1] =	stream.indirect.gather [hbm4b:s5+s23], $0x40, s1, s23, $0xb8;
	[tilespmem:$0x17C00] =	vst v63  }
0x35: {  	_ = 	snop  }
0x36: {  	[tilespmem:s25], [sflag:$0x2] =	stream.indirect.gather [hbm4b:s5+s23], $0x40, s23, s23, $0xb8;
	[tilespmem:$0x17C00] =	vst v63  }
0x37: {  	_ =	swait.ge [sflag:s26], $0x2000  }
0x38: {  	[sflag:s26] =	ssyncset.done $0x0  }
0x39: {  	s11 =	simm.s32 $0x4F00;
	[sflag:s26] =	ssyncadd.s32 $0xFFFFE000  }
0x3a: {  	[spmem:s3] =	stream.indirect.scatter.add.f32 [tilespmem:s24], [sflag:$0x3], $0x40, s11, s23, $0xb8;
	[tilespmem:$0x17C00] =	vst v63  }
0x3b: {  	_ =	swait.ge [sflag:s28], $0x2000  }
0x3c: {  	[sflag:s28] =	ssyncset.done $0x0  }
0x3d: {  	s2 =	simm.s32 $0x4F80;
	[sflag:s28] =	ssyncadd.s32 $0xFFFFE000  }
0x3e: {  	[spmem:s3] =	stream.indirect.scatter.add.f32 [tilespmem:s25], [sflag:$0x4], $0x40, s2, s23, $0xb8;
	[tilespmem:$0x17C00] =	vst v63  }
0x3f: {  	_ =	swait.ge [sflag:s29], $0x2000  }
0x40: {  	[sflag:s29] =	ssyncset.done $0x0  }
0x41: {  	s11 =	simm.s32 $0x100;
	[sflag:s29] =	ssyncadd.s32 $0xFFFFE000  }
0x42: {  	[tilespmem:s24], [sflag:$0x1] =	stream.indirect.gather [hbm4b:s5+s23], $0x40, s11, s23, $0xb8;
	[tilespmem:$0x17C00] =	vst v63  }
0x43: {  	_ =	swait.ge [sflag:s30], $0x2000  }
0x44: {  	[sflag:s30] =	ssyncset.done $0x0  }
0x45: {  	s1 =	simm.s32 $0x400;
	s2 =	simm.s32 $0x180;
	[sflag:s30] =	ssyncadd.s32 $0xFFFFE000  }
.LBB2_3:
0x46: {  	[tilespmem:s25], [sflag:$0x2] =	stream.indirect.gather [hbm4b:s5+s23], $0x40, s2, s23, $0xb8;
	[tilespmem:$0x17C00] =	vst v63  }
0x47: {  	s2 =	smov.u32 s1  }
0x48: {  	p1 =	seq.s32 s1, $0x13400;
	s1 =	sadd.s32 $0x400, s1;
	_ =	swait.ge [sflag:s26], $0x2000  }
0x49: {  	s2 =	sshra.s32 s2, $0x2;
	[sflag:s26] =	ssyncset.done $0x0  }
0x4a: {  	s11 =	sadd.s32 $0x4F00, s2;
	[sflag:s26] =	ssyncadd.s32 $0xFFFFE000  }
0x4b: {  	[spmem:s3] =	stream.indirect.scatter.add.f32 [tilespmem:s24], [sflag:$0x3], $0x40, s11, s23, $0xb8;
	[tilespmem:$0x17C00] =	vst v63  }
0x4c: {  	_ =	swait.ge [sflag:s28], $0x2000  }
0x4d: {  	[sflag:s28] =	ssyncset.done $0x0  }
0x4e: {  	s11 =	sadd.s32 $0x4F80, s2;
	[sflag:s28] =	ssyncadd.s32 $0xFFFFE000  }
0x4f: {  	[spmem:s3] =	stream.indirect.scatter.add.f32 [tilespmem:s25], [sflag:$0x4], $0x40, s11, s23, $0xb8;
	[tilespmem:$0x17C00] =	vst v63  }
0x50: {  	_ =	swait.ge [sflag:s29], $0x2000  }
0x51: {  	[sflag:s29] =	ssyncset.done $0x0  }
.Ltmp3:
0x52: {  	s11 =	sadd.s32 $0x100, s2;
	[sflag:s29] =	ssyncadd.s32 $0xFFFFE000;
	(pc) =	sbr.rel @!p1 .LBB2_3-.Ltmp3, $4  }
0x53: {  	[tilespmem:s24], [sflag:$0x1] =	stream.indirect.gather [hbm4b:s5+s23], $0x40, s11, s23, $0xb8;
	[tilespmem:$0x17C00] =	vst v63  }
0x54: {  	_ =	swait.ge [sflag:s30], $0x2000  }
0x55: {  	[sflag:s30] =	ssyncset.done $0x0  }
0x56: {  	s2 =	sadd.s32 $0x180, s2;
	[sflag:s30] =	ssyncadd.s32 $0xFFFFE000  }
.Ltmp4:
0x57: {  	(pc) =	sbr.rel .LBB2_8-.Ltmp4, $3  }
0x58: {  	_ =	sdelay $0x1  }
0x59: {  	[tilespmem:s25], [sflag:$0x2] =	stream.indirect.gather [hbm4b:s5+s23], $0x40, s2, s23, $0xb8;
	[tilespmem:$0x17C00] =	vst v63  }
0x5a: {  	s1 =	rddreg [dreg:$0x1]  }
.LBB2_5:
0x5b: {  	[tilespmem:s24], [sflag:$0x1] =	stream.indirect.gather [hbm4b:s6+s23], $0x40, s1, s23, $0xb8;
	[tilespmem:$0x17C00] =	vst v63  }
0x5c: {  	_ = 	snop  }
0x5d: {  	[tilespmem:s25], [sflag:$0x2] =	stream.indirect.gather [hbm4b:s6+s23], $0x40, s23, s23, $0xb8;
	[tilespmem:$0x17C00] =	vst v63  }
0x5e: {  	_ =	swait.ge [sflag:s26], $0x2000  }
0x5f: {  	[sflag:s26] =	ssyncset.done $0x0  }
0x60: {  	s11 =	simm.s32 $0x4F00;
	[sflag:s26] =	ssyncadd.s32 $0xFFFFE000  }
0x61: {  	[spmem:s3] =	stream.indirect.scatter.add.f32 [tilespmem:s24], [sflag:$0x3], $0x40, s11, s23, $0xb8;
	[tilespmem:$0x17C00] =	vst v63  }
0x62: {  	_ =	swait.ge [sflag:s28], $0x2000  }
0x63: {  	[sflag:s28] =	ssyncset.done $0x0  }
0x64: {  	s2 =	simm.s32 $0x4F80;
	[sflag:s28] =	ssyncadd.s32 $0xFFFFE000  }
0x65: {  	[spmem:s3] =	stream.indirect.scatter.add.f32 [tilespmem:s25], [sflag:$0x4], $0x40, s2, s23, $0xb8;
	[tilespmem:$0x17C00] =	vst v63  }
0x66: {  	_ =	swait.ge [sflag:s29], $0x2000  }
0x67: {  	[sflag:s29] =	ssyncset.done $0x0  }
0x68: {  	s11 =	simm.s32 $0x100;
	[sflag:s29] =	ssyncadd.s32 $0xFFFFE000  }
0x69: {  	[tilespmem:s24], [sflag:$0x1] =	stream.indirect.gather [hbm4b:s6+s23], $0x40, s11, s23, $0xb8;
	[tilespmem:$0x17C00] =	vst v63  }
0x6a: {  	_ =	swait.ge [sflag:s30], $0x2000  }
0x6b: {  	[sflag:s30] =	ssyncset.done $0x0  }
0x6c: {  	s1 =	simm.s32 $0x400;
	s2 =	simm.s32 $0x180;
	[sflag:s30] =	ssyncadd.s32 $0xFFFFE000  }
.LBB2_6:
0x6d: {  	[tilespmem:s25], [sflag:$0x2] =	stream.indirect.gather [hbm4b:s6+s23], $0x40, s2, s23, $0xb8;
	[tilespmem:$0x17C00] =	vst v63  }
0x6e: {  	s2 =	smov.u32 s1  }
0x6f: {  	p1 =	sne.s32 s1, $0x13400;
	s1 =	sadd.s32 $0x400, s1;
	_ =	swait.ge [sflag:s26], $0x2000  }
0x70: {  	s2 =	sshra.s32 s2, $0x2;
	[sflag:s26] =	ssyncset.done $0x0  }
0x71: {  	s11 =	sadd.s32 $0x4F00, s2;
	[sflag:s26] =	ssyncadd.s32 $0xFFFFE000  }
0x72: {  	[spmem:s3] =	stream.indirect.scatter.add.f32 [tilespmem:s24], [sflag:$0x3], $0x40, s11, s23, $0xb8;
	[tilespmem:$0x17C00] =	vst v63  }
0x73: {  	_ =	swait.ge [sflag:s28], $0x2000  }
0x74: {  	[sflag:s28] =	ssyncset.done $0x0  }
0x75: {  	s11 =	sadd.s32 $0x4F80, s2;
	[sflag:s28] =	ssyncadd.s32 $0xFFFFE000  }
0x76: {  	[spmem:s3] =	stream.indirect.scatter.add.f32 [tilespmem:s25], [sflag:$0x4], $0x40, s11, s23, $0xb8;
	[tilespmem:$0x17C00] =	vst v63  }
0x77: {  	_ =	swait.ge [sflag:s29], $0x2000  }
0x78: {  	[sflag:s29] =	ssyncset.done $0x0  }
.Ltmp5:
0x79: {  	s11 =	sadd.s32 $0x100, s2;
	[sflag:s29] =	ssyncadd.s32 $0xFFFFE000;
	(pc) =	sbr.rel @p1 .LBB2_6-.Ltmp5, $4  }
0x7a: {  	[tilespmem:s24], [sflag:$0x1] =	stream.indirect.gather [hbm4b:s6+s23], $0x40, s11, s23, $0xb8;
	[tilespmem:$0x17C00] =	vst v63  }
0x7b: {  	_ =	swait.ge [sflag:s30], $0x2000  }
0x7c: {  	[sflag:s30] =	ssyncset.done $0x0  }
0x7d: {  	s2 =	sadd.s32 $0x180, s2;
	[sflag:s30] =	ssyncadd.s32 $0xFFFFE000  }
0x7e: {  	[tilespmem:s25], [sflag:$0x2] =	stream.indirect.gather [hbm4b:s6+s23], $0x40, s2, s23, $0xb8;
	[tilespmem:$0x17C00] =	vst v63  }
0x7f: {  	s1 =	rddreg [dreg:$0x2]  }
.LBB2_8:
0x80: {  	_ =	swait.ge [sflag:s26], $0x2000  }
0x81: {  	[sflag:s26] =	ssyncset.done $0x0  }
0x82: {  	[sflag:s26] =	ssyncadd.s32 $0xFFFFE000  }
0x83: {  	[spmem:s3] =	stream.indirect.scatter.add.f32 [tilespmem:s24], [sflag:$0x3], $0x40, s31, s23, $0xb8;
	[tilespmem:$0x17C00] =	vst v63  }
0x84: {  	_ =	swait.ge [sflag:s28], $0x2000  }
0x85: {  	[sflag:s28] =	ssyncset.done $0x0  }
0x86: {  	[sflag:s28] =	ssyncadd.s32 $0xFFFFE000  }
0x87: {  	[spmem:s3] =	stream.indirect.scatter.add.f32 [tilespmem:s25], [sflag:$0x4], $0x40, s0, s23, $0xb8;
	[tilespmem:$0x17C00] =	vst v63  }
0x88: {  	_ =	swait.ge [sflag:s29], $0x2000  }
0x89: {  	[sflag:s29] =	ssyncset.done $0x0  }
0x8a: {  	[sflag:s29] =	ssyncadd.s32 $0xFFFFE000  }
0x8b: {  	_ =	swait.ge [sflag:s30], $0x2000  }
0x8c: {  	[sflag:s30] =	ssyncset.done $0x0  }
0x8d: {  	[sflag:s30] =	ssyncadd.s32 $0xFFFFE000  }
0x8e: {  	s1 =	sadd.s32 s1, s16;
	[bflag:$0x0] =	sbarrier.arrive $0xFFFF  }
0x8f: {  	[hbm:s1], [sflag:s13] =	dma.local [spmem:s20], $0x13C0  }
0x90: {  	_ =	swait.ge [sflag:s21], $0x13C0  }
0x91: {  	[sflag:s21] =	ssyncset.done $0x0  }
0x92: {  	[sflag:s21] =	ssyncadd.s32 $0xFFFFEC40  }
0x93: {  	[spmem:s20], [sflag:s13] =	dma.local [hbm:s10], $0x13C0  }
0x94: {  	_ =	swait.ge [sflag:s21], $0x13C0  }
0x95: {  	[sflag:s21] =	ssyncset.done $0x0  }
0x96: {  	[sflag:s21] =	ssyncadd.s32 $0xFFFFEC40  }
0x97: {  	[bflag:$0x0] =	sbarrier.arrive $0xFFFF  }
0x98: {  	[tilespmem:s4], [sflag:$0x5] =	stream.linear.gather [hbm4b:s17+s4], $0x4F00, $0x38;
	[tilespmem:$0x17C00] =	vst v63  }
0x99: {  	_ =	swait.ge [sflag:s21], $0x4F00  }
0x9a: {  	[sflag:s21] =	ssyncset.done $0x0  }
.Ltmp6:
0x9b: {  	[sflag:s21] =	ssyncadd.s32 $0xFFFFB100;
	(pc) =	sbr.rel @p0 .LBB2_12-.Ltmp6, $4  }
0x9c: {  	[tilespmem:s22], [sflag:$0x5] =	stream.linear.gather [hbm4b:s18+s4], $0x4F00, $0x38;
	[tilespmem:$0x17C00] =	vst v63  }
0x9d: {  	_ =	swait.ge [sflag:s21], $0x4F00  }
0x9e: {  	[sflag:s21] =	ssyncset.done $0x0  }
0x9f: {  	s1 =	simm.s32 $0x0;
	[sflag:s21] =	ssyncadd.s32 $0xFFFFB100  }
0xa0: {  	[tilespmem:s24], [sflag:$0x1] =	stream.indirect.gather [hbm4b:s7+s23], $0x40, s1, s23, $0xb8;
	[tilespmem:$0x17C00] =	vst v63  }
0xa1: {  	_ = 	snop  }
0xa2: {  	[tilespmem:s25], [sflag:$0x2] =	stream.indirect.gather [hbm4b:s7+s23], $0x40, s23, s23, $0xb8;
	[tilespmem:$0x17C00] =	vst v63  }
0xa3: {  	_ =	swait.ge [sflag:s26], $0x2000  }
0xa4: {  	[sflag:s26] =	ssyncset.done $0x0  }
0xa5: {  	s11 =	simm.s32 $0x4F00;
	[sflag:s26] =	ssyncadd.s32 $0xFFFFE000  }
0xa6: {  	[spmem:s3] =	stream.indirect.scatter.add.f32 [tilespmem:s24], [sflag:$0x3], $0x40, s11, s23, $0xb8;
	[tilespmem:$0x17C00] =	vst v63  }
0xa7: {  	_ =	swait.ge [sflag:s28], $0x2000  }
0xa8: {  	[sflag:s28] =	ssyncset.done $0x0  }
0xa9: {  	s2 =	simm.s32 $0x4F80;
	[sflag:s28] =	ssyncadd.s32 $0xFFFFE000  }
0xaa: {  	[spmem:s3] =	stream.indirect.scatter.add.f32 [tilespmem:s25], [sflag:$0x4], $0x40, s2, s23, $0xb8;
	[tilespmem:$0x17C00] =	vst v63  }
0xab: {  	_ =	swait.ge [sflag:s29], $0x2000  }
0xac: {  	[sflag:s29] =	ssyncset.done $0x0  }
0xad: {  	s11 =	simm.s32 $0x100;
	[sflag:s29] =	ssyncadd.s32 $0xFFFFE000  }
0xae: {  	[tilespmem:s24], [sflag:$0x1] =	stream.indirect.gather [hbm4b:s7+s23], $0x40, s11, s23, $0xb8;
	[tilespmem:$0x17C00] =	vst v63  }
0xaf: {  	_ =	swait.ge [sflag:s30], $0x2000  }
0xb0: {  	[sflag:s30] =	ssyncset.done $0x0  }
0xb1: {  	s1 =	simm.s32 $0x400;
	s2 =	simm.s32 $0x180;
	[sflag:s30] =	ssyncadd.s32 $0xFFFFE000  }
.LBB2_10:
0xb2: {  	[tilespmem:s25], [sflag:$0x2] =	stream.indirect.gather [hbm4b:s7+s23], $0x40, s2, s23, $0xb8;
	[tilespmem:$0x17C00] =	vst v63  }
0xb3: {  	s2 =	smov.u32 s1  }
0xb4: {  	p1 =	seq.s32 s1, $0x13400;
	s1 =	sadd.s32 $0x400, s1;
	_ =	swait.ge [sflag:s26], $0x2000  }
0xb5: {  	s2 =	sshra.s32 s2, $0x2;
	[sflag:s26] =	ssyncset.done $0x0  }
0xb6: {  	s11 =	sadd.s32 $0x4F00, s2;
	[sflag:s26] =	ssyncadd.s32 $0xFFFFE000  }
0xb7: {  	[spmem:s3] =	stream.indirect.scatter.add.f32 [tilespmem:s24], [sflag:$0x3], $0x40, s11, s23, $0xb8;
	[tilespmem:$0x17C00] =	vst v63  }
0xb8: {  	_ =	swait.ge [sflag:s28], $0x2000  }
0xb9: {  	[sflag:s28] =	ssyncset.done $0x0  }
0xba: {  	s11 =	sadd.s32 $0x4F80, s2;
	[sflag:s28] =	ssyncadd.s32 $0xFFFFE000  }
0xbb: {  	[spmem:s3] =	stream.indirect.scatter.add.f32 [tilespmem:s25], [sflag:$0x4], $0x40, s11, s23, $0xb8;
	[tilespmem:$0x17C00] =	vst v63  }
0xbc: {  	_ =	swait.ge [sflag:s29], $0x2000  }
0xbd: {  	[sflag:s29] =	ssyncset.done $0x0  }
.Ltmp7:
0xbe: {  	s11 =	sadd.s32 $0x100, s2;
	[sflag:s29] =	ssyncadd.s32 $0xFFFFE000;
	(pc) =	sbr.rel @!p1 .LBB2_10-.Ltmp7, $4  }
0xbf: {  	[tilespmem:s24], [sflag:$0x1] =	stream.indirect.gather [hbm4b:s7+s23], $0x40, s11, s23, $0xb8;
	[tilespmem:$0x17C00] =	vst v63  }
0xc0: {  	_ =	swait.ge [sflag:s30], $0x2000  }
0xc1: {  	[sflag:s30] =	ssyncset.done $0x0  }
0xc2: {  	s2 =	sadd.s32 $0x180, s2;
	[sflag:s30] =	ssyncadd.s32 $0xFFFFE000  }
.Ltmp8:
0xc3: {  	(pc) =	sbr.rel .LBB2_15-.Ltmp8, $3  }
0xc4: {  	_ =	sdelay $0x1  }
0xc5: {  	[tilespmem:s25], [sflag:$0x2] =	stream.indirect.gather [hbm4b:s7+s23], $0x40, s2, s23, $0xb8;
	[tilespmem:$0x17C00] =	vst v63  }
0xc6: {  	s1 =	rddreg [dreg:$0x5]  }
.LBB2_12:
0xc7: {  	[tilespmem:s24], [sflag:$0x1] =	stream.indirect.gather [hbm4b:s9+s23], $0x40, s1, s23, $0xb8;
	[tilespmem:$0x17C00] =	vst v63  }
0xc8: {  	_ = 	snop  }
0xc9: {  	[tilespmem:s25], [sflag:$0x2] =	stream.indirect.gather [hbm4b:s9+s23], $0x40, s23, s23, $0xb8;
	[tilespmem:$0x17C00] =	vst v63  }
0xca: {  	_ =	swait.ge [sflag:s26], $0x2000  }
0xcb: {  	[sflag:s26] =	ssyncset.done $0x0  }
0xcc: {  	s11 =	simm.s32 $0x4F00;
	[sflag:s26] =	ssyncadd.s32 $0xFFFFE000  }
0xcd: {  	[spmem:s3] =	stream.indirect.scatter.add.f32 [tilespmem:s24], [sflag:$0x3], $0x40, s11, s23, $0xb8;
	[tilespmem:$0x17C00] =	vst v63  }
0xce: {  	_ =	swait.ge [sflag:s28], $0x2000  }
0xcf: {  	[sflag:s28] =	ssyncset.done $0x0  }
0xd0: {  	s2 =	simm.s32 $0x4F80;
	[sflag:s28] =	ssyncadd.s32 $0xFFFFE000  }
0xd1: {  	[spmem:s3] =	stream.indirect.scatter.add.f32 [tilespmem:s25], [sflag:$0x4], $0x40, s2, s23, $0xb8;
	[tilespmem:$0x17C00] =	vst v63  }
0xd2: {  	_ =	swait.ge [sflag:s29], $0x2000  }
0xd3: {  	[sflag:s29] =	ssyncset.done $0x0  }
0xd4: {  	s11 =	simm.s32 $0x100;
	[sflag:s29] =	ssyncadd.s32 $0xFFFFE000  }
0xd5: {  	[tilespmem:s24], [sflag:$0x1] =	stream.indirect.gather [hbm4b:s9+s23], $0x40, s11, s23, $0xb8;
	[tilespmem:$0x17C00] =	vst v63  }
0xd6: {  	_ =	swait.ge [sflag:s30], $0x2000  }
0xd7: {  	[sflag:s30] =	ssyncset.done $0x0  }
0xd8: {  	s1 =	simm.s32 $0x400;
	s2 =	simm.s32 $0x180;
	[sflag:s30] =	ssyncadd.s32 $0xFFFFE000  }
.LBB2_13:
0xd9: {  	[tilespmem:s25], [sflag:$0x2] =	stream.indirect.gather [hbm4b:s9+s23], $0x40, s2, s23, $0xb8;
	[tilespmem:$0x17C00] =	vst v63  }
0xda: {  	s2 =	smov.u32 s1  }
0xdb: {  	p1 =	sne.s32 s1, $0x13400;
	s1 =	sadd.s32 $0x400, s1;
	_ =	swait.ge [sflag:s26], $0x2000  }
0xdc: {  	s2 =	sshra.s32 s2, $0x2;
	[sflag:s26] =	ssyncset.done $0x0  }
0xdd: {  	s11 =	sadd.s32 $0x4F00, s2;
	[sflag:s26] =	ssyncadd.s32 $0xFFFFE000  }
0xde: {  	[spmem:s3] =	stream.indirect.scatter.add.f32 [tilespmem:s24], [sflag:$0x3], $0x40, s11, s23, $0xb8;
	[tilespmem:$0x17C00] =	vst v63  }
0xdf: {  	_ =	swait.ge [sflag:s28], $0x2000  }
0xe0: {  	[sflag:s28] =	ssyncset.done $0x0  }
0xe1: {  	s11 =	sadd.s32 $0x4F80, s2;
	[sflag:s28] =	ssyncadd.s32 $0xFFFFE000  }
0xe2: {  	[spmem:s3] =	stream.indirect.scatter.add.f32 [tilespmem:s25], [sflag:$0x4], $0x40, s11, s23, $0xb8;
	[tilespmem:$0x17C00] =	vst v63  }
0xe3: {  	_ =	swait.ge [sflag:s29], $0x2000  }
0xe4: {  	[sflag:s29] =	ssyncset.done $0x0  }
.Ltmp9:
0xe5: {  	s11 =	sadd.s32 $0x100, s2;
	[sflag:s29] =	ssyncadd.s32 $0xFFFFE000;
	(pc) =	sbr.rel @p1 .LBB2_13-.Ltmp9, $4  }
0xe6: {  	[tilespmem:s24], [sflag:$0x1] =	stream.indirect.gather [hbm4b:s9+s23], $0x40, s11, s23, $0xb8;
	[tilespmem:$0x17C00] =	vst v63  }
0xe7: {  	_ =	swait.ge [sflag:s30], $0x2000  }
0xe8: {  	[sflag:s30] =	ssyncset.done $0x0  }
0xe9: {  	s2 =	sadd.s32 $0x180, s2;
	[sflag:s30] =	ssyncadd.s32 $0xFFFFE000  }
.Ltmp10:
0xea: {  	_ = 	snop;
	(pc) =	sbr.rel .LBB2_14-.Ltmp10, $1  }
0xeb: {  	_ =	sdelay $0x3  }
.LBB2_16:
0xec: {  	_ =	sfence.sel $0x180000  }
0xed: {  	[bflag:$0x0] =	sbarrier.arrive $0xFFFF  }
0xee: {  	_ =	strace $0x9000004A  }
0xef: {  	s0 =	stileid.u32;
	[bflag:$0x2] =	sbarrier.arrive $0xFFFF  }
0xf0: {  	p0 =	sne.s32 s0, $0x0;
	s0 =	rddreg [dreg:$0x4]  }
0xf1: {  	s0 =	sadd.s32 @!p0 $0x100000, s0  }
0xf2: {  	[sflag:s0] =	ssyncadd.tile.s32 @!p0 $0x1;
	_ =	shalt  }
.Lfunc_end2:
_tile_overlayer_lowered:
.L_overlay_start_2:
0xf3: {  	(tag) =	ssettag $0x2  }
0xf4: {  	s0 =	rddreg [dreg:$0x0];
	s2 =	stileid.u32  }
0xf5: {  	s1 =	rddreg [dreg:$0x1];
	p0 =	sne.s32 s2, $0x0  }
0xf6: {  	s3 =	rddreg [dreg:$0x2];
	[bflag:$0x3] =	sbarrier.arrive $0xFFFF;
	s2 =	simm.s32 @!p0 $0x1C05  }
0xf7: {  	[timem:s3], [sflag:s2] =	dma.local @!p0 [hbm:s0], s1  }
0xf8: {  	s0 =	simm.s32 @!p0 $0x5  }
0xf9: {  	_ =	swait.ge @!p0 [sflag:s0], s1  }
0xfa: {  	s1 =	ssub.s32 @!p0 $0x0, s1;
	[sflag:s0] =	ssyncset.done @!p0 $0x0  }
0xfb: {  	[sflag:s0] =	ssyncadd.s32 @!p0 s1  }
0xfc: {  	[bflag:$0x3] =	sbarrier.arrive $0xFFFF  }
0xfd: {  	_ =	shalt  }

// kernel: kernel.7.cloned.1.call-start
scs
__scs_entry_jumppad:
0x0: {  	(pc) =	sbr.rel $0x88, $3  }
0x1: {  	(tag) =	ssettag $0x0;
	lr =	simm.s32 $0x1  }
0x2: {  	[smem:$0x3F8D] =	sst lr;
	_ =	strace $0xD0000000  }
0x3: {  	_ = 	snop  }
0x4: {  	_ = 	snop  }
0x5: {  	_ = 	snop  }
0x6: {  	_ = 	snop  }
0x7: {  	_ = 	snop  }
__scs_overlays_trampoline_lowered:
0x8: {  	[smem:$0x3F9C] =	sst s0  }
0x9: {  	[smem:$0x3F9D] =	sst s1  }
0xa: {  	[smem:$0x3F9E] =	sst s2  }
0xb: {  	[smem:$0x3F9F] =	sst s3  }
0xc: {  	[smem:$0x3FA0] =	sst s4  }
0xd: {  	[smem:$0x3FA1] =	sst s5  }
0xe: {  	[smem:$0x3FA2] =	sst s6  }
0xf: {  	[smem:$0x3FA3] =	sst s7  }
0x10: {  	[smem:$0x3FA4] =	sst s8  }
0x11: {  	[smem:$0x3FA5] =	sst s9;
	s0 =	simm.s32 @!p0 $0x0  }
0x12: {  	s1 =	sld [smem:$0x3F8B];
	s0 =	simm.s32 @p0 $0x1  }
0x13: {  	[smem:$0x3FA6] =	sst s0;
	s0 =	simm.s32 @!p1 $0x0  }
0x14: {  	s2 =	sld [smem:$0x3F8A];
	s0 =	simm.s32 @p1 $0x1  }
0x15: {  	[smem:$0x3FA7] =	sst s0;
	s0 =	simm.s32 @!p2 $0x0  }
0x16: {  	s3 =	sld [smem:$0x3FDB];
	s0 =	simm.s32 @p2 $0x1  }
0x17: {  	s4 =	simm.s32 $0x1BF5;
	[smem:$0x3FA9] =	sst s0  }
0x18: {  	s0 =	sld [smem:$0x3F8C];
	_ =	swait.ge [sflag:s4], $0x0  }
0x19: {  	s7 =	sld [smem:$0x3F8D]  }
0x1a: {  	s8 =	sadd.s32 $0xFFFFE003, lr  }
0x1b: {  	s9 =	sadd.s32 $0xFFFFFEF7, lr;
	s5 =	simm.s32 $0xFFFFFFFF;
	p2 =	slt.u32 s8, $0xFFFFF086  }
0x1c: {  	p1 =	slt.u32 s9, $0xF7A;
	s5 =	simm.s32 @!p2 $0x0  }
0x1d: {  	s5 =	simm.s32 @p1 $0x1;
	p0 =	seq.s32 s7, s2  }
0x1e: {  	s7 =	smul.u32 @!p0 $0xF7A, s2;
	p2 =	seq.s32 @!p0 s5, $0x0  }
0x1f: {  	s9 =	smul.u32 $0xF7A, s1;
	s8 =	simm.s32 @!p0 $0x1BF5;
	p2 =	por !p2, p0  }
0x20: {  	[sflag:s8] =	ssyncset.s32 @!p0 $0xFFFFF086;
	s6 =	sadd.s32 @!p0 s3, s7;
	s7 =	simm.s32 @!p0 $0x108  }
0x21: {  	s3 =	sadd.s32 s3, s9;
	s6 =	sadd.s32 @!p0 $0x88, s6;
	s7 =	simm.s32 @p2 $0x1082  }
0x22: {  	[simem:s7], [sflag:s8] =	dma.local @!p0 [hbm:s6], $0xF7A  }
0x23: {  	s9 =	sor.u32 $0xD0000000, s2;
	s6 =	simm.s32 $0x108;
	_ =	swait.ge @!p0 [sflag:s8], $0x0  }
0x24: {  	s3 =	sadd.s32 $0x88, s3;
	s6 =	simm.s32 @!p1 $0x1082;
	[sflag:s4] =	ssyncset.s32 $0xFFFFF086  }
0x25: {  	[simem:s6], [sflag:s4] =	dma.local [hbm:s3], $0xF7A  }
0x26: {  	[smem:$0x3F8D] =	sst s1;
	(tag) =	ssettag s2;
	_ =	strace s9  }
0x27: {  	s1 =	sld [smem:$0x3F9D]  }
0x28: {  	s2 =	sld [smem:$0x3F9E]  }
0x29: {  	s4 =	sld [smem:$0x3FA0]  }
0x2a: {  	p0 =	seq.s32 s5, $0x0;
	s5 =	sld [smem:$0x3FA1]  }
0x2b: {  	s6 =	sld [smem:$0x3FA2]  }
0x2c: {  	s7 =	sld [smem:$0x3FA3]  }
0x2d: {  	s3 =	simm.s32 $0x108;
	s8 =	sld [smem:$0x3FA4]  }
0x2e: {  	s3 =	simm.s32 @!p0 $0x1082;
	s9 =	sld [smem:$0x3FA5]  }
0x2f: {  	lr =	sadd.s32 s0, s3;
	s0 =	sld [smem:$0x3F9C]  }
0x30: {  	s3 =	sld [smem:$0x3F9F]  }
0x31: {  	[smem:$0x3FA8] =	sst s10  }
0x32: {  	s10 =	sld [smem:$0x3FA6];
	_ =	sdelay $0x3  }
0x33: {  	p0 =	seq.s32 s10, $0x1;
	s10 =	sld [smem:$0x3FA8];
	_ =	sdelay $0x3  }
0x34: {  	[smem:$0x3FA8] =	sst s10  }
0x35: {  	s10 =	sld [smem:$0x3FA7];
	_ =	sdelay $0x3  }
0x36: {  	p1 =	seq.s32 s10, $0x1;
	s10 =	sld [smem:$0x3FA8];
	_ =	sdelay $0x3  }
0x37: {  	[smem:$0x3FA8] =	sst s10  }
0x38: {  	s10 =	sld [smem:$0x3FA9]  }
0x39: {  	_ = 	snop;
	(pc) =	sbr.ind lr, $3  }
0x3a: {  	_ = 	snop  }
0x3b: {  	_ = 	snop  }
0x3c: {  	p2 =	seq.s32 s10, $0x1;
	s10 =	sld [smem:$0x3FA8]  }
0x3d: {  	_ =	shalt  }
0x3e: {  	_ =	shalt  }
0x3f: {  	_ =	shalt  }
0x40: {  	_ =	shalt  }
0x41: {  	_ =	shalt  }
0x42: {  	_ =	shalt  }
0x43: {  	_ =	shalt  }
0x44: {  	_ =	shalt  }
0x45: {  	_ =	shalt  }
0x46: {  	_ =	shalt  }
0x47: {  	_ =	shalt  }
0x48: {  	_ =	shalt  }
0x49: {  	_ =	shalt  }
0x4a: {  	_ =	shalt  }
0x4b: {  	_ =	shalt  }
0x4c: {  	_ =	shalt  }
0x4d: {  	_ =	shalt  }
0x4e: {  	_ =	shalt  }
0x4f: {  	_ =	shalt  }
0x50: {  	_ =	shalt  }
0x51: {  	_ =	shalt  }
0x52: {  	_ =	shalt  }
0x53: {  	_ =	shalt  }
0x54: {  	_ =	shalt  }
0x55: {  	_ =	shalt  }
0x56: {  	_ =	shalt  }
0x57: {  	_ =	shalt  }
0x58: {  	_ =	shalt  }
0x59: {  	_ =	shalt  }
0x5a: {  	_ =	shalt  }
0x5b: {  	_ =	shalt  }
0x5c: {  	_ =	shalt  }
0x5d: {  	_ =	shalt  }
0x5e: {  	_ =	shalt  }
0x5f: {  	_ =	shalt  }
0x60: {  	_ =	shalt  }
0x61: {  	_ =	shalt  }
0x62: {  	_ =	shalt  }
0x63: {  	_ =	shalt  }
0x64: {  	_ =	shalt  }
0x65: {  	_ =	shalt  }
0x66: {  	_ =	shalt  }
0x67: {  	_ =	shalt  }
0x68: {  	_ =	shalt  }
0x69: {  	_ =	shalt  }
0x6a: {  	_ =	shalt  }
0x6b: {  	_ =	shalt  }
0x6c: {  	_ =	shalt  }
0x6d: {  	_ =	shalt  }
0x6e: {  	_ =	shalt  }
0x6f: {  	_ =	shalt  }
0x70: {  	_ =	shalt  }
0x71: {  	_ =	shalt  }
0x72: {  	_ =	shalt  }
0x73: {  	_ =	shalt  }
0x74: {  	_ =	shalt  }
0x75: {  	_ =	shalt  }
0x76: {  	_ =	shalt  }
0x77: {  	_ =	shalt  }
0x78: {  	_ =	shalt  }
0x79: {  	_ =	shalt  }
0x7a: {  	_ =	shalt  }
0x7b: {  	_ =	shalt  }
0x7c: {  	_ =	shalt  }
0x7d: {  	_ =	shalt  }
0x7e: {  	_ =	shalt  }
0x7f: {  	_ =	shalt  }
0x80: {  	_ =	shalt  }
0x81: {  	_ =	shalt  }
0x82: {  	_ =	shalt  }
0x83: {  	_ =	shalt  }
0x84: {  	_ =	shalt  }
0x85: {  	_ =	shalt  }
0x86: {  	_ =	shalt  }
0x87: {  	_ =	shalt  }
.Lfunc_end0:
.L_simem_size_0:
called_computation_lowered:
.L_overlay_start_0:
0x88: {  	s2 =	sld [smem:$0x3FD9]  }
0x89: {  	s3 =	sld [smem:$0x3FFE];
	_ =	sdelay $0x1  }
0x8a: {  	s1 =	srdreg.scid  }
0x8b: {  	s0 =	sand.u32 $0x1, s1  }
0x8c: {  	s16 =	sshll.u32 s0, $0xA;
	s2 =	sadd.s32 s3, s2  }
0x8d: {  	s2 =	sadd.s32 s2, s16  }
0x8e: {  	[smem:$0x3FB4] =	sst s2  }
0x8f: {  	_ = 	snop  }
0x90: {  	(tm) =	ssettm $0x1  }
0x91: {  	s17 =	sld [smem:$0x3FFB];
	_ =	sdelay $0x3  }
0x92: {  	_ =	strace s17  }
0x93: {  	s2 =	sld [smem:$0x3FFC];
	_ =	sdelay $0x3  }
0x94: {  	_ =	strace s2  }
0x95: {  	s2 =	sld [smem:$0x3FFD];
	_ =	sdelay $0x3  }
0x96: {  	_ =	strace s2  }
0x97: {  	_ =	strace $0x8FFFFFFF  }
0x98: {  	s18 =	sld [smem:$0x3FDB];
	_ =	sdelay $0x1  }
0x99: {  	s19 =	simm.s32 $_scs_section_size  }
0x9a: {  	s4 =	simm.s32 $_size__tile_overlayer_lowered;
	s5 =	simm.s32 $_tile_overlayer_lowered  }
0x9b: {  	s22 =	simm.s32 $0x1BFF;
	s21 =	sshll.u32 s5, $0x1;
	s2 =	sadd.s32 s19, s18  }
0x9c: {  	s6 =	simm.s32 $0x0;
	s20 =	sshll.u32 s4, $0x1;
	s4 =	sadd.s32 s21, s2  }
0x9d: {  	[timem:s6], [sflag:s22] =	dma.local [hbm:s4], s20  }
0x9e: {  	_ =	swait.ge [sflag:s22], s20  }
0x9f: {  	s3 =	ssub.s32 $0x0, s20;
	[sflag:s22] =	ssyncset.done $0x0  }
0xa0: {  	[sflag:s22] =	ssyncadd.s32 s3;
	_ =	sdelay $0x1  }
0xa1: {  	s23 =	simm.s32 $0x1B8B  }
0xa2: {  	_ =	swait.ge [sflag:s23], $0x1  }
0xa3: {  	[sflag:s23] =	ssyncset.done $0x0  }
0xa4: {  	s25 =	simm.s32 $0x1B8E;
	s24 =	sld [smem:$0x3FFE];
	[sflag:s23] =	ssyncadd.s32 $0xFFFFFFFF  }
0xa5: {  	s26 =	simm.s32 $execute0_lowered;
	[smem:$0x3FD2] =	sst s25  }
0xa6: {  	s4 =	sshll.u32 s26, $0x1;
	_ =	strace $0x80000046;
	[dreg:$0x1] =	wrdreg $0xFFFFFFFF  }
0xa7: {  	s28 =	simm.s32 $_size_execute0_lowered;
	s2 =	sadd.s32 s2, s4;
	[dreg:$0x0] =	wrdreg $0x0  }
0xa8: {  	s4 =	sshll.u32 s28, $0x1;
	[dreg:$0x2] =	wrdreg s2  }
0xa9: {  	[dreg:$0x3] =	wrdreg s4  }
0xaa: {  	[dreg:$0x4] =	wrdreg $0xC0  }
0xab: {  	_ =	task [dreg:s6], $0x5FFFF  }
0xac: {  	[dreg:$0x1] =	wrdreg $0xFFFFFFFF  }
0xad: {  	[dreg:$0x0] =	wrdreg $0x60  }
0xae: {  	[dreg:$0x2] =	wrdreg s24  }
0xaf: {  	[dreg:$0x3] =	wrdreg $0xDE000  }
0xb0: {  	[dreg:$0x4] =	wrdreg $0x184000  }
0xb1: {  	[dreg:$0x5] =	wrdreg $0x9  }
0xb2: {  	_ =	task.clear_ibuf [dreg:s6], $0x6FFFF;
	_ =	strace $0x90000046  }
0xb3: {  	s29 =	simm.s32 $0x9;
	_ =	strace $0x80000048  }
0xb4: {  	_ =	swait.ge [sflag:s29], $0x1  }
0xb5: {  	[sflag:s29] =	ssyncadd.s32 $0xFFFFFFFF  }
0xb6: {  	_ =	strace $0x90000048  }
0xb7: {  	_ =	sfence  }
0xb8: {  	s30 =	sld [smem:$0x0];
	_ =	sdelay $0x2  }
0xb9: {  	s31 =	sshll.u32 s1, $0xD;
	s1 =	sshrl.u32 s1, $0x2  }
0xba: {  	s3 =	sand.u32 $0x4000, s31;
	s1 =	sadd.s32 s1, s30  }
0xbb: {  	s0 =	sor.u32 s3, s0;
	s1 =	sshll.u32 s1, $0x11  }
0xbc: {  	s0 =	sor.u32 s1, s0  }
0xbd: {  	s0 =	sadd.s32 $0x8F2B, s0  }
0xbe: {  	[sflag:s0] =	ssyncadd.remote.s32 $0x1  }
0xbf: {  	_ =	sfence.sel $0xFFFF  }
0xc0: {  	[dreg:$0x0] =	wrdreg $0xFFFFFFFF;
	(pc) =	sbr.abs _section_cstart, $3  }
0xc1: {  	[dreg:$0x1] =	wrdreg $0xFFFFFFFF  }
0xc2: {  	_ =	task.clear_ibuf [dreg:s6], $0x2FFFF;
	_ =	strace $0x9FFFFFFF  }
0xc3: {  	(tm) =	ssettm $0x7FFFFFFF  }
tec
execute0_lowered:
.L_overlay_start_1:
0x0: {  	(tag) =	ssettag $0x1  }
0x1: {  	s0 =	rddreg [dreg:$0x0]  }
0x2: {  	s1 =	rddreg [dreg:$0x1]  }
0x3: {  	s2 =	rddreg [dreg:$0x2]  }
0x4: {  	s3 =	simm.s32 $0x0;
	s20 =	stileid.u32;
	s13 =	srdreg.scid  }
0x5: {  	s28 =	simm.s32 $0x17C00;
	s29 =	simm.s32 $0x4F00;
	s30 =	simm.s32 $0x80  }
0x6: {  	s31 =	simm.s32 $0x9E00;
	[smem:$0x7FF] =	sst s3;
	s4 =	sadd.s32 $0x79800, s0  }
0x7: {  	s5 =	sadd.s32 $0x8D200, s0;
	s7 =	sadd.s32 $0xA0C00, s0;
	s8 =	sadd.s32 $0xB4600, s0  }
0x8: {  	s6 =	sadd.s32 $0x17800, s0;
	s11 =	sadd.s32 $0x3C00, s0;
	s12 =	smul.u32 $0x9E00, s20  }
0x9: {  	s9 =	sadd.s32 $0xC8800, s0;
	s10 =	sadd.s32 $0xC8200, s0;
	s14 =	smul.u32 $0x2780, s20  }
0xa: {  	s15 =	sand.u32 $0x1, s13;
	s21 =	sadd.s32 $0xC8000, s0;
	s19 =	smul.u32 $0x4F00, s20  }
0xb: {  	s23 =	sshll.u32 s20, $0x6;
	_ =	strace $0x80000047;
	[dreg:$0x4] =	wrdreg s21  }
0xc: {  	s16 =	ssub.s32 $0x2, s15;
	s13 =	sor.u32 $0x1C07, s23;
	s22 =	sshrl.u32 s12, $0x3  }
0xd: {  	s18 =	sshrl.u32 s16, $0x1;
	s12 =	sadd.s32 s12, s1;
	s24 =	sshrl.u32 s19, $0x3  }
0xe: {  	s25 =	sadd.s32 s14, s2;
	s21 =	sadd.s32 s22, s0;
	[dreg:$0x5] =	wrdreg s12  }
0xf: {  	s16 =	ssub.s32 s16, s18;
	[dreg:$0x6] =	wrdreg s25;
	s18 =	sadd.s32 s6, s24  }
0x10: {  	s26 =	sadd.s32 $0x9E00, s24;
	s22 =	sadd.s32 s11, s24;
	[dreg:$0x7] =	wrdreg s18  }
0x11: {  	p0 =	sne.s32 s15, $0x0;
	s6 =	sadd.s32 s6, s26;
	[dreg:$0xb] =	wrdreg s22  }
0x12: {  	s17 =	sshrl.u32 s14, $0x3;
	s19 =	sadd.s32 $0xC9C00, s21;
	[dreg:$0x8] =	wrdreg s6  }
0x13: {  	s0 =	sadd.s32 s17, s0;
	s20 =	sadd.s32 $0xDD800, s21;
	[dreg:$0x9] =	wrdreg s19  }
0x14: {  	s17 =	simm.s32 $0x2;
	s23 =	sadd.s32 s11, s26;
	[dreg:$0xa] =	wrdreg s20  }
0x15: {  	s12 =	simm.s32 $0x0;
	s24 =	sadd.s32 $0xF1400, s0;
	[dreg:$0xc] =	wrdreg s23  }
0x16: {  	s25 =	sadd.s32 $0x10F000, s21;
	s0 =	sadd.s32 $0xF6400, s0;
	[dreg:$0xd] =	wrdreg s24  }
.Ltmp0:
0x17: {  	s26 =	sadd.s32 $0xFB400, s21;
	[dreg:$0xe] =	wrdreg s25;
	(pc) =	sbr.rel .LBB2_1-.Ltmp0, $4  }
0x18: {  	s18 =	simm.s32 $0x3;
	s21 =	simm.s32 $0x5;
	[dreg:$0xf] =	wrdreg s0  }
0x19: {  	s22 =	simm.s32 $0x4;
	s11 =	simm.s32 $0x9D80;
	[dreg:$0x10] =	wrdreg s26  }
0x1a: {  	s25 =	smax.u32 s16, $0x1;
	s26 =	simm.s32 $0x7;
	s0 =	simm.s32 $0xBE00  }
0x1b: {  	s6 =	simm.s32 $0x1;
	s23 =	simm.s32 $0x6;
	s24 =	simm.s32 $0x9D00  }
.LBB2_11:
0x1c: {  	[tilespmem:s0], [sflag:$0x2] =	stream.indirect.gather [hbm4b:s8+s30], $0x40, s19, s30, $0xb8;
	[tilespmem:$0x1AB80] =	vst v63  }
0x1d: {  	_ =	swait.ge [sflag:s6], $0x2000  }
0x1e: {  	[sflag:s6] =	ssyncset.done $0x0  }
0x1f: {  	[sflag:s6] =	ssyncadd.s32 $0xFFFFE000  }
0x20: {  	[spmem:s1] =	stream.indirect.scatter.add.f32 [tilespmem:s31], [sflag:$0x3], $0x40, s24, s30, $0xb8;
	[tilespmem:$0x1AB80] =	vst v63  }
0x21: {  	_ =	swait.ge [sflag:s17], $0x2000  }
0x22: {  	[sflag:s17] =	ssyncset.done $0x0  }
0x23: {  	[sflag:s17] =	ssyncadd.s32 $0xFFFFE000  }
0x24: {  	[spmem:s1] =	stream.indirect.scatter.add.f32 [tilespmem:s0], [sflag:$0x4], $0x40, s11, s30, $0xb8;
	[tilespmem:$0x1AB80] =	vst v63  }
0x25: {  	_ =	swait.ge [sflag:s18], $0x2000  }
0x26: {  	[sflag:s18] =	ssyncset.done $0x0  }
0x27: {  	[sflag:s18] =	ssyncadd.s32 $0xFFFFE000  }
0x28: {  	_ =	swait.ge [sflag:s22], $0x2000  }
0x29: {  	[sflag:s22] =	ssyncset.done $0x0  }
0x2a: {  	[sflag:s22] =	ssyncadd.s32 $0xFFFFE000  }
0x2b: {  	[spmem:s2] =	stream.indirect.scatter.add.f32 [tilespmem:s28], [sflag:$0x5], $0x10, s24, s30, $0xb8;
	[tilespmem:$0x1AB80] =	vst v63  }
0x2c: {  	_ = 	snop  }
0x2d: {  	[spmem:s2] =	stream.indirect.scatter.add.f32 [tilespmem:s28], [sflag:$0x6], $0x10, s11, s30, $0xb8;
	[tilespmem:$0x1AB80] =	vst v63  }
0x2e: {  	_ =	swait.ge [sflag:s21], $0x800  }
0x2f: {  	[sflag:s21] =	ssyncset.done $0x0  }
0x30: {  	[sflag:s21] =	ssyncadd.s32 $0xFFFFF800  }
0x31: {  	_ =	swait.ge [sflag:s23], $0x800  }
0x32: {  	[sflag:s23] =	ssyncset.done $0x0  }
0x33: {  	[sflag:s23] =	ssyncadd.s32 $0xFFFFF800  }
0x34: {  	[bflag:$0x0] =	sbarrier.arrive $0xFFFF  }
0x35: {  	s16 =	rddreg [dreg:$0xe]  }
0x36: {  	[hbm:s16], [sflag:s13] =	dma.local [spmem:s14], $0x13C0  }
0x37: {  	_ =	swait.ge [sflag:s26], $0x13C0  }
0x38: {  	[sflag:s26] =	ssyncset.done $0x0  }
0x39: {  	s20 =	rddreg [dreg:$0xf];
	[sflag:s26] =	ssyncadd.s32 $0xFFFFEC40  }
0x3a: {  	[hbm:s20], [sflag:s13] =	dma.local [spmem:s15], $0x4F0  }
0x3b: {  	_ =	swait.ge [sflag:s26], $0x4F0  }
0x3c: {  	[sflag:s26] =	ssyncset.done $0x0  }
0x3d: {  	[sflag:s26] =	ssyncadd.s32 $0xFFFFFB10  }
.LBB2_12:
0x3e: {  	s12 =	sadd.s32 $0x1, s12  }
0x3f: {  	p1 =	sne.s32 s12, s25  }
.Ltmp1:
0x40: {  	_ = 	snop;
	(pc) =	sbr.rel @!p1 .LBB2_13-.Ltmp1, $1  }
0x41: {  	_ =	sdelay $0x3  }
.LBB2_1:
0x42: {  	s14 =	rddreg [dreg:$0x5]  }
0x43: {  	s14 =	sshrl.u32 s14, $0x3  }
0x44: {  	[spmem:s14], [sflag:s13] =	dma.local [hbm:s9], $0x13C0  }
0x45: {  	_ =	swait.ge [sflag:s26], $0x13C0  }
0x46: {  	[sflag:s26] =	ssyncset.done $0x0;
	s15 =	rddreg [dreg:$0x6]  }
0x47: {  	[sflag:s26] =	ssyncadd.s32 $0xFFFFEC40;
	s15 =	sshrl.u32 s15, $0x3  }
0x48: {  	[spmem:s15], [sflag:s13] =	dma.local [hbm:s10], $0x4F0  }
0x49: {  	_ =	swait.ge [sflag:s26], $0x4F0  }
0x4a: {  	[sflag:s26] =	ssyncset.done $0x0  }
0x4b: {  	s16 =	rddreg [dreg:$0x4];
	[sflag:s26] =	ssyncadd.s32 $0xFFFFFB10  }
0x4c: {  	[tilespmem:s28], [sflag:$0x7] =	stream.linear.gather [hbm4b:s16+s3], $0x800, $0x38;
	[tilespmem:$0x1AB80] =	vst v63  }
0x4d: {  	_ =	swait.ge [sflag:s26], $0x800  }
0x4e: {  	[sflag:s26] =	ssyncset.done $0x0  }
0x4f: {  	[sflag:s26] =	ssyncadd.s32 $0xFFFFF800  }
0x50: {  	[bflag:$0x0] =	sbarrier.arrive $0xFFFF  }
0x51: {  	s19 =	rddreg [dreg:$0x7]  }
0x52: {  	[tilespmem:s3], [sflag:$0x7] =	stream.linear.gather [hbm4b:s19+s3], $0x4F00, $0x38;
	[tilespmem:$0x1AB80] =	vst v63  }
0x53: {  	_ =	swait.ge [sflag:s26], $0x4F00  }
0x54: {  	[sflag:s26] =	ssyncset.done $0x0  }
.Ltmp2:
0x55: {  	s20 =	rddreg [dreg:$0x8];
	[sflag:s26] =	ssyncadd.s32 $0xFFFFB100;
	(pc) =	sbr.rel @p0 .LBB2_7-.Ltmp2, $4  }
0x56: {  	[tilespmem:s29], [sflag:$0x7] =	stream.linear.gather [hbm4b:s20+s3], $0x4F00, $0x38;
	[tilespmem:$0x1AB80] =	vst v63  }
0x57: {  	_ =	swait.ge [sflag:s26], $0x4F00  }
0x58: {  	[sflag:s26] =	ssyncset.done $0x0  }
0x59: {  	s16 =	simm.s32 $0x0;
	[sflag:s26] =	ssyncadd.s32 $0xFFFFB100  }
0x5a: {  	[tilespmem:s31], [sflag:$0x1] =	stream.indirect.gather [hbm4b:s4+s30], $0x40, s16, s30, $0xb8;
	[tilespmem:$0x1AB80] =	vst v63  }
0x5b: {  	_ = 	snop  }
0x5c: {  	[tilespmem:s0], [sflag:$0x2] =	stream.indirect.gather [hbm4b:s4+s30], $0x40, s30, s30, $0xb8;
	[tilespmem:$0x1AB80] =	vst v63  }
0x5d: {  	_ =	swait.ge [sflag:s6], $0x2000  }
0x5e: {  	[sflag:s6] =	ssyncset.done $0x0  }
0x5f: {  	s20 =	simm.s32 $0x4F00;
	[sflag:s6] =	ssyncadd.s32 $0xFFFFE000  }
0x60: {  	[spmem:s1] =	stream.indirect.scatter.add.f32 [tilespmem:s31], [sflag:$0x3], $0x40, s20, s30, $0xb8;
	[tilespmem:$0x1AB80] =	vst v63  }
0x61: {  	_ = 	snop  }
0x62: {  	[spmem:s2] =	stream.indirect.scatter.add.f32 [tilespmem:s28], [sflag:$0x5], $0x10, s20, s30, $0xb8;
	[tilespmem:$0x1AB80] =	vst v63  }
0x63: {  	_ =	swait.ge [sflag:s17], $0x2000  }
0x64: {  	[sflag:s17] =	ssyncset.done $0x0  }
0x65: {  	s19 =	simm.s32 $0x4F80;
	[sflag:s17] =	ssyncadd.s32 $0xFFFFE000  }
0x66: {  	[spmem:s1] =	stream.indirect.scatter.add.f32 [tilespmem:s0], [sflag:$0x4], $0x40, s19, s30, $0xb8;
	[tilespmem:$0x1AB80] =	vst v63  }
0x67: {  	_ = 	snop  }
0x68: {  	[spmem:s2] =	stream.indirect.scatter.add.f32 [tilespmem:s28], [sflag:$0x6], $0x10, s19, s30, $0xb8;
	[tilespmem:$0x1AB80] =	vst v63  }
0x69: {  	_ =	swait.ge [sflag:s18], $0x2000  }
0x6a: {  	[sflag:s18] =	ssyncset.done $0x0  }
0x6b: {  	[sflag:s18] =	ssyncadd.s32 $0xFFFFE000  }
0x6c: {  	_ =	swait.ge [sflag:s21], $0x800  }
0x6d: {  	[sflag:s21] =	ssyncset.done $0x0  }
0x6e: {  	s20 =	simm.s32 $0x100;
	[sflag:s21] =	ssyncadd.s32 $0xFFFFF800  }
0x6f: {  	[tilespmem:s31], [sflag:$0x1] =	stream.indirect.gather [hbm4b:s4+s30], $0x40, s20, s30, $0xb8;
	[tilespmem:$0x1AB80] =	vst v63  }
0x70: {  	_ =	swait.ge [sflag:s22], $0x2000  }
0x71: {  	[sflag:s22] =	ssyncset.done $0x0  }
0x72: {  	[sflag:s22] =	ssyncadd.s32 $0xFFFFE000  }
0x73: {  	_ =	swait.ge [sflag:s23], $0x800  }
0x74: {  	[sflag:s23] =	ssyncset.done $0x0  }
0x75: {  	s16 =	simm.s32 $0x400;
	s19 =	simm.s32 $0x180;
	[sflag:s23] =	ssyncadd.s32 $0xFFFFF800  }
.LBB2_3:
0x76: {  	[tilespmem:s0], [sflag:$0x2] =	stream.indirect.gather [hbm4b:s4+s30], $0x40, s19, s30, $0xb8;
	[tilespmem:$0x1AB80] =	vst v63  }
0x77: {  	s19 =	smov.u32 s16  }
0x78: {  	p1 =	sne.s32 s16, $0x13400;
	s16 =	sadd.s32 $0x400, s16;
	_ =	swait.ge [sflag:s6], $0x2000  }
0x79: {  	s19 =	sshra.s32 s19, $0x2;
	[sflag:s6] =	ssyncset.done $0x0  }
0x7a: {  	s20 =	sadd.s32 $0x4F00, s19;
	[sflag:s6] =	ssyncadd.s32 $0xFFFFE000  }
0x7b: {  	[spmem:s1] =	stream.indirect.scatter.add.f32 [tilespmem:s31], [sflag:$0x3], $0x40, s20, s30, $0xb8;
	[tilespmem:$0x1AB80] =	vst v63  }
0x7c: {  	_ = 	snop  }
0x7d: {  	[spmem:s2] =	stream.indirect.scatter.add.f32 [tilespmem:s28], [sflag:$0x5], $0x10, s20, s30, $0xb8;
	[tilespmem:$0x1AB80] =	vst v63  }
0x7e: {  	_ =	swait.ge [sflag:s17], $0x2000  }
0x7f: {  	[sflag:s17] =	ssyncset.done $0x0  }
0x80: {  	s20 =	sadd.s32 $0x4F80, s19;
	[sflag:s17] =	ssyncadd.s32 $0xFFFFE000  }
0x81: {  	[spmem:s1] =	stream.indirect.scatter.add.f32 [tilespmem:s0], [sflag:$0x4], $0x40, s20, s30, $0xb8;
	[tilespmem:$0x1AB80] =	vst v63  }
0x82: {  	_ = 	snop  }
0x83: {  	[spmem:s2] =	stream.indirect.scatter.add.f32 [tilespmem:s28], [sflag:$0x6], $0x10, s20, s30, $0xb8;
	[tilespmem:$0x1AB80] =	vst v63  }
0x84: {  	_ =	swait.ge [sflag:s18], $0x2000  }
0x85: {  	[sflag:s18] =	ssyncset.done $0x0  }
0x86: {  	[sflag:s18] =	ssyncadd.s32 $0xFFFFE000  }
0x87: {  	_ =	swait.ge [sflag:s21], $0x800  }
0x88: {  	[sflag:s21] =	ssyncset.done $0x0  }
0x89: {  	s20 =	sadd.s32 $0x100, s19;
	[sflag:s21] =	ssyncadd.s32 $0xFFFFF800  }
0x8a: {  	[tilespmem:s31], [sflag:$0x1] =	stream.indirect.gather [hbm4b:s4+s30], $0x40, s20, s30, $0xb8;
	[tilespmem:$0x1AB80] =	vst v63  }
0x8b: {  	_ =	swait.ge [sflag:s22], $0x2000  }
.Ltmp3:
0x8c: {  	[sflag:s22] =	ssyncset.done $0x0;
	(pc) =	sbr.rel @p1 .LBB2_3-.Ltmp3, $4  }
0x8d: {  	[sflag:s22] =	ssyncadd.s32 $0xFFFFE000  }
0x8e: {  	_ =	swait.ge [sflag:s23], $0x800  }
0x8f: {  	[sflag:s23] =	ssyncset.done $0x0  }
0x90: {  	s19 =	sadd.s32 $0x180, s19;
	[sflag:s23] =	ssyncadd.s32 $0xFFFFF800  }
0x91: {  	[tilespmem:s0], [sflag:$0x2] =	stream.indirect.gather [hbm4b:s4+s30], $0x40, s19, s30, $0xb8;
	[tilespmem:$0x1AB80] =	vst v63  }
0x92: {  	_ =	swait.ge [sflag:s6], $0x2000  }
0x93: {  	[sflag:s6] =	ssyncset.done $0x0  }
0x94: {  	[sflag:s6] =	ssyncadd.s32 $0xFFFFE000  }
0x95: {  	[spmem:s1] =	stream.indirect.scatter.add.f32 [tilespmem:s31], [sflag:$0x3], $0x40, s24, s30, $0xb8;
	[tilespmem:$0x1AB80] =	vst v63  }
0x96: {  	_ =	swait.ge [sflag:s17], $0x2000  }
0x97: {  	[sflag:s17] =	ssyncset.done $0x0  }
0x98: {  	[sflag:s17] =	ssyncadd.s32 $0xFFFFE000  }
0x99: {  	[spmem:s1] =	stream.indirect.scatter.add.f32 [tilespmem:s0], [sflag:$0x4], $0x40, s11, s30, $0xb8;
	[tilespmem:$0x1AB80] =	vst v63  }
0x9a: {  	_ =	swait.ge [sflag:s18], $0x2000  }
0x9b: {  	[sflag:s18] =	ssyncset.done $0x0  }
0x9c: {  	[sflag:s18] =	ssyncadd.s32 $0xFFFFE000  }
0x9d: {  	_ =	swait.ge [sflag:s22], $0x2000  }
0x9e: {  	[sflag:s22] =	ssyncset.done $0x0  }
0x9f: {  	[sflag:s22] =	ssyncadd.s32 $0xFFFFE000  }
0xa0: {  	[spmem:s2] =	stream.indirect.scatter.add.f32 [tilespmem:s28], [sflag:$0x5], $0x10, s24, s30, $0xb8;
	[tilespmem:$0x1AB80] =	vst v63  }
0xa1: {  	_ = 	snop  }
0xa2: {  	[spmem:s2] =	stream.indirect.scatter.add.f32 [tilespmem:s28], [sflag:$0x6], $0x10, s11, s30, $0xb8;
	[tilespmem:$0x1AB80] =	vst v63  }
0xa3: {  	_ =	swait.ge [sflag:s21], $0x800  }
0xa4: {  	[sflag:s21] =	ssyncset.done $0x0  }
0xa5: {  	[sflag:s21] =	ssyncadd.s32 $0xFFFFF800  }
0xa6: {  	_ =	swait.ge [sflag:s23], $0x800  }
0xa7: {  	[sflag:s23] =	ssyncset.done $0x0  }
0xa8: {  	[sflag:s23] =	ssyncadd.s32 $0xFFFFF800  }
0xa9: {  	[bflag:$0x0] =	sbarrier.arrive $0xFFFF  }
0xaa: {  	s16 =	rddreg [dreg:$0xa]  }
0xab: {  	[hbm:s16], [sflag:s13] =	dma.local [spmem:s14], $0x13C0  }
0xac: {  	_ =	swait.ge [sflag:s26], $0x13C0  }
0xad: {  	[sflag:s26] =	ssyncset.done $0x0  }
0xae: {  	s20 =	rddreg [dreg:$0xd];
	[sflag:s26] =	ssyncadd.s32 $0xFFFFEC40  }
0xaf: {  	[hbm:s20], [sflag:s13] =	dma.local [spmem:s15], $0x4F0  }
0xb0: {  	_ =	swait.ge [sflag:s26], $0x4F0  }
0xb1: {  	[sflag:s26] =	ssyncset.done $0x0  }
0xb2: {  	[sflag:s26] =	ssyncadd.s32 $0xFFFFFB10  }
0xb3: {  	[spmem:s14], [sflag:s13] =	dma.local [hbm:s9], $0x13C0  }
0xb4: {  	_ =	swait.ge [sflag:s26], $0x13C0  }
0xb5: {  	[sflag:s26] =	ssyncset.done $0x0  }
0xb6: {  	[sflag:s26] =	ssyncadd.s32 $0xFFFFEC40  }
0xb7: {  	[bflag:$0x0] =	sbarrier.arrive $0xFFFF  }
0xb8: {  	s15 =	simm.s32 $0x0;
	s19 =	rddreg [dreg:$0xb]  }
0xb9: {  	[tilespmem:s15], [sflag:$0x7] =	stream.linear.gather [hbm4b:s19+s15], $0x4F00, $0x38;
	[tilespmem:$0x1AB80] =	vst v63  }
0xba: {  	_ =	swait.ge [sflag:s26], $0x4F00  }
0xbb: {  	[sflag:s26] =	ssyncset.done $0x0  }
0xbc: {  	s20 =	rddreg [dreg:$0xc];
	[sflag:s26] =	ssyncadd.s32 $0xFFFFB100  }
0xbd: {  	[tilespmem:s29], [sflag:$0x7] =	stream.linear.gather [hbm4b:s20+s15], $0x4F00, $0x38;
	[tilespmem:$0x1AB80] =	vst v63  }
0xbe: {  	_ =	swait.ge [sflag:s26], $0x4F00  }
0xbf: {  	[sflag:s26] =	ssyncset.done $0x0  }
0xc0: {  	[sflag:s26] =	ssyncadd.s32 $0xFFFFB100  }
0xc1: {  	[tilespmem:s31], [sflag:$0x1] =	stream.indirect.gather [hbm4b:s7+s30], $0x40, s15, s30, $0xb8;
	[tilespmem:$0x1AB80] =	vst v63  }
0xc2: {  	_ = 	snop  }
0xc3: {  	[tilespmem:s0], [sflag:$0x2] =	stream.indirect.gather [hbm4b:s7+s30], $0x40, s30, s30, $0xb8;
	[tilespmem:$0x1AB80] =	vst v63  }
0xc4: {  	_ =	swait.ge [sflag:s6], $0x2000  }
0xc5: {  	[sflag:s6] =	ssyncset.done $0x0  }
0xc6: {  	s16 =	simm.s32 $0x4F00;
	[sflag:s6] =	ssyncadd.s32 $0xFFFFE000  }
0xc7: {  	[spmem:s1] =	stream.indirect.scatter.add.f32 [tilespmem:s31], [sflag:$0x3], $0x40, s16, s30, $0xb8;
	[tilespmem:$0x1AB80] =	vst v63  }
0xc8: {  	_ =	swait.ge [sflag:s17], $0x2000  }
0xc9: {  	[sflag:s17] =	ssyncset.done $0x0  }
0xca: {  	s19 =	simm.s32 $0x4F80;
	[sflag:s17] =	ssyncadd.s32 $0xFFFFE000  }
0xcb: {  	[spmem:s1] =	stream.indirect.scatter.add.f32 [tilespmem:s0], [sflag:$0x4], $0x40, s19, s30, $0xb8;
	[tilespmem:$0x1AB80] =	vst v63  }
0xcc: {  	_ =	swait.ge [sflag:s18], $0x2000  }
0xcd: {  	[sflag:s18] =	ssyncset.done $0x0  }
0xce: {  	s20 =	simm.s32 $0x100;
	[sflag:s18] =	ssyncadd.s32 $0xFFFFE000  }
0xcf: {  	[tilespmem:s31], [sflag:$0x1] =	stream.indirect.gather [hbm4b:s7+s30], $0x40, s20, s30, $0xb8;
	[tilespmem:$0x1AB80] =	vst v63  }
0xd0: {  	_ =	swait.ge [sflag:s22], $0x2000  }
0xd1: {  	[sflag:s22] =	ssyncset.done $0x0  }
0xd2: {  	s15 =	simm.s32 $0x400;
	s16 =	simm.s32 $0x180;
	[sflag:s22] =	ssyncadd.s32 $0xFFFFE000  }
.LBB2_5:
0xd3: {  	[tilespmem:s0], [sflag:$0x2] =	stream.indirect.gather [hbm4b:s7+s30], $0x40, s16, s30, $0xb8;
	[tilespmem:$0x1AB80] =	vst v63  }
0xd4: {  	s16 =	smov.u32 s15  }
0xd5: {  	p1 =	seq.s32 s15, $0x13400;
	s15 =	sadd.s32 $0x400, s15;
	_ =	swait.ge [sflag:s6], $0x2000  }
0xd6: {  	s16 =	sshra.s32 s16, $0x2;
	[sflag:s6] =	ssyncset.done $0x0  }
0xd7: {  	s19 =	sadd.s32 $0x4F00, s16;
	[sflag:s6] =	ssyncadd.s32 $0xFFFFE000  }
0xd8: {  	[spmem:s1] =	stream.indirect.scatter.add.f32 [tilespmem:s31], [sflag:$0x3], $0x40, s19, s30, $0xb8;
	[tilespmem:$0x1AB80] =	vst v63  }
0xd9: {  	_ =	swait.ge [sflag:s17], $0x2000  }
0xda: {  	[sflag:s17] =	ssyncset.done $0x0  }
0xdb: {  	s19 =	sadd.s32 $0x4F80, s16;
	[sflag:s17] =	ssyncadd.s32 $0xFFFFE000  }
0xdc: {  	[spmem:s1] =	stream.indirect.scatter.add.f32 [tilespmem:s0], [sflag:$0x4], $0x40, s19, s30, $0xb8;
	[tilespmem:$0x1AB80] =	vst v63  }
0xdd: {  	_ =	swait.ge [sflag:s18], $0x2000  }
0xde: {  	[sflag:s18] =	ssyncset.done $0x0  }
.Ltmp4:
0xdf: {  	s19 =	sadd.s32 $0x100, s16;
	[sflag:s18] =	ssyncadd.s32 $0xFFFFE000;
	(pc) =	sbr.rel @!p1 .LBB2_5-.Ltmp4, $4  }
0xe0: {  	[tilespmem:s31], [sflag:$0x1] =	stream.indirect.gather [hbm4b:s7+s30], $0x40, s19, s30, $0xb8;
	[tilespmem:$0x1AB80] =	vst v63  }
0xe1: {  	_ =	swait.ge [sflag:s22], $0x2000  }
0xe2: {  	[sflag:s22] =	ssyncset.done $0x0  }
0xe3: {  	s16 =	sadd.s32 $0x180, s16;
	[sflag:s22] =	ssyncadd.s32 $0xFFFFE000  }
0xe4: {  	[tilespmem:s0], [sflag:$0x2] =	stream.indirect.gather [hbm4b:s7+s30], $0x40, s16, s30, $0xb8;
	[tilespmem:$0x1AB80] =	vst v63  }
0xe5: {  	_ =	swait.ge [sflag:s6], $0x2000  }
0xe6: {  	[sflag:s6] =	ssyncset.done $0x0  }
0xe7: {  	[sflag:s6] =	ssyncadd.s32 $0xFFFFE000  }
0xe8: {  	[spmem:s1] =	stream.indirect.scatter.add.f32 [tilespmem:s31], [sflag:$0x3], $0x40, s24, s30, $0xb8;
	[tilespmem:$0x1AB80] =	vst v63  }
0xe9: {  	_ =	swait.ge [sflag:s17], $0x2000  }
0xea: {  	[sflag:s17] =	ssyncset.done $0x0  }
0xeb: {  	[sflag:s17] =	ssyncadd.s32 $0xFFFFE000  }
0xec: {  	[spmem:s1] =	stream.indirect.scatter.add.f32 [tilespmem:s0], [sflag:$0x4], $0x40, s11, s30, $0xb8;
	[tilespmem:$0x1AB80] =	vst v63  }
0xed: {  	_ =	swait.ge [sflag:s18], $0x2000  }
0xee: {  	[sflag:s18] =	ssyncset.done $0x0  }
0xef: {  	[sflag:s18] =	ssyncadd.s32 $0xFFFFE000  }
0xf0: {  	_ =	swait.ge [sflag:s22], $0x2000  }
0xf1: {  	[sflag:s22] =	ssyncset.done $0x0  }
0xf2: {  	[sflag:s22] =	ssyncadd.s32 $0xFFFFE000  }
0xf3: {  	[bflag:$0x0] =	sbarrier.arrive $0xFFFF  }
.Ltmp5:
0xf4: {  	s15 =	rddreg [dreg:$0x10];
	(pc) =	sbr.rel .LBB2_12-.Ltmp5, $4  }
0xf5: {  	[hbm:s15], [sflag:s13] =	dma.local [spmem:s14], $0x13C0  }
0xf6: {  	_ =	swait.ge [sflag:s26], $0x13C0  }
0xf7: {  	[sflag:s26] =	ssyncset.done $0x0  }
0xf8: {  	[sflag:s26] =	ssyncadd.s32 $0xFFFFEC40  }
.LBB2_7:
0xf9: {  	[tilespmem:s31], [sflag:$0x1] =	stream.indirect.gather [hbm4b:s5+s30], $0x40, s16, s30, $0xb8;
	[tilespmem:$0x1AB80] =	vst v63  }
0xfa: {  	_ = 	snop  }
0xfb: {  	[tilespmem:s0], [sflag:$0x2] =	stream.indirect.gather [hbm4b:s5+s30], $0x40, s30, s30, $0xb8;
	[tilespmem:$0x1AB80] =	vst v63  }
0xfc: {  	_ =	swait.ge [sflag:s6], $0x2000  }
0xfd: {  	[sflag:s6] =	ssyncset.done $0x0  }
0xfe: {  	s20 =	simm.s32 $0x4F00;
	[sflag:s6] =	ssyncadd.s32 $0xFFFFE000  }
0xff: {  	[spmem:s1] =	stream.indirect.scatter.add.f32 [tilespmem:s31], [sflag:$0x3], $0x40, s20, s30, $0xb8;
	[tilespmem:$0x1AB80] =	vst v63  }
0x100: {  	_ =	swait.ge [sflag:s17], $0x2000  }
0x101: {  	[sflag:s17] =	ssyncset.done $0x0  }
0x102: {  	s19 =	simm.s32 $0x4F80;
	[sflag:s17] =	ssyncadd.s32 $0xFFFFE000  }
0x103: {  	[spmem:s1] =	stream.indirect.scatter.add.f32 [tilespmem:s0], [sflag:$0x4], $0x40, s19, s30, $0xb8;
	[tilespmem:$0x1AB80] =	vst v63  }
0x104: {  	_ =	swait.ge [sflag:s18], $0x2000  }
0x105: {  	[sflag:s18] =	ssyncset.done $0x0  }
0x106: {  	s20 =	simm.s32 $0x100;
	[sflag:s18] =	ssyncadd.s32 $0xFFFFE000  }
0x107: {  	[tilespmem:s31], [sflag:$0x1] =	stream.indirect.gather [hbm4b:s5+s30], $0x40, s20, s30, $0xb8;
	[tilespmem:$0x1AB80] =	vst v63  }
0x108: {  	_ =	swait.ge [sflag:s22], $0x2000  }
0x109: {  	[sflag:s22] =	ssyncset.done $0x0  }
0x10a: {  	s16 =	simm.s32 $0x400;
	s19 =	simm.s32 $0x180;
	[sflag:s22] =	ssyncadd.s32 $0xFFFFE000  }
.LBB2_8:
0x10b: {  	[tilespmem:s0], [sflag:$0x2] =	stream.indirect.gather [hbm4b:s5+s30], $0x40, s19, s30, $0xb8;
	[tilespmem:$0x1AB80] =	vst v63  }
0x10c: {  	s19 =	smov.u32 s16  }
0x10d: {  	p1 =	seq.s32 s16, $0x13400;
	s16 =	sadd.s32 $0x400, s16;
	_ =	swait.ge [sflag:s6], $0x2000  }
0x10e: {  	s19 =	sshra.s32 s19, $0x2;
	[sflag:s6] =	ssyncset.done $0x0  }
0x10f: {  	s20 =	sadd.s32 $0x4F00, s19;
	[sflag:s6] =	ssyncadd.s32 $0xFFFFE000  }
0x110: {  	[spmem:s1] =	stream.indirect.scatter.add.f32 [tilespmem:s31], [sflag:$0x3], $0x40, s20, s30, $0xb8;
	[tilespmem:$0x1AB80] =	vst v63  }
0x111: {  	_ =	swait.ge [sflag:s17], $0x2000  }
0x112: {  	[sflag:s17] =	ssyncset.done $0x0  }
0x113: {  	s20 =	sadd.s32 $0x4F80, s19;
	[sflag:s17] =	ssyncadd.s32 $0xFFFFE000  }
0x114: {  	[spmem:s1] =	stream.indirect.scatter.add.f32 [tilespmem:s0], [sflag:$0x4], $0x40, s20, s30, $0xb8;
	[tilespmem:$0x1AB80] =	vst v63  }
0x115: {  	_ =	swait.ge [sflag:s18], $0x2000  }
0x116: {  	[sflag:s18] =	ssyncset.done $0x0  }
.Ltmp6:
0x117: {  	s20 =	sadd.s32 $0x100, s19;
	[sflag:s18] =	ssyncadd.s32 $0xFFFFE000;
	(pc) =	sbr.rel @!p1 .LBB2_8-.Ltmp6, $4  }
0x118: {  	[tilespmem:s31], [sflag:$0x1] =	stream.indirect.gather [hbm4b:s5+s30], $0x40, s20, s30, $0xb8;
	[tilespmem:$0x1AB80] =	vst v63  }
0x119: {  	_ =	swait.ge [sflag:s22], $0x2000  }
0x11a: {  	[sflag:s22] =	ssyncset.done $0x0  }
0x11b: {  	s19 =	sadd.s32 $0x180, s19;
	[sflag:s22] =	ssyncadd.s32 $0xFFFFE000  }
0x11c: {  	[tilespmem:s0], [sflag:$0x2] =	stream.indirect.gather [hbm4b:s5+s30], $0x40, s19, s30, $0xb8;
	[tilespmem:$0x1AB80] =	vst v63  }
0x11d: {  	_ =	swait.ge [sflag:s6], $0x2000  }
0x11e: {  	[sflag:s6] =	ssyncset.done $0x0  }
0x11f: {  	[sflag:s6] =	ssyncadd.s32 $0xFFFFE000  }
0x120: {  	[spmem:s1] =	stream.indirect.scatter.add.f32 [tilespmem:s31], [sflag:$0x3], $0x40, s24, s30, $0xb8;
	[tilespmem:$0x1AB80] =	vst v63  }
0x121: {  	_ =	swait.ge [sflag:s17], $0x2000  }
0x122: {  	[sflag:s17] =	ssyncset.done $0x0  }
0x123: {  	[sflag:s17] =	ssyncadd.s32 $0xFFFFE000  }
0x124: {  	[spmem:s1] =	stream.indirect.scatter.add.f32 [tilespmem:s0], [sflag:$0x4], $0x40, s11, s30, $0xb8;
	[tilespmem:$0x1AB80] =	vst v63  }
0x125: {  	_ =	swait.ge [sflag:s18], $0x2000  }
0x126: {  	[sflag:s18] =	ssyncset.done $0x0  }
0x127: {  	[sflag:s18] =	ssyncadd.s32 $0xFFFFE000  }
0x128: {  	_ =	swait.ge [sflag:s22], $0x2000  }
0x129: {  	[sflag:s22] =	ssyncset.done $0x0  }
0x12a: {  	[sflag:s22] =	ssyncadd.s32 $0xFFFFE000  }
0x12b: {  	[bflag:$0x0] =	sbarrier.arrive $0xFFFF  }
0x12c: {  	s16 =	rddreg [dreg:$0x9]  }
0x12d: {  	[hbm:s16], [sflag:s13] =	dma.local [spmem:s14], $0x13C0  }
0x12e: {  	_ =	swait.ge [sflag:s26], $0x13C0  }
0x12f: {  	[sflag:s26] =	ssyncset.done $0x0  }
0x130: {  	[sflag:s26] =	ssyncadd.s32 $0xFFFFEC40  }
0x131: {  	[spmem:s14], [sflag:s13] =	dma.local [hbm:s9], $0x13C0  }
0x132: {  	_ =	swait.ge [sflag:s26], $0x13C0  }
0x133: {  	[sflag:s26] =	ssyncset.done $0x0  }
0x134: {  	[sflag:s26] =	ssyncadd.s32 $0xFFFFEC40  }
0x135: {  	[spmem:s15], [sflag:s13] =	dma.local [hbm:s10], $0x4F0  }
0x136: {  	_ =	swait.ge [sflag:s26], $0x4F0  }
0x137: {  	[sflag:s26] =	ssyncset.done $0x0  }
0x138: {  	[sflag:s26] =	ssyncadd.s32 $0xFFFFFB10  }
0x139: {  	[bflag:$0x0] =	sbarrier.arrive $0xFFFF  }
0x13a: {  	s16 =	simm.s32 $0x0;
	s20 =	rddreg [dreg:$0xb]  }
0x13b: {  	[tilespmem:s16], [sflag:$0x7] =	stream.linear.gather [hbm4b:s20+s16], $0x4F00, $0x38;
	[tilespmem:$0x1AB80] =	vst v63  }
0x13c: {  	_ =	swait.ge [sflag:s26], $0x4F00  }
0x13d: {  	[sflag:s26] =	ssyncset.done $0x0  }
0x13e: {  	s20 =	rddreg [dreg:$0xc];
	[sflag:s26] =	ssyncadd.s32 $0xFFFFB100  }
0x13f: {  	[tilespmem:s29], [sflag:$0x7] =	stream.linear.gather [hbm4b:s20+s16], $0x4F00, $0x38;
	[tilespmem:$0x1AB80] =	vst v63  }
0x140: {  	_ =	swait.ge [sflag:s26], $0x4F00  }
0x141: {  	[sflag:s26] =	ssyncset.done $0x0  }
0x142: {  	[sflag:s26] =	ssyncadd.s32 $0xFFFFB100  }
0x143: {  	[tilespmem:s31], [sflag:$0x1] =	stream.indirect.gather [hbm4b:s8+s30], $0x40, s16, s30, $0xb8;
	[tilespmem:$0x1AB80] =	vst v63  }
0x144: {  	_ = 	snop  }
0x145: {  	[tilespmem:s0], [sflag:$0x2] =	stream.indirect.gather [hbm4b:s8+s30], $0x40, s30, s30, $0xb8;
	[tilespmem:$0x1AB80] =	vst v63  }
0x146: {  	_ =	swait.ge [sflag:s6], $0x2000  }
0x147: {  	[sflag:s6] =	ssyncset.done $0x0  }
0x148: {  	s20 =	simm.s32 $0x4F00;
	[sflag:s6] =	ssyncadd.s32 $0xFFFFE000  }
0x149: {  	[spmem:s1] =	stream.indirect.scatter.add.f32 [tilespmem:s31], [sflag:$0x3], $0x40, s20, s30, $0xb8;
	[tilespmem:$0x1AB80] =	vst v63  }
0x14a: {  	_ = 	snop  }
0x14b: {  	[spmem:s2] =	stream.indirect.scatter.add.f32 [tilespmem:s28], [sflag:$0x5], $0x10, s20, s30, $0xb8;
	[tilespmem:$0x1AB80] =	vst v63  }
0x14c: {  	_ =	swait.ge [sflag:s17], $0x2000  }
0x14d: {  	[sflag:s17] =	ssyncset.done $0x0  }
0x14e: {  	s19 =	simm.s32 $0x4F80;
	[sflag:s17] =	ssyncadd.s32 $0xFFFFE000  }
0x14f: {  	[spmem:s1] =	stream.indirect.scatter.add.f32 [tilespmem:s0], [sflag:$0x4], $0x40, s19, s30, $0xb8;
	[tilespmem:$0x1AB80] =	vst v63  }
0x150: {  	_ = 	snop  }
0x151: {  	[spmem:s2] =	stream.indirect.scatter.add.f32 [tilespmem:s28], [sflag:$0x6], $0x10, s19, s30, $0xb8;
	[tilespmem:$0x1AB80] =	vst v63  }
0x152: {  	_ =	swait.ge [sflag:s18], $0x2000  }
0x153: {  	[sflag:s18] =	ssyncset.done $0x0  }
0x154: {  	[sflag:s18] =	ssyncadd.s32 $0xFFFFE000  }
0x155: {  	_ =	swait.ge [sflag:s21], $0x800  }
0x156: {  	[sflag:s21] =	ssyncset.done $0x0  }
0x157: {  	s20 =	simm.s32 $0x100;
	[sflag:s21] =	ssyncadd.s32 $0xFFFFF800  }
0x158: {  	[tilespmem:s31], [sflag:$0x1] =	stream.indirect.gather [hbm4b:s8+s30], $0x40, s20, s30, $0xb8;
	[tilespmem:$0x1AB80] =	vst v63  }
0x159: {  	_ =	swait.ge [sflag:s22], $0x2000  }
0x15a: {  	[sflag:s22] =	ssyncset.done $0x0  }
0x15b: {  	[sflag:s22] =	ssyncadd.s32 $0xFFFFE000  }
0x15c: {  	_ =	swait.ge [sflag:s23], $0x800  }
0x15d: {  	[sflag:s23] =	ssyncset.done $0x0  }
0x15e: {  	s16 =	simm.s32 $0x400;
	s19 =	simm.s32 $0x180;
	[sflag:s23] =	ssyncadd.s32 $0xFFFFF800  }
.LBB2_10:
0x15f: {  	[tilespmem:s0], [sflag:$0x2] =	stream.indirect.gather [hbm4b:s8+s30], $0x40, s19, s30, $0xb8;
	[tilespmem:$0x1AB80] =	vst v63  }
0x160: {  	s19 =	smov.u32 s16  }
0x161: {  	p1 =	seq.s32 s16, $0x13400;
	s16 =	sadd.s32 $0x400, s16;
	_ =	swait.ge [sflag:s6], $0x2000  }
0x162: {  	s19 =	sshra.s32 s19, $0x2;
	[sflag:s6] =	ssyncset.done $0x0  }
0x163: {  	s20 =	sadd.s32 $0x4F00, s19;
	[sflag:s6] =	ssyncadd.s32 $0xFFFFE000  }
0x164: {  	[spmem:s1] =	stream.indirect.scatter.add.f32 [tilespmem:s31], [sflag:$0x3], $0x40, s20, s30, $0xb8;
	[tilespmem:$0x1AB80] =	vst v63  }
0x165: {  	_ = 	snop  }
0x166: {  	[spmem:s2] =	stream.indirect.scatter.add.f32 [tilespmem:s28], [sflag:$0x5], $0x10, s20, s30, $0xb8;
	[tilespmem:$0x1AB80] =	vst v63  }
0x167: {  	_ =	swait.ge [sflag:s17], $0x2000  }
0x168: {  	[sflag:s17] =	ssyncset.done $0x0  }
0x169: {  	s20 =	sadd.s32 $0x4F80, s19;
	[sflag:s17] =	ssyncadd.s32 $0xFFFFE000  }
0x16a: {  	[spmem:s1] =	stream.indirect.scatter.add.f32 [tilespmem:s0], [sflag:$0x4], $0x40, s20, s30, $0xb8;
	[tilespmem:$0x1AB80] =	vst v63  }
0x16b: {  	_ = 	snop  }
0x16c: {  	[spmem:s2] =	stream.indirect.scatter.add.f32 [tilespmem:s28], [sflag:$0x6], $0x10, s20, s30, $0xb8;
	[tilespmem:$0x1AB80] =	vst v63  }
0x16d: {  	_ =	swait.ge [sflag:s18], $0x2000  }
0x16e: {  	[sflag:s18] =	ssyncset.done $0x0  }
0x16f: {  	[sflag:s18] =	ssyncadd.s32 $0xFFFFE000  }
0x170: {  	_ =	swait.ge [sflag:s21], $0x800  }
0x171: {  	[sflag:s21] =	ssyncset.done $0x0  }
0x172: {  	s20 =	sadd.s32 $0x100, s19;
	[sflag:s21] =	ssyncadd.s32 $0xFFFFF800  }
0x173: {  	[tilespmem:s31], [sflag:$0x1] =	stream.indirect.gather [hbm4b:s8+s30], $0x40, s20, s30, $0xb8;
	[tilespmem:$0x1AB80] =	vst v63  }
0x174: {  	_ =	swait.ge [sflag:s22], $0x2000  }
.Ltmp7:
0x175: {  	[sflag:s22] =	ssyncset.done $0x0;
	(pc) =	sbr.rel @!p1 .LBB2_10-.Ltmp7, $4  }
0x176: {  	[sflag:s22] =	ssyncadd.s32 $0xFFFFE000  }
0x177: {  	_ =	swait.ge [sflag:s23], $0x800  }
0x178: {  	[sflag:s23] =	ssyncset.done $0x0  }
0x179: {  	s19 =	sadd.s32 $0x180, s19;
	[sflag:s23] =	ssyncadd.s32 $0xFFFFF800  }
.Ltmp8:
0x17a: {  	_ = 	snop;
	(pc) =	sbr.rel .LBB2_11-.Ltmp8, $1  }
0x17b: {  	_ =	sdelay $0x3  }
.LBB2_13:
0x17c: {  	_ =	sfence.sel $0x180000  }
0x17d: {  	[bflag:$0x0] =	sbarrier.arrive $0xFFFF  }
0x17e: {  	_ =	strace $0x90000047  }
0x17f: {  	s0 =	stileid.u32;
	[bflag:$0x2] =	sbarrier.arrive $0xFFFF  }
0x180: {  	p0 =	sne.s32 s0, $0x0;
	s0 =	rddreg [dreg:$0x3]  }
0x181: {  	s0 =	sadd.s32 @!p0 $0x100000, s0  }
0x182: {  	[sflag:s0] =	ssyncadd.tile.s32 @!p0 $0x1;
	_ =	shalt  }
.Lfunc_end2:
_tile_overlayer_lowered:
.L_overlay_start_2:
0x183: {  	(tag) =	ssettag $0x2  }
0x184: {  	s0 =	rddreg [dreg:$0x0];
	s2 =	stileid.u32  }
0x185: {  	s1 =	rddreg [dreg:$0x1];
	p0 =	sne.s32 s2, $0x0  }
0x186: {  	s3 =	rddreg [dreg:$0x2];
	[bflag:$0x3] =	sbarrier.arrive $0xFFFF;
	s2 =	simm.s32 @!p0 $0x1C07  }
0x187: {  	[timem:s3], [sflag:s2] =	dma.local @!p0 [hbm:s0], s1  }
0x188: {  	s0 =	simm.s32 @!p0 $0x7  }
0x189: {  	_ =	swait.ge @!p0 [sflag:s0], s1  }
0x18a: {  	s1 =	ssub.s32 @!p0 $0x0, s1;
	[sflag:s0] =	ssyncset.done @!p0 $0x0  }
0x18b: {  	[sflag:s0] =	ssyncadd.s32 @!p0 s1  }
0x18c: {  	[bflag:$0x3] =	sbarrier.arrive $0xFFFF  }
0x18d: {  	_ =	shalt  }

</sc_bundles>
